<compile_context>
chip_gen: v7x
topology: tpu7x:2x2x1
jax: 0.10.2.dev20260603
libtpu: 0.0.44.dev20260713+nightly
codegen_flags: <defaults>
</compile_context>

<pallas_src>
import functools

import jax
import jax.numpy as jnp
from jax import lax
from jax.experimental import pallas as pl
from jax.experimental.pallas import tpu as pltpu
from jax.experimental.pallas import tpu_sc as plsc

D = 128
NV = D // 16
NROW = 100000
NSUB = 32
SC_ROWS = 44000
SLAB = SC_ROWS // NSUB
CHUNK = 125
NCHUNK = SLAB // CHUNK
TC_ROWS = NROW - SC_ROWS
TC_BLK = 2000
NTCB = TC_ROWS // TC_BLK
TC_OFF = SC_ROWS // TC_BLK
UNROLL = 5


def _pre_body(fs_ref, wtn_ref, an_ref, wti_ref, ai_ref, out_ref):
    fs = fs_ref[...]
    for m, (wt_ref, a_ref) in enumerate(((wtn_ref, an_ref), (wti_ref, ai_ref))):
        V = jnp.dot(a_ref[...], wt_ref[...],
                    preferred_element_type=jnp.float32)
        s = jnp.sum(fs * V[0:1, :])
        out_ref[m, 0, :] = V[1, :]
        out_ref[m, 1, :] = jnp.full((D,), s, jnp.float32)


def _prologue(fs2, wtn, an2, wti, ai2):
    return pl.pallas_call(
        _pre_body,
        out_shape=jax.ShapeDtypeStruct((2, 2, D), jnp.float32),
    )(fs2, wtn, an2, wti, ai2)


_SC_MESH = plsc.VectorSubcoreMesh(core_axis_name="c", subcore_axis_name="s")


@functools.partial(
    pl.kernel,
    out_type=jax.ShapeDtypeStruct((2, NSUB, 2, D), jnp.float32),
    mesh=_SC_MESH,
    scratch_types=[
        pltpu.VMEM((CHUNK, D), jnp.float32),
        pltpu.VMEM((CHUNK, D), jnp.float32),
        pltpu.VMEM((2, 2, D), jnp.float32),
        pltpu.VMEM((2, D), jnp.float32),
        pltpu.SemaphoreType.DMA,
        pltpu.SemaphoreType.DMA,
    ],
    compiler_params=pltpu.CompilerParams(
        use_tc_tiling_on_sc=False, needs_layout_passes=False
    ),
)
def _sc_main(xn_hbm, xi_hbm, vpack_hbm, out_hbm, buf0, buf1, vloc, pout,
             sem0, sem1):
    cid = lax.axis_index("c")
    sid = lax.axis_index("s")
    wid = sid * 2 + cid
    base = wid * SLAB
    pltpu.sync_copy(vpack_hbm, vloc)
    fifteen = jnp.full((16,), 15, jnp.int32)
    for m, x_hbm in ((0, xn_hbm), (1, xi_hbm)):
        vj = [vloc[m, 0, pl.ds(16 * j, 16)] for j in range(NV)]
        s_vec = vloc[m, 1, pl.ds(0, 16)]

        def chunk_src(ci, x_hbm=x_hbm):
            ci = jnp.minimum(ci, NCHUNK - 1)
            return x_hbm.at[pl.ds(base + ci * CHUNK, CHUNK)]

        zero = jnp.zeros((16,), jnp.float32)
        for j in range(NV):
            pout[0, pl.ds(16 * j, 16)] = zero
            pout[1, pl.ds(16 * j, 16)] = zero

        def rows(buf, vj=vj, s_vec=s_vec):
            @plsc.parallel_loop(0, CHUNK, 1, unroll=UNROLL)
            def _(r):
                x = [buf[r, pl.ds(16 * j, 16)] for j in range(NV)]
                p = [x[j] * vj[j] for j in range(NV)]
                t0 = (p[0] + p[1]) + (p[2] + p[3])
                t1 = (p[4] + p[5]) + (p[6] + p[7])
                t = jnp.cumsum(t0 + t1)
                tot = lax.gather(
                    t, fifteen[:, None],
                    lax.GatherDimensionNumbers(
                        offset_dims=(), collapsed_slice_dims=(0,),
                        start_index_map=(0,)),
                    (1,), mode=lax.GatherScatterMode.PROMISE_IN_BOUNDS)
                e = tot + s_vec
                e = jnp.where(e > 0.0, e, 0.2 * e)
                w = jnp.exp(e)
                for j in range(NV):
                    plsc.addupdate(pout.at[0, pl.ds(16 * j, 16)], w * x[j])
                plsc.addupdate(pout.at[1, pl.ds(0, 16)], w)

        pltpu.async_copy(chunk_src(0), buf0, sem0)
        pltpu.async_copy(chunk_src(1), buf1, sem1)

        def pair_body(k, c):
            pltpu.make_async_copy(chunk_src(2 * k), buf0, sem0).wait()
            rows(buf0)
            pltpu.async_copy(chunk_src(2 * k + 2), buf0, sem0)
            pltpu.make_async_copy(chunk_src(2 * k + 1), buf1, sem1).wait()
            rows(buf1)
            pltpu.async_copy(chunk_src(2 * k + 3), buf1, sem1)
            return c

        lax.fori_loop(0, (NCHUNK - 1) // 2, pair_body, 0)
        pltpu.make_async_copy(chunk_src(NCHUNK - 1), buf0, sem0).wait()
        rows(buf0)
        pltpu.make_async_copy(chunk_src(NCHUNK - 1), buf1, sem1).wait()
        pltpu.sync_copy(pout, out_hbm.at[m, wid])


def _tc_flash_body(xn_ref, xi_ref, vn_ref, sn_ref, vi_ref, si_ref, out_ref):
    for m, (x_ref, v_ref, s_ref) in enumerate(
            ((xn_ref, vn_ref, sn_ref), (xi_ref, vi_ref, si_ref))):
        e = jnp.dot(x_ref[...], v_ref[...],
                    preferred_element_type=jnp.float32) + s_ref[...]
        e = jnp.where(e > 0.0, e, 0.2 * e)
        w = jnp.exp(e)
        u = lax.dot_general(w, x_ref[...], (((0,), (0,)), ((), ())),
                            preferred_element_type=jnp.float32)
        out_ref[0, m, 0, :] = u[0, :]
        out_ref[0, m, 1, :] = jnp.full((D,), jnp.sum(w), jnp.float32)


def _tc_flash(xn, xi, vpack):
    return pl.pallas_call(
        _tc_flash_body,
        grid=(NTCB,),
        in_specs=[
            pl.BlockSpec((TC_BLK, D), lambda i: (TC_OFF + i, 0)),
            pl.BlockSpec((TC_BLK, D), lambda i: (TC_OFF + i, 0)),
            pl.BlockSpec((D, 1), lambda i: (0, 0)),
            pl.BlockSpec((1, 1), lambda i: (0, 0)),
            pl.BlockSpec((D, 1), lambda i: (0, 0)),
            pl.BlockSpec((1, 1), lambda i: (0, 0)),
        ],
        out_specs=pl.BlockSpec((1, 2, 2, D), lambda i: (i, 0, 0, 0)),
        out_shape=jax.ShapeDtypeStruct((NTCB, 2, 2, D), jnp.float32),
    )(xn, xi, vpack[0, 0, :].reshape(D, 1), vpack[0, 1, 0].reshape(1, 1),
      vpack[1, 0, :].reshape(D, 1), vpack[1, 1, 0].reshape(1, 1))


def _post_body(p_ref, tc_ref, wn_ref, wi_ref, fs_ref, rn_ref, ri_ref,
               rs_ref, c_ref, out_ref):
    fs = fs_ref[...]
    c1 = c_ref[0:1, :]
    c2 = c_ref[1:2, :]
    fvals = []
    evals = []
    for m, (w_ref, r_ref) in enumerate(((wn_ref, rn_ref), (wi_ref, ri_ref))):
        u = (jnp.sum(p_ref[m, :, 0, :], axis=0, keepdims=True)
             + jnp.sum(tc_ref[:, m, 0, :], axis=0, keepdims=True))
        z = jnp.sum(p_ref[m, :, 1, 0:1]) + jnp.sum(tc_ref[:, m, 1, 0:1])
        g = jnp.dot(u / z, w_ref[...], preferred_element_type=jnp.float32)
        f = jnp.where(g > 0.0, g, jnp.exp(g) - 1.0)
        fvals.append(f)
        evals.append(jnp.sum(c1 * f) + jnp.sum(c2 * r_ref[...]))
    e_s = jnp.sum(c1 * fs) + jnp.sum(c2 * rs_ref[...])
    mx = jnp.maximum(jnp.maximum(evals[0], evals[1]), e_s)
    wn = jnp.exp(evals[0] - mx)
    wi = jnp.exp(evals[1] - mx)
    ws = jnp.exp(e_s - mx)
    tot = wn + wi + ws
    out_ref[...] = (ws * fs + wn * fvals[0] + wi * fvals[1]) / tot


def _epilogue(partials, tcp, wn, wi, fs2, rn2, ri2, rs2, c2):
    return pl.pallas_call(
        _post_body,
        out_shape=jax.ShapeDtypeStruct((1, D), jnp.float32),
    )(partials, tcp, wn, wi, fs2, rn2, ri2, rs2, c2)


def kernel(feature_self, feature_neighbor, feature_item, W_n, a_n, W_i, a_i,
           rel_n, rel_i, rel_s, c):
    fs2 = feature_self.reshape(1, D)
    vpack = _prologue(fs2, W_n.T, a_n.reshape(2, D), W_i.T, a_i.reshape(2, D))
    tcp = _tc_flash(feature_neighbor, feature_item, vpack)
    partials = _sc_main(feature_neighbor, feature_item, vpack)
    out = _epilogue(partials, tcp, W_n, W_i, fs2, rel_n.reshape(1, D),
                    rel_i.reshape(1, D), rel_s.reshape(1, D), c.reshape(2, D))
    return out[0]

# --- scband reference (transcript-rebuilt; emitter-appended) ---
"""Pipeline reference for scband-model-52905407152267 (READ-ONLY COPY).

The authoritative reference and input builder live on the scoring server;
editing this copy changes nothing except your own understanding.
"""

import jax, jax.numpy as jnp
import numpy as np


def _gat(feature_self, feature_nb, W, a):
    # Single-ego-node graph attention layer (standard GAT formulation):
    # project, score each neighbor against self, softmax, weighted sum.
    h_s = feature_self @ W                       # [d_out]
    h_n = feature_nb @ W                         # [N, d_out]
    e = jnp.concatenate([jnp.broadcast_to(h_s, h_n.shape), h_n], axis=-1) @ a  # [N]
    e = jax.nn.leaky_relu(e, negative_slope=0.2)
    alpha = jax.nn.softmax(e, axis=-1)           # [N]
    return jax.nn.elu(alpha @ h_n)               # [d_out]


def setup_inputs(seed: int = 0) -> dict:
    key = jax.random.key(seed)
    ks = [jax.random.fold_in(key, i) for i in range(11)]
    d = 128
    n_neighbor = 100000
    n_item = 100000
    return {
        "feature_self": jax.random.normal(ks[0], (d,), dtype=jnp.float32),
        "feature_neighbor": jax.random.normal(ks[1], (n_neighbor, d), dtype=jnp.float32),
        "feature_item": jax.random.normal(ks[2], (n_item, d), dtype=jnp.float32),
        "W_n": jax.random.normal(ks[3], (d, d), dtype=jnp.float32) / np.sqrt(d),
        "a_n": jax.random.normal(ks[4], (2 * d,), dtype=jnp.float32) / np.sqrt(2 * d),
        "W_i": jax.random.normal(ks[5], (d, d), dtype=jnp.float32) / np.sqrt(d),
        "a_i": jax.random.normal(ks[6], (2 * d,), dtype=jnp.float32) / np.sqrt(2 * d),
        "rel_n": jax.random.normal(ks[7], (d,), dtype=jnp.float32),
        "rel_i": jax.random.normal(ks[8], (d,), dtype=jnp.float32),
        "rel_s": jax.random.normal(ks[9], (d,), dtype=jnp.float32),
        "c": jax.random.normal(ks[10], (2 * d,), dtype=jnp.float32),
    }


def reference(feature_self, feature_neighbor, feature_item, W_n, a_n, W_i, a_i, rel_n, rel_i, rel_s, c):
    f_n = _gat(feature_self, feature_neighbor, W_n, a_n)
    f_i = _gat(feature_self, feature_item, W_i, a_i)
    e_n = c @ jnp.concatenate([f_n, rel_n])
    e_i = c @ jnp.concatenate([f_i, rel_i])
    e_s = c @ jnp.concatenate([feature_self, rel_s])
    r = jax.nn.softmax(jnp.stack([e_n, e_i, e_s]), axis=-1)
    r_n, r_i, r_s = r[0], r[1], r[2]
    user_embedding = r_s * feature_self + r_n * f_n + r_i * f_i
    return user_embedding

if __name__ == "__main__":
    import jax
    _d = setup_inputs()
    print(jax.jit(kernel)(*tuple(_d.values())))

</pallas_src>

<mosaic_0001>
#map = affine_map<(d0, d1) -> (0, 0)>
#map1 = affine_map<(d0, d1) -> (0, 0, 0)>
#map2 = affine_map<(d0, d1) -> (0, 0, 0, 0)>
module attributes {stable_mosaic.version = 14 : i64} {
  func.func @_sc_main(%arg0: i32, %arg1: i32, %arg2: memref<100000x128xf32, #tpu.memory_space<hbm>>, %arg3: memref<100000x128xf32, #tpu.memory_space<hbm>>, %arg4: memref<2x2x128xf32, #tpu.memory_space<hbm>>, %arg5: memref<2x32x2x128xf32, #tpu.memory_space<hbm>>, %arg6: memref<125x128xf32, #tpu.memory_space<vmem>>, %arg7: memref<125x128xf32, #tpu.memory_space<vmem>>, %arg8: memref<2x2x128xf32, #tpu.memory_space<vmem>>, %arg9: memref<2x128xf32, #tpu.memory_space<vmem>>, %arg10: memref<!tpu.dma_semaphore, #tpu.memory_space<semaphore_mem>>, %arg11: memref<!tpu.dma_semaphore, #tpu.memory_space<semaphore_mem>>) attributes {dimension_semantics = [#tpu.dimension_semantics<core_parallel>, #tpu.dimension_semantics<subcore_parallel>], iteration_bounds = array<i64: 2, 16>, scalar_prefetch = 0 : i64, scratch_operands = 6 : i64, tpu.core_type = #tpu.core_type<sc_vector_subcore>, window_params = [{transform_indices = #map}, {transform_indices = #map}, {transform_indices = #map1}, {transform_indices = #map2}]} {
    %mul3A = arith.constant 2 : i32
    %mul3A_0 = arith.muli %arg1, %mul3A : i32
    %add3A = arith.addi %mul3A_0, %arg0 : i32
    %mul3A_1 = arith.constant 1375 : i32
    %mul3A_2 = arith.muli %add3A, %mul3A_1 : i32
    "tpu.region"() ({
      %run_scoped3A_336 = tpu.sem_alloc : memref<!tpu.dma_semaphore, #tpu.memory_space<semaphore_mem>>
      tpu.enqueue_dma source(%arg4 : memref<2x2x128xf32, #tpu.memory_space<hbm>>) target(%arg8 : memref<2x2x128xf32, #tpu.memory_space<vmem>>) target_semaphore(%run_scoped3A_336 : memref<!tpu.dma_semaphore, #tpu.memory_space<semaphore_mem>>)
      tpu.wait_dma2 semaphore(%run_scoped3A_336 : memref<!tpu.dma_semaphore, #tpu.memory_space<semaphore_mem>>) src(%arg4 : memref<2x2x128xf32, #tpu.memory_space<hbm>>) dst(%arg8 : memref<2x2x128xf32, #tpu.memory_space<vmem>>)
      tpu.yield
    }) : () -> ()
    %broadcast_in_dim3A = arith.constant 15 : i32
    %broadcast_in_dim3A_3 = vector.broadcast %broadcast_in_dim3A : i32 to vector<16xi32>
    %get3A = arith.constant 0 : i32
    %get3A_4 = arith.constant 0 : i32
    %get3A_5 = arith.index_cast %get3A : i32 to index
    %get3A_6 = arith.index_cast %get3A_4 : i32 to index
    %get3A_7 = arith.constant 0 : index
    %get3A_8 = tpu.vector_load %arg8[%get3A_5, %get3A_6, %get3A_7] {strides = array<i32>} : memref<2x2x128xf32, #tpu.memory_space<vmem>>, vector<16xf32>,
    %get3A_9 = arith.constant 0 : i32
    %get3A_10 = arith.constant 0 : i32
    %get3A_11 = arith.index_cast %get3A_9 : i32 to index
    %get3A_12 = arith.index_cast %get3A_10 : i32 to index
    %get3A_13 = arith.constant 16 : index
    %get3A_14 = tpu.vector_load %arg8[%get3A_11, %get3A_12, %get3A_13] {strides = array<i32>} : memref<2x2x128xf32, #tpu.memory_space<vmem>>, vector<16xf32>,
    %get3A_15 = arith.constant 0 : i32
    %get3A_16 = arith.constant 0 : i32
    %get3A_17 = arith.index_cast %get3A_15 : i32 to index
    %get3A_18 = arith.index_cast %get3A_16 : i32 to index
    %get3A_19 = arith.constant 32 : index
    %get3A_20 = tpu.vector_load %arg8[%get3A_17, %get3A_18, %get3A_19] {strides = array<i32>} : memref<2x2x128xf32, #tpu.memory_space<vmem>>, vector<16xf32>,
    %get3A_21 = arith.constant 0 : i32
    %get3A_22 = arith.constant 0 : i32
    %get3A_23 = arith.index_cast %get3A_21 : i32 to index
    %get3A_24 = arith.index_cast %get3A_22 : i32 to index
    %get3A_25 = arith.constant 48 : index
    %get3A_26 = tpu.vector_load %arg8[%get3A_23, %get3A_24, %get3A_25] {strides = array<i32>} : memref<2x2x128xf32, #tpu.memory_space<vmem>>, vector<16xf32>,
    %get3A_27 = arith.constant 0 : i32
    %get3A_28 = arith.constant 0 : i32
    %get3A_29 = arith.index_cast %get3A_27 : i32 to index
    %get3A_30 = arith.index_cast %get3A_28 : i32 to index
    %get3A_31 = arith.constant 64 : index
    %get3A_32 = tpu.vector_load %arg8[%get3A_29, %get3A_30, %get3A_31] {strides = array<i32>} : memref<2x2x128xf32, #tpu.memory_space<vmem>>, vector<16xf32>,
    %get3A_33 = arith.constant 0 : i32
    %get3A_34 = arith.constant 0 : i32
    %get3A_35 = arith.index_cast %get3A_33 : i32 to index
    %get3A_36 = arith.index_cast %get3A_34 : i32 to index
    %get3A_37 = arith.constant 80 : index
    %get3A_38 = tpu.vector_load %arg8[%get3A_35, %get3A_36, %get3A_37] {strides = array<i32>} : memref<2x2x128xf32, #tpu.memory_space<vmem>>, vector<16xf32>,
    %get3A_39 = arith.constant 0 : i32
    %get3A_40 = arith.constant 0 : i32
    %get3A_41 = arith.index_cast %get3A_39 : i32 to index
    %get3A_42 = arith.index_cast %get3A_40 : i32 to index
    %get3A_43 = arith.constant 96 : index
    %get3A_44 = tpu.vector_load %arg8[%get3A_41, %get3A_42, %get3A_43] {strides = array<i32>} : memref<2x2x128xf32, #tpu.memory_space<vmem>>, vector<16xf32>,
    %get3A_45 = arith.constant 0 : i32
    %get3A_46 = arith.constant 0 : i32
    %get3A_47 = arith.index_cast %get3A_45 : i32 to index
    %get3A_48 = arith.index_cast %get3A_46 : i32 to index
    %get3A_49 = arith.constant 112 : index
    %get3A_50 = tpu.vector_load %arg8[%get3A_47, %get3A_48, %get3A_49] {strides = array<i32>} : memref<2x2x128xf32, #tpu.memory_space<vmem>>, vector<16xf32>,
    %get3A_51 = arith.constant 0 : i32
    %get3A_52 = arith.constant 1 : i32
    %get3A_53 = arith.index_cast %get3A_51 : i32 to index
    %get3A_54 = arith.index_cast %get3A_52 : i32 to index
    %get3A_55 = arith.constant 0 : index
    %get3A_56 = tpu.vector_load %arg8[%get3A_53, %get3A_54, %get3A_55] {strides = array<i32>} : memref<2x2x128xf32, #tpu.memory_space<vmem>>, vector<16xf32>,
    %broadcast_in_dim3A_57 = arith.constant 0.000000e+00 : f32
    %broadcast_in_dim3A_58 = vector.broadcast %broadcast_in_dim3A_57 : f32 to vector<16xf32>
    %swap3A = arith.constant 0 : i32
    %swap3A_59 = arith.index_cast %swap3A : i32 to index
    %swap3A_60 = arith.constant 0 : index
    %swap3A_61 = tpu.vector_load %arg9[%swap3A_59, %swap3A_60] {strides = array<i32>} : memref<2x128xf32, #tpu.memory_space<vmem>>, vector<16xf32>,
    tpu.vector_store %arg9[%swap3A_59, %swap3A_60], %broadcast_in_dim3A_58 {strides = array<i32>} : memref<2x128xf32, #tpu.memory_space<vmem>>, vector<16xf32>,
    %swap3A_62 = arith.constant 1 : i32
    %swap3A_63 = arith.index_cast %swap3A_62 : i32 to index
    %swap3A_64 = arith.constant 0 : index
    %swap3A_65 = tpu.vector_load %arg9[%swap3A_63, %swap3A_64] {strides = array<i32>} : memref<2x128xf32, #tpu.memory_space<vmem>>, vector<16xf32>,
    tpu.vector_store %arg9[%swap3A_63, %swap3A_64], %broadcast_in_dim3A_58 {strides = array<i32>} : memref<2x128xf32, #tpu.memory_space<vmem>>, vector<16xf32>,
    %swap3A_66 = arith.constant 0 : i32
    %swap3A_67 = arith.index_cast %swap3A_66 : i32 to index
    %swap3A_68 = arith.constant 16 : index
    %swap3A_69 = tpu.vector_load %arg9[%swap3A_67, %swap3A_68] {strides = array<i32>} : memref<2x128xf32, #tpu.memory_space<vmem>>, vector<16xf32>,
    tpu.vector_store %arg9[%swap3A_67, %swap3A_68], %broadcast_in_dim3A_58 {strides = array<i32>} : memref<2x128xf32, #tpu.memory_space<vmem>>, vector<16xf32>,
    %swap3A_70 = arith.constant 1 : i32
    %swap3A_71 = arith.index_cast %swap3A_70 : i32 to index
    %swap3A_72 = arith.constant 16 : index
    %swap3A_73 = tpu.vector_load %arg9[%swap3A_71, %swap3A_72] {strides = array<i32>} : memref<2x128xf32, #tpu.memory_space<vmem>>, vector<16xf32>,
    tpu.vector_store %arg9[%swap3A_71, %swap3A_72], %broadcast_in_dim3A_58 {strides = array<i32>} : memref<2x128xf32, #tpu.memory_space<vmem>>, vector<16xf32>,
    %swap3A_74 = arith.constant 0 : i32
    %swap3A_75 = arith.index_cast %swap3A_74 : i32 to index
    %swap3A_76 = arith.constant 32 : index
    %swap3A_77 = tpu.vector_load %arg9[%swap3A_75, %swap3A_76] {strides = array<i32>} : memref<2x128xf32, #tpu.memory_space<vmem>>, vector<16xf32>,
    tpu.vector_store %arg9[%swap3A_75, %swap3A_76], %broadcast_in_dim3A_58 {strides = array<i32>} : memref<2x128xf32, #tpu.memory_space<vmem>>, vector<16xf32>,
    %swap3A_78 = arith.constant 1 : i32
    %swap3A_79 = arith.index_cast %swap3A_78 : i32 to index
    %swap3A_80 = arith.constant 32 : index
    %swap3A_81 = tpu.vector_load %arg9[%swap3A_79, %swap3A_80] {strides = array<i32>} : memref<2x128xf32, #tpu.memory_space<vmem>>, vector<16xf32>,
    tpu.vector_store %arg9[%swap3A_79, %swap3A_80], %broadcast_in_dim3A_58 {strides = array<i32>} : memref<2x128xf32, #tpu.memory_space<vmem>>, vector<16xf32>,
    %swap3A_82 = arith.constant 0 : i32
    %swap3A_83 = arith.index_cast %swap3A_82 : i32 to index
    %swap3A_84 = arith.constant 48 : index
    %swap3A_85 = tpu.vector_load %arg9[%swap3A_83, %swap3A_84] {strides = array<i32>} : memref<2x128xf32, #tpu.memory_space<vmem>>, vector<16xf32>,
    tpu.vector_store %arg9[%swap3A_83, %swap3A_84], %broadcast_in_dim3A_58 {strides = array<i32>} : memref<2x128xf32, #tpu.memory_space<vmem>>, vector<16xf32>,
    %swap3A_86 = arith.constant 1 : i32
    %swap3A_87 = arith.index_cast %swap3A_86 : i32 to index
    %swap3A_88 = arith.constant 48 : index
    %swap3A_89 = tpu.vector_load %arg9[%swap3A_87, %swap3A_88] {strides = array<i32>} : memref<2x128xf32, #tpu.memory_space<vmem>>, vector<16xf32>,
    tpu.vector_store %arg9[%swap3A_87, %swap3A_88], %broadcast_in_dim3A_58 {strides = array<i32>} : memref<2x128xf32, #tpu.memory_space<vmem>>, vector<16xf32>,
    %swap3A_90 = arith.constant 0 : i32
    %swap3A_91 = arith.index_cast %swap3A_90 : i32 to index
    %swap3A_92 = arith.constant 64 : index
    %swap3A_93 = tpu.vector_load %arg9[%swap3A_91, %swap3A_92] {strides = array<i32>} : memref<2x128xf32, #tpu.memory_space<vmem>>, vector<16xf32>,
    tpu.vector_store %arg9[%swap3A_91, %swap3A_92], %broadcast_in_dim3A_58 {strides = array<i32>} : memref<2x128xf32, #tpu.memory_space<vmem>>, vector<16xf32>,
    %swap3A_94 = arith.constant 1 : i32
    %swap3A_95 = arith.index_cast %swap3A_94 : i32 to index
    %swap3A_96 = arith.constant 64 : index
    %swap3A_97 = tpu.vector_load %arg9[%swap3A_95, %swap3A_96] {strides = array<i32>} : memref<2x128xf32, #tpu.memory_space<vmem>>, vector<16xf32>,
    tpu.vector_store %arg9[%swap3A_95, %swap3A_96], %broadcast_in_dim3A_58 {strides = array<i32>} : memref<2x128xf32, #tpu.memory_space<vmem>>, vector<16xf32>,
    %swap3A_98 = arith.constant 0 : i32
    %swap3A_99 = arith.index_cast %swap3A_98 : i32 to index
    %swap3A_100 = arith.constant 80 : index
    %swap3A_101 = tpu.vector_load %arg9[%swap3A_99, %swap3A_100] {strides = array<i32>} : memref<2x128xf32, #tpu.memory_space<vmem>>, vector<16xf32>,
    tpu.vector_store %arg9[%swap3A_99, %swap3A_100], %broadcast_in_dim3A_58 {strides = array<i32>} : memref<2x128xf32, #tpu.memory_space<vmem>>, vector<16xf32>,
    %swap3A_102 = arith.constant 1 : i32
    %swap3A_103 = arith.index_cast %swap3A_102 : i32 to index
    %swap3A_104 = arith.constant 80 : index
    %swap3A_105 = tpu.vector_load %arg9[%swap3A_103, %swap3A_104] {strides = array<i32>} : memref<2x128xf32, #tpu.memory_space<vmem>>, vector<16xf32>,
    tpu.vector_store %arg9[%swap3A_103, %swap3A_104], %broadcast_in_dim3A_58 {strides = array<i32>} : memref<2x128xf32, #tpu.memory_space<vmem>>, vector<16xf32>,
    %swap3A_106 = arith.constant 0 : i32
    %swap3A_107 = arith.index_cast %swap3A_106 : i32 to index
    %swap3A_108 = arith.constant 96 : index
    %swap3A_109 = tpu.vector_load %arg9[%swap3A_107, %swap3A_108] {strides = array<i32>} : memref<2x128xf32, #tpu.memory_space<vmem>>, vector<16xf32>,
    tpu.vector_store %arg9[%swap3A_107, %swap3A_108], %broadcast_in_dim3A_58 {strides = array<i32>} : memref<2x128xf32, #tpu.memory_space<vmem>>, vector<16xf32>,
    %swap3A_110 = arith.constant 1 : i32
    %swap3A_111 = arith.index_cast %swap3A_110 : i32 to index
    %swap3A_112 = arith.constant 96 : index
    %swap3A_113 = tpu.vector_load %arg9[%swap3A_111, %swap3A_112] {strides = array<i32>} : memref<2x128xf32, #tpu.memory_space<vmem>>, vector<16xf32>,
    tpu.vector_store %arg9[%swap3A_111, %swap3A_112], %broadcast_in_dim3A_58 {strides = array<i32>} : memref<2x128xf32, #tpu.memory_space<vmem>>, vector<16xf32>,
    %swap3A_114 = arith.constant 0 : i32
    %swap3A_115 = arith.index_cast %swap3A_114 : i32 to index
    %swap3A_116 = arith.constant 112 : index
    %swap3A_117 = tpu.vector_load %arg9[%swap3A_115, %swap3A_116] {strides = array<i32>} : memref<2x128xf32, #tpu.memory_space<vmem>>, vector<16xf32>,
    tpu.vector_store %arg9[%swap3A_115, %swap3A_116], %broadcast_in_dim3A_58 {strides = array<i32>} : memref<2x128xf32, #tpu.memory_space<vmem>>, vector<16xf32>,
    %swap3A_118 = arith.constant 1 : i32
    %swap3A_119 = arith.index_cast %swap3A_118 : i32 to index
    %swap3A_120 = arith.constant 112 : index
    %swap3A_121 = tpu.vector_load %arg9[%swap3A_119, %swap3A_120] {strides = array<i32>} : memref<2x128xf32, #tpu.memory_space<vmem>>, vector<16xf32>,
    tpu.vector_store %arg9[%swap3A_119, %swap3A_120], %broadcast_in_dim3A_58 {strides = array<i32>} : memref<2x128xf32, #tpu.memory_space<vmem>>, vector<16xf32>,
    %min3A = arith.constant 0 : i32
    %min3A_122 = arith.constant 10 : i32
    %min3A_123 = arith.minsi %min3A, %min3A_122 : i32
    %mul3A_124 = arith.constant 125 : i32
    %mul3A_125 = arith.muli %min3A_123, %mul3A_124 : i32
    %add3A_126 = arith.addi %mul3A_2, %mul3A_125 : i32
    %dma_start3A = arith.constant 0 : i32
    %dma_start3A_127 = tpu.memref_slice %arg2[%add3A_126, %dma_start3A] : memref<100000x128xf32, #tpu.memory_space<hbm>> -> memref<125x128xf32, #tpu.memory_space<hbm>>
    %dma_start3A_128 = arith.constant 0 : i32
    %dma_start3A_129 = tpu.memref_slice %arg2[%add3A_126, %dma_start3A_128] : memref<100000x128xf32, #tpu.memory_space<hbm>> -> memref<125x128xf32, #tpu.memory_space<hbm>>
    tpu.enqueue_dma source(%dma_start3A_129 : memref<125x128xf32, #tpu.memory_space<hbm>>) target(%arg6 : memref<125x128xf32, #tpu.memory_space<vmem>>) target_semaphore(%arg10 : memref<!tpu.dma_semaphore, #tpu.memory_space<semaphore_mem>>)
    %min3A_130 = arith.constant 1 : i32
    %min3A_131 = arith.constant 10 : i32
    %min3A_132 = arith.minsi %min3A_130, %min3A_131 : i32
    %mul3A_133 = arith.constant 125 : i32
    %mul3A_134 = arith.muli %min3A_132, %mul3A_133 : i32
    %add3A_135 = arith.addi %mul3A_2, %mul3A_134 : i32
    %dma_start3A_136 = arith.constant 0 : i32
    %dma_start3A_137 = tpu.memref_slice %arg2[%add3A_135, %dma_start3A_136] : memref<100000x128xf32, #tpu.memory_space<hbm>> -> memref<125x128xf32, #tpu.memory_space<hbm>>
    %dma_start3A_138 = arith.constant 0 : i32
    %dma_start3A_139 = tpu.memref_slice %arg2[%add3A_135, %dma_start3A_138] : memref<100000x128xf32, #tpu.memory_space<hbm>> -> memref<125x128xf32, #tpu.memory_space<hbm>>
    tpu.enqueue_dma source(%dma_start3A_139 : memref<125x128xf32, #tpu.memory_space<hbm>>) target(%arg7 : memref<125x128xf32, #tpu.memory_space<vmem>>) target_semaphore(%arg11 : memref<!tpu.dma_semaphore, #tpu.memory_space<semaphore_mem>>)
    %scan3A = arith.constant 0 : i32
    %scan3A_140 = arith.constant 0 : i32
    %scan3A_141 = arith.constant 5 : i32
    %scan3A_142 = arith.addi %scan3A_140, %scan3A_141 : i32
    %scan3A_143 = arith.constant 1 : i32
    scf.for %scan3A_336 = %scan3A_140 to %scan3A_142 step %scan3A_143  : i32 {
      %mul3A_337 = arith.constant 2 : i32
      %mul3A_338 = arith.muli %mul3A_337, %scan3A_336 : i32
      %min3A_339 = arith.constant 10 : i32
      %min3A_340 = arith.minsi %mul3A_338, %min3A_339 : i32
      %mul3A_341 = arith.constant 125 : i32
      %mul3A_342 = arith.muli %min3A_340, %mul3A_341 : i32
      %add3A_343 = arith.addi %mul3A_2, %mul3A_342 : i32
      %dma_wait3A_344 = arith.constant 0 : i32
      %dma_wait3A_345 = tpu.memref_slice %arg2[%add3A_343, %dma_wait3A_344] : memref<100000x128xf32, #tpu.memory_space<hbm>> -> memref<125x128xf32, #tpu.memory_space<hbm>>
      %dma_wait3A_346 = arith.constant 0 : i32
      %dma_wait3A_347 = tpu.memref_slice %arg2[%add3A_343, %dma_wait3A_346] : memref<100000x128xf32, #tpu.memory_space<hbm>> -> memref<125x128xf32, #tpu.memory_space<hbm>>
      tpu.wait_dma2 semaphore(%arg10 : memref<!tpu.dma_semaphore, #tpu.memory_space<semaphore_mem>>) src(%dma_wait3A_347 : memref<125x128xf32, #tpu.memory_space<hbm>>) dst(%arg6 : memref<125x128xf32, #tpu.memory_space<vmem>>)
      %parallel_loop3A_348 = arith.constant 0 : i32
      %parallel_loop3A_349 = arith.constant 125 : i32
      %parallel_loop3A_350 = arith.constant 1 : i32
      scf.for %parallel_loop3A_393 = %parallel_loop3A_348 to %parallel_loop3A_349 step %parallel_loop3A_350  : i32 {
        %parallel_loop3A_394 = arith.index_cast %parallel_loop3A_393 : i32 to index
        %parallel_loop3A_395 = arith.constant 0 : index
        %parallel_loop3A_396 = tpu.vector_load %arg6[%parallel_loop3A_394, %parallel_loop3A_395] {strides = array<i32>} : memref<125x128xf32, #tpu.memory_space<vmem>>, vector<16xf32>,
        %parallel_loop3A_397 = arith.index_cast %parallel_loop3A_393 : i32 to index
        %parallel_loop3A_398 = arith.constant 16 : index
        %parallel_loop3A_399 = tpu.vector_load %arg6[%parallel_loop3A_397, %parallel_loop3A_398] {strides = array<i32>} : memref<125x128xf32, #tpu.memory_space<vmem>>, vector<16xf32>,
        %parallel_loop3A_400 = arith.index_cast %parallel_loop3A_393 : i32 to index
        %parallel_loop3A_401 = arith.constant 32 : index
        %parallel_loop3A_402 = tpu.vector_load %arg6[%parallel_loop3A_400, %parallel_loop3A_401] {strides = array<i32>} : memref<125x128xf32, #tpu.memory_space<vmem>>, vector<16xf32>,
        %parallel_loop3A_403 = arith.index_cast %parallel_loop3A_393 : i32 to index
        %parallel_loop3A_404 = arith.constant 48 : index
        %parallel_loop3A_405 = tpu.vector_load %arg6[%parallel_loop3A_403, %parallel_loop3A_404] {strides = array<i32>} : memref<125x128xf32, #tpu.memory_space<vmem>>, vector<16xf32>,
        %parallel_loop3A_406 = arith.index_cast %parallel_loop3A_393 : i32 to index
        %parallel_loop3A_407 = arith.constant 64 : index
        %parallel_loop3A_408 = tpu.vector_load %arg6[%parallel_loop3A_406, %parallel_loop3A_407] {strides = array<i32>} : memref<125x128xf32, #tpu.memory_space<vmem>>, vector<16xf32>,
        %parallel_loop3A_409 = arith.index_cast %parallel_loop3A_393 : i32 to index
        %parallel_loop3A_410 = arith.constant 80 : index
        %parallel_loop3A_411 = tpu.vector_load %arg6[%parallel_loop3A_409, %parallel_loop3A_410] {strides = array<i32>} : memref<125x128xf32, #tpu.memory_space<vmem>>, vector<16xf32>,
        %parallel_loop3A_412 = arith.index_cast %parallel_loop3A_393 : i32 to index
        %parallel_loop3A_413 = arith.constant 96 : index
        %parallel_loop3A_414 = tpu.vector_load %arg6[%parallel_loop3A_412, %parallel_loop3A_413] {strides = array<i32>} : memref<125x128xf32, #tpu.memory_space<vmem>>, vector<16xf32>,
        %parallel_loop3A_415 = arith.index_cast %parallel_loop3A_393 : i32 to index
        %parallel_loop3A_416 = arith.constant 112 : index
        %parallel_loop3A_417 = tpu.vector_load %arg6[%parallel_loop3A_415, %parallel_loop3A_416] {strides = array<i32>} : memref<125x128xf32, #tpu.memory_space<vmem>>, vector<16xf32>,
        %parallel_loop3A_418 = arith.mulf %parallel_loop3A_396, %get3A_8 : vector<16xf32>
        %parallel_loop3A_419 = arith.mulf %parallel_loop3A_399, %get3A_14 : vector<16xf32>
        %parallel_loop3A_420 = arith.mulf %parallel_loop3A_402, %get3A_20 : vector<16xf32>
        %parallel_loop3A_421 = arith.mulf %parallel_loop3A_405, %get3A_26 : vector<16xf32>
        %parallel_loop3A_422 = arith.mulf %parallel_loop3A_408, %get3A_32 : vector<16xf32>
        %parallel_loop3A_423 = arith.mulf %parallel_loop3A_411, %get3A_38 : vector<16xf32>
        %parallel_loop3A_424 = arith.mulf %parallel_loop3A_414, %get3A_44 : vector<16xf32>
        %parallel_loop3A_425 = arith.mulf %parallel_loop3A_417, %get3A_50 : vector<16xf32>
        %parallel_loop3A_426 = arith.addf %parallel_loop3A_418, %parallel_loop3A_419 : vector<16xf32>
        %parallel_loop3A_427 = arith.addf %parallel_loop3A_420, %parallel_loop3A_421 : vector<16xf32>
        %parallel_loop3A_428 = arith.addf %parallel_loop3A_426, %parallel_loop3A_427 : vector<16xf32>
        %parallel_loop3A_429 = arith.addf %parallel_loop3A_422, %parallel_loop3A_423 : vector<16xf32>
        %parallel_loop3A_430 = arith.addf %parallel_loop3A_424, %parallel_loop3A_425 : vector<16xf32>
        %parallel_loop3A_431 = arith.addf %parallel_loop3A_429, %parallel_loop3A_430 : vector<16xf32>
        %parallel_loop3A_432 = arith.addf %parallel_loop3A_428, %parallel_loop3A_431 : vector<16xf32>
        %parallel_loop3A_433 = arith.constant true
        %parallel_loop3A_434 = vector.broadcast %parallel_loop3A_433 : i1 to vector<16xi1>
        %parallel_loop3A_435 = tpu.scan <sum>, %parallel_loop3A_432 masked %parallel_loop3A_434 : vector<16xf32>, vector<16xi1> -> vector<16xf32>
        %parallel_loop3A_436 = vector.shape_cast %broadcast_in_dim3A_3 : vector<16xi32> to vector<16x1xi32>
        %parallel_loop3A_437 = vector.shape_cast %parallel_loop3A_436 : vector<16x1xi32> to vector<16xi32>
        %parallel_loop3A_438 = tpu.dynamic_gather %parallel_loop3A_435[%parallel_loop3A_437] in [0] : vector<16xf32>, vector<16xi32> -> vector<16xf32>
        %parallel_loop3A_439 = arith.addf %parallel_loop3A_438, %get3A_56 : vector<16xf32>
        %parallel_loop3A_440 = arith.constant 0.000000e+00 : f32
        %parallel_loop3A_441 = vector.broadcast %parallel_loop3A_440 : f32 to vector<16xf32>
        %parallel_loop3A_442 = arith.cmpf ogt, %parallel_loop3A_439, %parallel_loop3A_441 : vector<16xf32>
        %parallel_loop3A_443 = arith.constant 2.000000e-01 : f32
        %parallel_loop3A_444 = vector.broadcast %parallel_loop3A_443 : f32 to vector<16xf32>
        %parallel_loop3A_445 = arith.mulf %parallel_loop3A_444, %parallel_loop3A_439 : vector<16xf32>
        %parallel_loop3A_446 = arith.select %parallel_loop3A_442, %parallel_loop3A_439, %parallel_loop3A_445 : vector<16xi1>, vector<16xf32>
        %parallel_loop3A_447 = math.exp %parallel_loop3A_446 : vector<16xf32>
        %parallel_loop3A_448 = arith.mulf %parallel_loop3A_447, %parallel_loop3A_396 : vector<16xf32>
        %parallel_loop3A_449 = arith.constant 0 : i32
        %parallel_loop3A_450 = arith.index_cast %parallel_loop3A_449 : i32 to index
        %parallel_loop3A_451 = arith.constant 0 : index
        %parallel_loop3A_452 = tpu.vector_load %arg9[%parallel_loop3A_450, %parallel_loop3A_451] {strides = array<i32>} : memref<2x128xf32, #tpu.memory_space<vmem>>, vector<16xf32>,
        tpu.vector_store %arg9[%parallel_loop3A_450, %parallel_loop3A_451], %parallel_loop3A_448 {add = true, strides = array<i32>} : memref<2x128xf32, #tpu.memory_space<vmem>>, vector<16xf32>,
        %parallel_loop3A_453 = arith.mulf %parallel_loop3A_447, %parallel_loop3A_399 : vector<16xf32>
        %parallel_loop3A_454 = arith.constant 0 : i32
        %parallel_loop3A_455 = arith.index_cast %parallel_loop3A_454 : i32 to index
        %parallel_loop3A_456 = arith.constant 16 : index
        %parallel_loop3A_457 = tpu.vector_load %arg9[%parallel_loop3A_455, %parallel_loop3A_456] {strides = array<i32>} : memref<2x128xf32, #tpu.memory_space<vmem>>, vector<16xf32>,
        tpu.vector_store %arg9[%parallel_loop3A_455, %parallel_loop3A_456], %parallel_loop3A_453 {add = true, strides = array<i32>} : memref<2x128xf32, #tpu.memory_space<vmem>>, vector<16xf32>,
        %parallel_loop3A_458 = arith.mulf %parallel_loop3A_447, %parallel_loop3A_402 : vector<16xf32>
        %parallel_loop3A_459 = arith.constant 0 : i32
        %parallel_loop3A_460 = arith.index_cast %parallel_loop3A_459 : i32 to index
        %parallel_loop3A_461 = arith.constant 32 : index
        %parallel_loop3A_462 = tpu.vector_load %arg9[%parallel_loop3A_460, %parallel_loop3A_461] {strides = array<i32>} : memref<2x128xf32, #tpu.memory_space<vmem>>, vector<16xf32>,
        tpu.vector_store %arg9[%parallel_loop3A_460, %parallel_loop3A_461], %parallel_loop3A_458 {add = true, strides = array<i32>} : memref<2x128xf32, #tpu.memory_space<vmem>>, vector<16xf32>,
        %parallel_loop3A_463 = arith.mulf %parallel_loop3A_447, %parallel_loop3A_405 : vector<16xf32>
        %parallel_loop3A_464 = arith.constant 0 : i32
        %parallel_loop3A_465 = arith.index_cast %parallel_loop3A_464 : i32 to index
        %parallel_loop3A_466 = arith.constant 48 : index
        %parallel_loop3A_467 = tpu.vector_load %arg9[%parallel_loop3A_465, %parallel_loop3A_466] {strides = array<i32>} : memref<2x128xf32, #tpu.memory_space<vmem>>, vector<16xf32>,
        tpu.vector_store %arg9[%parallel_loop3A_465, %parallel_loop3A_466], %parallel_loop3A_463 {add = true, strides = array<i32>} : memref<2x128xf32, #tpu.memory_space<vmem>>, vector<16xf32>,
        %parallel_loop3A_468 = arith.mulf %parallel_loop3A_447, %parallel_loop3A_408 : vector<16xf32>
        %parallel_loop3A_469 = arith.constant 0 : i32
        %parallel_loop3A_470 = arith.index_cast %parallel_loop3A_469 : i32 to index
        %parallel_loop3A_471 = arith.constant 64 : index
        %parallel_loop3A_472 = tpu.vector_load %arg9[%parallel_loop3A_470, %parallel_loop3A_471] {strides = array<i32>} : memref<2x128xf32, #tpu.memory_space<vmem>>, vector<16xf32>,
        tpu.vector_store %arg9[%parallel_loop3A_470, %parallel_loop3A_471], %parallel_loop3A_468 {add = true, strides = array<i32>} : memref<2x128xf32, #tpu.memory_space<vmem>>, vector<16xf32>,
        %parallel_loop3A_473 = arith.mulf %parallel_loop3A_447, %parallel_loop3A_411 : vector<16xf32>
        %parallel_loop3A_474 = arith.constant 0 : i32
        %parallel_loop3A_475 = arith.index_cast %parallel_loop3A_474 : i32 to index
        %parallel_loop3A_476 = arith.constant 80 : index
        %parallel_loop3A_477 = tpu.vector_load %arg9[%parallel_loop3A_475, %parallel_loop3A_476] {strides = array<i32>} : memref<2x128xf32, #tpu.memory_space<vmem>>, vector<16xf32>,
        tpu.vector_store %arg9[%parallel_loop3A_475, %parallel_loop3A_476], %parallel_loop3A_473 {add = true, strides = array<i32>} : memref<2x128xf32, #tpu.memory_space<vmem>>, vector<16xf32>,
        %parallel_loop3A_478 = arith.mulf %parallel_loop3A_447, %parallel_loop3A_414 : vector<16xf32>
        %parallel_loop3A_479 = arith.constant 0 : i32
        %parallel_loop3A_480 = arith.index_cast %parallel_loop3A_479 : i32 to index
        %parallel_loop3A_481 = arith.constant 96 : index
        %parallel_loop3A_482 = tpu.vector_load %arg9[%parallel_loop3A_480, %parallel_loop3A_481] {strides = array<i32>} : memref<2x128xf32, #tpu.memory_space<vmem>>, vector<16xf32>,
        tpu.vector_store %arg9[%parallel_loop3A_480, %parallel_loop3A_481], %parallel_loop3A_478 {add = true, strides = array<i32>} : memref<2x128xf32, #tpu.memory_space<vmem>>, vector<16xf32>,
        %parallel_loop3A_483 = arith.mulf %parallel_loop3A_447, %parallel_loop3A_417 : vector<16xf32>
        %parallel_loop3A_484 = arith.constant 0 : i32
        %parallel_loop3A_485 = arith.index_cast %parallel_loop3A_484 : i32 to index
        %parallel_loop3A_486 = arith.constant 112 : index
        %parallel_loop3A_487 = tpu.vector_load %arg9[%parallel_loop3A_485, %parallel_loop3A_486] {strides = array<i32>} : memref<2x128xf32, #tpu.memory_space<vmem>>, vector<16xf32>,
        tpu.vector_store %arg9[%parallel_loop3A_485, %parallel_loop3A_486], %parallel_loop3A_483 {add = true, strides = array<i32>} : memref<2x128xf32, #tpu.memory_space<vmem>>, vector<16xf32>,
        %parallel_loop3A_488 = arith.constant 1 : i32
        %parallel_loop3A_489 = arith.index_cast %parallel_loop3A_488 : i32 to index
        %parallel_loop3A_490 = arith.constant 0 : index
        %parallel_loop3A_491 = tpu.vector_load %arg9[%parallel_loop3A_489, %parallel_loop3A_490] {strides = array<i32>} : memref<2x128xf32, #tpu.memory_space<vmem>>, vector<16xf32>,
        tpu.vector_store %arg9[%parallel_loop3A_489, %parallel_loop3A_490], %parallel_loop3A_447 {add = true, strides = array<i32>} : memref<2x128xf32, #tpu.memory_space<vmem>>, vector<16xf32>,
      } {sc.loop_unroll_factor = 5 : i64, sc.parallel_access}
      %mul3A_351 = arith.constant 2 : i32
      %mul3A_352 = arith.muli %mul3A_351, %scan3A_336 : i32
      %add3A_353 = arith.constant 2 : i32
      %add3A_354 = arith.addi %mul3A_352, %add3A_353 : i32
      %min3A_355 = arith.constant 10 : i32
      %min3A_356 = arith.minsi %add3A_354, %min3A_355 : i32
      %mul3A_357 = arith.constant 125 : i32
      %mul3A_358 = arith.muli %min3A_356, %mul3A_357 : i32
      %add3A_359 = arith.addi %mul3A_2, %mul3A_358 : i32
      %dma_start3A_360 = arith.constant 0 : i32
      %dma_start3A_361 = tpu.memref_slice %arg2[%add3A_359, %dma_start3A_360] : memref<100000x128xf32, #tpu.memory_space<hbm>> -> memref<125x128xf32, #tpu.memory_space<hbm>>
      %dma_start3A_362 = arith.constant 0 : i32
      %dma_start3A_363 = tpu.memref_slice %arg2[%add3A_359, %dma_start3A_362] : memref<100000x128xf32, #tpu.memory_space<hbm>> -> memref<125x128xf32, #tpu.memory_space<hbm>>
      tpu.enqueue_dma source(%dma_start3A_363 : memref<125x128xf32, #tpu.memory_space<hbm>>) target(%arg6 : memref<125x128xf32, #tpu.memory_space<vmem>>) target_semaphore(%arg10 : memref<!tpu.dma_semaphore, #tpu.memory_space<semaphore_mem>>)
      %mul3A_364 = arith.constant 2 : i32
      %mul3A_365 = arith.muli %mul3A_364, %scan3A_336 : i32
      %add3A_366 = arith.constant 1 : i32
      %add3A_367 = arith.addi %mul3A_365, %add3A_366 : i32
      %min3A_368 = arith.constant 10 : i32
      %min3A_369 = arith.minsi %add3A_367, %min3A_368 : i32
      %mul3A_370 = arith.constant 125 : i32
      %mul3A_371 = arith.muli %min3A_369, %mul3A_370 : i32
      %add3A_372 = arith.addi %mul3A_2, %mul3A_371 : i32
      %dma_wait3A_373 = arith.constant 0 : i32
      %dma_wait3A_374 = tpu.memref_slice %arg2[%add3A_372, %dma_wait3A_373] : memref<100000x128xf32, #tpu.memory_space<hbm>> -> memref<125x128xf32, #tpu.memory_space<hbm>>
      %dma_wait3A_375 = arith.constant 0 : i32
      %dma_wait3A_376 = tpu.memref_slice %arg2[%add3A_372, %dma_wait3A_375] : memref<100000x128xf32, #tpu.memory_space<hbm>> -> memref<125x128xf32, #tpu.memory_space<hbm>>
      tpu.wait_dma2 semaphore(%arg11 : memref<!tpu.dma_semaphore, #tpu.memory_space<semaphore_mem>>) src(%dma_wait3A_376 : memref<125x128xf32, #tpu.memory_space<hbm>>) dst(%arg7 : memref<125x128xf32, #tpu.memory_space<vmem>>)
      %parallel_loop3A_377 = arith.constant 0 : i32
      %parallel_loop3A_378 = arith.constant 125 : i32
      %parallel_loop3A_379 = arith.constant 1 : i32
      scf.for %parallel_loop3A_393 = %parallel_loop3A_377 to %parallel_loop3A_378 step %parallel_loop3A_379  : i32 {
        %parallel_loop3A_394 = arith.index_cast %parallel_loop3A_393 : i32 to index
        %parallel_loop3A_395 = arith.constant 0 : index
        %parallel_loop3A_396 = tpu.vector_load %arg7[%parallel_loop3A_394, %parallel_loop3A_395] {strides = array<i32>} : memref<125x128xf32, #tpu.memory_space<vmem>>, vector<16xf32>,
        %parallel_loop3A_397 = arith.index_cast %parallel_loop3A_393 : i32 to index
        %parallel_loop3A_398 = arith.constant 16 : index
        %parallel_loop3A_399 = tpu.vector_load %arg7[%parallel_loop3A_397, %parallel_loop3A_398] {strides = array<i32>} : memref<125x128xf32, #tpu.memory_space<vmem>>, vector<16xf32>,
        %parallel_loop3A_400 = arith.index_cast %parallel_loop3A_393 : i32 to index
        %parallel_loop3A_401 = arith.constant 32 : index
        %parallel_loop3A_402 = tpu.vector_load %arg7[%parallel_loop3A_400, %parallel_loop3A_401] {strides = array<i32>} : memref<125x128xf32, #tpu.memory_space<vmem>>, vector<16xf32>,
        %parallel_loop3A_403 = arith.index_cast %parallel_loop3A_393 : i32 to index
        %parallel_loop3A_404 = arith.constant 48 : index
        %parallel_loop3A_405 = tpu.vector_load %arg7[%parallel_loop3A_403, %parallel_loop3A_404] {strides = array<i32>} : memref<125x128xf32, #tpu.memory_space<vmem>>, vector<16xf32>,
        %parallel_loop3A_406 = arith.index_cast %parallel_loop3A_393 : i32 to index
        %parallel_loop3A_407 = arith.constant 64 : index
        %parallel_loop3A_408 = tpu.vector_load %arg7[%parallel_loop3A_406, %parallel_loop3A_407] {strides = array<i32>} : memref<125x128xf32, #tpu.memory_space<vmem>>, vector<16xf32>,
        %parallel_loop3A_409 = arith.index_cast %parallel_loop3A_393 : i32 to index
        %parallel_loop3A_410 = arith.constant 80 : index
        %parallel_loop3A_411 = tpu.vector_load %arg7[%parallel_loop3A_409, %parallel_loop3A_410] {strides = array<i32>} : memref<125x128xf32, #tpu.memory_space<vmem>>, vector<16xf32>,
        %parallel_loop3A_412 = arith.index_cast %parallel_loop3A_393 : i32 to index
        %parallel_loop3A_413 = arith.constant 96 : index
        %parallel_loop3A_414 = tpu.vector_load %arg7[%parallel_loop3A_412, %parallel_loop3A_413] {strides = array<i32>} : memref<125x128xf32, #tpu.memory_space<vmem>>, vector<16xf32>,
        %parallel_loop3A_415 = arith.index_cast %parallel_loop3A_393 : i32 to index
        %parallel_loop3A_416 = arith.constant 112 : index
        %parallel_loop3A_417 = tpu.vector_load %arg7[%parallel_loop3A_415, %parallel_loop3A_416] {strides = array<i32>} : memref<125x128xf32, #tpu.memory_space<vmem>>, vector<16xf32>,
        %parallel_loop3A_418 = arith.mulf %parallel_loop3A_396, %get3A_8 : vector<16xf32>
        %parallel_loop3A_419 = arith.mulf %parallel_loop3A_399, %get3A_14 : vector<16xf32>
        %parallel_loop3A_420 = arith.mulf %parallel_loop3A_402, %get3A_20 : vector<16xf32>
        %parallel_loop3A_421 = arith.mulf %parallel_loop3A_405, %get3A_26 : vector<16xf32>
        %parallel_loop3A_422 = arith.mulf %parallel_loop3A_408, %get3A_32 : vector<16xf32>
        %parallel_loop3A_423 = arith.mulf %parallel_loop3A_411, %get3A_38 : vector<16xf32>
        %parallel_loop3A_424 = arith.mulf %parallel_loop3A_414, %get3A_44 : vector<16xf32>
        %parallel_loop3A_425 = arith.mulf %parallel_loop3A_417, %get3A_50 : vector<16xf32>
        %parallel_loop3A_426 = arith.addf %parallel_loop3A_418, %parallel_loop3A_419 : vector<16xf32>
        %parallel_loop3A_427 = arith.addf %parallel_loop3A_420, %parallel_loop3A_421 : vector<16xf32>
        %parallel_loop3A_428 = arith.addf %parallel_loop3A_426, %parallel_loop3A_427 : vector<16xf32>
        %parallel_loop3A_429 = arith.addf %parallel_loop3A_422, %parallel_loop3A_423 : vector<16xf32>
        %parallel_loop3A_430 = arith.addf %parallel_loop3A_424, %parallel_loop3A_425 : vector<16xf32>
        %parallel_loop3A_431 = arith.addf %parallel_loop3A_429, %parallel_loop3A_430 : vector<16xf32>
        %parallel_loop3A_432 = arith.addf %parallel_loop3A_428, %parallel_loop3A_431 : vector<16xf32>
        %parallel_loop3A_433 = arith.constant true
        %parallel_loop3A_434 = vector.broadcast %parallel_loop3A_433 : i1 to vector<16xi1>
        %parallel_loop3A_435 = tpu.scan <sum>, %parallel_loop3A_432 masked %parallel_loop3A_434 : vector<16xf32>, vector<16xi1> -> vector<16xf32>
        %parallel_loop3A_436 = vector.shape_cast %broadcast_in_dim3A_3 : vector<16xi32> to vector<16x1xi32>
        %parallel_loop3A_437 = vector.shape_cast %parallel_loop3A_436 : vector<16x1xi32> to vector<16xi32>
        %parallel_loop3A_438 = tpu.dynamic_gather %parallel_loop3A_435[%parallel_loop3A_437] in [0] : vector<16xf32>, vector<16xi32> -> vector<16xf32>
        %parallel_loop3A_439 = arith.addf %parallel_loop3A_438, %get3A_56 : vector<16xf32>
        %parallel_loop3A_440 = arith.constant 0.000000e+00 : f32
        %parallel_loop3A_441 = vector.broadcast %parallel_loop3A_440 : f32 to vector<16xf32>
        %parallel_loop3A_442 = arith.cmpf ogt, %parallel_loop3A_439, %parallel_loop3A_441 : vector<16xf32>
        %parallel_loop3A_443 = arith.constant 2.000000e-01 : f32
        %parallel_loop3A_444 = vector.broadcast %parallel_loop3A_443 : f32 to vector<16xf32>
        %parallel_loop3A_445 = arith.mulf %parallel_loop3A_444, %parallel_loop3A_439 : vector<16xf32>
        %parallel_loop3A_446 = arith.select %parallel_loop3A_442, %parallel_loop3A_439, %parallel_loop3A_445 : vector<16xi1>, vector<16xf32>
        %parallel_loop3A_447 = math.exp %parallel_loop3A_446 : vector<16xf32>
        %parallel_loop3A_448 = arith.mulf %parallel_loop3A_447, %parallel_loop3A_396 : vector<16xf32>
        %parallel_loop3A_449 = arith.constant 0 : i32
        %parallel_loop3A_450 = arith.index_cast %parallel_loop3A_449 : i32 to index
        %parallel_loop3A_451 = arith.constant 0 : index
        %parallel_loop3A_452 = tpu.vector_load %arg9[%parallel_loop3A_450, %parallel_loop3A_451] {strides = array<i32>} : memref<2x128xf32, #tpu.memory_space<vmem>>, vector<16xf32>,
        tpu.vector_store %arg9[%parallel_loop3A_450, %parallel_loop3A_451], %parallel_loop3A_448 {add = true, strides = array<i32>} : memref<2x128xf32, #tpu.memory_space<vmem>>, vector<16xf32>,
        %parallel_loop3A_453 = arith.mulf %parallel_loop3A_447, %parallel_loop3A_399 : vector<16xf32>
        %parallel_loop3A_454 = arith.constant 0 : i32
        %parallel_loop3A_455 = arith.index_cast %parallel_loop3A_454 : i32 to index
        %parallel_loop3A_456 = arith.constant 16 : index
        %parallel_loop3A_457 = tpu.vector_load %arg9[%parallel_loop3A_455, %parallel_loop3A_456] {strides = array<i32>} : memref<2x128xf32, #tpu.memory_space<vmem>>, vector<16xf32>,
        tpu.vector_store %arg9[%parallel_loop3A_455, %parallel_loop3A_456], %parallel_loop3A_453 {add = true, strides = array<i32>} : memref<2x128xf32, #tpu.memory_space<vmem>>, vector<16xf32>,
        %parallel_loop3A_458 = arith.mulf %parallel_loop3A_447, %parallel_loop3A_402 : vector<16xf32>
        %parallel_loop3A_459 = arith.constant 0 : i32
        %parallel_loop3A_460 = arith.index_cast %parallel_loop3A_459 : i32 to index
        %parallel_loop3A_461 = arith.constant 32 : index
        %parallel_loop3A_462 = tpu.vector_load %arg9[%parallel_loop3A_460, %parallel_loop3A_461] {strides = array<i32>} : memref<2x128xf32, #tpu.memory_space<vmem>>, vector<16xf32>,
        tpu.vector_store %arg9[%parallel_loop3A_460, %parallel_loop3A_461], %parallel_loop3A_458 {add = true, strides = array<i32>} : memref<2x128xf32, #tpu.memory_space<vmem>>, vector<16xf32>,
        %parallel_loop3A_463 = arith.mulf %parallel_loop3A_447, %parallel_loop3A_405 : vector<16xf32>
        %parallel_loop3A_464 = arith.constant 0 : i32
        %parallel_loop3A_465 = arith.index_cast %parallel_loop3A_464 : i32 to index
        %parallel_loop3A_466 = arith.constant 48 : index
        %parallel_loop3A_467 = tpu.vector_load %arg9[%parallel_loop3A_465, %parallel_loop3A_466] {strides = array<i32>} : memref<2x128xf32, #tpu.memory_space<vmem>>, vector<16xf32>,
        tpu.vector_store %arg9[%parallel_loop3A_465, %parallel_loop3A_466], %parallel_loop3A_463 {add = true, strides = array<i32>} : memref<2x128xf32, #tpu.memory_space<vmem>>, vector<16xf32>,
        %parallel_loop3A_468 = arith.mulf %parallel_loop3A_447, %parallel_loop3A_408 : vector<16xf32>
        %parallel_loop3A_469 = arith.constant 0 : i32
        %parallel_loop3A_470 = arith.index_cast %parallel_loop3A_469 : i32 to index
        %parallel_loop3A_471 = arith.constant 64 : index
        %parallel_loop3A_472 = tpu.vector_load %arg9[%parallel_loop3A_470, %parallel_loop3A_471] {strides = array<i32>} : memref<2x128xf32, #tpu.memory_space<vmem>>, vector<16xf32>,
        tpu.vector_store %arg9[%parallel_loop3A_470, %parallel_loop3A_471], %parallel_loop3A_468 {add = true, strides = array<i32>} : memref<2x128xf32, #tpu.memory_space<vmem>>, vector<16xf32>,
        %parallel_loop3A_473 = arith.mulf %parallel_loop3A_447, %parallel_loop3A_411 : vector<16xf32>
        %parallel_loop3A_474 = arith.constant 0 : i32
        %parallel_loop3A_475 = arith.index_cast %parallel_loop3A_474 : i32 to index
        %parallel_loop3A_476 = arith.constant 80 : index
        %parallel_loop3A_477 = tpu.vector_load %arg9[%parallel_loop3A_475, %parallel_loop3A_476] {strides = array<i32>} : memref<2x128xf32, #tpu.memory_space<vmem>>, vector<16xf32>,
        tpu.vector_store %arg9[%parallel_loop3A_475, %parallel_loop3A_476], %parallel_loop3A_473 {add = true, strides = array<i32>} : memref<2x128xf32, #tpu.memory_space<vmem>>, vector<16xf32>,
        %parallel_loop3A_478 = arith.mulf %parallel_loop3A_447, %parallel_loop3A_414 : vector<16xf32>
        %parallel_loop3A_479 = arith.constant 0 : i32
        %parallel_loop3A_480 = arith.index_cast %parallel_loop3A_479 : i32 to index
        %parallel_loop3A_481 = arith.constant 96 : index
        %parallel_loop3A_482 = tpu.vector_load %arg9[%parallel_loop3A_480, %parallel_loop3A_481] {strides = array<i32>} : memref<2x128xf32, #tpu.memory_space<vmem>>, vector<16xf32>,
        tpu.vector_store %arg9[%parallel_loop3A_480, %parallel_loop3A_481], %parallel_loop3A_478 {add = true, strides = array<i32>} : memref<2x128xf32, #tpu.memory_space<vmem>>, vector<16xf32>,
        %parallel_loop3A_483 = arith.mulf %parallel_loop3A_447, %parallel_loop3A_417 : vector<16xf32>
        %parallel_loop3A_484 = arith.constant 0 : i32
        %parallel_loop3A_485 = arith.index_cast %parallel_loop3A_484 : i32 to index
        %parallel_loop3A_486 = arith.constant 112 : index
        %parallel_loop3A_487 = tpu.vector_load %arg9[%parallel_loop3A_485, %parallel_loop3A_486] {strides = array<i32>} : memref<2x128xf32, #tpu.memory_space<vmem>>, vector<16xf32>,
        tpu.vector_store %arg9[%parallel_loop3A_485, %parallel_loop3A_486], %parallel_loop3A_483 {add = true, strides = array<i32>} : memref<2x128xf32, #tpu.memory_space<vmem>>, vector<16xf32>,
        %parallel_loop3A_488 = arith.constant 1 : i32
        %parallel_loop3A_489 = arith.index_cast %parallel_loop3A_488 : i32 to index
        %parallel_loop3A_490 = arith.constant 0 : index
        %parallel_loop3A_491 = tpu.vector_load %arg9[%parallel_loop3A_489, %parallel_loop3A_490] {strides = array<i32>} : memref<2x128xf32, #tpu.memory_space<vmem>>, vector<16xf32>,
        tpu.vector_store %arg9[%parallel_loop3A_489, %parallel_loop3A_490], %parallel_loop3A_447 {add = true, strides = array<i32>} : memref<2x128xf32, #tpu.memory_space<vmem>>, vector<16xf32>,
      } {sc.loop_unroll_factor = 5 : i64, sc.parallel_access}
      %mul3A_380 = arith.constant 2 : i32
      %mul3A_381 = arith.muli %mul3A_380, %scan3A_336 : i32
      %add3A_382 = arith.constant 3 : i32
      %add3A_383 = arith.addi %mul3A_381, %add3A_382 : i32
      %min3A_384 = arith.constant 10 : i32
      %min3A_385 = arith.minsi %add3A_383, %min3A_384 : i32
      %mul3A_386 = arith.constant 125 : i32
      %mul3A_387 = arith.muli %min3A_385, %mul3A_386 : i32
      %add3A_388 = arith.addi %mul3A_2, %mul3A_387 : i32
      %dma_start3A_389 = arith.constant 0 : i32
      %dma_start3A_390 = tpu.memref_slice %arg2[%add3A_388, %dma_start3A_389] : memref<100000x128xf32, #tpu.memory_space<hbm>> -> memref<125x128xf32, #tpu.memory_space<hbm>>
      %dma_start3A_391 = arith.constant 0 : i32
      %dma_start3A_392 = tpu.memref_slice %arg2[%add3A_388, %dma_start3A_391] : memref<100000x128xf32, #tpu.memory_space<hbm>> -> memref<125x128xf32, #tpu.memory_space<hbm>>
      tpu.enqueue_dma source(%dma_start3A_392 : memref<125x128xf32, #tpu.memory_space<hbm>>) target(%arg7 : memref<125x128xf32, #tpu.memory_space<vmem>>) target_semaphore(%arg11 : memref<!tpu.dma_semaphore, #tpu.memory_space<semaphore_mem>>)
    }
    %scan3A_144 = arith.constant 5 : i32
    %min3A_145 = arith.constant 10 : i32
    %min3A_146 = arith.constant 10 : i32
    %min3A_147 = arith.minsi %min3A_145, %min3A_146 : i32
    %mul3A_148 = arith.constant 125 : i32
    %mul3A_149 = arith.muli %min3A_147, %mul3A_148 : i32
    %add3A_150 = arith.addi %mul3A_2, %mul3A_149 : i32
    %dma_wait3A = arith.constant 0 : i32
    %dma_wait3A_151 = tpu.memref_slice %arg2[%add3A_150, %dma_wait3A] : memref<100000x128xf32, #tpu.memory_space<hbm>> -> memref<125x128xf32, #tpu.memory_space<hbm>>
    %dma_wait3A_152 = arith.constant 0 : i32
    %dma_wait3A_153 = tpu.memref_slice %arg2[%add3A_150, %dma_wait3A_152] : memref<100000x128xf32, #tpu.memory_space<hbm>> -> memref<125x128xf32, #tpu.memory_space<hbm>>
    tpu.wait_dma2 semaphore(%arg10 : memref<!tpu.dma_semaphore, #tpu.memory_space<semaphore_mem>>) src(%dma_wait3A_153 : memref<125x128xf32, #tpu.memory_space<hbm>>) dst(%arg6 : memref<125x128xf32, #tpu.memory_space<vmem>>)
    %parallel_loop3A = arith.constant 0 : i32
    %parallel_loop3A_154 = arith.constant 125 : i32
    %parallel_loop3A_155 = arith.constant 1 : i32
    scf.for %parallel_loop3A_336 = %parallel_loop3A to %parallel_loop3A_154 step %parallel_loop3A_155  : i32 {
      %parallel_loop3A_337 = arith.index_cast %parallel_loop3A_336 : i32 to index
      %parallel_loop3A_338 = arith.constant 0 : index
      %parallel_loop3A_339 = tpu.vector_load %arg6[%parallel_loop3A_337, %parallel_loop3A_338] {strides = array<i32>} : memref<125x128xf32, #tpu.memory_space<vmem>>, vector<16xf32>,
      %parallel_loop3A_340 = arith.index_cast %parallel_loop3A_336 : i32 to index
      %parallel_loop3A_341 = arith.constant 16 : index
      %parallel_loop3A_342 = tpu.vector_load %arg6[%parallel_loop3A_340, %parallel_loop3A_341] {strides = array<i32>} : memref<125x128xf32, #tpu.memory_space<vmem>>, vector<16xf32>,
      %parallel_loop3A_343 = arith.index_cast %parallel_loop3A_336 : i32 to index
      %parallel_loop3A_344 = arith.constant 32 : index
      %parallel_loop3A_345 = tpu.vector_load %arg6[%parallel_loop3A_343, %parallel_loop3A_344] {strides = array<i32>} : memref<125x128xf32, #tpu.memory_space<vmem>>, vector<16xf32>,
      %parallel_loop3A_346 = arith.index_cast %parallel_loop3A_336 : i32 to index
      %parallel_loop3A_347 = arith.constant 48 : index
      %parallel_loop3A_348 = tpu.vector_load %arg6[%parallel_loop3A_346, %parallel_loop3A_347] {strides = array<i32>} : memref<125x128xf32, #tpu.memory_space<vmem>>, vector<16xf32>,
      %parallel_loop3A_349 = arith.index_cast %parallel_loop3A_336 : i32 to index
      %parallel_loop3A_350 = arith.constant 64 : index
      %parallel_loop3A_351 = tpu.vector_load %arg6[%parallel_loop3A_349, %parallel_loop3A_350] {strides = array<i32>} : memref<125x128xf32, #tpu.memory_space<vmem>>, vector<16xf32>,
      %parallel_loop3A_352 = arith.index_cast %parallel_loop3A_336 : i32 to index
      %parallel_loop3A_353 = arith.constant 80 : index
      %parallel_loop3A_354 = tpu.vector_load %arg6[%parallel_loop3A_352, %parallel_loop3A_353] {strides = array<i32>} : memref<125x128xf32, #tpu.memory_space<vmem>>, vector<16xf32>,
      %parallel_loop3A_355 = arith.index_cast %parallel_loop3A_336 : i32 to index
      %parallel_loop3A_356 = arith.constant 96 : index
      %parallel_loop3A_357 = tpu.vector_load %arg6[%parallel_loop3A_355, %parallel_loop3A_356] {strides = array<i32>} : memref<125x128xf32, #tpu.memory_space<vmem>>, vector<16xf32>,
      %parallel_loop3A_358 = arith.index_cast %parallel_loop3A_336 : i32 to index
      %parallel_loop3A_359 = arith.constant 112 : index
      %parallel_loop3A_360 = tpu.vector_load %arg6[%parallel_loop3A_358, %parallel_loop3A_359] {strides = array<i32>} : memref<125x128xf32, #tpu.memory_space<vmem>>, vector<16xf32>,
      %parallel_loop3A_361 = arith.mulf %parallel_loop3A_339, %get3A_8 : vector<16xf32>
      %parallel_loop3A_362 = arith.mulf %parallel_loop3A_342, %get3A_14 : vector<16xf32>
      %parallel_loop3A_363 = arith.mulf %parallel_loop3A_345, %get3A_20 : vector<16xf32>
      %parallel_loop3A_364 = arith.mulf %parallel_loop3A_348, %get3A_26 : vector<16xf32>
      %parallel_loop3A_365 = arith.mulf %parallel_loop3A_351, %get3A_32 : vector<16xf32>
      %parallel_loop3A_366 = arith.mulf %parallel_loop3A_354, %get3A_38 : vector<16xf32>
      %parallel_loop3A_367 = arith.mulf %parallel_loop3A_357, %get3A_44 : vector<16xf32>
      %parallel_loop3A_368 = arith.mulf %parallel_loop3A_360, %get3A_50 : vector<16xf32>
      %parallel_loop3A_369 = arith.addf %parallel_loop3A_361, %parallel_loop3A_362 : vector<16xf32>
      %parallel_loop3A_370 = arith.addf %parallel_loop3A_363, %parallel_loop3A_364 : vector<16xf32>
      %parallel_loop3A_371 = arith.addf %parallel_loop3A_369, %parallel_loop3A_370 : vector<16xf32>
      %parallel_loop3A_372 = arith.addf %parallel_loop3A_365, %parallel_loop3A_366 : vector<16xf32>
      %parallel_loop3A_373 = arith.addf %parallel_loop3A_367, %parallel_loop3A_368 : vector<16xf32>
      %parallel_loop3A_374 = arith.addf %parallel_loop3A_372, %parallel_loop3A_373 : vector<16xf32>
      %parallel_loop3A_375 = arith.addf %parallel_loop3A_371, %parallel_loop3A_374 : vector<16xf32>
      %parallel_loop3A_376 = arith.constant true
      %parallel_loop3A_377 = vector.broadcast %parallel_loop3A_376 : i1 to vector<16xi1>
      %parallel_loop3A_378 = tpu.scan <sum>, %parallel_loop3A_375 masked %parallel_loop3A_377 : vector<16xf32>, vector<16xi1> -> vector<16xf32>
      %parallel_loop3A_379 = vector.shape_cast %broadcast_in_dim3A_3 : vector<16xi32> to vector<16x1xi32>
      %parallel_loop3A_380 = vector.shape_cast %parallel_loop3A_379 : vector<16x1xi32> to vector<16xi32>
      %parallel_loop3A_381 = tpu.dynamic_gather %parallel_loop3A_378[%parallel_loop3A_380] in [0] : vector<16xf32>, vector<16xi32> -> vector<16xf32>
      %parallel_loop3A_382 = arith.addf %parallel_loop3A_381, %get3A_56 : vector<16xf32>
      %parallel_loop3A_383 = arith.constant 0.000000e+00 : f32
      %parallel_loop3A_384 = vector.broadcast %parallel_loop3A_383 : f32 to vector<16xf32>
      %parallel_loop3A_385 = arith.cmpf ogt, %parallel_loop3A_382, %parallel_loop3A_384 : vector<16xf32>
      %parallel_loop3A_386 = arith.constant 2.000000e-01 : f32
      %parallel_loop3A_387 = vector.broadcast %parallel_loop3A_386 : f32 to vector<16xf32>
      %parallel_loop3A_388 = arith.mulf %parallel_loop3A_387, %parallel_loop3A_382 : vector<16xf32>
      %parallel_loop3A_389 = arith.select %parallel_loop3A_385, %parallel_loop3A_382, %parallel_loop3A_388 : vector<16xi1>, vector<16xf32>
      %parallel_loop3A_390 = math.exp %parallel_loop3A_389 : vector<16xf32>
      %parallel_loop3A_391 = arith.mulf %parallel_loop3A_390, %parallel_loop3A_339 : vector<16xf32>
      %parallel_loop3A_392 = arith.constant 0 : i32
      %parallel_loop3A_393 = arith.index_cast %parallel_loop3A_392 : i32 to index
      %parallel_loop3A_394 = arith.constant 0 : index
      %parallel_loop3A_395 = tpu.vector_load %arg9[%parallel_loop3A_393, %parallel_loop3A_394] {strides = array<i32>} : memref<2x128xf32, #tpu.memory_space<vmem>>, vector<16xf32>,
      tpu.vector_store %arg9[%parallel_loop3A_393, %parallel_loop3A_394], %parallel_loop3A_391 {add = true, strides = array<i32>} : memref<2x128xf32, #tpu.memory_space<vmem>>, vector<16xf32>,
      %parallel_loop3A_396 = arith.mulf %parallel_loop3A_390, %parallel_loop3A_342 : vector<16xf32>
      %parallel_loop3A_397 = arith.constant 0 : i32
      %parallel_loop3A_398 = arith.index_cast %parallel_loop3A_397 : i32 to index
      %parallel_loop3A_399 = arith.constant 16 : index
      %parallel_loop3A_400 = tpu.vector_load %arg9[%parallel_loop3A_398, %parallel_loop3A_399] {strides = array<i32>} : memref<2x128xf32, #tpu.memory_space<vmem>>, vector<16xf32>,
      tpu.vector_store %arg9[%parallel_loop3A_398, %parallel_loop3A_399], %parallel_loop3A_396 {add = true, strides = array<i32>} : memref<2x128xf32, #tpu.memory_space<vmem>>, vector<16xf32>,
      %parallel_loop3A_401 = arith.mulf %parallel_loop3A_390, %parallel_loop3A_345 : vector<16xf32>
      %parallel_loop3A_402 = arith.constant 0 : i32
      %parallel_loop3A_403 = arith.index_cast %parallel_loop3A_402 : i32 to index
      %parallel_loop3A_404 = arith.constant 32 : index
      %parallel_loop3A_405 = tpu.vector_load %arg9[%parallel_loop3A_403, %parallel_loop3A_404] {strides = array<i32>} : memref<2x128xf32, #tpu.memory_space<vmem>>, vector<16xf32>,
      tpu.vector_store %arg9[%parallel_loop3A_403, %parallel_loop3A_404], %parallel_loop3A_401 {add = true, strides = array<i32>} : memref<2x128xf32, #tpu.memory_space<vmem>>, vector<16xf32>,
      %parallel_loop3A_406 = arith.mulf %parallel_loop3A_390, %parallel_loop3A_348 : vector<16xf32>
      %parallel_loop3A_407 = arith.constant 0 : i32
      %parallel_loop3A_408 = arith.index_cast %parallel_loop3A_407 : i32 to index
      %parallel_loop3A_409 = arith.constant 48 : index
      %parallel_loop3A_410 = tpu.vector_load %arg9[%parallel_loop3A_408, %parallel_loop3A_409] {strides = array<i32>} : memref<2x128xf32, #tpu.memory_space<vmem>>, vector<16xf32>,
      tpu.vector_store %arg9[%parallel_loop3A_408, %parallel_loop3A_409], %parallel_loop3A_406 {add = true, strides = array<i32>} : memref<2x128xf32, #tpu.memory_space<vmem>>, vector<16xf32>,
      %parallel_loop3A_411 = arith.mulf %parallel_loop3A_390, %parallel_loop3A_351 : vector<16xf32>
      %parallel_loop3A_412 = arith.constant 0 : i32
      %parallel_loop3A_413 = arith.index_cast %parallel_loop3A_412 : i32 to index
      %parallel_loop3A_414 = arith.constant 64 : index
      %parallel_loop3A_415 = tpu.vector_load %arg9[%parallel_loop3A_413, %parallel_loop3A_414] {strides = array<i32>} : memref<2x128xf32, #tpu.memory_space<vmem>>, vector<16xf32>,
      tpu.vector_store %arg9[%parallel_loop3A_413, %parallel_loop3A_414], %parallel_loop3A_411 {add = true, strides = array<i32>} : memref<2x128xf32, #tpu.memory_space<vmem>>, vector<16xf32>,
      %parallel_loop3A_416 = arith.mulf %parallel_loop3A_390, %parallel_loop3A_354 : vector<16xf32>
      %parallel_loop3A_417 = arith.constant 0 : i32
      %parallel_loop3A_418 = arith.index_cast %parallel_loop3A_417 : i32 to index
      %parallel_loop3A_419 = arith.constant 80 : index
      %parallel_loop3A_420 = tpu.vector_load %arg9[%parallel_loop3A_418, %parallel_loop3A_419] {strides = array<i32>} : memref<2x128xf32, #tpu.memory_space<vmem>>, vector<16xf32>,
      tpu.vector_store %arg9[%parallel_loop3A_418, %parallel_loop3A_419], %parallel_loop3A_416 {add = true, strides = array<i32>} : memref<2x128xf32, #tpu.memory_space<vmem>>, vector<16xf32>,
      %parallel_loop3A_421 = arith.mulf %parallel_loop3A_390, %parallel_loop3A_357 : vector<16xf32>
      %parallel_loop3A_422 = arith.constant 0 : i32
      %parallel_loop3A_423 = arith.index_cast %parallel_loop3A_422 : i32 to index
      %parallel_loop3A_424 = arith.constant 96 : index
      %parallel_loop3A_425 = tpu.vector_load %arg9[%parallel_loop3A_423, %parallel_loop3A_424] {strides = array<i32>} : memref<2x128xf32, #tpu.memory_space<vmem>>, vector<16xf32>,
      tpu.vector_store %arg9[%parallel_loop3A_423, %parallel_loop3A_424], %parallel_loop3A_421 {add = true, strides = array<i32>} : memref<2x128xf32, #tpu.memory_space<vmem>>, vector<16xf32>,
      %parallel_loop3A_426 = arith.mulf %parallel_loop3A_390, %parallel_loop3A_360 : vector<16xf32>
      %parallel_loop3A_427 = arith.constant 0 : i32
      %parallel_loop3A_428 = arith.index_cast %parallel_loop3A_427 : i32 to index
      %parallel_loop3A_429 = arith.constant 112 : index
      %parallel_loop3A_430 = tpu.vector_load %arg9[%parallel_loop3A_428, %parallel_loop3A_429] {strides = array<i32>} : memref<2x128xf32, #tpu.memory_space<vmem>>, vector<16xf32>,
      tpu.vector_store %arg9[%parallel_loop3A_428, %parallel_loop3A_429], %parallel_loop3A_426 {add = true, strides = array<i32>} : memref<2x128xf32, #tpu.memory_space<vmem>>, vector<16xf32>,
      %parallel_loop3A_431 = arith.constant 1 : i32
      %parallel_loop3A_432 = arith.index_cast %parallel_loop3A_431 : i32 to index
      %parallel_loop3A_433 = arith.constant 0 : index
      %parallel_loop3A_434 = tpu.vector_load %arg9[%parallel_loop3A_432, %parallel_loop3A_433] {strides = array<i32>} : memref<2x128xf32, #tpu.memory_space<vmem>>, vector<16xf32>,
      tpu.vector_store %arg9[%parallel_loop3A_432, %parallel_loop3A_433], %parallel_loop3A_390 {add = true, strides = array<i32>} : memref<2x128xf32, #tpu.memory_space<vmem>>, vector<16xf32>,
    } {sc.loop_unroll_factor = 5 : i64, sc.parallel_access}
    %min3A_156 = arith.constant 10 : i32
    %min3A_157 = arith.constant 10 : i32
    %min3A_158 = arith.minsi %min3A_156, %min3A_157 : i32
    %mul3A_159 = arith.constant 125 : i32
    %mul3A_160 = arith.muli %min3A_158, %mul3A_159 : i32
    %add3A_161 = arith.addi %mul3A_2, %mul3A_160 : i32
    %dma_wait3A_162 = arith.constant 0 : i32
    %dma_wait3A_163 = tpu.memref_slice %arg2[%add3A_161, %dma_wait3A_162] : memref<100000x128xf32, #tpu.memory_space<hbm>> -> memref<125x128xf32, #tpu.memory_space<hbm>>
    %dma_wait3A_164 = arith.constant 0 : i32
    %dma_wait3A_165 = tpu.memref_slice %arg2[%add3A_161, %dma_wait3A_164] : memref<100000x128xf32, #tpu.memory_space<hbm>> -> memref<125x128xf32, #tpu.memory_space<hbm>>
    tpu.wait_dma2 semaphore(%arg11 : memref<!tpu.dma_semaphore, #tpu.memory_space<semaphore_mem>>) src(%dma_wait3A_165 : memref<125x128xf32, #tpu.memory_space<hbm>>) dst(%arg7 : memref<125x128xf32, #tpu.memory_space<vmem>>)
    %run_scoped3A = arith.constant 0 : i32
    "tpu.region"() ({
      %run_scoped3A_336 = tpu.sem_alloc : memref<!tpu.dma_semaphore, #tpu.memory_space<semaphore_mem>>
      %dma_start3A_337 = arith.constant 0 : i32
      %dma_start3A_338 = arith.constant 0 : i32
      %dma_start3A_339 = tpu.memref_slice %arg5[%run_scoped3A, %add3A, %dma_start3A_337, %dma_start3A_338] : memref<2x32x2x128xf32, #tpu.memory_space<hbm>> -> memref<1x1x2x128xf32, #tpu.memory_space<hbm>>
      %dma_start3A_340 = tpu.memref_squeeze %dma_start3A_339 : memref<1x1x2x128xf32, #tpu.memory_space<hbm>> -> memref<2x128xf32, #tpu.memory_space<hbm>>
      %dma_start3A_341 = arith.constant 0 : i32
      %dma_start3A_342 = arith.constant 0 : i32
      %dma_start3A_343 = tpu.memref_slice %arg5[%run_scoped3A, %add3A, %dma_start3A_341, %dma_start3A_342] : memref<2x32x2x128xf32, #tpu.memory_space<hbm>> -> memref<1x1x2x128xf32, #tpu.memory_space<hbm>>
      %dma_start3A_344 = tpu.memref_squeeze %dma_start3A_343 : memref<1x1x2x128xf32, #tpu.memory_space<hbm>> -> memref<2x128xf32, #tpu.memory_space<hbm>>
      tpu.enqueue_dma source(%arg9 : memref<2x128xf32, #tpu.memory_space<vmem>>) target(%dma_start3A_344 : memref<2x128xf32, #tpu.memory_space<hbm>>) target_semaphore(%run_scoped3A_336 : memref<!tpu.dma_semaphore, #tpu.memory_space<semaphore_mem>>)
      %dma_wait3A_345 = arith.constant 0 : i32
      %dma_wait3A_346 = arith.constant 0 : i32
      %dma_wait3A_347 = tpu.memref_slice %arg5[%run_scoped3A, %add3A, %dma_wait3A_345, %dma_wait3A_346] : memref<2x32x2x128xf32, #tpu.memory_space<hbm>> -> memref<1x1x2x128xf32, #tpu.memory_space<hbm>>
      %dma_wait3A_348 = tpu.memref_squeeze %dma_wait3A_347 : memref<1x1x2x128xf32, #tpu.memory_space<hbm>> -> memref<2x128xf32, #tpu.memory_space<hbm>>
      %dma_wait3A_349 = arith.constant 0 : i32
      %dma_wait3A_350 = arith.constant 0 : i32
      %dma_wait3A_351 = tpu.memref_slice %arg5[%run_scoped3A, %add3A, %dma_wait3A_349, %dma_wait3A_350] : memref<2x32x2x128xf32, #tpu.memory_space<hbm>> -> memref<1x1x2x128xf32, #tpu.memory_space<hbm>>
      %dma_wait3A_352 = tpu.memref_squeeze %dma_wait3A_351 : memref<1x1x2x128xf32, #tpu.memory_space<hbm>> -> memref<2x128xf32, #tpu.memory_space<hbm>>
      tpu.wait_dma2 semaphore(%run_scoped3A_336 : memref<!tpu.dma_semaphore, #tpu.memory_space<semaphore_mem>>) src(%arg9 : memref<2x128xf32, #tpu.memory_space<vmem>>) dst(%dma_wait3A_352 : memref<2x128xf32, #tpu.memory_space<hbm>>)
      tpu.yield
    }) : () -> ()
    %get3A_166 = arith.constant 1 : i32
    %get3A_167 = arith.constant 0 : i32
    %get3A_168 = arith.index_cast %get3A_166 : i32 to index
    %get3A_169 = arith.index_cast %get3A_167 : i32 to index
    %get3A_170 = arith.constant 0 : index
    %get3A_171 = tpu.vector_load %arg8[%get3A_168, %get3A_169, %get3A_170] {strides = array<i32>} : memref<2x2x128xf32, #tpu.memory_space<vmem>>, vector<16xf32>,
    %get3A_172 = arith.constant 1 : i32
    %get3A_173 = arith.constant 0 : i32
    %get3A_174 = arith.index_cast %get3A_172 : i32 to index
    %get3A_175 = arith.index_cast %get3A_173 : i32 to index
    %get3A_176 = arith.constant 16 : index
    %get3A_177 = tpu.vector_load %arg8[%get3A_174, %get3A_175, %get3A_176] {strides = array<i32>} : memref<2x2x128xf32, #tpu.memory_space<vmem>>, vector<16xf32>,
    %get3A_178 = arith.constant 1 : i32
    %get3A_179 = arith.constant 0 : i32
    %get3A_180 = arith.index_cast %get3A_178 : i32 to index
    %get3A_181 = arith.index_cast %get3A_179 : i32 to index
    %get3A_182 = arith.constant 32 : index
    %get3A_183 = tpu.vector_load %arg8[%get3A_180, %get3A_181, %get3A_182] {strides = array<i32>} : memref<2x2x128xf32, #tpu.memory_space<vmem>>, vector<16xf32>,
    %get3A_184 = arith.constant 1 : i32
    %get3A_185 = arith.constant 0 : i32
    %get3A_186 = arith.index_cast %get3A_184 : i32 to index
    %get3A_187 = arith.index_cast %get3A_185 : i32 to index
    %get3A_188 = arith.constant 48 : index
    %get3A_189 = tpu.vector_load %arg8[%get3A_186, %get3A_187, %get3A_188] {strides = array<i32>} : memref<2x2x128xf32, #tpu.memory_space<vmem>>, vector<16xf32>,
    %get3A_190 = arith.constant 1 : i32
    %get3A_191 = arith.constant 0 : i32
    %get3A_192 = arith.index_cast %get3A_190 : i32 to index
    %get3A_193 = arith.index_cast %get3A_191 : i32 to index
    %get3A_194 = arith.constant 64 : index
    %get3A_195 = tpu.vector_load %arg8[%get3A_192, %get3A_193, %get3A_194] {strides = array<i32>} : memref<2x2x128xf32, #tpu.memory_space<vmem>>, vector<16xf32>,
    %get3A_196 = arith.constant 1 : i32
    %get3A_197 = arith.constant 0 : i32
    %get3A_198 = arith.index_cast %get3A_196 : i32 to index
    %get3A_199 = arith.index_cast %get3A_197 : i32 to index
    %get3A_200 = arith.constant 80 : index
    %get3A_201 = tpu.vector_load %arg8[%get3A_198, %get3A_199, %get3A_200] {strides = array<i32>} : memref<2x2x128xf32, #tpu.memory_space<vmem>>, vector<16xf32>,
    %get3A_202 = arith.constant 1 : i32
    %get3A_203 = arith.constant 0 : i32
    %get3A_204 = arith.index_cast %get3A_202 : i32 to index
    %get3A_205 = arith.index_cast %get3A_203 : i32 to index
    %get3A_206 = arith.constant 96 : index
    %get3A_207 = tpu.vector_load %arg8[%get3A_204, %get3A_205, %get3A_206] {strides = array<i32>} : memref<2x2x128xf32, #tpu.memory_space<vmem>>, vector<16xf32>,
    %get3A_208 = arith.constant 1 : i32
    %get3A_209 = arith.constant 0 : i32
    %get3A_210 = arith.index_cast %get3A_208 : i32 to index
    %get3A_211 = arith.index_cast %get3A_209 : i32 to index
    %get3A_212 = arith.constant 112 : index
    %get3A_213 = tpu.vector_load %arg8[%get3A_210, %get3A_211, %get3A_212] {strides = array<i32>} : memref<2x2x128xf32, #tpu.memory_space<vmem>>, vector<16xf32>,
    %get3A_214 = arith.constant 1 : i32
    %get3A_215 = arith.constant 1 : i32
    %get3A_216 = arith.index_cast %get3A_214 : i32 to index
    %get3A_217 = arith.index_cast %get3A_215 : i32 to index
    %get3A_218 = arith.constant 0 : index
    %get3A_219 = tpu.vector_load %arg8[%get3A_216, %get3A_217, %get3A_218] {strides = array<i32>} : memref<2x2x128xf32, #tpu.memory_space<vmem>>, vector<16xf32>,
    %broadcast_in_dim3A_220 = arith.constant 0.000000e+00 : f32
    %broadcast_in_dim3A_221 = vector.broadcast %broadcast_in_dim3A_220 : f32 to vector<16xf32>
    %swap3A_222 = arith.constant 0 : i32
    %swap3A_223 = arith.index_cast %swap3A_222 : i32 to index
    %swap3A_224 = arith.constant 0 : index
    %swap3A_225 = tpu.vector_load %arg9[%swap3A_223, %swap3A_224] {strides = array<i32>} : memref<2x128xf32, #tpu.memory_space<vmem>>, vector<16xf32>,
    tpu.vector_store %arg9[%swap3A_223, %swap3A_224], %broadcast_in_dim3A_221 {strides = array<i32>} : memref<2x128xf32, #tpu.memory_space<vmem>>, vector<16xf32>,
    %swap3A_226 = arith.constant 1 : i32
    %swap3A_227 = arith.index_cast %swap3A_226 : i32 to index
    %swap3A_228 = arith.constant 0 : index
    %swap3A_229 = tpu.vector_load %arg9[%swap3A_227, %swap3A_228] {strides = array<i32>} : memref<2x128xf32, #tpu.memory_space<vmem>>, vector<16xf32>,
    tpu.vector_store %arg9[%swap3A_227, %swap3A_228], %broadcast_in_dim3A_221 {strides = array<i32>} : memref<2x128xf32, #tpu.memory_space<vmem>>, vector<16xf32>,
    %swap3A_230 = arith.constant 0 : i32
    %swap3A_231 = arith.index_cast %swap3A_230 : i32 to index
    %swap3A_232 = arith.constant 16 : index
    %swap3A_233 = tpu.vector_load %arg9[%swap3A_231, %swap3A_232] {strides = array<i32>} : memref<2x128xf32, #tpu.memory_space<vmem>>, vector<16xf32>,
    tpu.vector_store %arg9[%swap3A_231, %swap3A_232], %broadcast_in_dim3A_221 {strides = array<i32>} : memref<2x128xf32, #tpu.memory_space<vmem>>, vector<16xf32>,
    %swap3A_234 = arith.constant 1 : i32
    %swap3A_235 = arith.index_cast %swap3A_234 : i32 to index
    %swap3A_236 = arith.constant 16 : index
    %swap3A_237 = tpu.vector_load %arg9[%swap3A_235, %swap3A_236] {strides = array<i32>} : memref<2x128xf32, #tpu.memory_space<vmem>>, vector<16xf32>,
    tpu.vector_store %arg9[%swap3A_235, %swap3A_236], %broadcast_in_dim3A_221 {strides = array<i32>} : memref<2x128xf32, #tpu.memory_space<vmem>>, vector<16xf32>,
    %swap3A_238 = arith.constant 0 : i32
    %swap3A_239 = arith.index_cast %swap3A_238 : i32 to index
    %swap3A_240 = arith.constant 32 : index
    %swap3A_241 = tpu.vector_load %arg9[%swap3A_239, %swap3A_240] {strides = array<i32>} : memref<2x128xf32, #tpu.memory_space<vmem>>, vector<16xf32>,
    tpu.vector_store %arg9[%swap3A_239, %swap3A_240], %broadcast_in_dim3A_221 {strides = array<i32>} : memref<2x128xf32, #tpu.memory_space<vmem>>, vector<16xf32>,
    %swap3A_242 = arith.constant 1 : i32
    %swap3A_243 = arith.index_cast %swap3A_242 : i32 to index
    %swap3A_244 = arith.constant 32 : index
    %swap3A_245 = tpu.vector_load %arg9[%swap3A_243, %swap3A_244] {strides = array<i32>} : memref<2x128xf32, #tpu.memory_space<vmem>>, vector<16xf32>,
    tpu.vector_store %arg9[%swap3A_243, %swap3A_244], %broadcast_in_dim3A_221 {strides = array<i32>} : memref<2x128xf32, #tpu.memory_space<vmem>>, vector<16xf32>,
    %swap3A_246 = arith.constant 0 : i32
    %swap3A_247 = arith.index_cast %swap3A_246 : i32 to index
    %swap3A_248 = arith.constant 48 : index
    %swap3A_249 = tpu.vector_load %arg9[%swap3A_247, %swap3A_248] {strides = array<i32>} : memref<2x128xf32, #tpu.memory_space<vmem>>, vector<16xf32>,
    tpu.vector_store %arg9[%swap3A_247, %swap3A_248], %broadcast_in_dim3A_221 {strides = array<i32>} : memref<2x128xf32, #tpu.memory_space<vmem>>, vector<16xf32>,
    %swap3A_250 = arith.constant 1 : i32
    %swap3A_251 = arith.index_cast %swap3A_250 : i32 to index
    %swap3A_252 = arith.constant 48 : index
    %swap3A_253 = tpu.vector_load %arg9[%swap3A_251, %swap3A_252] {strides = array<i32>} : memref<2x128xf32, #tpu.memory_space<vmem>>, vector<16xf32>,
    tpu.vector_store %arg9[%swap3A_251, %swap3A_252], %broadcast_in_dim3A_221 {strides = array<i32>} : memref<2x128xf32, #tpu.memory_space<vmem>>, vector<16xf32>,
    %swap3A_254 = arith.constant 0 : i32
    %swap3A_255 = arith.index_cast %swap3A_254 : i32 to index
    %swap3A_256 = arith.constant 64 : index
    %swap3A_257 = tpu.vector_load %arg9[%swap3A_255, %swap3A_256] {strides = array<i32>} : memref<2x128xf32, #tpu.memory_space<vmem>>, vector<16xf32>,
    tpu.vector_store %arg9[%swap3A_255, %swap3A_256], %broadcast_in_dim3A_221 {strides = array<i32>} : memref<2x128xf32, #tpu.memory_space<vmem>>, vector<16xf32>,
    %swap3A_258 = arith.constant 1 : i32
    %swap3A_259 = arith.index_cast %swap3A_258 : i32 to index
    %swap3A_260 = arith.constant 64 : index
    %swap3A_261 = tpu.vector_load %arg9[%swap3A_259, %swap3A_260] {strides = array<i32>} : memref<2x128xf32, #tpu.memory_space<vmem>>, vector<16xf32>,
    tpu.vector_store %arg9[%swap3A_259, %swap3A_260], %broadcast_in_dim3A_221 {strides = array<i32>} : memref<2x128xf32, #tpu.memory_space<vmem>>, vector<16xf32>,
    %swap3A_262 = arith.constant 0 : i32
    %swap3A_263 = arith.index_cast %swap3A_262 : i32 to index
    %swap3A_264 = arith.constant 80 : index
    %swap3A_265 = tpu.vector_load %arg9[%swap3A_263, %swap3A_264] {strides = array<i32>} : memref<2x128xf32, #tpu.memory_space<vmem>>, vector<16xf32>,
    tpu.vector_store %arg9[%swap3A_263, %swap3A_264], %broadcast_in_dim3A_221 {strides = array<i32>} : memref<2x128xf32, #tpu.memory_space<vmem>>, vector<16xf32>,
    %swap3A_266 = arith.constant 1 : i32
    %swap3A_267 = arith.index_cast %swap3A_266 : i32 to index
    %swap3A_268 = arith.constant 80 : index
    %swap3A_269 = tpu.vector_load %arg9[%swap3A_267, %swap3A_268] {strides = array<i32>} : memref<2x128xf32, #tpu.memory_space<vmem>>, vector<16xf32>,
    tpu.vector_store %arg9[%swap3A_267, %swap3A_268], %broadcast_in_dim3A_221 {strides = array<i32>} : memref<2x128xf32, #tpu.memory_space<vmem>>, vector<16xf32>,
    %swap3A_270 = arith.constant 0 : i32
    %swap3A_271 = arith.index_cast %swap3A_270 : i32 to index
    %swap3A_272 = arith.constant 96 : index
    %swap3A_273 = tpu.vector_load %arg9[%swap3A_271, %swap3A_272] {strides = array<i32>} : memref<2x128xf32, #tpu.memory_space<vmem>>, vector<16xf32>,
    tpu.vector_store %arg9[%swap3A_271, %swap3A_272], %broadcast_in_dim3A_221 {strides = array<i32>} : memref<2x128xf32, #tpu.memory_space<vmem>>, vector<16xf32>,
    %swap3A_274 = arith.constant 1 : i32
    %swap3A_275 = arith.index_cast %swap3A_274 : i32 to index
    %swap3A_276 = arith.constant 96 : index
    %swap3A_277 = tpu.vector_load %arg9[%swap3A_275, %swap3A_276] {strides = array<i32>} : memref<2x128xf32, #tpu.memory_space<vmem>>, vector<16xf32>,
    tpu.vector_store %arg9[%swap3A_275, %swap3A_276], %broadcast_in_dim3A_221 {strides = array<i32>} : memref<2x128xf32, #tpu.memory_space<vmem>>, vector<16xf32>,
    %swap3A_278 = arith.constant 0 : i32
    %swap3A_279 = arith.index_cast %swap3A_278 : i32 to index
    %swap3A_280 = arith.constant 112 : index
    %swap3A_281 = tpu.vector_load %arg9[%swap3A_279, %swap3A_280] {strides = array<i32>} : memref<2x128xf32, #tpu.memory_space<vmem>>, vector<16xf32>,
    tpu.vector_store %arg9[%swap3A_279, %swap3A_280], %broadcast_in_dim3A_221 {strides = array<i32>} : memref<2x128xf32, #tpu.memory_space<vmem>>, vector<16xf32>,
    %swap3A_282 = arith.constant 1 : i32
    %swap3A_283 = arith.index_cast %swap3A_282 : i32 to index
    %swap3A_284 = arith.constant 112 : index
    %swap3A_285 = tpu.vector_load %arg9[%swap3A_283, %swap3A_284] {strides = array<i32>} : memref<2x128xf32, #tpu.memory_space<vmem>>, vector<16xf32>,
    tpu.vector_store %arg9[%swap3A_283, %swap3A_284], %broadcast_in_dim3A_221 {strides = array<i32>} : memref<2x128xf32, #tpu.memory_space<vmem>>, vector<16xf32>,
    %min3A_286 = arith.constant 0 : i32
    %min3A_287 = arith.constant 10 : i32
    %min3A_288 = arith.minsi %min3A_286, %min3A_287 : i32
    %mul3A_289 = arith.constant 125 : i32
    %mul3A_290 = arith.muli %min3A_288, %mul3A_289 : i32
    %add3A_291 = arith.addi %mul3A_2, %mul3A_290 : i32
    %dma_start3A_292 = arith.constant 0 : i32
    %dma_start3A_293 = tpu.memref_slice %arg3[%add3A_291, %dma_start3A_292] : memref<100000x128xf32, #tpu.memory_space<hbm>> -> memref<125x128xf32, #tpu.memory_space<hbm>>
    %dma_start3A_294 = arith.constant 0 : i32
    %dma_start3A_295 = tpu.memref_slice %arg3[%add3A_291, %dma_start3A_294] : memref<100000x128xf32, #tpu.memory_space<hbm>> -> memref<125x128xf32, #tpu.memory_space<hbm>>
    tpu.enqueue_dma source(%dma_start3A_295 : memref<125x128xf32, #tpu.memory_space<hbm>>) target(%arg6 : memref<125x128xf32, #tpu.memory_space<vmem>>) target_semaphore(%arg10 : memref<!tpu.dma_semaphore, #tpu.memory_space<semaphore_mem>>)
    %min3A_296 = arith.constant 1 : i32
    %min3A_297 = arith.constant 10 : i32
    %min3A_298 = arith.minsi %min3A_296, %min3A_297 : i32
    %mul3A_299 = arith.constant 125 : i32
    %mul3A_300 = arith.muli %min3A_298, %mul3A_299 : i32
    %add3A_301 = arith.addi %mul3A_2, %mul3A_300 : i32
    %dma_start3A_302 = arith.constant 0 : i32
    %dma_start3A_303 = tpu.memref_slice %arg3[%add3A_301, %dma_start3A_302] : memref<100000x128xf32, #tpu.memory_space<hbm>> -> memref<125x128xf32, #tpu.memory_space<hbm>>
    %dma_start3A_304 = arith.constant 0 : i32
    %dma_start3A_305 = tpu.memref_slice %arg3[%add3A_301, %dma_start3A_304] : memref<100000x128xf32, #tpu.memory_space<hbm>> -> memref<125x128xf32, #tpu.memory_space<hbm>>
    tpu.enqueue_dma source(%dma_start3A_305 : memref<125x128xf32, #tpu.memory_space<hbm>>) target(%arg7 : memref<125x128xf32, #tpu.memory_space<vmem>>) target_semaphore(%arg11 : memref<!tpu.dma_semaphore, #tpu.memory_space<semaphore_mem>>)
    %scan3A_306 = arith.constant 0 : i32
    %scan3A_307 = arith.constant 0 : i32
    %scan3A_308 = arith.constant 5 : i32
    %scan3A_309 = arith.addi %scan3A_307, %scan3A_308 : i32
    %scan3A_310 = arith.constant 1 : i32
    scf.for %scan3A_336 = %scan3A_307 to %scan3A_309 step %scan3A_310  : i32 {
      %mul3A_337 = arith.constant 2 : i32
      %mul3A_338 = arith.muli %mul3A_337, %scan3A_336 : i32
      %min3A_339 = arith.constant 10 : i32
      %min3A_340 = arith.minsi %mul3A_338, %min3A_339 : i32
      %mul3A_341 = arith.constant 125 : i32
      %mul3A_342 = arith.muli %min3A_340, %mul3A_341 : i32
      %add3A_343 = arith.addi %mul3A_2, %mul3A_342 : i32
      %dma_wait3A_344 = arith.constant 0 : i32
      %dma_wait3A_345 = tpu.memref_slice %arg3[%add3A_343, %dma_wait3A_344] : memref<100000x128xf32, #tpu.memory_space<hbm>> -> memref<125x128xf32, #tpu.memory_space<hbm>>
      %dma_wait3A_346 = arith.constant 0 : i32
      %dma_wait3A_347 = tpu.memref_slice %arg3[%add3A_343, %dma_wait3A_346] : memref<100000x128xf32, #tpu.memory_space<hbm>> -> memref<125x128xf32, #tpu.memory_space<hbm>>
      tpu.wait_dma2 semaphore(%arg10 : memref<!tpu.dma_semaphore, #tpu.memory_space<semaphore_mem>>) src(%dma_wait3A_347 : memref<125x128xf32, #tpu.memory_space<hbm>>) dst(%arg6 : memref<125x128xf32, #tpu.memory_space<vmem>>)
      %parallel_loop3A_348 = arith.constant 0 : i32
      %parallel_loop3A_349 = arith.constant 125 : i32
      %parallel_loop3A_350 = arith.constant 1 : i32
      scf.for %parallel_loop3A_393 = %parallel_loop3A_348 to %parallel_loop3A_349 step %parallel_loop3A_350  : i32 {
        %parallel_loop3A_394 = arith.index_cast %parallel_loop3A_393 : i32 to index
        %parallel_loop3A_395 = arith.constant 0 : index
        %parallel_loop3A_396 = tpu.vector_load %arg6[%parallel_loop3A_394, %parallel_loop3A_395] {strides = array<i32>} : memref<125x128xf32, #tpu.memory_space<vmem>>, vector<16xf32>,
        %parallel_loop3A_397 = arith.index_cast %parallel_loop3A_393 : i32 to index
        %parallel_loop3A_398 = arith.constant 16 : index
        %parallel_loop3A_399 = tpu.vector_load %arg6[%parallel_loop3A_397, %parallel_loop3A_398] {strides = array<i32>} : memref<125x128xf32, #tpu.memory_space<vmem>>, vector<16xf32>,
        %parallel_loop3A_400 = arith.index_cast %parallel_loop3A_393 : i32 to index
        %parallel_loop3A_401 = arith.constant 32 : index
        %parallel_loop3A_402 = tpu.vector_load %arg6[%parallel_loop3A_400, %parallel_loop3A_401] {strides = array<i32>} : memref<125x128xf32, #tpu.memory_space<vmem>>, vector<16xf32>,
        %parallel_loop3A_403 = arith.index_cast %parallel_loop3A_393 : i32 to index
        %parallel_loop3A_404 = arith.constant 48 : index
        %parallel_loop3A_405 = tpu.vector_load %arg6[%parallel_loop3A_403, %parallel_loop3A_404] {strides = array<i32>} : memref<125x128xf32, #tpu.memory_space<vmem>>, vector<16xf32>,
        %parallel_loop3A_406 = arith.index_cast %parallel_loop3A_393 : i32 to index
        %parallel_loop3A_407 = arith.constant 64 : index
        %parallel_loop3A_408 = tpu.vector_load %arg6[%parallel_loop3A_406, %parallel_loop3A_407] {strides = array<i32>} : memref<125x128xf32, #tpu.memory_space<vmem>>, vector<16xf32>,
        %parallel_loop3A_409 = arith.index_cast %parallel_loop3A_393 : i32 to index
        %parallel_loop3A_410 = arith.constant 80 : index
        %parallel_loop3A_411 = tpu.vector_load %arg6[%parallel_loop3A_409, %parallel_loop3A_410] {strides = array<i32>} : memref<125x128xf32, #tpu.memory_space<vmem>>, vector<16xf32>,
        %parallel_loop3A_412 = arith.index_cast %parallel_loop3A_393 : i32 to index
        %parallel_loop3A_413 = arith.constant 96 : index
        %parallel_loop3A_414 = tpu.vector_load %arg6[%parallel_loop3A_412, %parallel_loop3A_413] {strides = array<i32>} : memref<125x128xf32, #tpu.memory_space<vmem>>, vector<16xf32>,
        %parallel_loop3A_415 = arith.index_cast %parallel_loop3A_393 : i32 to index
        %parallel_loop3A_416 = arith.constant 112 : index
        %parallel_loop3A_417 = tpu.vector_load %arg6[%parallel_loop3A_415, %parallel_loop3A_416] {strides = array<i32>} : memref<125x128xf32, #tpu.memory_space<vmem>>, vector<16xf32>,
        %parallel_loop3A_418 = arith.mulf %parallel_loop3A_396, %get3A_171 : vector<16xf32>
        %parallel_loop3A_419 = arith.mulf %parallel_loop3A_399, %get3A_177 : vector<16xf32>
        %parallel_loop3A_420 = arith.mulf %parallel_loop3A_402, %get3A_183 : vector<16xf32>
        %parallel_loop3A_421 = arith.mulf %parallel_loop3A_405, %get3A_189 : vector<16xf32>
        %parallel_loop3A_422 = arith.mulf %parallel_loop3A_408, %get3A_195 : vector<16xf32>
        %parallel_loop3A_423 = arith.mulf %parallel_loop3A_411, %get3A_201 : vector<16xf32>
        %parallel_loop3A_424 = arith.mulf %parallel_loop3A_414, %get3A_207 : vector<16xf32>
        %parallel_loop3A_425 = arith.mulf %parallel_loop3A_417, %get3A_213 : vector<16xf32>
        %parallel_loop3A_426 = arith.addf %parallel_loop3A_418, %parallel_loop3A_419 : vector<16xf32>
        %parallel_loop3A_427 = arith.addf %parallel_loop3A_420, %parallel_loop3A_421 : vector<16xf32>
        %parallel_loop3A_428 = arith.addf %parallel_loop3A_426, %parallel_loop3A_427 : vector<16xf32>
        %parallel_loop3A_429 = arith.addf %parallel_loop3A_422, %parallel_loop3A_423 : vector<16xf32>
        %parallel_loop3A_430 = arith.addf %parallel_loop3A_424, %parallel_loop3A_425 : vector<16xf32>
        %parallel_loop3A_431 = arith.addf %parallel_loop3A_429, %parallel_loop3A_430 : vector<16xf32>
        %parallel_loop3A_432 = arith.addf %parallel_loop3A_428, %parallel_loop3A_431 : vector<16xf32>
        %parallel_loop3A_433 = arith.constant true
        %parallel_loop3A_434 = vector.broadcast %parallel_loop3A_433 : i1 to vector<16xi1>
        %parallel_loop3A_435 = tpu.scan <sum>, %parallel_loop3A_432 masked %parallel_loop3A_434 : vector<16xf32>, vector<16xi1> -> vector<16xf32>
        %parallel_loop3A_436 = vector.shape_cast %broadcast_in_dim3A_3 : vector<16xi32> to vector<16x1xi32>
        %parallel_loop3A_437 = vector.shape_cast %parallel_loop3A_436 : vector<16x1xi32> to vector<16xi32>
        %parallel_loop3A_438 = tpu.dynamic_gather %parallel_loop3A_435[%parallel_loop3A_437] in [0] : vector<16xf32>, vector<16xi32> -> vector<16xf32>
        %parallel_loop3A_439 = arith.addf %parallel_loop3A_438, %get3A_219 : vector<16xf32>
        %parallel_loop3A_440 = arith.constant 0.000000e+00 : f32
        %parallel_loop3A_441 = vector.broadcast %parallel_loop3A_440 : f32 to vector<16xf32>
        %parallel_loop3A_442 = arith.cmpf ogt, %parallel_loop3A_439, %parallel_loop3A_441 : vector<16xf32>
        %parallel_loop3A_443 = arith.constant 2.000000e-01 : f32
        %parallel_loop3A_444 = vector.broadcast %parallel_loop3A_443 : f32 to vector<16xf32>
        %parallel_loop3A_445 = arith.mulf %parallel_loop3A_444, %parallel_loop3A_439 : vector<16xf32>
        %parallel_loop3A_446 = arith.select %parallel_loop3A_442, %parallel_loop3A_439, %parallel_loop3A_445 : vector<16xi1>, vector<16xf32>
        %parallel_loop3A_447 = math.exp %parallel_loop3A_446 : vector<16xf32>
        %parallel_loop3A_448 = arith.mulf %parallel_loop3A_447, %parallel_loop3A_396 : vector<16xf32>
        %parallel_loop3A_449 = arith.constant 0 : i32
        %parallel_loop3A_450 = arith.index_cast %parallel_loop3A_449 : i32 to index
        %parallel_loop3A_451 = arith.constant 0 : index
        %parallel_loop3A_452 = tpu.vector_load %arg9[%parallel_loop3A_450, %parallel_loop3A_451] {strides = array<i32>} : memref<2x128xf32, #tpu.memory_space<vmem>>, vector<16xf32>,
        tpu.vector_store %arg9[%parallel_loop3A_450, %parallel_loop3A_451], %parallel_loop3A_448 {add = true, strides = array<i32>} : memref<2x128xf32, #tpu.memory_space<vmem>>, vector<16xf32>,
        %parallel_loop3A_453 = arith.mulf %parallel_loop3A_447, %parallel_loop3A_399 : vector<16xf32>
        %parallel_loop3A_454 = arith.constant 0 : i32
        %parallel_loop3A_455 = arith.index_cast %parallel_loop3A_454 : i32 to index
        %parallel_loop3A_456 = arith.constant 16 : index
        %parallel_loop3A_457 = tpu.vector_load %arg9[%parallel_loop3A_455, %parallel_loop3A_456] {strides = array<i32>} : memref<2x128xf32, #tpu.memory_space<vmem>>, vector<16xf32>,
        tpu.vector_store %arg9[%parallel_loop3A_455, %parallel_loop3A_456], %parallel_loop3A_453 {add = true, strides = array<i32>} : memref<2x128xf32, #tpu.memory_space<vmem>>, vector<16xf32>,
        %parallel_loop3A_458 = arith.mulf %parallel_loop3A_447, %parallel_loop3A_402 : vector<16xf32>
        %parallel_loop3A_459 = arith.constant 0 : i32
        %parallel_loop3A_460 = arith.index_cast %parallel_loop3A_459 : i32 to index
        %parallel_loop3A_461 = arith.constant 32 : index
        %parallel_loop3A_462 = tpu.vector_load %arg9[%parallel_loop3A_460, %parallel_loop3A_461] {strides = array<i32>} : memref<2x128xf32, #tpu.memory_space<vmem>>, vector<16xf32>,
        tpu.vector_store %arg9[%parallel_loop3A_460, %parallel_loop3A_461], %parallel_loop3A_458 {add = true, strides = array<i32>} : memref<2x128xf32, #tpu.memory_space<vmem>>, vector<16xf32>,
        %parallel_loop3A_463 = arith.mulf %parallel_loop3A_447, %parallel_loop3A_405 : vector<16xf32>
        %parallel_loop3A_464 = arith.constant 0 : i32
        %parallel_loop3A_465 = arith.index_cast %parallel_loop3A_464 : i32 to index
        %parallel_loop3A_466 = arith.constant 48 : index
        %parallel_loop3A_467 = tpu.vector_load %arg9[%parallel_loop3A_465, %parallel_loop3A_466] {strides = array<i32>} : memref<2x128xf32, #tpu.memory_space<vmem>>, vector<16xf32>,
        tpu.vector_store %arg9[%parallel_loop3A_465, %parallel_loop3A_466], %parallel_loop3A_463 {add = true, strides = array<i32>} : memref<2x128xf32, #tpu.memory_space<vmem>>, vector<16xf32>,
        %parallel_loop3A_468 = arith.mulf %parallel_loop3A_447, %parallel_loop3A_408 : vector<16xf32>
        %parallel_loop3A_469 = arith.constant 0 : i32
        %parallel_loop3A_470 = arith.index_cast %parallel_loop3A_469 : i32 to index
        %parallel_loop3A_471 = arith.constant 64 : index
        %parallel_loop3A_472 = tpu.vector_load %arg9[%parallel_loop3A_470, %parallel_loop3A_471] {strides = array<i32>} : memref<2x128xf32, #tpu.memory_space<vmem>>, vector<16xf32>,
        tpu.vector_store %arg9[%parallel_loop3A_470, %parallel_loop3A_471], %parallel_loop3A_468 {add = true, strides = array<i32>} : memref<2x128xf32, #tpu.memory_space<vmem>>, vector<16xf32>,
        %parallel_loop3A_473 = arith.mulf %parallel_loop3A_447, %parallel_loop3A_411 : vector<16xf32>
        %parallel_loop3A_474 = arith.constant 0 : i32
        %parallel_loop3A_475 = arith.index_cast %parallel_loop3A_474 : i32 to index
        %parallel_loop3A_476 = arith.constant 80 : index
        %parallel_loop3A_477 = tpu.vector_load %arg9[%parallel_loop3A_475, %parallel_loop3A_476] {strides = array<i32>} : memref<2x128xf32, #tpu.memory_space<vmem>>, vector<16xf32>,
        tpu.vector_store %arg9[%parallel_loop3A_475, %parallel_loop3A_476], %parallel_loop3A_473 {add = true, strides = array<i32>} : memref<2x128xf32, #tpu.memory_space<vmem>>, vector<16xf32>,
        %parallel_loop3A_478 = arith.mulf %parallel_loop3A_447, %parallel_loop3A_414 : vector<16xf32>
        %parallel_loop3A_479 = arith.constant 0 : i32
        %parallel_loop3A_480 = arith.index_cast %parallel_loop3A_479 : i32 to index
        %parallel_loop3A_481 = arith.constant 96 : index
        %parallel_loop3A_482 = tpu.vector_load %arg9[%parallel_loop3A_480, %parallel_loop3A_481] {strides = array<i32>} : memref<2x128xf32, #tpu.memory_space<vmem>>, vector<16xf32>,
        tpu.vector_store %arg9[%parallel_loop3A_480, %parallel_loop3A_481], %parallel_loop3A_478 {add = true, strides = array<i32>} : memref<2x128xf32, #tpu.memory_space<vmem>>, vector<16xf32>,
        %parallel_loop3A_483 = arith.mulf %parallel_loop3A_447, %parallel_loop3A_417 : vector<16xf32>
        %parallel_loop3A_484 = arith.constant 0 : i32
        %parallel_loop3A_485 = arith.index_cast %parallel_loop3A_484 : i32 to index
        %parallel_loop3A_486 = arith.constant 112 : index
        %parallel_loop3A_487 = tpu.vector_load %arg9[%parallel_loop3A_485, %parallel_loop3A_486] {strides = array<i32>} : memref<2x128xf32, #tpu.memory_space<vmem>>, vector<16xf32>,
        tpu.vector_store %arg9[%parallel_loop3A_485, %parallel_loop3A_486], %parallel_loop3A_483 {add = true, strides = array<i32>} : memref<2x128xf32, #tpu.memory_space<vmem>>, vector<16xf32>,
        %parallel_loop3A_488 = arith.constant 1 : i32
        %parallel_loop3A_489 = arith.index_cast %parallel_loop3A_488 : i32 to index
        %parallel_loop3A_490 = arith.constant 0 : index
        %parallel_loop3A_491 = tpu.vector_load %arg9[%parallel_loop3A_489, %parallel_loop3A_490] {strides = array<i32>} : memref<2x128xf32, #tpu.memory_space<vmem>>, vector<16xf32>,
        tpu.vector_store %arg9[%parallel_loop3A_489, %parallel_loop3A_490], %parallel_loop3A_447 {add = true, strides = array<i32>} : memref<2x128xf32, #tpu.memory_space<vmem>>, vector<16xf32>,
      } {sc.loop_unroll_factor = 5 : i64, sc.parallel_access}
      %mul3A_351 = arith.constant 2 : i32
      %mul3A_352 = arith.muli %mul3A_351, %scan3A_336 : i32
      %add3A_353 = arith.constant 2 : i32
      %add3A_354 = arith.addi %mul3A_352, %add3A_353 : i32
      %min3A_355 = arith.constant 10 : i32
      %min3A_356 = arith.minsi %add3A_354, %min3A_355 : i32
      %mul3A_357 = arith.constant 125 : i32
      %mul3A_358 = arith.muli %min3A_356, %mul3A_357 : i32
      %add3A_359 = arith.addi %mul3A_2, %mul3A_358 : i32
      %dma_start3A_360 = arith.constant 0 : i32
      %dma_start3A_361 = tpu.memref_slice %arg3[%add3A_359, %dma_start3A_360] : memref<100000x128xf32, #tpu.memory_space<hbm>> -> memref<125x128xf32, #tpu.memory_space<hbm>>
      %dma_start3A_362 = arith.constant 0 : i32
      %dma_start3A_363 = tpu.memref_slice %arg3[%add3A_359, %dma_start3A_362] : memref<100000x128xf32, #tpu.memory_space<hbm>> -> memref<125x128xf32, #tpu.memory_space<hbm>>
      tpu.enqueue_dma source(%dma_start3A_363 : memref<125x128xf32, #tpu.memory_space<hbm>>) target(%arg6 : memref<125x128xf32, #tpu.memory_space<vmem>>) target_semaphore(%arg10 : memref<!tpu.dma_semaphore, #tpu.memory_space<semaphore_mem>>)
      %mul3A_364 = arith.constant 2 : i32
      %mul3A_365 = arith.muli %mul3A_364, %scan3A_336 : i32
      %add3A_366 = arith.constant 1 : i32
      %add3A_367 = arith.addi %mul3A_365, %add3A_366 : i32
      %min3A_368 = arith.constant 10 : i32
      %min3A_369 = arith.minsi %add3A_367, %min3A_368 : i32
      %mul3A_370 = arith.constant 125 : i32
      %mul3A_371 = arith.muli %min3A_369, %mul3A_370 : i32
      %add3A_372 = arith.addi %mul3A_2, %mul3A_371 : i32
      %dma_wait3A_373 = arith.constant 0 : i32
      %dma_wait3A_374 = tpu.memref_slice %arg3[%add3A_372, %dma_wait3A_373] : memref<100000x128xf32, #tpu.memory_space<hbm>> -> memref<125x128xf32, #tpu.memory_space<hbm>>
      %dma_wait3A_375 = arith.constant 0 : i32
      %dma_wait3A_376 = tpu.memref_slice %arg3[%add3A_372, %dma_wait3A_375] : memref<100000x128xf32, #tpu.memory_space<hbm>> -> memref<125x128xf32, #tpu.memory_space<hbm>>
      tpu.wait_dma2 semaphore(%arg11 : memref<!tpu.dma_semaphore, #tpu.memory_space<semaphore_mem>>) src(%dma_wait3A_376 : memref<125x128xf32, #tpu.memory_space<hbm>>) dst(%arg7 : memref<125x128xf32, #tpu.memory_space<vmem>>)
      %parallel_loop3A_377 = arith.constant 0 : i32
      %parallel_loop3A_378 = arith.constant 125 : i32
      %parallel_loop3A_379 = arith.constant 1 : i32
      scf.for %parallel_loop3A_393 = %parallel_loop3A_377 to %parallel_loop3A_378 step %parallel_loop3A_379  : i32 {
        %parallel_loop3A_394 = arith.index_cast %parallel_loop3A_393 : i32 to index
        %parallel_loop3A_395 = arith.constant 0 : index
        %parallel_loop3A_396 = tpu.vector_load %arg7[%parallel_loop3A_394, %parallel_loop3A_395] {strides = array<i32>} : memref<125x128xf32, #tpu.memory_space<vmem>>, vector<16xf32>,
        %parallel_loop3A_397 = arith.index_cast %parallel_loop3A_393 : i32 to index
        %parallel_loop3A_398 = arith.constant 16 : index
        %parallel_loop3A_399 = tpu.vector_load %arg7[%parallel_loop3A_397, %parallel_loop3A_398] {strides = array<i32>} : memref<125x128xf32, #tpu.memory_space<vmem>>, vector<16xf32>,
        %parallel_loop3A_400 = arith.index_cast %parallel_loop3A_393 : i32 to index
        %parallel_loop3A_401 = arith.constant 32 : index
        %parallel_loop3A_402 = tpu.vector_load %arg7[%parallel_loop3A_400, %parallel_loop3A_401] {strides = array<i32>} : memref<125x128xf32, #tpu.memory_space<vmem>>, vector<16xf32>,
        %parallel_loop3A_403 = arith.index_cast %parallel_loop3A_393 : i32 to index
        %parallel_loop3A_404 = arith.constant 48 : index
        %parallel_loop3A_405 = tpu.vector_load %arg7[%parallel_loop3A_403, %parallel_loop3A_404] {strides = array<i32>} : memref<125x128xf32, #tpu.memory_space<vmem>>, vector<16xf32>,
        %parallel_loop3A_406 = arith.index_cast %parallel_loop3A_393 : i32 to index
        %parallel_loop3A_407 = arith.constant 64 : index
        %parallel_loop3A_408 = tpu.vector_load %arg7[%parallel_loop3A_406, %parallel_loop3A_407] {strides = array<i32>} : memref<125x128xf32, #tpu.memory_space<vmem>>, vector<16xf32>,
        %parallel_loop3A_409 = arith.index_cast %parallel_loop3A_393 : i32 to index
        %parallel_loop3A_410 = arith.constant 80 : index
        %parallel_loop3A_411 = tpu.vector_load %arg7[%parallel_loop3A_409, %parallel_loop3A_410] {strides = array<i32>} : memref<125x128xf32, #tpu.memory_space<vmem>>, vector<16xf32>,
        %parallel_loop3A_412 = arith.index_cast %parallel_loop3A_393 : i32 to index
        %parallel_loop3A_413 = arith.constant 96 : index
        %parallel_loop3A_414 = tpu.vector_load %arg7[%parallel_loop3A_412, %parallel_loop3A_413] {strides = array<i32>} : memref<125x128xf32, #tpu.memory_space<vmem>>, vector<16xf32>,
        %parallel_loop3A_415 = arith.index_cast %parallel_loop3A_393 : i32 to index
        %parallel_loop3A_416 = arith.constant 112 : index
        %parallel_loop3A_417 = tpu.vector_load %arg7[%parallel_loop3A_415, %parallel_loop3A_416] {strides = array<i32>} : memref<125x128xf32, #tpu.memory_space<vmem>>, vector<16xf32>,
        %parallel_loop3A_418 = arith.mulf %parallel_loop3A_396, %get3A_171 : vector<16xf32>
        %parallel_loop3A_419 = arith.mulf %parallel_loop3A_399, %get3A_177 : vector<16xf32>
        %parallel_loop3A_420 = arith.mulf %parallel_loop3A_402, %get3A_183 : vector<16xf32>
        %parallel_loop3A_421 = arith.mulf %parallel_loop3A_405, %get3A_189 : vector<16xf32>
        %parallel_loop3A_422 = arith.mulf %parallel_loop3A_408, %get3A_195 : vector<16xf32>
        %parallel_loop3A_423 = arith.mulf %parallel_loop3A_411, %get3A_201 : vector<16xf32>
        %parallel_loop3A_424 = arith.mulf %parallel_loop3A_414, %get3A_207 : vector<16xf32>
        %parallel_loop3A_425 = arith.mulf %parallel_loop3A_417, %get3A_213 : vector<16xf32>
        %parallel_loop3A_426 = arith.addf %parallel_loop3A_418, %parallel_loop3A_419 : vector<16xf32>
        %parallel_loop3A_427 = arith.addf %parallel_loop3A_420, %parallel_loop3A_421 : vector<16xf32>
        %parallel_loop3A_428 = arith.addf %parallel_loop3A_426, %parallel_loop3A_427 : vector<16xf32>
        %parallel_loop3A_429 = arith.addf %parallel_loop3A_422, %parallel_loop3A_423 : vector<16xf32>
        %parallel_loop3A_430 = arith.addf %parallel_loop3A_424, %parallel_loop3A_425 : vector<16xf32>
        %parallel_loop3A_431 = arith.addf %parallel_loop3A_429, %parallel_loop3A_430 : vector<16xf32>
        %parallel_loop3A_432 = arith.addf %parallel_loop3A_428, %parallel_loop3A_431 : vector<16xf32>
        %parallel_loop3A_433 = arith.constant true
        %parallel_loop3A_434 = vector.broadcast %parallel_loop3A_433 : i1 to vector<16xi1>
        %parallel_loop3A_435 = tpu.scan <sum>, %parallel_loop3A_432 masked %parallel_loop3A_434 : vector<16xf32>, vector<16xi1> -> vector<16xf32>
        %parallel_loop3A_436 = vector.shape_cast %broadcast_in_dim3A_3 : vector<16xi32> to vector<16x1xi32>
        %parallel_loop3A_437 = vector.shape_cast %parallel_loop3A_436 : vector<16x1xi32> to vector<16xi32>
        %parallel_loop3A_438 = tpu.dynamic_gather %parallel_loop3A_435[%parallel_loop3A_437] in [0] : vector<16xf32>, vector<16xi32> -> vector<16xf32>
        %parallel_loop3A_439 = arith.addf %parallel_loop3A_438, %get3A_219 : vector<16xf32>
        %parallel_loop3A_440 = arith.constant 0.000000e+00 : f32
        %parallel_loop3A_441 = vector.broadcast %parallel_loop3A_440 : f32 to vector<16xf32>
        %parallel_loop3A_442 = arith.cmpf ogt, %parallel_loop3A_439, %parallel_loop3A_441 : vector<16xf32>
        %parallel_loop3A_443 = arith.constant 2.000000e-01 : f32
        %parallel_loop3A_444 = vector.broadcast %parallel_loop3A_443 : f32 to vector<16xf32>
        %parallel_loop3A_445 = arith.mulf %parallel_loop3A_444, %parallel_loop3A_439 : vector<16xf32>
        %parallel_loop3A_446 = arith.select %parallel_loop3A_442, %parallel_loop3A_439, %parallel_loop3A_445 : vector<16xi1>, vector<16xf32>
        %parallel_loop3A_447 = math.exp %parallel_loop3A_446 : vector<16xf32>
        %parallel_loop3A_448 = arith.mulf %parallel_loop3A_447, %parallel_loop3A_396 : vector<16xf32>
        %parallel_loop3A_449 = arith.constant 0 : i32
        %parallel_loop3A_450 = arith.index_cast %parallel_loop3A_449 : i32 to index
        %parallel_loop3A_451 = arith.constant 0 : index
        %parallel_loop3A_452 = tpu.vector_load %arg9[%parallel_loop3A_450, %parallel_loop3A_451] {strides = array<i32>} : memref<2x128xf32, #tpu.memory_space<vmem>>, vector<16xf32>,
        tpu.vector_store %arg9[%parallel_loop3A_450, %parallel_loop3A_451], %parallel_loop3A_448 {add = true, strides = array<i32>} : memref<2x128xf32, #tpu.memory_space<vmem>>, vector<16xf32>,
        %parallel_loop3A_453 = arith.mulf %parallel_loop3A_447, %parallel_loop3A_399 : vector<16xf32>
        %parallel_loop3A_454 = arith.constant 0 : i32
        %parallel_loop3A_455 = arith.index_cast %parallel_loop3A_454 : i32 to index
        %parallel_loop3A_456 = arith.constant 16 : index
        %parallel_loop3A_457 = tpu.vector_load %arg9[%parallel_loop3A_455, %parallel_loop3A_456] {strides = array<i32>} : memref<2x128xf32, #tpu.memory_space<vmem>>, vector<16xf32>,
        tpu.vector_store %arg9[%parallel_loop3A_455, %parallel_loop3A_456], %parallel_loop3A_453 {add = true, strides = array<i32>} : memref<2x128xf32, #tpu.memory_space<vmem>>, vector<16xf32>,
        %parallel_loop3A_458 = arith.mulf %parallel_loop3A_447, %parallel_loop3A_402 : vector<16xf32>
        %parallel_loop3A_459 = arith.constant 0 : i32
        %parallel_loop3A_460 = arith.index_cast %parallel_loop3A_459 : i32 to index
        %parallel_loop3A_461 = arith.constant 32 : index
        %parallel_loop3A_462 = tpu.vector_load %arg9[%parallel_loop3A_460, %parallel_loop3A_461] {strides = array<i32>} : memref<2x128xf32, #tpu.memory_space<vmem>>, vector<16xf32>,
        tpu.vector_store %arg9[%parallel_loop3A_460, %parallel_loop3A_461], %parallel_loop3A_458 {add = true, strides = array<i32>} : memref<2x128xf32, #tpu.memory_space<vmem>>, vector<16xf32>,
        %parallel_loop3A_463 = arith.mulf %parallel_loop3A_447, %parallel_loop3A_405 : vector<16xf32>
        %parallel_loop3A_464 = arith.constant 0 : i32
        %parallel_loop3A_465 = arith.index_cast %parallel_loop3A_464 : i32 to index
        %parallel_loop3A_466 = arith.constant 48 : index
        %parallel_loop3A_467 = tpu.vector_load %arg9[%parallel_loop3A_465, %parallel_loop3A_466] {strides = array<i32>} : memref<2x128xf32, #tpu.memory_space<vmem>>, vector<16xf32>,
        tpu.vector_store %arg9[%parallel_loop3A_465, %parallel_loop3A_466], %parallel_loop3A_463 {add = true, strides = array<i32>} : memref<2x128xf32, #tpu.memory_space<vmem>>, vector<16xf32>,
        %parallel_loop3A_468 = arith.mulf %parallel_loop3A_447, %parallel_loop3A_408 : vector<16xf32>
        %parallel_loop3A_469 = arith.constant 0 : i32
        %parallel_loop3A_470 = arith.index_cast %parallel_loop3A_469 : i32 to index
        %parallel_loop3A_471 = arith.constant 64 : index
        %parallel_loop3A_472 = tpu.vector_load %arg9[%parallel_loop3A_470, %parallel_loop3A_471] {strides = array<i32>} : memref<2x128xf32, #tpu.memory_space<vmem>>, vector<16xf32>,
        tpu.vector_store %arg9[%parallel_loop3A_470, %parallel_loop3A_471], %parallel_loop3A_468 {add = true, strides = array<i32>} : memref<2x128xf32, #tpu.memory_space<vmem>>, vector<16xf32>,
        %parallel_loop3A_473 = arith.mulf %parallel_loop3A_447, %parallel_loop3A_411 : vector<16xf32>
        %parallel_loop3A_474 = arith.constant 0 : i32
        %parallel_loop3A_475 = arith.index_cast %parallel_loop3A_474 : i32 to index
        %parallel_loop3A_476 = arith.constant 80 : index
        %parallel_loop3A_477 = tpu.vector_load %arg9[%parallel_loop3A_475, %parallel_loop3A_476] {strides = array<i32>} : memref<2x128xf32, #tpu.memory_space<vmem>>, vector<16xf32>,
        tpu.vector_store %arg9[%parallel_loop3A_475, %parallel_loop3A_476], %parallel_loop3A_473 {add = true, strides = array<i32>} : memref<2x128xf32, #tpu.memory_space<vmem>>, vector<16xf32>,
        %parallel_loop3A_478 = arith.mulf %parallel_loop3A_447, %parallel_loop3A_414 : vector<16xf32>
        %parallel_loop3A_479 = arith.constant 0 : i32
        %parallel_loop3A_480 = arith.index_cast %parallel_loop3A_479 : i32 to index
        %parallel_loop3A_481 = arith.constant 96 : index
        %parallel_loop3A_482 = tpu.vector_load %arg9[%parallel_loop3A_480, %parallel_loop3A_481] {strides = array<i32>} : memref<2x128xf32, #tpu.memory_space<vmem>>, vector<16xf32>,
        tpu.vector_store %arg9[%parallel_loop3A_480, %parallel_loop3A_481], %parallel_loop3A_478 {add = true, strides = array<i32>} : memref<2x128xf32, #tpu.memory_space<vmem>>, vector<16xf32>,
        %parallel_loop3A_483 = arith.mulf %parallel_loop3A_447, %parallel_loop3A_417 : vector<16xf32>
        %parallel_loop3A_484 = arith.constant 0 : i32
        %parallel_loop3A_485 = arith.index_cast %parallel_loop3A_484 : i32 to index
        %parallel_loop3A_486 = arith.constant 112 : index
        %parallel_loop3A_487 = tpu.vector_load %arg9[%parallel_loop3A_485, %parallel_loop3A_486] {strides = array<i32>} : memref<2x128xf32, #tpu.memory_space<vmem>>, vector<16xf32>,
        tpu.vector_store %arg9[%parallel_loop3A_485, %parallel_loop3A_486], %parallel_loop3A_483 {add = true, strides = array<i32>} : memref<2x128xf32, #tpu.memory_space<vmem>>, vector<16xf32>,
        %parallel_loop3A_488 = arith.constant 1 : i32
        %parallel_loop3A_489 = arith.index_cast %parallel_loop3A_488 : i32 to index
        %parallel_loop3A_490 = arith.constant 0 : index
        %parallel_loop3A_491 = tpu.vector_load %arg9[%parallel_loop3A_489, %parallel_loop3A_490] {strides = array<i32>} : memref<2x128xf32, #tpu.memory_space<vmem>>, vector<16xf32>,
        tpu.vector_store %arg9[%parallel_loop3A_489, %parallel_loop3A_490], %parallel_loop3A_447 {add = true, strides = array<i32>} : memref<2x128xf32, #tpu.memory_space<vmem>>, vector<16xf32>,
      } {sc.loop_unroll_factor = 5 : i64, sc.parallel_access}
      %mul3A_380 = arith.constant 2 : i32
      %mul3A_381 = arith.muli %mul3A_380, %scan3A_336 : i32
      %add3A_382 = arith.constant 3 : i32
      %add3A_383 = arith.addi %mul3A_381, %add3A_382 : i32
      %min3A_384 = arith.constant 10 : i32
      %min3A_385 = arith.minsi %add3A_383, %min3A_384 : i32
      %mul3A_386 = arith.constant 125 : i32
      %mul3A_387 = arith.muli %min3A_385, %mul3A_386 : i32
      %add3A_388 = arith.addi %mul3A_2, %mul3A_387 : i32
      %dma_start3A_389 = arith.constant 0 : i32
      %dma_start3A_390 = tpu.memref_slice %arg3[%add3A_388, %dma_start3A_389] : memref<100000x128xf32, #tpu.memory_space<hbm>> -> memref<125x128xf32, #tpu.memory_space<hbm>>
      %dma_start3A_391 = arith.constant 0 : i32
      %dma_start3A_392 = tpu.memref_slice %arg3[%add3A_388, %dma_start3A_391] : memref<100000x128xf32, #tpu.memory_space<hbm>> -> memref<125x128xf32, #tpu.memory_space<hbm>>
      tpu.enqueue_dma source(%dma_start3A_392 : memref<125x128xf32, #tpu.memory_space<hbm>>) target(%arg7 : memref<125x128xf32, #tpu.memory_space<vmem>>) target_semaphore(%arg11 : memref<!tpu.dma_semaphore, #tpu.memory_space<semaphore_mem>>)
    }
    %scan3A_311 = arith.constant 5 : i32
    %min3A_312 = arith.constant 10 : i32
    %min3A_313 = arith.constant 10 : i32
    %min3A_314 = arith.minsi %min3A_312, %min3A_313 : i32
    %mul3A_315 = arith.constant 125 : i32
    %mul3A_316 = arith.muli %min3A_314, %mul3A_315 : i32
    %add3A_317 = arith.addi %mul3A_2, %mul3A_316 : i32
    %dma_wait3A_318 = arith.constant 0 : i32
    %dma_wait3A_319 = tpu.memref_slice %arg3[%add3A_317, %dma_wait3A_318] : memref<100000x128xf32, #tpu.memory_space<hbm>> -> memref<125x128xf32, #tpu.memory_space<hbm>>
    %dma_wait3A_320 = arith.constant 0 : i32
    %dma_wait3A_321 = tpu.memref_slice %arg3[%add3A_317, %dma_wait3A_320] : memref<100000x128xf32, #tpu.memory_space<hbm>> -> memref<125x128xf32, #tpu.memory_space<hbm>>
    tpu.wait_dma2 semaphore(%arg10 : memref<!tpu.dma_semaphore, #tpu.memory_space<semaphore_mem>>) src(%dma_wait3A_321 : memref<125x128xf32, #tpu.memory_space<hbm>>) dst(%arg6 : memref<125x128xf32, #tpu.memory_space<vmem>>)
    %parallel_loop3A_322 = arith.constant 0 : i32
    %parallel_loop3A_323 = arith.constant 125 : i32
    %parallel_loop3A_324 = arith.constant 1 : i32
    scf.for %parallel_loop3A_336 = %parallel_loop3A_322 to %parallel_loop3A_323 step %parallel_loop3A_324  : i32 {
      %parallel_loop3A_337 = arith.index_cast %parallel_loop3A_336 : i32 to index
      %parallel_loop3A_338 = arith.constant 0 : index
      %parallel_loop3A_339 = tpu.vector_load %arg6[%parallel_loop3A_337, %parallel_loop3A_338] {strides = array<i32>} : memref<125x128xf32, #tpu.memory_space<vmem>>, vector<16xf32>,
      %parallel_loop3A_340 = arith.index_cast %parallel_loop3A_336 : i32 to index
      %parallel_loop3A_341 = arith.constant 16 : index
      %parallel_loop3A_342 = tpu.vector_load %arg6[%parallel_loop3A_340, %parallel_loop3A_341] {strides = array<i32>} : memref<125x128xf32, #tpu.memory_space<vmem>>, vector<16xf32>,
      %parallel_loop3A_343 = arith.index_cast %parallel_loop3A_336 : i32 to index
      %parallel_loop3A_344 = arith.constant 32 : index
      %parallel_loop3A_345 = tpu.vector_load %arg6[%parallel_loop3A_343, %parallel_loop3A_344] {strides = array<i32>} : memref<125x128xf32, #tpu.memory_space<vmem>>, vector<16xf32>,
      %parallel_loop3A_346 = arith.index_cast %parallel_loop3A_336 : i32 to index
      %parallel_loop3A_347 = arith.constant 48 : index
      %parallel_loop3A_348 = tpu.vector_load %arg6[%parallel_loop3A_346, %parallel_loop3A_347] {strides = array<i32>} : memref<125x128xf32, #tpu.memory_space<vmem>>, vector<16xf32>,
      %parallel_loop3A_349 = arith.index_cast %parallel_loop3A_336 : i32 to index
      %parallel_loop3A_350 = arith.constant 64 : index
      %parallel_loop3A_351 = tpu.vector_load %arg6[%parallel_loop3A_349, %parallel_loop3A_350] {strides = array<i32>} : memref<125x128xf32, #tpu.memory_space<vmem>>, vector<16xf32>,
      %parallel_loop3A_352 = arith.index_cast %parallel_loop3A_336 : i32 to index
      %parallel_loop3A_353 = arith.constant 80 : index
      %parallel_loop3A_354 = tpu.vector_load %arg6[%parallel_loop3A_352, %parallel_loop3A_353] {strides = array<i32>} : memref<125x128xf32, #tpu.memory_space<vmem>>, vector<16xf32>,
      %parallel_loop3A_355 = arith.index_cast %parallel_loop3A_336 : i32 to index
      %parallel_loop3A_356 = arith.constant 96 : index
      %parallel_loop3A_357 = tpu.vector_load %arg6[%parallel_loop3A_355, %parallel_loop3A_356] {strides = array<i32>} : memref<125x128xf32, #tpu.memory_space<vmem>>, vector<16xf32>,
      %parallel_loop3A_358 = arith.index_cast %parallel_loop3A_336 : i32 to index
      %parallel_loop3A_359 = arith.constant 112 : index
      %parallel_loop3A_360 = tpu.vector_load %arg6[%parallel_loop3A_358, %parallel_loop3A_359] {strides = array<i32>} : memref<125x128xf32, #tpu.memory_space<vmem>>, vector<16xf32>,
      %parallel_loop3A_361 = arith.mulf %parallel_loop3A_339, %get3A_171 : vector<16xf32>
      %parallel_loop3A_362 = arith.mulf %parallel_loop3A_342, %get3A_177 : vector<16xf32>
      %parallel_loop3A_363 = arith.mulf %parallel_loop3A_345, %get3A_183 : vector<16xf32>
      %parallel_loop3A_364 = arith.mulf %parallel_loop3A_348, %get3A_189 : vector<16xf32>
      %parallel_loop3A_365 = arith.mulf %parallel_loop3A_351, %get3A_195 : vector<16xf32>
      %parallel_loop3A_366 = arith.mulf %parallel_loop3A_354, %get3A_201 : vector<16xf32>
      %parallel_loop3A_367 = arith.mulf %parallel_loop3A_357, %get3A_207 : vector<16xf32>
      %parallel_loop3A_368 = arith.mulf %parallel_loop3A_360, %get3A_213 : vector<16xf32>
      %parallel_loop3A_369 = arith.addf %parallel_loop3A_361, %parallel_loop3A_362 : vector<16xf32>
      %parallel_loop3A_370 = arith.addf %parallel_loop3A_363, %parallel_loop3A_364 : vector<16xf32>
      %parallel_loop3A_371 = arith.addf %parallel_loop3A_369, %parallel_loop3A_370 : vector<16xf32>
      %parallel_loop3A_372 = arith.addf %parallel_loop3A_365, %parallel_loop3A_366 : vector<16xf32>
      %parallel_loop3A_373 = arith.addf %parallel_loop3A_367, %parallel_loop3A_368 : vector<16xf32>
      %parallel_loop3A_374 = arith.addf %parallel_loop3A_372, %parallel_loop3A_373 : vector<16xf32>
      %parallel_loop3A_375 = arith.addf %parallel_loop3A_371, %parallel_loop3A_374 : vector<16xf32>
      %parallel_loop3A_376 = arith.constant true
      %parallel_loop3A_377 = vector.broadcast %parallel_loop3A_376 : i1 to vector<16xi1>
      %parallel_loop3A_378 = tpu.scan <sum>, %parallel_loop3A_375 masked %parallel_loop3A_377 : vector<16xf32>, vector<16xi1> -> vector<16xf32>
      %parallel_loop3A_379 = vector.shape_cast %broadcast_in_dim3A_3 : vector<16xi32> to vector<16x1xi32>
      %parallel_loop3A_380 = vector.shape_cast %parallel_loop3A_379 : vector<16x1xi32> to vector<16xi32>
      %parallel_loop3A_381 = tpu.dynamic_gather %parallel_loop3A_378[%parallel_loop3A_380] in [0] : vector<16xf32>, vector<16xi32> -> vector<16xf32>
      %parallel_loop3A_382 = arith.addf %parallel_loop3A_381, %get3A_219 : vector<16xf32>
      %parallel_loop3A_383 = arith.constant 0.000000e+00 : f32
      %parallel_loop3A_384 = vector.broadcast %parallel_loop3A_383 : f32 to vector<16xf32>
      %parallel_loop3A_385 = arith.cmpf ogt, %parallel_loop3A_382, %parallel_loop3A_384 : vector<16xf32>
      %parallel_loop3A_386 = arith.constant 2.000000e-01 : f32
      %parallel_loop3A_387 = vector.broadcast %parallel_loop3A_386 : f32 to vector<16xf32>
      %parallel_loop3A_388 = arith.mulf %parallel_loop3A_387, %parallel_loop3A_382 : vector<16xf32>
      %parallel_loop3A_389 = arith.select %parallel_loop3A_385, %parallel_loop3A_382, %parallel_loop3A_388 : vector<16xi1>, vector<16xf32>
      %parallel_loop3A_390 = math.exp %parallel_loop3A_389 : vector<16xf32>
      %parallel_loop3A_391 = arith.mulf %parallel_loop3A_390, %parallel_loop3A_339 : vector<16xf32>
      %parallel_loop3A_392 = arith.constant 0 : i32
      %parallel_loop3A_393 = arith.index_cast %parallel_loop3A_392 : i32 to index
      %parallel_loop3A_394 = arith.constant 0 : index
      %parallel_loop3A_395 = tpu.vector_load %arg9[%parallel_loop3A_393, %parallel_loop3A_394] {strides = array<i32>} : memref<2x128xf32, #tpu.memory_space<vmem>>, vector<16xf32>,
      tpu.vector_store %arg9[%parallel_loop3A_393, %parallel_loop3A_394], %parallel_loop3A_391 {add = true, strides = array<i32>} : memref<2x128xf32, #tpu.memory_space<vmem>>, vector<16xf32>,
      %parallel_loop3A_396 = arith.mulf %parallel_loop3A_390, %parallel_loop3A_342 : vector<16xf32>
      %parallel_loop3A_397 = arith.constant 0 : i32
      %parallel_loop3A_398 = arith.index_cast %parallel_loop3A_397 : i32 to index
      %parallel_loop3A_399 = arith.constant 16 : index
      %parallel_loop3A_400 = tpu.vector_load %arg9[%parallel_loop3A_398, %parallel_loop3A_399] {strides = array<i32>} : memref<2x128xf32, #tpu.memory_space<vmem>>, vector<16xf32>,
      tpu.vector_store %arg9[%parallel_loop3A_398, %parallel_loop3A_399], %parallel_loop3A_396 {add = true, strides = array<i32>} : memref<2x128xf32, #tpu.memory_space<vmem>>, vector<16xf32>,
      %parallel_loop3A_401 = arith.mulf %parallel_loop3A_390, %parallel_loop3A_345 : vector<16xf32>
      %parallel_loop3A_402 = arith.constant 0 : i32
      %parallel_loop3A_403 = arith.index_cast %parallel_loop3A_402 : i32 to index
      %parallel_loop3A_404 = arith.constant 32 : index
      %parallel_loop3A_405 = tpu.vector_load %arg9[%parallel_loop3A_403, %parallel_loop3A_404] {strides = array<i32>} : memref<2x128xf32, #tpu.memory_space<vmem>>, vector<16xf32>,
      tpu.vector_store %arg9[%parallel_loop3A_403, %parallel_loop3A_404], %parallel_loop3A_401 {add = true, strides = array<i32>} : memref<2x128xf32, #tpu.memory_space<vmem>>, vector<16xf32>,
      %parallel_loop3A_406 = arith.mulf %parallel_loop3A_390, %parallel_loop3A_348 : vector<16xf32>
      %parallel_loop3A_407 = arith.constant 0 : i32
      %parallel_loop3A_408 = arith.index_cast %parallel_loop3A_407 : i32 to index
      %parallel_loop3A_409 = arith.constant 48 : index
      %parallel_loop3A_410 = tpu.vector_load %arg9[%parallel_loop3A_408, %parallel_loop3A_409] {strides = array<i32>} : memref<2x128xf32, #tpu.memory_space<vmem>>, vector<16xf32>,
      tpu.vector_store %arg9[%parallel_loop3A_408, %parallel_loop3A_409], %parallel_loop3A_406 {add = true, strides = array<i32>} : memref<2x128xf32, #tpu.memory_space<vmem>>, vector<16xf32>,
      %parallel_loop3A_411 = arith.mulf %parallel_loop3A_390, %parallel_loop3A_351 : vector<16xf32>
      %parallel_loop3A_412 = arith.constant 0 : i32
      %parallel_loop3A_413 = arith.index_cast %parallel_loop3A_412 : i32 to index
      %parallel_loop3A_414 = arith.constant 64 : index
      %parallel_loop3A_415 = tpu.vector_load %arg9[%parallel_loop3A_413, %parallel_loop3A_414] {strides = array<i32>} : memref<2x128xf32, #tpu.memory_space<vmem>>, vector<16xf32>,
      tpu.vector_store %arg9[%parallel_loop3A_413, %parallel_loop3A_414], %parallel_loop3A_411 {add = true, strides = array<i32>} : memref<2x128xf32, #tpu.memory_space<vmem>>, vector<16xf32>,
      %parallel_loop3A_416 = arith.mulf %parallel_loop3A_390, %parallel_loop3A_354 : vector<16xf32>
      %parallel_loop3A_417 = arith.constant 0 : i32
      %parallel_loop3A_418 = arith.index_cast %parallel_loop3A_417 : i32 to index
      %parallel_loop3A_419 = arith.constant 80 : index
      %parallel_loop3A_420 = tpu.vector_load %arg9[%parallel_loop3A_418, %parallel_loop3A_419] {strides = array<i32>} : memref<2x128xf32, #tpu.memory_space<vmem>>, vector<16xf32>,
      tpu.vector_store %arg9[%parallel_loop3A_418, %parallel_loop3A_419], %parallel_loop3A_416 {add = true, strides = array<i32>} : memref<2x128xf32, #tpu.memory_space<vmem>>, vector<16xf32>,
      %parallel_loop3A_421 = arith.mulf %parallel_loop3A_390, %parallel_loop3A_357 : vector<16xf32>
      %parallel_loop3A_422 = arith.constant 0 : i32
      %parallel_loop3A_423 = arith.index_cast %parallel_loop3A_422 : i32 to index
      %parallel_loop3A_424 = arith.constant 96 : index
      %parallel_loop3A_425 = tpu.vector_load %arg9[%parallel_loop3A_423, %parallel_loop3A_424] {strides = array<i32>} : memref<2x128xf32, #tpu.memory_space<vmem>>, vector<16xf32>,
      tpu.vector_store %arg9[%parallel_loop3A_423, %parallel_loop3A_424], %parallel_loop3A_421 {add = true, strides = array<i32>} : memref<2x128xf32, #tpu.memory_space<vmem>>, vector<16xf32>,
      %parallel_loop3A_426 = arith.mulf %parallel_loop3A_390, %parallel_loop3A_360 : vector<16xf32>
      %parallel_loop3A_427 = arith.constant 0 : i32
      %parallel_loop3A_428 = arith.index_cast %parallel_loop3A_427 : i32 to index
      %parallel_loop3A_429 = arith.constant 112 : index
      %parallel_loop3A_430 = tpu.vector_load %arg9[%parallel_loop3A_428, %parallel_loop3A_429] {strides = array<i32>} : memref<2x128xf32, #tpu.memory_space<vmem>>, vector<16xf32>,
      tpu.vector_store %arg9[%parallel_loop3A_428, %parallel_loop3A_429], %parallel_loop3A_426 {add = true, strides = array<i32>} : memref<2x128xf32, #tpu.memory_space<vmem>>, vector<16xf32>,
      %parallel_loop3A_431 = arith.constant 1 : i32
      %parallel_loop3A_432 = arith.index_cast %parallel_loop3A_431 : i32 to index
      %parallel_loop3A_433 = arith.constant 0 : index
      %parallel_loop3A_434 = tpu.vector_load %arg9[%parallel_loop3A_432, %parallel_loop3A_433] {strides = array<i32>} : memref<2x128xf32, #tpu.memory_space<vmem>>, vector<16xf32>,
      tpu.vector_store %arg9[%parallel_loop3A_432, %parallel_loop3A_433], %parallel_loop3A_390 {add = true, strides = array<i32>} : memref<2x128xf32, #tpu.memory_space<vmem>>, vector<16xf32>,
    } {sc.loop_unroll_factor = 5 : i64, sc.parallel_access}
    %min3A_325 = arith.constant 10 : i32
    %min3A_326 = arith.constant 10 : i32
    %min3A_327 = arith.minsi %min3A_325, %min3A_326 : i32
    %mul3A_328 = arith.constant 125 : i32
    %mul3A_329 = arith.muli %min3A_327, %mul3A_328 : i32
    %add3A_330 = arith.addi %mul3A_2, %mul3A_329 : i32
    %dma_wait3A_331 = arith.constant 0 : i32
    %dma_wait3A_332 = tpu.memref_slice %arg3[%add3A_330, %dma_wait3A_331] : memref<100000x128xf32, #tpu.memory_space<hbm>> -> memref<125x128xf32, #tpu.memory_space<hbm>>
    %dma_wait3A_333 = arith.constant 0 : i32
    %dma_wait3A_334 = tpu.memref_slice %arg3[%add3A_330, %dma_wait3A_333] : memref<100000x128xf32, #tpu.memory_space<hbm>> -> memref<125x128xf32, #tpu.memory_space<hbm>>
    tpu.wait_dma2 semaphore(%arg11 : memref<!tpu.dma_semaphore, #tpu.memory_space<semaphore_mem>>) src(%dma_wait3A_334 : memref<125x128xf32, #tpu.memory_space<hbm>>) dst(%arg7 : memref<125x128xf32, #tpu.memory_space<vmem>>)
    %run_scoped3A_335 = arith.constant 1 : i32
    "tpu.region"() ({
      %run_scoped3A_336 = tpu.sem_alloc : memref<!tpu.dma_semaphore, #tpu.memory_space<semaphore_mem>>
      %dma_start3A_337 = arith.constant 0 : i32
      %dma_start3A_338 = arith.constant 0 : i32
      %dma_start3A_339 = tpu.memref_slice %arg5[%run_scoped3A_335, %add3A, %dma_start3A_337, %dma_start3A_338] : memref<2x32x2x128xf32, #tpu.memory_space<hbm>> -> memref<1x1x2x128xf32, #tpu.memory_space<hbm>>
      %dma_start3A_340 = tpu.memref_squeeze %dma_start3A_339 : memref<1x1x2x128xf32, #tpu.memory_space<hbm>> -> memref<2x128xf32, #tpu.memory_space<hbm>>
      %dma_start3A_341 = arith.constant 0 : i32
      %dma_start3A_342 = arith.constant 0 : i32
      %dma_start3A_343 = tpu.memref_slice %arg5[%run_scoped3A_335, %add3A, %dma_start3A_341, %dma_start3A_342] : memref<2x32x2x128xf32, #tpu.memory_space<hbm>> -> memref<1x1x2x128xf32, #tpu.memory_space<hbm>>
      %dma_start3A_344 = tpu.memref_squeeze %dma_start3A_343 : memref<1x1x2x128xf32, #tpu.memory_space<hbm>> -> memref<2x128xf32, #tpu.memory_space<hbm>>
      tpu.enqueue_dma source(%arg9 : memref<2x128xf32, #tpu.memory_space<vmem>>) target(%dma_start3A_344 : memref<2x128xf32, #tpu.memory_space<hbm>>) target_semaphore(%run_scoped3A_336 : memref<!tpu.dma_semaphore, #tpu.memory_space<semaphore_mem>>)
      %dma_wait3A_345 = arith.constant 0 : i32
      %dma_wait3A_346 = arith.constant 0 : i32
      %dma_wait3A_347 = tpu.memref_slice %arg5[%run_scoped3A_335, %add3A, %dma_wait3A_345, %dma_wait3A_346] : memref<2x32x2x128xf32, #tpu.memory_space<hbm>> -> memref<1x1x2x128xf32, #tpu.memory_space<hbm>>
      %dma_wait3A_348 = tpu.memref_squeeze %dma_wait3A_347 : memref<1x1x2x128xf32, #tpu.memory_space<hbm>> -> memref<2x128xf32, #tpu.memory_space<hbm>>
      %dma_wait3A_349 = arith.constant 0 : i32
      %dma_wait3A_350 = arith.constant 0 : i32
      %dma_wait3A_351 = tpu.memref_slice %arg5[%run_scoped3A_335, %add3A, %dma_wait3A_349, %dma_wait3A_350] : memref<2x32x2x128xf32, #tpu.memory_space<hbm>> -> memref<1x1x2x128xf32, #tpu.memory_space<hbm>>
      %dma_wait3A_352 = tpu.memref_squeeze %dma_wait3A_351 : memref<1x1x2x128xf32, #tpu.memory_space<hbm>> -> memref<2x128xf32, #tpu.memory_space<hbm>>
      tpu.wait_dma2 semaphore(%run_scoped3A_336 : memref<!tpu.dma_semaphore, #tpu.memory_space<semaphore_mem>>) src(%arg9 : memref<2x128xf32, #tpu.memory_space<vmem>>) dst(%dma_wait3A_352 : memref<2x128xf32, #tpu.memory_space<hbm>>)
      tpu.yield
    }) : () -> ()
    return
  }
}

module attributes {stable_mosaic.version = 14 : i64} {
  func.func @_pre_body(%arg0: memref<1x128xf32, #tpu.memory_space<vmem>>, %arg1: memref<128x128xf32, #tpu.memory_space<vmem>>, %arg2: memref<2x128xf32, #tpu.memory_space<vmem>>, %arg3: memref<128x128xf32, #tpu.memory_space<vmem>>, %arg4: memref<2x128xf32, #tpu.memory_space<vmem>>, %arg5: memref<2x2x128xf32, #tpu.memory_space<vmem>>) attributes {dimension_semantics = [], scalar_prefetch = 0 : i64, scratch_operands = 0 : i64, tpu.core_type = #tpu.core_type<tc>} {
    %get3A = arith.constant 0 : index
    %get3A_0 = arith.constant 0 : index
    %get3A_1 = vector.load %arg0[%get3A, %get3A_0] : memref<1x128xf32, #tpu.memory_space<vmem>>, vector<1x128xf32>
    %get3A_2 = arith.constant 0 : index
    %get3A_3 = arith.constant 0 : index
    %get3A_4 = vector.load %arg2[%get3A_2, %get3A_3] : memref<2x128xf32, #tpu.memory_space<vmem>>, vector<2x128xf32>
    %get3A_5 = arith.constant 0 : index
    %get3A_6 = arith.constant 0 : index
    %get3A_7 = vector.load %arg1[%get3A_5, %get3A_6] : memref<128x128xf32, #tpu.memory_space<vmem>>, vector<128x128xf32>
    %dot_general3A = arith.constant dense<0.000000e+00> : vector<2x128xf32>
    %dot_general3A_8 = tpu.matmul %get3A_4, %get3A_7, %dot_general3A {dimension_numbers = #tpu.dot_dimension_numbers<[1], [0], [0], [1], [0, 0, 1, 1], [], []>, transpose_lhs_hint = false} : vector<2x128xf32>, vector<128x128xf32>, vector<2x128xf32> -> vector<2x128xf32>
    %slice3A = vector.extract_strided_slice %dot_general3A_8 {offsets = [0, 0], sizes = [1, 128], strides = [1, 1]} : vector<2x128xf32> to vector<1x128xf32>
    %mul3A = arith.mulf %get3A_1, %slice3A : vector<1x128xf32>
    %reduce_sum3A = vector.shape_cast %mul3A : vector<1x128xf32> to vector<1x1x128xf32>
    %reduce_sum3A_9 = arith.constant dense<0.000000e+00> : vector<1xf32>
    %reduce_sum3A_10 = vector.multi_reduction <add>, %reduce_sum3A, %reduce_sum3A_9 [1, 2] : vector<1x1x128xf32> to vector<1xf32>
    %reduce_sum3A_11 = vector.shape_cast %reduce_sum3A_10 : vector<1xf32> to vector<1x1x1xf32>
    %reduce_sum3A_12 = vector.extract %reduce_sum3A_11[0, 0, 0] : f32 from vector<1x1x1xf32>
    %slice3A_13 = vector.extract_strided_slice %dot_general3A_8 {offsets = [1, 0], sizes = [1, 128], strides = [1, 1]} : vector<2x128xf32> to vector<1x128xf32>
    %squeeze3A = vector.shape_cast %slice3A_13 : vector<1x128xf32> to vector<128xf32>
    %swap3A = arith.constant 0 : index
    %swap3A_14 = arith.constant 0 : index
    %swap3A_15 = arith.constant 0 : index
    %swap3A_16 = vector.load %arg5[%swap3A, %swap3A_14, %swap3A_15] : memref<2x2x128xf32, #tpu.memory_space<vmem>>, vector<1x1x128xf32>
    %swap3A_17 = vector.shape_cast %swap3A_16 : vector<1x1x128xf32> to vector<128xf32>
    %swap3A_18 = vector.shape_cast %squeeze3A : vector<128xf32> to vector<1x1x128xf32>
    tpu.vector_store %arg5[%swap3A, %swap3A_14, %swap3A_15], %swap3A_18 {strides = array<i32>} : memref<2x2x128xf32, #tpu.memory_space<vmem>>, vector<1x1x128xf32>,
    %broadcast_in_dim3A = vector.broadcast %reduce_sum3A_12 : f32 to vector<128xf32>
    %swap3A_19 = arith.constant 0 : index
    %swap3A_20 = arith.constant 1 : index
    %swap3A_21 = arith.constant 0 : index
    %swap3A_22 = vector.load %arg5[%swap3A_19, %swap3A_20, %swap3A_21] : memref<2x2x128xf32, #tpu.memory_space<vmem>>, vector<1x1x128xf32>
    %swap3A_23 = vector.shape_cast %swap3A_22 : vector<1x1x128xf32> to vector<128xf32>
    %swap3A_24 = vector.shape_cast %broadcast_in_dim3A : vector<128xf32> to vector<1x1x128xf32>
    tpu.vector_store %arg5[%swap3A_19, %swap3A_20, %swap3A_21], %swap3A_24 {strides = array<i32>} : memref<2x2x128xf32, #tpu.memory_space<vmem>>, vector<1x1x128xf32>,
    %get3A_25 = arith.constant 0 : index
    %get3A_26 = arith.constant 0 : index
    %get3A_27 = vector.load %arg4[%get3A_25, %get3A_26] : memref<2x128xf32, #tpu.memory_space<vmem>>, vector<2x128xf32>
    %get3A_28 = arith.constant 0 : index
    %get3A_29 = arith.constant 0 : index
    %get3A_30 = vector.load %arg3[%get3A_28, %get3A_29] : memref<128x128xf32, #tpu.memory_space<vmem>>, vector<128x128xf32>
    %dot_general3A_31 = arith.constant dense<0.000000e+00> : vector<2x128xf32>
    %dot_general3A_32 = tpu.matmul %get3A_27, %get3A_30, %dot_general3A_31 {dimension_numbers = #tpu.dot_dimension_numbers<[1], [0], [0], [1], [0, 0, 1, 1], [], []>, transpose_lhs_hint = false} : vector<2x128xf32>, vector<128x128xf32>, vector<2x128xf32> -> vector<2x128xf32>
    %slice3A_33 = vector.extract_strided_slice %dot_general3A_32 {offsets = [0, 0], sizes = [1, 128], strides = [1, 1]} : vector<2x128xf32> to vector<1x128xf32>
    %mul3A_34 = arith.mulf %get3A_1, %slice3A_33 : vector<1x128xf32>
    %reduce_sum3A_35 = vector.shape_cast %mul3A_34 : vector<1x128xf32> to vector<1x1x128xf32>
    %reduce_sum3A_36 = arith.constant dense<0.000000e+00> : vector<1xf32>
    %reduce_sum3A_37 = vector.multi_reduction <add>, %reduce_sum3A_35, %reduce_sum3A_36 [1, 2] : vector<1x1x128xf32> to vector<1xf32>
    %reduce_sum3A_38 = vector.shape_cast %reduce_sum3A_37 : vector<1xf32> to vector<1x1x1xf32>
    %reduce_sum3A_39 = vector.extract %reduce_sum3A_38[0, 0, 0] : f32 from vector<1x1x1xf32>
    %slice3A_40 = vector.extract_strided_slice %dot_general3A_32 {offsets = [1, 0], sizes = [1, 128], strides = [1, 1]} : vector<2x128xf32> to vector<1x128xf32>
    %squeeze3A_41 = vector.shape_cast %slice3A_40 : vector<1x128xf32> to vector<128xf32>
    %swap3A_42 = arith.constant 1 : index
    %swap3A_43 = arith.constant 0 : index
    %swap3A_44 = arith.constant 0 : index
    %swap3A_45 = vector.load %arg5[%swap3A_42, %swap3A_43, %swap3A_44] : memref<2x2x128xf32, #tpu.memory_space<vmem>>, vector<1x1x128xf32>
    %swap3A_46 = vector.shape_cast %swap3A_45 : vector<1x1x128xf32> to vector<128xf32>
    %swap3A_47 = vector.shape_cast %squeeze3A_41 : vector<128xf32> to vector<1x1x128xf32>
    tpu.vector_store %arg5[%swap3A_42, %swap3A_43, %swap3A_44], %swap3A_47 {strides = array<i32>} : memref<2x2x128xf32, #tpu.memory_space<vmem>>, vector<1x1x128xf32>,
    %broadcast_in_dim3A_48 = vector.broadcast %reduce_sum3A_39 : f32 to vector<128xf32>
    %swap3A_49 = arith.constant 1 : index
    %swap3A_50 = arith.constant 1 : index
    %swap3A_51 = arith.constant 0 : index
    %swap3A_52 = vector.load %arg5[%swap3A_49, %swap3A_50, %swap3A_51] : memref<2x2x128xf32, #tpu.memory_space<vmem>>, vector<1x1x128xf32>
    %swap3A_53 = vector.shape_cast %swap3A_52 : vector<1x1x128xf32> to vector<128xf32>
    %swap3A_54 = vector.shape_cast %broadcast_in_dim3A_48 : vector<128xf32> to vector<1x1x128xf32>
    tpu.vector_store %arg5[%swap3A_49, %swap3A_50, %swap3A_51], %swap3A_54 {strides = array<i32>} : memref<2x2x128xf32, #tpu.memory_space<vmem>>, vector<1x1x128xf32>,
    return
  }
}

module attributes {stable_mosaic.version = 14 : i64} {
  func.func @_post_body(%arg0: memref<2x32x2x128xf32, #tpu.memory_space<vmem>>, %arg1: memref<28x2x2x128xf32, #tpu.memory_space<vmem>>, %arg2: memref<128x128xf32, #tpu.memory_space<vmem>>, %arg3: memref<128x128xf32, #tpu.memory_space<vmem>>, %arg4: memref<1x128xf32, #tpu.memory_space<vmem>>, %arg5: memref<1x128xf32, #tpu.memory_space<vmem>>, %arg6: memref<1x128xf32, #tpu.memory_space<vmem>>, %arg7: memref<1x128xf32, #tpu.memory_space<vmem>>, %arg8: memref<2x128xf32, #tpu.memory_space<vmem>>, %arg9: memref<1x128xf32, #tpu.memory_space<vmem>>) attributes {dimension_semantics = [], scalar_prefetch = 0 : i64, scratch_operands = 0 : i64, tpu.core_type = #tpu.core_type<tc>} {
    %get3A = arith.constant 0 : index
    %get3A_0 = arith.constant 0 : index
    %get3A_1 = vector.load %arg4[%get3A, %get3A_0] : memref<1x128xf32, #tpu.memory_space<vmem>>, vector<1x128xf32>
    %get3A_2 = arith.constant 0 : index
    %get3A_3 = arith.constant 0 : index
    %get3A_4 = vector.load %arg8[%get3A_2, %get3A_3] : memref<2x128xf32, #tpu.memory_space<vmem>>, vector<1x128xf32>
    %get3A_5 = arith.constant 1 : index
    %get3A_6 = arith.constant 0 : index
    %get3A_7 = vector.load %arg8[%get3A_5, %get3A_6] : memref<2x128xf32, #tpu.memory_space<vmem>>, vector<1x128xf32>
    %get3A_8 = arith.constant 0 : index
    %get3A_9 = arith.constant 0 : index
    %get3A_10 = arith.constant 0 : index
    %get3A_11 = arith.constant 0 : index
    %get3A_12 = vector.load %arg0[%get3A_8, %get3A_9, %get3A_10, %get3A_11] : memref<2x32x2x128xf32, #tpu.memory_space<vmem>>, vector<1x32x1x128xf32>
    %get3A_13 = vector.shape_cast %get3A_12 : vector<1x32x1x128xf32> to vector<32x128xf32>
    %reduce_sum3A = arith.constant dense<0.000000e+00> : vector<128xf32>
    %reduce_sum3A_14 = vector.multi_reduction <add>, %get3A_13, %reduce_sum3A [0] : vector<32x128xf32> to vector<128xf32>
    %broadcast_in_dim3A = vector.shape_cast %reduce_sum3A_14 : vector<128xf32> to vector<1x128xf32>
    %get3A_15 = arith.constant 0 : index
    %get3A_16 = arith.constant 0 : index
    %get3A_17 = arith.constant 0 : index
    %get3A_18 = arith.constant 0 : index
    %get3A_19 = vector.load %arg1[%get3A_15, %get3A_16, %get3A_17, %get3A_18] : memref<28x2x2x128xf32, #tpu.memory_space<vmem>>, vector<28x1x1x128xf32>
    %get3A_20 = vector.shape_cast %get3A_19 : vector<28x1x1x128xf32> to vector<28x128xf32>
    %reduce_sum3A_21 = arith.constant dense<0.000000e+00> : vector<128xf32>
    %reduce_sum3A_22 = vector.multi_reduction <add>, %get3A_20, %reduce_sum3A_21 [0] : vector<28x128xf32> to vector<128xf32>
    %broadcast_in_dim3A_23 = vector.shape_cast %reduce_sum3A_22 : vector<128xf32> to vector<1x128xf32>
    %add3A = arith.addf %broadcast_in_dim3A, %broadcast_in_dim3A_23 : vector<1x128xf32>
    %get3A_24 = arith.constant 0 : index
    %get3A_25 = arith.constant 0 : index
    %get3A_26 = arith.constant 1 : index
    %get3A_27 = arith.constant 0 : index
    %get3A_28 = vector.load %arg0[%get3A_24, %get3A_25, %get3A_26, %get3A_27] : memref<2x32x2x128xf32, #tpu.memory_space<vmem>>, vector<1x32x1x1xf32>
    %get3A_29 = vector.shape_cast %get3A_28 : vector<1x32x1x1xf32> to vector<32x1xf32>
    %reduce_sum3A_30 = vector.shape_cast %get3A_29 : vector<32x1xf32> to vector<1x32x1xf32>
    %reduce_sum3A_31 = arith.constant dense<0.000000e+00> : vector<1xf32>
    %reduce_sum3A_32 = vector.multi_reduction <add>, %reduce_sum3A_30, %reduce_sum3A_31 [1, 2] : vector<1x32x1xf32> to vector<1xf32>
    %reduce_sum3A_33 = vector.shape_cast %reduce_sum3A_32 : vector<1xf32> to vector<1x1x1xf32>
    %reduce_sum3A_34 = vector.extract %reduce_sum3A_33[0, 0, 0] : f32 from vector<1x1x1xf32>
    %get3A_35 = arith.constant 0 : index
    %get3A_36 = arith.constant 0 : index
    %get3A_37 = arith.constant 1 : index
    %get3A_38 = arith.constant 0 : index
    %get3A_39 = vector.load %arg1[%get3A_35, %get3A_36, %get3A_37, %get3A_38] : memref<28x2x2x128xf32, #tpu.memory_space<vmem>>, vector<28x1x1x1xf32>
    %get3A_40 = vector.shape_cast %get3A_39 : vector<28x1x1x1xf32> to vector<28x1xf32>
    %reduce_sum3A_41 = vector.shape_cast %get3A_40 : vector<28x1xf32> to vector<1x28x1xf32>
    %reduce_sum3A_42 = arith.constant dense<0.000000e+00> : vector<1xf32>
    %reduce_sum3A_43 = vector.multi_reduction <add>, %reduce_sum3A_41, %reduce_sum3A_42 [1, 2] : vector<1x28x1xf32> to vector<1xf32>
    %reduce_sum3A_44 = vector.shape_cast %reduce_sum3A_43 : vector<1xf32> to vector<1x1x1xf32>
    %reduce_sum3A_45 = vector.extract %reduce_sum3A_44[0, 0, 0] : f32 from vector<1x1x1xf32>
    %add3A_46 = arith.addf %reduce_sum3A_34, %reduce_sum3A_45 : f32
    %div3A = vector.broadcast %add3A_46 : f32 to vector<1x128xf32>
    %div3A_47 = arith.divf %add3A, %div3A : vector<1x128xf32>
    %get3A_48 = arith.constant 0 : index
    %get3A_49 = arith.constant 0 : index
    %get3A_50 = vector.load %arg2[%get3A_48, %get3A_49] : memref<128x128xf32, #tpu.memory_space<vmem>>, vector<128x128xf32>
    %dot_general3A = arith.constant dense<0.000000e+00> : vector<1x128xf32>
    %dot_general3A_51 = tpu.matmul %div3A_47, %get3A_50, %dot_general3A {dimension_numbers = #tpu.dot_dimension_numbers<[1], [0], [0], [1], [0, 0, 1, 1], [], []>, transpose_lhs_hint = false} : vector<1x128xf32>, vector<128x128xf32>, vector<1x128xf32> -> vector<1x128xf32>
    %gt3A = arith.constant 0.000000e+00 : f32
    %gt3A_52 = vector.broadcast %gt3A : f32 to vector<1x128xf32>
    %gt3A_53 = arith.cmpf ogt, %dot_general3A_51, %gt3A_52 : vector<1x128xf32>
    %exp3A = math.exp %dot_general3A_51 : vector<1x128xf32>
    %sub3A = arith.constant 1.000000e+00 : f32
    %sub3A_54 = vector.broadcast %sub3A : f32 to vector<1x128xf32>
    %sub3A_55 = arith.subf %exp3A, %sub3A_54 : vector<1x128xf32>
    %select_n3A = arith.select %gt3A_53, %dot_general3A_51, %sub3A_55 : vector<1x128xi1>, vector<1x128xf32>
    %mul3A = arith.mulf %get3A_4, %select_n3A : vector<1x128xf32>
    %reduce_sum3A_56 = vector.shape_cast %mul3A : vector<1x128xf32> to vector<1x1x128xf32>
    %reduce_sum3A_57 = arith.constant dense<0.000000e+00> : vector<1xf32>
    %reduce_sum3A_58 = vector.multi_reduction <add>, %reduce_sum3A_56, %reduce_sum3A_57 [1, 2] : vector<1x1x128xf32> to vector<1xf32>
    %reduce_sum3A_59 = vector.shape_cast %reduce_sum3A_58 : vector<1xf32> to vector<1x1x1xf32>
    %reduce_sum3A_60 = vector.extract %reduce_sum3A_59[0, 0, 0] : f32 from vector<1x1x1xf32>
    %get3A_61 = arith.constant 0 : index
    %get3A_62 = arith.constant 0 : index
    %get3A_63 = vector.load %arg5[%get3A_61, %get3A_62] : memref<1x128xf32, #tpu.memory_space<vmem>>, vector<1x128xf32>
    %mul3A_64 = arith.mulf %get3A_7, %get3A_63 : vector<1x128xf32>
    %reduce_sum3A_65 = vector.shape_cast %mul3A_64 : vector<1x128xf32> to vector<1x1x128xf32>
    %reduce_sum3A_66 = arith.constant dense<0.000000e+00> : vector<1xf32>
    %reduce_sum3A_67 = vector.multi_reduction <add>, %reduce_sum3A_65, %reduce_sum3A_66 [1, 2] : vector<1x1x128xf32> to vector<1xf32>
    %reduce_sum3A_68 = vector.shape_cast %reduce_sum3A_67 : vector<1xf32> to vector<1x1x1xf32>
    %reduce_sum3A_69 = vector.extract %reduce_sum3A_68[0, 0, 0] : f32 from vector<1x1x1xf32>
    %add3A_70 = arith.addf %reduce_sum3A_60, %reduce_sum3A_69 : f32
    %get3A_71 = arith.constant 1 : index
    %get3A_72 = arith.constant 0 : index
    %get3A_73 = arith.constant 0 : index
    %get3A_74 = arith.constant 0 : index
    %get3A_75 = vector.load %arg0[%get3A_71, %get3A_72, %get3A_73, %get3A_74] : memref<2x32x2x128xf32, #tpu.memory_space<vmem>>, vector<1x32x1x128xf32>
    %get3A_76 = vector.shape_cast %get3A_75 : vector<1x32x1x128xf32> to vector<32x128xf32>
    %reduce_sum3A_77 = arith.constant dense<0.000000e+00> : vector<128xf32>
    %reduce_sum3A_78 = vector.multi_reduction <add>, %get3A_76, %reduce_sum3A_77 [0] : vector<32x128xf32> to vector<128xf32>
    %broadcast_in_dim3A_79 = vector.shape_cast %reduce_sum3A_78 : vector<128xf32> to vector<1x128xf32>
    %get3A_80 = arith.constant 0 : index
    %get3A_81 = arith.constant 1 : index
    %get3A_82 = arith.constant 0 : index
    %get3A_83 = arith.constant 0 : index
    %get3A_84 = vector.load %arg1[%get3A_80, %get3A_81, %get3A_82, %get3A_83] : memref<28x2x2x128xf32, #tpu.memory_space<vmem>>, vector<28x1x1x128xf32>
    %get3A_85 = vector.shape_cast %get3A_84 : vector<28x1x1x128xf32> to vector<28x128xf32>
    %reduce_sum3A_86 = arith.constant dense<0.000000e+00> : vector<128xf32>
    %reduce_sum3A_87 = vector.multi_reduction <add>, %get3A_85, %reduce_sum3A_86 [0] : vector<28x128xf32> to vector<128xf32>
    %broadcast_in_dim3A_88 = vector.shape_cast %reduce_sum3A_87 : vector<128xf32> to vector<1x128xf32>
    %add3A_89 = arith.addf %broadcast_in_dim3A_79, %broadcast_in_dim3A_88 : vector<1x128xf32>
    %get3A_90 = arith.constant 1 : index
    %get3A_91 = arith.constant 0 : index
    %get3A_92 = arith.constant 1 : index
    %get3A_93 = arith.constant 0 : index
    %get3A_94 = vector.load %arg0[%get3A_90, %get3A_91, %get3A_92, %get3A_93] : memref<2x32x2x128xf32, #tpu.memory_space<vmem>>, vector<1x32x1x1xf32>
    %get3A_95 = vector.shape_cast %get3A_94 : vector<1x32x1x1xf32> to vector<32x1xf32>
    %reduce_sum3A_96 = vector.shape_cast %get3A_95 : vector<32x1xf32> to vector<1x32x1xf32>
    %reduce_sum3A_97 = arith.constant dense<0.000000e+00> : vector<1xf32>
    %reduce_sum3A_98 = vector.multi_reduction <add>, %reduce_sum3A_96, %reduce_sum3A_97 [1, 2] : vector<1x32x1xf32> to vector<1xf32>
    %reduce_sum3A_99 = vector.shape_cast %reduce_sum3A_98 : vector<1xf32> to vector<1x1x1xf32>
    %reduce_sum3A_100 = vector.extract %reduce_sum3A_99[0, 0, 0] : f32 from vector<1x1x1xf32>
    %get3A_101 = arith.constant 0 : index
    %get3A_102 = arith.constant 1 : index
    %get3A_103 = arith.constant 1 : index
    %get3A_104 = arith.constant 0 : index
    %get3A_105 = vector.load %arg1[%get3A_101, %get3A_102, %get3A_103, %get3A_104] : memref<28x2x2x128xf32, #tpu.memory_space<vmem>>, vector<28x1x1x1xf32>
    %get3A_106 = vector.shape_cast %get3A_105 : vector<28x1x1x1xf32> to vector<28x1xf32>
    %reduce_sum3A_107 = vector.shape_cast %get3A_106 : vector<28x1xf32> to vector<1x28x1xf32>
    %reduce_sum3A_108 = arith.constant dense<0.000000e+00> : vector<1xf32>
    %reduce_sum3A_109 = vector.multi_reduction <add>, %reduce_sum3A_107, %reduce_sum3A_108 [1, 2] : vector<1x28x1xf32> to vector<1xf32>
    %reduce_sum3A_110 = vector.shape_cast %reduce_sum3A_109 : vector<1xf32> to vector<1x1x1xf32>
    %reduce_sum3A_111 = vector.extract %reduce_sum3A_110[0, 0, 0] : f32 from vector<1x1x1xf32>
    %add3A_112 = arith.addf %reduce_sum3A_100, %reduce_sum3A_111 : f32
    %div3A_113 = vector.broadcast %add3A_112 : f32 to vector<1x128xf32>
    %div3A_114 = arith.divf %add3A_89, %div3A_113 : vector<1x128xf32>
    %get3A_115 = arith.constant 0 : index
    %get3A_116 = arith.constant 0 : index
    %get3A_117 = vector.load %arg3[%get3A_115, %get3A_116] : memref<128x128xf32, #tpu.memory_space<vmem>>, vector<128x128xf32>
    %dot_general3A_118 = arith.constant dense<0.000000e+00> : vector<1x128xf32>
    %dot_general3A_119 = tpu.matmul %div3A_114, %get3A_117, %dot_general3A_118 {dimension_numbers = #tpu.dot_dimension_numbers<[1], [0], [0], [1], [0, 0, 1, 1], [], []>, transpose_lhs_hint = false} : vector<1x128xf32>, vector<128x128xf32>, vector<1x128xf32> -> vector<1x128xf32>
    %gt3A_120 = arith.constant 0.000000e+00 : f32
    %gt3A_121 = vector.broadcast %gt3A_120 : f32 to vector<1x128xf32>
    %gt3A_122 = arith.cmpf ogt, %dot_general3A_119, %gt3A_121 : vector<1x128xf32>
    %exp3A_123 = math.exp %dot_general3A_119 : vector<1x128xf32>
    %sub3A_124 = arith.constant 1.000000e+00 : f32
    %sub3A_125 = vector.broadcast %sub3A_124 : f32 to vector<1x128xf32>
    %sub3A_126 = arith.subf %exp3A_123, %sub3A_125 : vector<1x128xf32>
    %select_n3A_127 = arith.select %gt3A_122, %dot_general3A_119, %sub3A_126 : vector<1x128xi1>, vector<1x128xf32>
    %mul3A_128 = arith.mulf %get3A_4, %select_n3A_127 : vector<1x128xf32>
    %reduce_sum3A_129 = vector.shape_cast %mul3A_128 : vector<1x128xf32> to vector<1x1x128xf32>
    %reduce_sum3A_130 = arith.constant dense<0.000000e+00> : vector<1xf32>
    %reduce_sum3A_131 = vector.multi_reduction <add>, %reduce_sum3A_129, %reduce_sum3A_130 [1, 2] : vector<1x1x128xf32> to vector<1xf32>
    %reduce_sum3A_132 = vector.shape_cast %reduce_sum3A_131 : vector<1xf32> to vector<1x1x1xf32>
    %reduce_sum3A_133 = vector.extract %reduce_sum3A_132[0, 0, 0] : f32 from vector<1x1x1xf32>
    %get3A_134 = arith.constant 0 : index
    %get3A_135 = arith.constant 0 : index
    %get3A_136 = vector.load %arg6[%get3A_134, %get3A_135] : memref<1x128xf32, #tpu.memory_space<vmem>>, vector<1x128xf32>
    %mul3A_137 = arith.mulf %get3A_7, %get3A_136 : vector<1x128xf32>
    %reduce_sum3A_138 = vector.shape_cast %mul3A_137 : vector<1x128xf32> to vector<1x1x128xf32>
    %reduce_sum3A_139 = arith.constant dense<0.000000e+00> : vector<1xf32>
    %reduce_sum3A_140 = vector.multi_reduction <add>, %reduce_sum3A_138, %reduce_sum3A_139 [1, 2] : vector<1x1x128xf32> to vector<1xf32>
    %reduce_sum3A_141 = vector.shape_cast %reduce_sum3A_140 : vector<1xf32> to vector<1x1x1xf32>
    %reduce_sum3A_142 = vector.extract %reduce_sum3A_141[0, 0, 0] : f32 from vector<1x1x1xf32>
    %add3A_143 = arith.addf %reduce_sum3A_133, %reduce_sum3A_142 : f32
    %mul3A_144 = arith.mulf %get3A_4, %get3A_1 : vector<1x128xf32>
    %reduce_sum3A_145 = vector.shape_cast %mul3A_144 : vector<1x128xf32> to vector<1x1x128xf32>
    %reduce_sum3A_146 = arith.constant dense<0.000000e+00> : vector<1xf32>
    %reduce_sum3A_147 = vector.multi_reduction <add>, %reduce_sum3A_145, %reduce_sum3A_146 [1, 2] : vector<1x1x128xf32> to vector<1xf32>
    %reduce_sum3A_148 = vector.shape_cast %reduce_sum3A_147 : vector<1xf32> to vector<1x1x1xf32>
    %reduce_sum3A_149 = vector.extract %reduce_sum3A_148[0, 0, 0] : f32 from vector<1x1x1xf32>
    %get3A_150 = arith.constant 0 : index
    %get3A_151 = arith.constant 0 : index
    %get3A_152 = vector.load %arg7[%get3A_150, %get3A_151] : memref<1x128xf32, #tpu.memory_space<vmem>>, vector<1x128xf32>
    %mul3A_153 = arith.mulf %get3A_7, %get3A_152 : vector<1x128xf32>
    %reduce_sum3A_154 = vector.shape_cast %mul3A_153 : vector<1x128xf32> to vector<1x1x128xf32>
    %reduce_sum3A_155 = arith.constant dense<0.000000e+00> : vector<1xf32>
    %reduce_sum3A_156 = vector.multi_reduction <add>, %reduce_sum3A_154, %reduce_sum3A_155 [1, 2] : vector<1x1x128xf32> to vector<1xf32>
    %reduce_sum3A_157 = vector.shape_cast %reduce_sum3A_156 : vector<1xf32> to vector<1x1x1xf32>
    %reduce_sum3A_158 = vector.extract %reduce_sum3A_157[0, 0, 0] : f32 from vector<1x1x1xf32>
    %add3A_159 = arith.addf %reduce_sum3A_149, %reduce_sum3A_158 : f32
    %max3A = arith.maximumf %add3A_70, %add3A_143 : f32
    %max3A_160 = arith.maximumf %max3A, %add3A_159 : f32
    %sub3A_161 = arith.subf %add3A_70, %max3A_160 : f32
    %exp3A_162 = math.exp %sub3A_161 : f32
    %sub3A_163 = arith.subf %add3A_143, %max3A_160 : f32
    %exp3A_164 = math.exp %sub3A_163 : f32
    %sub3A_165 = arith.subf %add3A_159, %max3A_160 : f32
    %exp3A_166 = math.exp %sub3A_165 : f32
    %add3A_167 = arith.addf %exp3A_162, %exp3A_164 : f32
    %add3A_168 = arith.addf %add3A_167, %exp3A_166 : f32
    %mul3A_169 = vector.broadcast %exp3A_166 : f32 to vector<1x128xf32>
    %mul3A_170 = arith.mulf %mul3A_169, %get3A_1 : vector<1x128xf32>
    %mul3A_171 = vector.broadcast %exp3A_162 : f32 to vector<1x128xf32>
    %mul3A_172 = arith.mulf %mul3A_171, %select_n3A : vector<1x128xf32>
    %add3A_173 = arith.addf %mul3A_170, %mul3A_172 : vector<1x128xf32>
    %mul3A_174 = vector.broadcast %exp3A_164 : f32 to vector<1x128xf32>
    %mul3A_175 = arith.mulf %mul3A_174, %select_n3A_127 : vector<1x128xf32>
    %add3A_176 = arith.addf %add3A_173, %mul3A_175 : vector<1x128xf32>
    %div3A_177 = vector.broadcast %add3A_168 : f32 to vector<1x128xf32>
    %div3A_178 = arith.divf %add3A_176, %div3A_177 : vector<1x128xf32>
    %swap3A = arith.constant 0 : index
    %swap3A_179 = arith.constant 0 : index
    %swap3A_180 = vector.load %arg9[%swap3A, %swap3A_179] : memref<1x128xf32, #tpu.memory_space<vmem>>, vector<1x128xf32>
    tpu.vector_store %arg9[%swap3A, %swap3A_179], %div3A_178 {strides = array<i32>} : memref<1x128xf32, #tpu.memory_space<vmem>>, vector<1x128xf32>,
    return
  }
}

module attributes {stable_mosaic.version = 14 : i64} {
  func.func @_tc_flash_body(%arg0: i32, %arg1: memref<2000x128xf32, #tpu.memory_space<vmem>>, %arg2: memref<2000x128xf32, #tpu.memory_space<vmem>>, %arg3: memref<128x1xf32, #tpu.memory_space<vmem>>, %arg4: memref<1x1xf32, #tpu.memory_space<vmem>>, %arg5: memref<128x1xf32, #tpu.memory_space<vmem>>, %arg6: memref<1x1xf32, #tpu.memory_space<vmem>>, %arg7: memref<1x2x2x128xf32, #tpu.memory_space<vmem>>) attributes {dimension_semantics = [#tpu.dimension_semantics<arbitrary>], iteration_bounds = array<i64: 28>, scalar_prefetch = 0 : i64, scratch_operands = 0 : i64, tpu.core_type = #tpu.core_type<tc>, window_params = [{transform_indices = @transform_0, window_bounds = array<i64: 2000, 128>}, {transform_indices = @transform_1, window_bounds = array<i64: 2000, 128>}, {pipeline_mode = #tpu.pipeline_mode<synchronous>, transform_indices = @transform_2, window_bounds = array<i64: 128, 1>}, {pipeline_mode = #tpu.pipeline_mode<synchronous>, transform_indices = @transform_3, window_bounds = array<i64: 1, 1>}, {pipeline_mode = #tpu.pipeline_mode<synchronous>, transform_indices = @transform_4, window_bounds = array<i64: 128, 1>}, {pipeline_mode = #tpu.pipeline_mode<synchronous>, transform_indices = @transform_5, window_bounds = array<i64: 1, 1>}, {transform_indices = @transform_6, window_bounds = array<i64: 1, 2, 2, 128>}]} {
    %get3A = arith.constant 0 : index
    %get3A_0 = arith.constant 0 : index
    %get3A_1 = vector.load %arg1[%get3A, %get3A_0] : memref<2000x128xf32, #tpu.memory_space<vmem>>, vector<2000x128xf32>
    %get3A_2 = arith.constant 0 : index
    %get3A_3 = arith.constant 0 : index
    %get3A_4 = vector.load %arg3[%get3A_2, %get3A_3] : memref<128x1xf32, #tpu.memory_space<vmem>>, vector<128x1xf32>
    %dot_general3A = arith.constant dense<0.000000e+00> : vector<2000x1xf32>
    %dot_general3A_5 = tpu.matmul %get3A_1, %get3A_4, %dot_general3A {dimension_numbers = #tpu.dot_dimension_numbers<[1], [0], [0], [1], [0, 0, 1, 1], [], []>, transpose_lhs_hint = false} : vector<2000x128xf32>, vector<128x1xf32>, vector<2000x1xf32> -> vector<2000x1xf32>
    %get3A_6 = arith.constant 0 : index
    %get3A_7 = arith.constant 0 : index
    %get3A_8 = vector.load %arg4[%get3A_6, %get3A_7] : memref<1x1xf32, #tpu.memory_space<vmem>>, vector<1x1xf32>
    %add3A = vector.broadcast %get3A_8 : vector<1x1xf32> to vector<2000x1xf32>
    %add3A_9 = arith.addf %dot_general3A_5, %add3A : vector<2000x1xf32>
    %gt3A = arith.constant 0.000000e+00 : f32
    %gt3A_10 = vector.broadcast %gt3A : f32 to vector<2000x1xf32>
    %gt3A_11 = arith.cmpf ogt, %add3A_9, %gt3A_10 : vector<2000x1xf32>
    %mul3A = arith.constant 2.000000e-01 : f32
    %mul3A_12 = vector.broadcast %mul3A : f32 to vector<2000x1xf32>
    %mul3A_13 = arith.mulf %mul3A_12, %add3A_9 : vector<2000x1xf32>
    %select_n3A = arith.select %gt3A_11, %add3A_9, %mul3A_13 : vector<2000x1xi1>, vector<2000x1xf32>
    %exp3A = math.exp %select_n3A : vector<2000x1xf32>
    %get3A_14 = arith.constant 0 : index
    %get3A_15 = arith.constant 0 : index
    %get3A_16 = vector.load %arg1[%get3A_14, %get3A_15] : memref<2000x128xf32, #tpu.memory_space<vmem>>, vector<2000x128xf32>
    %dot_general3A_17 = arith.constant dense<0.000000e+00> : vector<1x128xf32>
    %dot_general3A_18 = tpu.matmul %exp3A, %get3A_16, %dot_general3A_17 {dimension_numbers = #tpu.dot_dimension_numbers<[0], [0], [1], [1], [0, 1, 1, 1], [], []>, transpose_lhs_hint = false} : vector<2000x1xf32>, vector<2000x128xf32>, vector<1x128xf32> -> vector<1x128xf32>
    %squeeze3A = vector.shape_cast %dot_general3A_18 : vector<1x128xf32> to vector<128xf32>
    %swap3A = arith.constant 0 : index
    %swap3A_19 = arith.constant 0 : index
    %swap3A_20 = arith.constant 0 : index
    %swap3A_21 = arith.constant 0 : index
    %swap3A_22 = vector.load %arg7[%swap3A, %swap3A_19, %swap3A_20, %swap3A_21] : memref<1x2x2x128xf32, #tpu.memory_space<vmem>>, vector<1x1x1x128xf32>
    %swap3A_23 = vector.shape_cast %swap3A_22 : vector<1x1x1x128xf32> to vector<128xf32>
    %swap3A_24 = vector.shape_cast %squeeze3A : vector<128xf32> to vector<1x1x1x128xf32>
    tpu.vector_store %arg7[%swap3A, %swap3A_19, %swap3A_20, %swap3A_21], %swap3A_24 {strides = array<i32>} : memref<1x2x2x128xf32, #tpu.memory_space<vmem>>, vector<1x1x1x128xf32>,
    %reduce_sum3A = vector.shape_cast %exp3A : vector<2000x1xf32> to vector<1x2000x1xf32>
    %reduce_sum3A_25 = arith.constant dense<0.000000e+00> : vector<1xf32>
    %reduce_sum3A_26 = vector.multi_reduction <add>, %reduce_sum3A, %reduce_sum3A_25 [1, 2] : vector<1x2000x1xf32> to vector<1xf32>
    %reduce_sum3A_27 = vector.shape_cast %reduce_sum3A_26 : vector<1xf32> to vector<1x1x1xf32>
    %reduce_sum3A_28 = vector.extract %reduce_sum3A_27[0, 0, 0] : f32 from vector<1x1x1xf32>
    %broadcast_in_dim3A = vector.broadcast %reduce_sum3A_28 : f32 to vector<128xf32>
    %swap3A_29 = arith.constant 0 : index
    %swap3A_30 = arith.constant 0 : index
    %swap3A_31 = arith.constant 1 : index
    %swap3A_32 = arith.constant 0 : index
    %swap3A_33 = vector.load %arg7[%swap3A_29, %swap3A_30, %swap3A_31, %swap3A_32] : memref<1x2x2x128xf32, #tpu.memory_space<vmem>>, vector<1x1x1x128xf32>
    %swap3A_34 = vector.shape_cast %swap3A_33 : vector<1x1x1x128xf32> to vector<128xf32>
    %swap3A_35 = vector.shape_cast %broadcast_in_dim3A : vector<128xf32> to vector<1x1x1x128xf32>
    tpu.vector_store %arg7[%swap3A_29, %swap3A_30, %swap3A_31, %swap3A_32], %swap3A_35 {strides = array<i32>} : memref<1x2x2x128xf32, #tpu.memory_space<vmem>>, vector<1x1x1x128xf32>,
    %get3A_36 = arith.constant 0 : index
    %get3A_37 = arith.constant 0 : index
    %get3A_38 = vector.load %arg2[%get3A_36, %get3A_37] : memref<2000x128xf32, #tpu.memory_space<vmem>>, vector<2000x128xf32>
    %get3A_39 = arith.constant 0 : index
    %get3A_40 = arith.constant 0 : index
    %get3A_41 = vector.load %arg5[%get3A_39, %get3A_40] : memref<128x1xf32, #tpu.memory_space<vmem>>, vector<128x1xf32>
    %dot_general3A_42 = arith.constant dense<0.000000e+00> : vector<2000x1xf32>
    %dot_general3A_43 = tpu.matmul %get3A_38, %get3A_41, %dot_general3A_42 {dimension_numbers = #tpu.dot_dimension_numbers<[1], [0], [0], [1], [0, 0, 1, 1], [], []>, transpose_lhs_hint = false} : vector<2000x128xf32>, vector<128x1xf32>, vector<2000x1xf32> -> vector<2000x1xf32>
    %get3A_44 = arith.constant 0 : index
    %get3A_45 = arith.constant 0 : index
    %get3A_46 = vector.load %arg6[%get3A_44, %get3A_45] : memref<1x1xf32, #tpu.memory_space<vmem>>, vector<1x1xf32>
    %add3A_47 = vector.broadcast %get3A_46 : vector<1x1xf32> to vector<2000x1xf32>
    %add3A_48 = arith.addf %dot_general3A_43, %add3A_47 : vector<2000x1xf32>
    %gt3A_49 = arith.constant 0.000000e+00 : f32
    %gt3A_50 = vector.broadcast %gt3A_49 : f32 to vector<2000x1xf32>
    %gt3A_51 = arith.cmpf ogt, %add3A_48, %gt3A_50 : vector<2000x1xf32>
    %mul3A_52 = arith.constant 2.000000e-01 : f32
    %mul3A_53 = vector.broadcast %mul3A_52 : f32 to vector<2000x1xf32>
    %mul3A_54 = arith.mulf %mul3A_53, %add3A_48 : vector<2000x1xf32>
    %select_n3A_55 = arith.select %gt3A_51, %add3A_48, %mul3A_54 : vector<2000x1xi1>, vector<2000x1xf32>
    %exp3A_56 = math.exp %select_n3A_55 : vector<2000x1xf32>
    %get3A_57 = arith.constant 0 : index
    %get3A_58 = arith.constant 0 : index
    %get3A_59 = vector.load %arg2[%get3A_57, %get3A_58] : memref<2000x128xf32, #tpu.memory_space<vmem>>, vector<2000x128xf32>
    %dot_general3A_60 = arith.constant dense<0.000000e+00> : vector<1x128xf32>
    %dot_general3A_61 = tpu.matmul %exp3A_56, %get3A_59, %dot_general3A_60 {dimension_numbers = #tpu.dot_dimension_numbers<[0], [0], [1], [1], [0, 1, 1, 1], [], []>, transpose_lhs_hint = false} : vector<2000x1xf32>, vector<2000x128xf32>, vector<1x128xf32> -> vector<1x128xf32>
    %squeeze3A_62 = vector.shape_cast %dot_general3A_61 : vector<1x128xf32> to vector<128xf32>
    %swap3A_63 = arith.constant 0 : index
    %swap3A_64 = arith.constant 1 : index
    %swap3A_65 = arith.constant 0 : index
    %swap3A_66 = arith.constant 0 : index
    %swap3A_67 = vector.load %arg7[%swap3A_63, %swap3A_64, %swap3A_65, %swap3A_66] : memref<1x2x2x128xf32, #tpu.memory_space<vmem>>, vector<1x1x1x128xf32>
    %swap3A_68 = vector.shape_cast %swap3A_67 : vector<1x1x1x128xf32> to vector<128xf32>
    %swap3A_69 = vector.shape_cast %squeeze3A_62 : vector<128xf32> to vector<1x1x1x128xf32>
    tpu.vector_store %arg7[%swap3A_63, %swap3A_64, %swap3A_65, %swap3A_66], %swap3A_69 {strides = array<i32>} : memref<1x2x2x128xf32, #tpu.memory_space<vmem>>, vector<1x1x1x128xf32>,
    %reduce_sum3A_70 = vector.shape_cast %exp3A_56 : vector<2000x1xf32> to vector<1x2000x1xf32>
    %reduce_sum3A_71 = arith.constant dense<0.000000e+00> : vector<1xf32>
    %reduce_sum3A_72 = vector.multi_reduction <add>, %reduce_sum3A_70, %reduce_sum3A_71 [1, 2] : vector<1x2000x1xf32> to vector<1xf32>
    %reduce_sum3A_73 = vector.shape_cast %reduce_sum3A_72 : vector<1xf32> to vector<1x1x1xf32>
    %reduce_sum3A_74 = vector.extract %reduce_sum3A_73[0, 0, 0] : f32 from vector<1x1x1xf32>
    %broadcast_in_dim3A_75 = vector.broadcast %reduce_sum3A_74 : f32 to vector<128xf32>
    %swap3A_76 = arith.constant 0 : index
    %swap3A_77 = arith.constant 1 : index
    %swap3A_78 = arith.constant 1 : index
    %swap3A_79 = arith.constant 0 : index
    %swap3A_80 = vector.load %arg7[%swap3A_76, %swap3A_77, %swap3A_78, %swap3A_79] : memref<1x2x2x128xf32, #tpu.memory_space<vmem>>, vector<1x1x1x128xf32>
    %swap3A_81 = vector.shape_cast %swap3A_80 : vector<1x1x1x128xf32> to vector<128xf32>
    %swap3A_82 = vector.shape_cast %broadcast_in_dim3A_75 : vector<128xf32> to vector<1x1x1x128xf32>
    tpu.vector_store %arg7[%swap3A_76, %swap3A_77, %swap3A_78, %swap3A_79], %swap3A_82 {strides = array<i32>} : memref<1x2x2x128xf32, #tpu.memory_space<vmem>>, vector<1x1x1x128xf32>,
    return
  }
  func.func @transform_0(%arg0: i32) -> (i32, i32) {
    %add3A = arith.constant 22 : i32
    %add3A_0 = arith.addi %add3A, %arg0 : i32
    %c0_i32 = arith.constant 0 : i32
    %c0_i32_1 = arith.constant 0 : i32
    return %add3A_0, %c0_i32 : i32, i32
  }
  func.func @transform_1(%arg0: i32) -> (i32, i32) {
    %add3A = arith.constant 22 : i32
    %add3A_0 = arith.addi %add3A, %arg0 : i32
    %c0_i32 = arith.constant 0 : i32
    %c0_i32_1 = arith.constant 0 : i32
    return %add3A_0, %c0_i32 : i32, i32
  }
  func.func @transform_2(%arg0: i32) -> (i32, i32) {
    %c0_i32 = arith.constant 0 : i32
    %c0_i32_0 = arith.constant 0 : i32
    %c0_i32_1 = arith.constant 0 : i32
    return %c0_i32, %c0_i32_0 : i32, i32
  }
  func.func @transform_3(%arg0: i32) -> (i32, i32) {
    %c0_i32 = arith.constant 0 : i32
    %c0_i32_0 = arith.constant 0 : i32
    %c0_i32_1 = arith.constant 0 : i32
    return %c0_i32, %c0_i32_0 : i32, i32
  }
  func.func @transform_4(%arg0: i32) -> (i32, i32) {
    %c0_i32 = arith.constant 0 : i32
    %c0_i32_0 = arith.constant 0 : i32
    %c0_i32_1 = arith.constant 0 : i32
    return %c0_i32, %c0_i32_0 : i32, i32
  }
  func.func @transform_5(%arg0: i32) -> (i32, i32) {
    %c0_i32 = arith.constant 0 : i32
    %c0_i32_0 = arith.constant 0 : i32
    %c0_i32_1 = arith.constant 0 : i32
    return %c0_i32, %c0_i32_0 : i32, i32
  }
  func.func @transform_6(%arg0: i32) -> (i32, i32, i32, i32) {
    %c0_i32 = arith.constant 0 : i32
    %c0_i32_0 = arith.constant 0 : i32
    %c0_i32_1 = arith.constant 0 : i32
    %c0_i32_2 = arith.constant 0 : i32
    return %arg0, %c0_i32, %c0_i32_0, %c0_i32_1 : i32, i32, i32, i32
  }
}

</mosaic_0001>

<sc_bundles>
// kernel: kernel.6.cloned.1.call-start
scs
__scs_entry_jumppad:
0x0: {  	(pc) =	sbr.rel $0x88, $3  }
0x1: {  	(tag) =	ssettag $0x0;
	lr =	simm.s32 $0x1  }
0x2: {  	[smem:$0x3F96] =	sst lr;
	_ =	strace $0xD0000000  }
0x3: {  	_ = 	snop  }
0x4: {  	_ = 	snop  }
0x5: {  	_ = 	snop  }
0x6: {  	_ = 	snop  }
0x7: {  	_ = 	snop  }
__scs_overlays_trampoline_lowered:
0x8: {  	[smem:$0x3FA5] =	sst s0  }
0x9: {  	[smem:$0x3FA6] =	sst s1  }
0xa: {  	[smem:$0x3FA7] =	sst s2  }
0xb: {  	[smem:$0x3FA8] =	sst s3  }
0xc: {  	[smem:$0x3FA9] =	sst s4  }
0xd: {  	[smem:$0x3FAA] =	sst s5  }
0xe: {  	[smem:$0x3FAB] =	sst s6  }
0xf: {  	[smem:$0x3FAC] =	sst s7  }
0x10: {  	[smem:$0x3FAD] =	sst s8  }
0x11: {  	[smem:$0x3FAE] =	sst s9;
	s0 =	simm.s32 @!p0 $0x0  }
0x12: {  	s1 =	sld [smem:$0x3F94];
	s0 =	simm.s32 @p0 $0x1  }
0x13: {  	[smem:$0x3FAF] =	sst s0;
	s0 =	simm.s32 @!p1 $0x0  }
0x14: {  	s2 =	sld [smem:$0x3F93];
	s0 =	simm.s32 @p1 $0x1  }
0x15: {  	[smem:$0x3FB0] =	sst s0;
	s0 =	simm.s32 @!p2 $0x0  }
0x16: {  	s3 =	sld [smem:$0x3FDB];
	s0 =	simm.s32 @p2 $0x1  }
0x17: {  	s4 =	simm.s32 $0x1BF5;
	[smem:$0x3FB2] =	sst s0  }
0x18: {  	s0 =	sld [smem:$0x3F95];
	_ =	swait.ge [sflag:s4], $0x0  }
0x19: {  	s7 =	sld [smem:$0x3F96]  }
0x1a: {  	s8 =	sadd.s32 $0xFFFFE003, lr  }
0x1b: {  	s9 =	sadd.s32 $0xFFFFFEF7, lr;
	s5 =	simm.s32 $0xFFFFFFFF;
	p2 =	slt.u32 s8, $0xFFFFF086  }
0x1c: {  	p1 =	slt.u32 s9, $0xF7A;
	s5 =	simm.s32 @!p2 $0x0  }
0x1d: {  	s5 =	simm.s32 @p1 $0x1;
	p0 =	seq.s32 s7, s2  }
0x1e: {  	s7 =	smul.u32 @!p0 $0xF7A, s2;
	p2 =	seq.s32 @!p0 s5, $0x0  }
0x1f: {  	s9 =	smul.u32 $0xF7A, s1;
	s8 =	simm.s32 @!p0 $0x1BF5;
	p2 =	por !p2, p0  }
0x20: {  	[sflag:s8] =	ssyncset.s32 @!p0 $0xFFFFF086;
	s6 =	sadd.s32 @!p0 s3, s7;
	s7 =	simm.s32 @!p0 $0x108  }
0x21: {  	s3 =	sadd.s32 s3, s9;
	s6 =	sadd.s32 @!p0 $0x88, s6;
	s7 =	simm.s32 @p2 $0x1082  }
0x22: {  	[simem:s7], [sflag:s8] =	dma.local @!p0 [hbm:s6], $0xF7A  }
0x23: {  	s9 =	sor.u32 $0xD0000000, s2;
	s6 =	simm.s32 $0x108;
	_ =	swait.ge @!p0 [sflag:s8], $0x0  }
0x24: {  	s3 =	sadd.s32 $0x88, s3;
	s6 =	simm.s32 @!p1 $0x1082;
	[sflag:s4] =	ssyncset.s32 $0xFFFFF086  }
0x25: {  	[simem:s6], [sflag:s4] =	dma.local [hbm:s3], $0xF7A  }
0x26: {  	[smem:$0x3F96] =	sst s1;
	(tag) =	ssettag s2;
	_ =	strace s9  }
0x27: {  	s1 =	sld [smem:$0x3FA6]  }
0x28: {  	s2 =	sld [smem:$0x3FA7]  }
0x29: {  	s4 =	sld [smem:$0x3FA9]  }
0x2a: {  	p0 =	seq.s32 s5, $0x0;
	s5 =	sld [smem:$0x3FAA]  }
0x2b: {  	s6 =	sld [smem:$0x3FAB]  }
0x2c: {  	s7 =	sld [smem:$0x3FAC]  }
0x2d: {  	s3 =	simm.s32 $0x108;
	s8 =	sld [smem:$0x3FAD]  }
0x2e: {  	s3 =	simm.s32 @!p0 $0x1082;
	s9 =	sld [smem:$0x3FAE]  }
0x2f: {  	lr =	sadd.s32 s0, s3;
	s0 =	sld [smem:$0x3FA5]  }
0x30: {  	s3 =	sld [smem:$0x3FA8]  }
0x31: {  	[smem:$0x3FB1] =	sst s10  }
0x32: {  	s10 =	sld [smem:$0x3FAF];
	_ =	sdelay $0x3  }
0x33: {  	p0 =	seq.s32 s10, $0x1;
	s10 =	sld [smem:$0x3FB1];
	_ =	sdelay $0x3  }
0x34: {  	[smem:$0x3FB1] =	sst s10  }
0x35: {  	s10 =	sld [smem:$0x3FB0];
	_ =	sdelay $0x3  }
0x36: {  	p1 =	seq.s32 s10, $0x1;
	s10 =	sld [smem:$0x3FB1];
	_ =	sdelay $0x3  }
0x37: {  	[smem:$0x3FB1] =	sst s10  }
0x38: {  	s10 =	sld [smem:$0x3FB2]  }
0x39: {  	_ = 	snop;
	(pc) =	sbr.ind lr, $3  }
0x3a: {  	_ = 	snop  }
0x3b: {  	_ = 	snop  }
0x3c: {  	p2 =	seq.s32 s10, $0x1;
	s10 =	sld [smem:$0x3FB1]  }
0x3d: {  	_ =	shalt  }
0x3e: {  	_ =	shalt  }
0x3f: {  	_ =	shalt  }
0x40: {  	_ =	shalt  }
0x41: {  	_ =	shalt  }
0x42: {  	_ =	shalt  }
0x43: {  	_ =	shalt  }
0x44: {  	_ =	shalt  }
0x45: {  	_ =	shalt  }
0x46: {  	_ =	shalt  }
0x47: {  	_ =	shalt  }
0x48: {  	_ =	shalt  }
0x49: {  	_ =	shalt  }
0x4a: {  	_ =	shalt  }
0x4b: {  	_ =	shalt  }
0x4c: {  	_ =	shalt  }
0x4d: {  	_ =	shalt  }
0x4e: {  	_ =	shalt  }
0x4f: {  	_ =	shalt  }
0x50: {  	_ =	shalt  }
0x51: {  	_ =	shalt  }
0x52: {  	_ =	shalt  }
0x53: {  	_ =	shalt  }
0x54: {  	_ =	shalt  }
0x55: {  	_ =	shalt  }
0x56: {  	_ =	shalt  }
0x57: {  	_ =	shalt  }
0x58: {  	_ =	shalt  }
0x59: {  	_ =	shalt  }
0x5a: {  	_ =	shalt  }
0x5b: {  	_ =	shalt  }
0x5c: {  	_ =	shalt  }
0x5d: {  	_ =	shalt  }
0x5e: {  	_ =	shalt  }
0x5f: {  	_ =	shalt  }
0x60: {  	_ =	shalt  }
0x61: {  	_ =	shalt  }
0x62: {  	_ =	shalt  }
0x63: {  	_ =	shalt  }
0x64: {  	_ =	shalt  }
0x65: {  	_ =	shalt  }
0x66: {  	_ =	shalt  }
0x67: {  	_ =	shalt  }
0x68: {  	_ =	shalt  }
0x69: {  	_ =	shalt  }
0x6a: {  	_ =	shalt  }
0x6b: {  	_ =	shalt  }
0x6c: {  	_ =	shalt  }
0x6d: {  	_ =	shalt  }
0x6e: {  	_ =	shalt  }
0x6f: {  	_ =	shalt  }
0x70: {  	_ =	shalt  }
0x71: {  	_ =	shalt  }
0x72: {  	_ =	shalt  }
0x73: {  	_ =	shalt  }
0x74: {  	_ =	shalt  }
0x75: {  	_ =	shalt  }
0x76: {  	_ =	shalt  }
0x77: {  	_ =	shalt  }
0x78: {  	_ =	shalt  }
0x79: {  	_ =	shalt  }
0x7a: {  	_ =	shalt  }
0x7b: {  	_ =	shalt  }
0x7c: {  	_ =	shalt  }
0x7d: {  	_ =	shalt  }
0x7e: {  	_ =	shalt  }
0x7f: {  	_ =	shalt  }
0x80: {  	_ =	shalt  }
0x81: {  	_ =	shalt  }
0x82: {  	_ =	shalt  }
0x83: {  	_ =	shalt  }
0x84: {  	_ =	shalt  }
0x85: {  	_ =	shalt  }
0x86: {  	_ =	shalt  }
0x87: {  	_ =	shalt  }
.Lfunc_end0:
.L_simem_size_0:
called_computation_lowered:
.L_overlay_start_0:
0x88: {  	s2 =	sld [smem:$0x3FD9]  }
0x89: {  	s3 =	sld [smem:$0x3FFE];
	_ =	sdelay $0x1  }
0x8a: {  	s1 =	srdreg.scid  }
0x8b: {  	s0 =	sand.u32 $0x1, s1  }
0x8c: {  	s17 =	sshll.u32 s0, $0xA;
	s2 =	sadd.s32 s3, s2  }
0x8d: {  	s2 =	sadd.s32 s2, s17  }
0x8e: {  	[smem:$0x3FBD] =	sst s2  }
0x8f: {  	_ = 	snop  }
0x90: {  	s2 =	sld [smem:$0x3FC8]  }
0x91: {  	s18 =	sld [smem:$0x3FC7];
	(tm) =	ssettm $0x1  }
0x92: {  	s4 =	sld [smem:$0x3FFB];
	_ =	sdelay $0x3  }
0x93: {  	_ =	strace s4  }
0x94: {  	s4 =	sld [smem:$0x3FFC];
	_ =	sdelay $0x3  }
0x95: {  	_ =	strace s4  }
0x96: {  	s4 =	sld [smem:$0x3FFD];
	_ =	sdelay $0x3  }
0x97: {  	_ =	strace s4  }
0x98: {  	_ =	strace $0x8FFFFFFF  }
0x99: {  	s19 =	sld [smem:$0x3FDB];
	_ =	sdelay $0x1  }
0x9a: {  	s5 =	simm.s32 $_scs_section_size  }
0x9b: {  	s6 =	simm.s32 $_size__tile_overlayer_lowered;
	s7 =	simm.s32 $_tile_overlayer_lowered  }
0x9c: {  	s22 =	simm.s32 $0x1BFF;
	s21 =	sshll.u32 s7, $0x1;
	s4 =	sadd.s32 s5, s19  }
0x9d: {  	s8 =	simm.s32 $0x0;
	s20 =	sshll.u32 s6, $0x1;
	s6 =	sadd.s32 s21, s4  }
0x9e: {  	[timem:s8], [sflag:s22] =	dma.local [hbm:s6], s20  }
0x9f: {  	_ =	swait.ge [sflag:s22], s20  }
0xa0: {  	s5 =	ssub.s32 $0x0, s20;
	[sflag:s22] =	ssyncset.done $0x0  }
0xa1: {  	[sflag:s22] =	ssyncadd.s32 s5;
	_ =	sdelay $0x1  }
0xa2: {  	s23 =	simm.s32 $0x1B8B  }
0xa3: {  	_ =	swait.ge [sflag:s23], $0x1  }
0xa4: {  	[sflag:s23] =	ssyncset.done $0x0  }
0xa5: {  	s25 =	simm.s32 $0x1B8E;
	s24 =	sld [smem:$0x3FFE];
	[sflag:s23] =	ssyncadd.s32 $0xFFFFFFFF  }
0xa6: {  	s26 =	simm.s32 $execute0_lowered;
	[smem:$0x3FD2] =	sst s25  }
0xa7: {  	s6 =	sshll.u32 s26, $0x1;
	_ =	strace $0x80000046;
	[dreg:$0x1] =	wrdreg $0xFFFFFFFF  }
0xa8: {  	s28 =	simm.s32 $_size_execute0_lowered;
	s4 =	sadd.s32 s4, s6;
	[dreg:$0x0] =	wrdreg $0x0  }
0xa9: {  	s6 =	sshll.u32 s28, $0x1;
	[dreg:$0x2] =	wrdreg s4  }
0xaa: {  	[dreg:$0x3] =	wrdreg s6  }
0xab: {  	[dreg:$0x4] =	wrdreg $0xC0  }
0xac: {  	_ =	task [dreg:s8], $0x5FFFF  }
0xad: {  	[dreg:$0x1] =	wrdreg $0xFFFFFFFF  }
0xae: {  	[dreg:$0x0] =	wrdreg $0x60  }
0xaf: {  	[dreg:$0x2] =	wrdreg s2  }
0xb0: {  	[dreg:$0x3] =	wrdreg s18  }
0xb1: {  	[dreg:$0x4] =	wrdreg s24  }
0xb2: {  	[dreg:$0x5] =	wrdreg $0x9  }
0xb3: {  	_ =	task.clear_ibuf [dreg:s8], $0x6FFFF;
	_ =	strace $0x90000046  }
0xb4: {  	s29 =	simm.s32 $0x9;
	_ =	strace $0x80000048  }
0xb5: {  	_ =	swait.ge [sflag:s29], $0x1  }
0xb6: {  	[sflag:s29] =	ssyncadd.s32 $0xFFFFFFFF  }
0xb7: {  	_ =	strace $0x90000048  }
0xb8: {  	_ =	sfence  }
0xb9: {  	s30 =	sld [smem:$0x0];
	_ =	sdelay $0x2  }
0xba: {  	s31 =	sshll.u32 s1, $0xD;
	s1 =	sshrl.u32 s1, $0x2  }
0xbb: {  	s3 =	sand.u32 $0x4000, s31;
	s1 =	sadd.s32 s1, s30  }
0xbc: {  	s0 =	sor.u32 s3, s0;
	s1 =	sshll.u32 s1, $0x11  }
0xbd: {  	s0 =	sor.u32 s1, s0  }
0xbe: {  	s0 =	sadd.s32 $0x8F2B, s0  }
0xbf: {  	[sflag:s0] =	ssyncadd.remote.s32 $0x1  }
0xc0: {  	_ =	sfence.sel $0xFFFF  }
0xc1: {  	[dreg:$0x0] =	wrdreg $0xFFFFFFFF;
	(pc) =	sbr.abs _section_cstart, $3  }
0xc2: {  	[dreg:$0x1] =	wrdreg $0xFFFFFFFF  }
0xc3: {  	_ =	task.clear_ibuf [dreg:s8], $0x2FFFF;
	_ =	strace $0x9FFFFFFF  }
0xc4: {  	(tm) =	ssettm $0x7FFFFFFF  }
0xc5: {  	_ =	shalt  }
tec
execute0_lowered:
.L_overlay_start_1:
0x0: {  	(tag) =	ssettag $0x1  }
0x1: {  	s1 =	rddreg [dreg:$0x0]  }
0x2: {  	s3 =	rddreg [dreg:$0x1]  }
0x3: {  	s0 =	rddreg [dreg:$0x2];
	s2 =	srdreg.scid  }
0x4: {  	s5 =	stileid.u32;
	s4 =	simm.s32 $0x0;
	s15 =	simm.s32 $0x7D00  }
0x5: {  	s16 =	simm.s32 $0x3;
	s17 =	simm.s32 $0x3E80;
	s18 =	simm.s32 $0x1  }
0x6: {  	s19 =	simm.s32 $0x7F00;
	s20 =	simm.s32 $0x7F10;
	s21 =	simm.s32 $0x7F20  }
0x7: {  	s22 =	simm.s32 $0x7F30;
	s23 =	simm.s32 $0x7F40;
	s24 =	simm.s32 $0x7F50  }
0x8: {  	s25 =	simm.s32 $0x7F60;
	s26 =	simm.s32 $0x7F70;
	s28 =	simm.s32 $0x7F80  }
0x9: {  	s29 =	simm.s32 $0x2;
	s2 =	sand.u32 $0x1, s2;
	s5 =	sshll.u32 s5, $0x1  }
0xa: {  	s30 =	simm.s32 $0x0;
	[smem:$0x7FF] =	sst s4;
	s6 =	sor.u32 s2, s5  }
0xb: {  	_ =	strace $0x80000047;
	s5 =	sadd.s32 $0x2200, s0;
	s7 =	smul.u32 $0x2AF80, s6  }
0xc: {  	s2 =	ssub.s32 $0x2, s2;
	s8 =	sshll.u32 s6, $0x5;
	s11 =	smul.u32 $0x55F0, s6  }
0xd: {  	s9 =	smul.u32 $0x55F, s6;
	s10 =	sshrl.u32 s2, $0x1;
	s0 =	sadd.s32 s8, s0  }
0xe: {  	s2 =	ssub.s32 s2, s10;
	s31 =	sshrl.u32 s7, $0x3;
	s6 =	sadd.s32 s1, s11  }
0xf: {  	s8 =	sadd.s32 $0xFA, s9;
	s9 =	sadd.s32 $0x177, s9;
	s10 =	sadd.s32 $0x2400, s0  }
0x10: {  	s11 =	sadd.s32 s3, s11;
	s13 =	sadd.s32 $0x2800, s0;
	s12 =	sadd.s32 $0x7D0, s31  }
0x11: {  	v55 =	vimm.s32 $0xF;
	s14 =	smax.u32 s2, $0x1;
	s7 =	sadd.s32 s1, s12;
	s12 =	sadd.s32 s3, s12  }
.LBB2_1:
0x12: {  	[tilespmem:s15], [sflag:$0x3] =	stream.linear.gather [hbm4b:s5+s4], $0x200, $0x38;
	[tilespmem:$0x8000] =	vst v63  }
0x13: {  	_ =	swait.ge [sflag:s16], $0x200  }
0x14: {  	[sflag:s16] =	ssyncset.done $0x0  }
0x15: {  	v0 =	vimm.f32 $0.0e+00;
	[sflag:s16] =	ssyncadd.s32 $0xFFFFFE00  }
0x16: {  	[tilespmem:$0x7F00] =	vst v0  }
0x17: {  	[tilespmem:$0x7F80] =	vst v0  }
0x18: {  	[tilespmem:$0x7F10] =	vst v0  }
0x19: {  	[tilespmem:$0x7F90] =	vst v0  }
0x1a: {  	[tilespmem:$0x7F20] =	vst v0  }
0x1b: {  	[tilespmem:$0x7FA0] =	vst v0  }
0x1c: {  	[tilespmem:$0x7F30] =	vst v0  }
0x1d: {  	[tilespmem:$0x7FB0] =	vst v0  }
0x1e: {  	v31 =	vld [tilespmem:$0x7D00];
	[tilespmem:$0x7F40] =	vst v0  }
0x1f: {  	v56 =	vld [tilespmem:$0x7D10];
	[tilespmem:$0x7FC0] =	vst v0  }
0x20: {  	v57 =	vld [tilespmem:$0x7D20];
	[tilespmem:$0x7F50] =	vst v0  }
0x21: {  	v58 =	vld [tilespmem:$0x7D30];
	[tilespmem:$0x7FD0] =	vst v0  }
0x22: {  	v59 =	vld [tilespmem:$0x7D40];
	[tilespmem:$0x7F60] =	vst v0  }
0x23: {  	v32 =	vld [tilespmem:$0x7D50];
	[tilespmem:$0x7FE0] =	vst v0  }
0x24: {  	v60 =	vld [tilespmem:$0x7D60];
	[tilespmem:$0x7F70] =	vst v0  }
0x25: {  	v61 =	vld [tilespmem:$0x7D70];
	[tilespmem:$0x7FF0] =	vst v0  }
0x26: {  	v33 =	vld [tilespmem:$0x7D80];
	[tilespmem:s4], [sflag:$0x1] =	stream.linear.gather [hbm4b:s6+s4], $0x3E80, $0x38  }
0x27: {  	_ = 	snop  }
0x28: {  	[tilespmem:s17], [sflag:$0x2] =	stream.linear.gather [hbm4b:s7+s4], $0x3E80, $0x38;
	[tilespmem:$0x8000] =	vst v63  }
0x29: {  	[tilespmem:$0x1FFD0] =	vst v31  }
0x2a: {  	[tilespmem:$0x1FFE0] =	vst v32  }
0x2b: {  	s31 =	simm.s32 $0x0;
	[tilespmem:$0x1FFF0] =	vst v33  }
.LBB2_2:
0x2c: {  	_ =	swait.ge [sflag:s18], $0x3E80  }
0x2d: {  	[sflag:s18] =	ssyncset.done $0x0  }
0x2e: {  	s0 =	simm.s32 $0x140;
	[sflag:s18] =	ssyncadd.s32 $0xFFFFC180  }
0x2f: {  	v6 =	vld [tilespmem:s0+$0xC0]  }
0x30: {  	v42 =	vld [tilespmem:s0+$0xD0]  }
0x31: {  	v41 =	vld [tilespmem:s0+$0xE0]  }
0x32: {  	v40 =	vld [tilespmem:s0+$0xF0]  }
0x33: {  	v37 =	vld [tilespmem:s0+$0x100]  }
0x34: {  	v8 =	vld [tilespmem:s0+$0x110]  }
0x35: {  	v27 =	vld [tilespmem:s0+$0x120]  }
0x36: {  	v4 =	vld [tilespmem:s0+$0x130]  }
0x37: {  	v23 =	vld [tilespmem:s0+$0xFFFFFED0]  }
0x38: {  	v19 =	vld [tilespmem:s0+$0xFFFFFEE0]  }
0x39: {  	v20 =	vld [tilespmem:s0+$0xFFFFFEF0]  }
0x3a: {  	v21 =	vld [tilespmem:s0+$0xFFFFFF00]  }
0x3b: {  	v25 =	vld [tilespmem:s0+$0xFFFFFF10];
	v0 =	vmul.f32 v6, v31;
	v1 =	vmul.f32 v42, v56  }
0x3c: {  	v29 =	vld [tilespmem:s0+$0xFFFFFF40];
	v2 =	vmul.f32 v41, v57;
	v3 =	vmul.f32 v40, v58  }
0x3d: {  	v35 =	vld [tilespmem:s0+$0xFFFFFF50];
	v5 =	vmul.f32 v37, v59;
	v11 =	vmul.f32 v8, v32  }
0x3e: {  	v38 =	vld [tilespmem:s0+$0xFFFFFF60];
	v12 =	vmul.f32 v27, v60;
	v13 =	vmul.f32 v4, v61  }
0x3f: {  	v9 =	vld [tilespmem:s0+$0xFFFFFF70];
	v0 =	vadd.f32 v1, v0;
	v1 =	vadd.f32 v3, v2  }
0x40: {  	v10 =	vld [tilespmem:s0+$0xFFFFFF80];
	v2 =	vadd.f32 v11, v5;
	v3 =	vadd.f32 v13, v12  }
0x41: {  	v28 =	vld [tilespmem:s0+$0xFFFFFF90]  }
0x42: {  	v22 =	vld [tilespmem:s0+$0xFFFFFFA0];
	v0 =	vadd.f32 v1, v0;
	v1 =	vadd.f32 v3, v2  }
0x43: {  	v26 =	vld [tilespmem:s0+$0xFFFFFFF0]  }
0x44: {  	v2 =	vadd.f32 v1, v0;
	v1 =	vld [tilespmem:s0+$0xFFFFFFB0]  }
0x45: {  	v7 =	vld [tilespmem:s0+$0x0];
	v63 =	vmul.f32 v29, v31  }
0x46: {  	v36 =	vld [tilespmem:s0+$0x20];
	v14 =	vmul.f32 v9, v58;
	v15 =	vmul.f32 v10, v59;
	(xrf2) =	vadd.scan.msk.f32 $0xffff, v2  }
0x47: {  	v39 =	vld [tilespmem:s0+$0x30];
	v12 =	vmul.f32 v35, v56;
	v13 =	vmul.f32 v38, v57  }
0x48: {  	v16 =	vmul.f32 v28, v32;
	v17 =	vmul.f32 v22, v60;
	v5 =	vld [tilespmem:s0+$0xFFFFFFE0]  }
0x49: {  	v3 =	vld [tilespmem:s0+$0xFFFFFFD0];
	v11 =	vadd.f32 v12, v63;
	v12 =	vadd.f32 v14, v13;
	v18 =	vmul.f32 v1, v61  }
0x4a: {  	v13 =	vmul.f32 v19, v57;
	v14 =	vadd.f32 v16, v15;
	v16 =	vmul.f32 v20, v58;
	v2 =	vld [tilespmem:s0+$0xFFFFFFC0]  }
0x4b: {  	v30 =	vld [tilespmem:s0+$0x10];
	v62 =	vmul.f32 v36, v60;
	v15 =	vadd.f32 v18, v17  }
0x4c: {  	v24 =	vld [tilespmem:s0+$0xFFFFFF20];
	v50 =	vmul.f32 v39, v61;
	v43 =	vadd.f32 v12, v11;
	v48 =	vadd.f32 v16, v13  }
0x4d: {  	v34 =	vld [tilespmem:s0+$0x40];
	v16 =	vmul.f32 v26, v58;
	v46 =	vmul.f32 v5, v57;
	v14 =	vadd.f32 v15, v14  }
0x4e: {  	v52 =	vld [tilespmem:s0+$0xFFFFFEC0];
	v17 =	vmul.f32 v21, v59;
	v18 =	vmul.f32 v25, v32  }
0x4f: {  	v0 =	vld [tilespmem:s0+$0xFFFFFF30];
	v45 =	vmul.f32 v3, v56;
	v15 =	vmul.f32 v2, v31;
	v43 =	vadd.f32 v14, v43  }
0x50: {  	v12 =	vld [tilespmem:s0+$0x50];
	v49 =	vadd.f32 v18, v17;
	v17 =	vmul.f32 v7, v59;
	v18 =	vmul.f32 v30, v32;
	v47, _, _ =	vpop (xrf2)  }
0x51: {  	v13 =	vld [tilespmem:s0+$0x60];
	v46 =	vadd.f32 v16, v46;
	v11 =	vadd.f32 v45, v15;
	v47 =	vperm.xlane v47, v55;
	(xrf2) =	vadd.scan.msk.f32 $0xffff, v43  }
0x52: {  	v16 =	vld [tilespmem:s0+$0x90];
	v54 =	vadd.f32 v18, v17;
	v45 =	vadd.f32 v50, v62  }
0x53: {  	v44 =	vmul.f32 v24, v60;
	v15 =	vld [tilespmem:s0+$0x80];
	v47 =	vadd.f32 v47, v33  }
0x54: {  	v53 =	vmul.f32 v23, v56;
	v17 =	vld [tilespmem:s0+$0xA0];
	v43 =	vadd.f32 v46, v11;
	v45 =	vadd.f32 v45, v54  }
0x55: {  	v51 =	vmul.f32 v0, v61;
	v14 =	vld [tilespmem:s0+$0x70];
	v63 =	vmul.f32 $2.000000030e-01, v47  }
0x56: {  	v18 =	vld [tilespmem:s0+$0xB0];
	v62 =	vmul.f32 v52, v31;
	v43 =	vadd.f32 v45, v43;
	vm0 =	vgt.f32 v47, $0.0e+00  }
0x57: {  	v46 =	vmul.f32 v34, v31;
	v11 =	vmul.f32 v12, v56;
	v47 =	vsel vm0, v47, v63  }
0x58: {  	v44 =	vadd.f32 v51, v44;
	v50 =	vmul.f32 v13, v57;
	(xrf2) =	vadd.scan.msk.f32 $0xffff, v43;
	v47 =	vmul.f32 $1.442695020e+00, v47  }
0x59: {  	v45 =	vadd.f32 v11, v46;
	v54 =	vmul.f32 v15, v59;
	v46 =	vmul.f32 v17, v60  }
0x5a: {  	v43 =	vadd.f32 v53, v62;
	v63 =	vmul.f32 v14, v58;
	(erf) = vpow2.f32 v47  }
0x5b: {  	v44 =	vadd.f32 v44, v49;
	v11 =	vmul.f32 v18, v61;
	v47 =	vmul.f32 v16, v32;
	v62, _, _ =	vpop (xrf2)  }
0x5c: {  	v43 =	vadd.f32 v48, v43;
	v49 =	vadd.f32 v63, v50;
	v63 =	vperm.xlane v62, v55  }
0x5d: {  	v46 =	vadd.f32 v11, v46;
	v47 =	vadd.f32 v47, v54  }
0x5e: {  	v43 =	vadd.f32 v44, v43;
	v11 =	vadd.f32 v63, v33  }
0x5f: {  	v49 =	vadd.f32 v49, v45;
	v50 =	vadd.f32 v46, v47  }
0x60: {  	(xrf2) =	vadd.scan.msk.f32 $0xffff, v43;
	v51 =	vmul.f32 $2.000000030e-01, v11  }
0x61: {  	v53 =	vadd.f32 v50, v49;
	vm12 =	vgt.f32 v11, $0.0e+00  }
0x62: {  	v62, _, _ =	vpop (xrf2);
	v54 =	vsel vm12, v11, v51  }
0x63: {  	v43 =	vperm.xlane v62, v55;
	(xrf2) =	vadd.scan.msk.f32 $0xffff, v53;
	v44 =	vmul.f32 $1.442695020e+00, v54;
	v63 =	vpop (erf)  }
0x64: {  	v6 =	vmul.f32 v63, v6  }
0x65: {  	v43 =	vadd.f32 v43, v33;
	v42 =	vmul.f32 v63, v42;
	(erf) = vpow2.f32 v44  }
0x66: {  	[tilespmem:s19+$0x0] =	vst.add.f32.msk $0xffff, v6;
	v6 =	vmul.f32 v63, v41  }
0x67: {  	v40 =	vmul.f32 v63, v40;
	v47 =	vmul.f32 $2.000000030e-01, v43;
	[tilespmem:s20+$0x0] =	vst.add.f32.msk $0xffff, v42  }
0x68: {  	vm13 =	vgt.f32 v43, $0.0e+00;
	[tilespmem:s21+$0x0] =	vst.add.f32.msk $0xffff, v6;
	v6 =	vmul.f32 v63, v37  }
0x69: {  	v49 =	vsel vm13, v43, v47;
	[tilespmem:s22+$0x0] =	vst.add.f32.msk $0xffff, v40  }
0x6a: {  	v48, _, _ =	vpop (xrf2);
	[tilespmem:s23+$0x0] =	vst.add.f32.msk $0xffff, v6;
	v6 =	vmul.f32 v63, v27;
	v27 =	vmul.f32 $1.442695020e+00, v49  }
0x6b: {  	v8 =	vmul.f32 v63, v8;
	v37 =	vperm.xlane v48, v55;
	_ =	sdelay $0x1  }
0x6c: {  	v4 =	vmul.f32 v63, v4;
	v50 =	vadd.f32 v37, v33;
	[tilespmem:s24+$0x0] =	vst.add.f32.msk $0xffff, v8;
	v51, _, _ =	vpop (xrf2);
	(erf) = vpow2.f32 v27  }
0x6d: {  	[tilespmem:s25+$0x0] =	vst.add.f32.msk $0xffff, v6;
	v6 =	vperm.xlane v51, v55;
	v27 =	vpop (erf)  }
0x6e: {  	[tilespmem:s26+$0x0] =	vst.add.f32.msk $0xffff, v4;
	v4 =	vmul.f32 $2.000000030e-01, v50;
	v53 =	vmul.f32 v27, v29  }
0x6f: {  	vm14 =	vgt.f32 v50, $0.0e+00;
	[tilespmem:s28+$0x0] =	vst.add.f32.msk $0xffff, v63;
	v35 =	vmul.f32 v27, v35  }
0x70: {  	v54 =	vmul.f32 v27, v38;
	v6 =	vadd.f32 v6, v33;
	v4 =	vsel vm14, v50, v4;
	[tilespmem:s19+$0x0] =	vst.add.f32.msk $0xffff, v53  }
0x71: {  	v55 =	vmul.f32 v27, v9;
	v4 =	vmul.f32 $1.442695020e+00, v4;
	[tilespmem:s20+$0x0] =	vst.add.f32.msk $0xffff, v35  }
0x72: {  	v62 =	vmul.f32 v27, v10;
	v63 =	vmul.f32 $2.000000030e-01, v6;
	[tilespmem:s21+$0x0] =	vst.add.f32.msk $0xffff, v54  }
0x73: {  	v28 =	vmul.f32 v27, v28;
	vm15 =	vgt.f32 v6, $0.0e+00;
	(erf) = vpow2.f32 v4;
	[tilespmem:s22+$0x0] =	vst.add.f32.msk $0xffff, v55  }
0x74: {  	v4 =	vmul.f32 v27, v22;
	v6 =	vsel vm15, v6, v63;
	[tilespmem:s23+$0x0] =	vst.add.f32.msk $0xffff, v62  }
0x75: {  	v1 =	vmul.f32 v27, v1;
	v6 =	vmul.f32 $1.442695020e+00, v6;
	v22 =	vpop (erf);
	[tilespmem:s24+$0x0] =	vst.add.f32.msk $0xffff, v28  }
0x76: {  	v2 =	vmul.f32 v22, v2;
	[tilespmem:s25+$0x0] =	vst.add.f32.msk $0xffff, v4  }
0x77: {  	(erf) = vpow2.f32 v6;
	[tilespmem:s26+$0x0] =	vst.add.f32.msk $0xffff, v1  }
0x78: {  	v1 =	vmul.f32 v22, v3;
	[tilespmem:s19+$0x0] =	vst.add.f32.msk $0xffff, v2  }
0x79: {  	v3 =	vmul.f32 v22, v5;
	[tilespmem:s28+$0x0] =	vst.add.f32.msk $0xffff, v27  }
0x7a: {  	v2 =	vmul.f32 v22, v26;
	[tilespmem:s20+$0x0] =	vst.add.f32.msk $0xffff, v1  }
0x7b: {  	v28 =	vmul.f32 v22, v39;
	v1 =	vmul.f32 v22, v7;
	[tilespmem:s21+$0x0] =	vst.add.f32.msk $0xffff, v3  }
0x7c: {  	v5 =	vmul.f32 v22, v30;
	v30 =	vmul.f32 v22, v36;
	v37 =	vpop (erf);
	[tilespmem:s22+$0x0] =	vst.add.f32.msk $0xffff, v2  }
0x7d: {  	v49 =	vmov v58;
	v2 =	vmul.f32 v37, v52;
	v6 =	vmul.f32 v37, v23;
	[tilespmem:s23+$0x0] =	vst.add.f32.msk $0xffff, v1  }
0x7e: {  	v35 =	vmovc v56;
	v36 =	vmov v57;
	v4 =	vmul.f32 v37, v19;
	v3 =	vmul.f32 v37, v21;
	[tilespmem:s24+$0x0] =	vst.add.f32.msk $0xffff, v5  }
0x7f: {  	v62 =	vmul.f32 v37, v25;
	v0 =	vmul.f32 v37, v0;
	v25 =	vmovc v60;
	v23 =	vmov v61;
	[tilespmem:s19+$0x0] =	vst.add.f32.msk $0xffff, v2  }
0x80: {  	s2 =	simm.s32 $0x3C0;
	s0 =	simm.s32 $0x0;
	v1 =	vmul.f32 v37, v20;
	v2 =	vmul.f32 v37, v24;
	v24 =	vmov v59;
	v19 =	vpop (erf);
	[tilespmem:s20+$0x0] =	vst.add.f32.msk $0xffff, v6  }
.LBB2_3:
0x81: {  	v5 =	vmul.f32 v19, v34  }
0x82: {  	v61 =	vld [tilespmem:s2+$0xC0]  }
0x83: {  	v59 =	vld [tilespmem:s2+$0xD0];
	[tilespmem:$0x1FF10] =	vst v5;
	v5 =	vmul.f32 v19, v12  }
0x84: {  	v60 =	vld [tilespmem:s2+$0xE0]  }
0x85: {  	v57 =	vld [tilespmem:s2+$0xF0];
	[tilespmem:$0x1FF20] =	vst v5;
	v5 =	vmul.f32 v19, v13  }
0x86: {  	v55 =	vld [tilespmem:s2+$0x100]  }
0x87: {  	v50 =	vld [tilespmem:s2+$0x110];
	[tilespmem:$0x1FF30] =	vst v5;
	v5 =	vmul.f32 v19, v14  }
0x88: {  	v43 =	vld [tilespmem:s2+$0x120]  }
0x89: {  	v41 =	vld [tilespmem:s2+$0x130];
	[tilespmem:$0x1FF40] =	vst v5;
	v5 =	vmul.f32 v19, v15  }
0x8a: {  	v7 =	vld [tilespmem:s2+$0xFFFFFEE0]  }
0x8b: {  	v8 =	vld [tilespmem:s2+$0xFFFFFEF0];
	[tilespmem:$0x1FF50] =	vst v5;
	v5 =	vmul.f32 v19, v16  }
0x8c: {  	v9 =	vld [tilespmem:s2+$0xFFFFFF00]  }
0x8d: {  	v21 =	vld [tilespmem:s2+$0xFFFFFF10];
	v11 =	vmul.f32 v59, v35;
	[tilespmem:$0x1FF60] =	vst v5;
	v5 =	vmul.f32 v19, v17  }
0x8e: {  	v26 =	vld [tilespmem:s2+$0xFFFFFF20];
	v12 =	vmul.f32 v60, v36;
	v13 =	vmul.f32 v57, v49  }
0x8f: {  	v27 =	vld [tilespmem:s2+$0xFFFFFF30];
	v14 =	vmul.f32 v55, v24;
	[tilespmem:$0x1FF70] =	vst v5;
	v5 =	vmul.f32 v19, v18  }
0x90: {  	v38 =	vld [tilespmem:s2+$0xFFFFFF40];
	v15 =	vmul.f32 v50, v32;
	v16 =	vmul.f32 v43, v25  }
0x91: {  	v39 =	vld [tilespmem:s2+$0xFFFFFF50];
	v17 =	vmul.f32 v41, v23;
	[tilespmem:$0x1FF80] =	vst v5;
	v5 =	vmul.f32 v61, v31  }
0x92: {  	v48 =	vld [tilespmem:s2+$0xFFFFFF60];
	v54 =	vadd.f32 v13, v12;
	v13 =	vadd.f32 v15, v14  }
0x93: {  	v42 =	vld [tilespmem:s2+$0xFFFFFF70];
	v14 =	vadd.f32 v17, v16;
	v5 =	vadd.f32 v11, v5  }
0x94: {  	v51 =	vld [tilespmem:s2+$0xFFFFFF80];
	v12 =	vmul.f32 v7, v36  }
0x95: {  	v40 =	vld [tilespmem:s2+$0xFFFFFF90];
	v15 =	vmul.f32 v8, v49;
	v56 =	vadd.f32 v14, v13;
	v5 =	vadd.f32 v54, v5  }
0x96: {  	v45 =	vld [tilespmem:s2+$0xFFFFFFA0];
	v58 =	vmul.f32 v27, v23  }
0x97: {  	v46 =	vld [tilespmem:s2+$0xFFFFFFB0];
	[tilespmem:$0x1FFA0] =	vst v7;
	v7 =	vadd.f32 v15, v12;
	v12 =	vmul.f32 v26, v25;
	v5 =	vadd.f32 v56, v5  }
0x98: {  	v47 =	vld [tilespmem:s2+$0xFFFFFFC0];
	v16 =	vmul.f32 v9, v24;
	v13 =	vmul.f32 v21, v32  }
0x99: {  	v44 =	vld [tilespmem:s2+$0xFFFFFFD0];
	(xrf2) =	vadd.scan.msk.f32 $0xffff, v5  }
0x9a: {  	v53 =	vld [tilespmem:s2+$0xFFFFFFF0];
	v13 =	vadd.f32 v13, v16;
	v5 =	vadd.f32 v58, v12  }
0x9b: {  	v52 =	vld [tilespmem:s2+$0xFFFFFFE0];
	v63 =	vmul.f32 v39, v35;
	v14 =	vmul.f32 v38, v31  }
0x9c: {  	[tilespmem:$0x1FFB0] =	vst v8;
	v12 =	vmul.f32 v48, v36;
	v8 =	vadd.f32 v5, v13;
	v5 =	vmul.f32 v42, v49  }
0x9d: {  	v11 =	vadd.f32 v63, v14;
	v14 =	vmul.f32 v40, v32;
	v13 =	vmul.f32 v51, v24  }
0x9e: {  	v15 =	vmul.f32 v46, v23;
	v5 =	vadd.f32 v5, v12;
	v12 =	vmul.f32 v45, v25  }
0x9f: {  	v34 =	vmul.f32 v47, v31;
	v17 =	vmul.f32 v53, v49;
	v56 =	vld [tilespmem:s2+$0x10];
	v13 =	vadd.f32 v14, v13  }
0xa0: {  	v63 =	vld [tilespmem:s2+$0x30];
	v14 =	vmul.f32 v44, v35;
	v12 =	vadd.f32 v15, v12;
	v15 =	vmul.f32 v52, v36  }
0xa1: {  	v54 =	vld [tilespmem:s2+$0x0]  }
0xa2: {  	v58 =	vld [tilespmem:s2+$0x20];
	v18 =	vadd.f32 v14, v34;
	v17 =	vadd.f32 v17, v15  }
0xa3: {  	v20 =	vimm.s32 $0xF;
	v34 =	vld [tilespmem:s2+$0x40];
	v16, _, _ =	vpop (xrf2)  }
0xa4: {  	v10 =	vmul.f32 v56, v32;
	v32 =	vadd.f32 v17, v18;
	v17 =	vld [tilespmem:$0x1FFD0];
	v14 =	vperm.xlane v16, v20  }
0xa5: {  	v16 =	vadd.f32 v12, v13;
	v12 =	vld [tilespmem:s2+$0x50]  }
0xa6: {  	[tilespmem:$0x1FFC0] =	vst v9;
	v9 =	vmul.f32 v54, v24;
	v5 =	vadd.f32 v5, v11;
	v13 =	vld [tilespmem:s2+$0x60];
	v11 =	vadd.f32 v14, v33  }
0xa7: {  	v31 =	vmul.f32 v63, v23;
	v29 =	vmul.f32 v58, v25;
	v14 =	vld [tilespmem:s2+$0x70]  }
0xa8: {  	v6 =	vld [tilespmem:s2+$0xFFFFFED0];
	v9 =	vadd.f32 v10, v9;
	v5 =	vadd.f32 v16, v5;
	v10 =	vmul.f32 $2.000000030e-01, v11  }
0xa9: {  	v29 =	vadd.f32 v31, v29;
	v15 =	vld [tilespmem:s2+$0x80];
	vm0 =	vgt.f32 v11, $0.0e+00  }
0xaa: {  	v16 =	vld [tilespmem:s2+$0x90];
	v33 =	vmul.f32 v34, v17;
	(xrf2) =	vadd.scan.msk.f32 $0xffff, v5;
	v5 =	vsel vm0, v11, v10  }
0xab: {  	v9 =	vadd.f32 v29, v9;
	v31 =	vmul.f32 v12, v35;
	v11 =	vmul.f32 $1.442695020e+00, v5;
	v5 =	vld [tilespmem:s2+$0xFFFFFEC0]  }
0xac: {  	v10 =	vmul.f32 v13, v36;
	v29 =	vmul.f32 v14, v49;
	[tilespmem:s21+$0x0] =	vst.add.f32.msk $0xffff, v4  }
0xad: {  	v4 =	vadd.f32 v9, v32;
	v32 =	vld [tilespmem:$0x1FFE0]  }
0xae: {  	v18 =	vld [tilespmem:s2+$0xB0];
	v31 =	vadd.f32 v31, v33;
	v10 =	vadd.f32 v29, v10  }
0xaf: {  	v17 =	vld [tilespmem:s2+$0xA0]  }
0xb0: {  	(erf) = vpow2.f32 v11;
	v10 =	vadd.f32 v10, v31;
	v31 =	vld [tilespmem:$0x1FFD0]  }
0xb1: {  	(xrf2) =	vadd.scan.msk.f32 $0xffff, v4  }
0xb2: {  	v33 =	vmul.f32 v15, v24;
	[tilespmem:s22+$0x0] =	vst.add.f32.msk $0xffff, v1;
	v9 =	vmul.f32 v16, v32  }
0xb3: {  	[tilespmem:s23+$0x0] =	vst.add.f32.msk $0xffff, v3  }
0xb4: {  	[tilespmem:$0x1FF90] =	vst v6;
	v1 =	vmul.f32 v17, v25;
	v11 =	vmul.f32 v18, v23;
	v9 =	vadd.f32 v9, v33;
	v33 =	vld [tilespmem:$0x1FFF0]  }
0xb5: {  	v6 =	vmul.f32 v6, v35;
	[tilespmem:s24+$0x0] =	vst.add.f32.msk $0xffff, v62;
	v4 =	vmul.f32 v5, v31  }
0xb6: {  	v1 =	vadd.f32 v11, v1;
	[tilespmem:s25+$0x0] =	vst.add.f32.msk $0xffff, v2;
	v3, _, _ =	vpop (xrf2)  }
0xb7: {  	[tilespmem:s26+$0x0] =	vst.add.f32.msk $0xffff, v0;
	v0 =	vperm.xlane v3, v20;
	v2 =	vadd.f32 v6, v4  }
0xb8: {  	v1 =	vadd.f32 v1, v9  }
0xb9: {  	v3 =	vpop (erf);
	v0 =	vadd.f32 v0, v33;
	v2 =	vadd.f32 v7, v2  }
0xba: {  	[tilespmem:s28+$0x0] =	vst.add.f32.msk $0xffff, v37;
	v1 =	vadd.f32 v1, v10;
	v4 =	vmul.f32 v3, v61  }
0xbb: {  	v61 =	vld [tilespmem:$0x1FF10];
	v6, _, _ =	vpop (xrf2);
	v7 =	vmul.f32 v3, v59;
	v37 =	vmul.f32 $2.000000030e-01, v0;
	v2 =	vadd.f32 v8, v2  }
0xbc: {  	v6 =	vperm.xlane v6, v20;
	vm12 =	vgt.f32 v0, $0.0e+00;
	[tilespmem:s19+$0x0] =	vst.add.f32.msk $0xffff, v4;
	v4 =	vmul.f32 v3, v60  }
0xbd: {  	[tilespmem:s20+$0x0] =	vst.add.f32.msk $0xffff, v7;
	v0 =	vsel vm12, v0, v37;
	(xrf2) =	vadd.scan.msk.f32 $0xffff, v2;
	v2 =	vmul.f32 v3, v57  }
0xbe: {  	[tilespmem:s21+$0x0] =	vst.add.f32.msk $0xffff, v4;
	v4 =	vmul.f32 v3, v55;
	v0 =	vmul.f32 $1.442695020e+00, v0  }
0xbf: {  	(xrf2) =	vadd.scan.msk.f32 $0xffff, v1;
	v1 =	vadd.f32 v6, v33;
	[tilespmem:s22+$0x0] =	vst.add.f32.msk $0xffff, v2;
	v2 =	vmul.f32 v3, v50  }
0xc0: {  	[tilespmem:s23+$0x0] =	vst.add.f32.msk $0xffff, v4;
	v4 =	vmul.f32 v3, v43  }
0xc1: {  	(erf) = vpow2.f32 v0;
	v0 =	vmul.f32 $2.000000030e-01, v1;
	[tilespmem:s24+$0x0] =	vst.add.f32.msk $0xffff, v2  }
0xc2: {  	vm13 =	vgt.f32 v1, $0.0e+00;
	v2 =	vmul.f32 v3, v41;
	[tilespmem:s25+$0x0] =	vst.add.f32.msk $0xffff, v4  }
0xc3: {  	v0 =	vsel vm13, v1, v0;
	v1 =	vld [tilespmem:$0x1FF20]  }
0xc4: {  	[tilespmem:s26+$0x0] =	vst.add.f32.msk $0xffff, v2;
	v0 =	vmul.f32 $1.442695020e+00, v0  }
0xc5: {  	v2 =	vld [tilespmem:$0x1FF30]  }
0xc6: {  	(erf) = vpow2.f32 v0;
	v0 =	vld [tilespmem:$0x1FF40];
	_ =	sdelay $0x1  }
0xc7: {  	[tilespmem:s19+$0x0] =	vst.add.f32.msk $0xffff, v61  }
0xc8: {  	[tilespmem:s20+$0x0] =	vst.add.f32.msk $0xffff, v1  }
0xc9: {  	[tilespmem:s21+$0x0] =	vst.add.f32.msk $0xffff, v2  }
0xca: {  	[tilespmem:s22+$0x0] =	vst.add.f32.msk $0xffff, v0  }
0xcb: {  	v0 =	vld [tilespmem:$0x1FF50];
	_ =	sdelay $0x2  }
0xcc: {  	[tilespmem:s25+$0x0] =	vst.add.f32.msk $0xffff, v30;
	v1, _, _ =	vpop (xrf2)  }
0xcd: {  	[tilespmem:s28+$0x0] =	vst.add.f32.msk $0xffff, v3;
	v2 =	vperm.xlane v1, v20  }
0xce: {  	[tilespmem:s23+$0x0] =	vst.add.f32.msk $0xffff, v0  }
0xcf: {  	v0 =	vadd.f32 v2, v33;
	v2 =	vld [tilespmem:$0x1FF60]  }
0xd0: {  	v3 =	vld [tilespmem:$0x1FF70]  }
0xd1: {  	v6 =	vld [tilespmem:$0x1FF80]  }
0xd2: {  	[tilespmem:s26+$0x0] =	vst.add.f32.msk $0xffff, v28  }
0xd3: {  	[tilespmem:s28+$0x0] =	vst.add.f32.msk $0xffff, v22;
	v1, _, _ =	vpop (xrf2)  }
0xd4: {  	[tilespmem:s24+$0x0] =	vst.add.f32.msk $0xffff, v2;
	v2 =	vpop (erf)  }
0xd5: {  	v1 =	vperm.xlane v1, v20;
	[tilespmem:s25+$0x0] =	vst.add.f32.msk $0xffff, v3;
	v4 =	vmul.f32 v2, v38  }
0xd6: {  	v3 =	vmul.f32 $2.000000030e-01, v0;
	[tilespmem:s26+$0x0] =	vst.add.f32.msk $0xffff, v6;
	v6 =	vmul.f32 v2, v39  }
0xd7: {  	vm14 =	vgt.f32 v0, $0.0e+00;
	v7 =	vmul.f32 v2, v48;
	[tilespmem:s19+$0x0] =	vst.add.f32.msk $0xffff, v4  }
0xd8: {  	v1 =	vadd.f32 v1, v33;
	v0 =	vsel vm14, v0, v3;
	v3 =	vmul.f32 v2, v42;
	[tilespmem:s20+$0x0] =	vst.add.f32.msk $0xffff, v6  }
0xd9: {  	v4 =	vmul.f32 v2, v51;
	v0 =	vmul.f32 $1.442695020e+00, v0;
	[tilespmem:s21+$0x0] =	vst.add.f32.msk $0xffff, v7  }
0xda: {  	v22 =	vpop (erf);
	v6 =	vmul.f32 $2.000000030e-01, v1;
	v7 =	vmul.f32 v2, v40;
	[tilespmem:s22+$0x0] =	vst.add.f32.msk $0xffff, v3  }
0xdb: {  	vm15 =	vgt.f32 v1, $0.0e+00;
	(erf) = vpow2.f32 v0;
	v0 =	vmul.f32 v22, v47;
	[tilespmem:s23+$0x0] =	vst.add.f32.msk $0xffff, v4  }
0xdc: {  	v1 =	vsel vm15, v1, v6;
	v4 =	vmul.f32 v22, v44;
	[tilespmem:s24+$0x0] =	vst.add.f32.msk $0xffff, v7  }
0xdd: {  	v6 =	vmul.f32 v22, v52;
	v1 =	vmul.f32 $1.442695020e+00, v1;
	[tilespmem:s19+$0x0] =	vst.add.f32.msk $0xffff, v0  }
0xde: {  	v7 =	vmul.f32 v22, v53;
	[tilespmem:s20+$0x0] =	vst.add.f32.msk $0xffff, v4  }
0xdf: {  	(erf) = vpow2.f32 v1;
	v1 =	vmul.f32 v22, v54;
	[tilespmem:s21+$0x0] =	vst.add.f32.msk $0xffff, v6  }
0xe0: {  	[tilespmem:s22+$0x0] =	vst.add.f32.msk $0xffff, v7  }
0xe1: {  	v62 =	vmul.f32 v2, v45;
	[tilespmem:s23+$0x0] =	vst.add.f32.msk $0xffff, v1  }
0xe2: {  	v3 =	vmul.f32 v2, v46;
	v1 =	vld [tilespmem:$0x1FFA0]  }
0xe3: {  	[tilespmem:s25+$0x0] =	vst.add.f32.msk $0xffff, v62  }
0xe4: {  	[tilespmem:s26+$0x0] =	vst.add.f32.msk $0xffff, v3  }
0xe5: {  	[tilespmem:s28+$0x0] =	vst.add.f32.msk $0xffff, v2;
	v37 =	vpop (erf)  }
0xe6: {  	v2 =	vld [tilespmem:$0x1FF90];
	v0 =	vmul.f32 v37, v5  }
0xe7: {  	v4 =	vmul.f32 v37, v1;
	v1 =	vld [tilespmem:$0x1FFB0]  }
0xe8: {  	s0 =	sadd.s32 $0x5, s0;
	[tilespmem:s19+$0x0] =	vst.add.f32.msk $0xffff, v0  }
0xe9: {  	p0 =	slt.u32 s0, $0x78;
	v0 =	vld [tilespmem:$0x1FFC0]  }
.Ltmp0:
0xea: {  	v30 =	vmul.f32 v22, v58;
	(pc) =	sbr.rel @p0 .LBB2_3-.Ltmp0, $4  }
0xeb: {  	v28 =	vmul.f32 v22, v63;
	v2 =	vmul.f32 v37, v2  }
0xec: {  	[tilespmem:s28+$0x0] =	vst.add.f32.msk $0xffff, v19;
	v3 =	vmul.f32 v22, v56;
	v62 =	vmul.f32 v37, v21  }
0xed: {  	[tilespmem:s20+$0x0] =	vst.add.f32.msk $0xffff, v2;
	v2 =	vmul.f32 v37, v26;
	v1 =	vmul.f32 v37, v1  }
0xee: {  	s2 =	sadd.s32 $0x280, s2;
	[tilespmem:s24+$0x0] =	vst.add.f32.msk $0xffff, v3;
	v19 =	vpop (erf);
	v3 =	vmul.f32 v37, v0;
	v0 =	vmul.f32 v37, v27  }
0xef: {  	[tilespmem:s21+$0x0] =	vst.add.f32.msk $0xffff, v4  }
0xf0: {  	[tilespmem:s25+$0x0] =	vst.add.f32.msk $0xffff, v30  }
0xf1: {  	[tilespmem:s22+$0x0] =	vst.add.f32.msk $0xffff, v1  }
0xf2: {  	[tilespmem:s26+$0x0] =	vst.add.f32.msk $0xffff, v28  }
0xf3: {  	[tilespmem:s23+$0x0] =	vst.add.f32.msk $0xffff, v3  }
0xf4: {  	[tilespmem:s28+$0x0] =	vst.add.f32.msk $0xffff, v22  }
0xf5: {  	[tilespmem:s24+$0x0] =	vst.add.f32.msk $0xffff, v62  }
0xf6: {  	[tilespmem:s25+$0x0] =	vst.add.f32.msk $0xffff, v2  }
0xf7: {  	[tilespmem:s26+$0x0] =	vst.add.f32.msk $0xffff, v0;
	v0 =	vmul.f32 v19, v34  }
0xf8: {  	v1 =	vmul.f32 v19, v12;
	[tilespmem:s28+$0x0] =	vst.add.f32.msk $0xffff, v37  }
0xf9: {  	v2 =	vmul.f32 v19, v13;
	[tilespmem:s19+$0x0] =	vst.add.f32.msk $0xffff, v0  }
0xfa: {  	v0 =	vmul.f32 v19, v14;
	[tilespmem:s20+$0x0] =	vst.add.f32.msk $0xffff, v1  }
0xfb: {  	v1 =	vmul.f32 v19, v15;
	[tilespmem:s21+$0x0] =	vst.add.f32.msk $0xffff, v2  }
0xfc: {  	s0 =	smul.u32 $0xFA, s31;
	v2 =	vmul.f32 v19, v16;
	[tilespmem:s22+$0x0] =	vst.add.f32.msk $0xffff, v0  }
0xfd: {  	v0 =	vmul.f32 v19, v17;
	[tilespmem:s23+$0x0] =	vst.add.f32.msk $0xffff, v1  }
0xfe: {  	s0 =	sadd.s32 s0, s8;
	v1 =	vmul.f32 v19, v18;
	[tilespmem:s24+$0x0] =	vst.add.f32.msk $0xffff, v2  }
0xff: {  	s0 =	sshll.u32 s0, $0x4;
	[tilespmem:s25+$0x0] =	vst.add.f32.msk $0xffff, v0  }
0x100: {  	s0 =	sand.u32 $0x1FFFFFF0, s0;
	[tilespmem:s26+$0x0] =	vst.add.f32.msk $0xffff, v1  }
0x101: {  	s0 =	sadd.s32 s1, s0;
	[tilespmem:s28+$0x0] =	vst.add.f32.msk $0xffff, v19  }
0x102: {  	[tilespmem:s4], [sflag:$0x1] =	stream.linear.gather [hbm4b:s0+s4], $0x3E80, $0x38;
	[tilespmem:$0x8000] =	vst v63  }
0x103: {  	_ =	swait.ge [sflag:s29], $0x3E80  }
0x104: {  	v59 =	vld [tilespmem:$0x1FFD0]  }
0x105: {  	[sflag:s29] =	ssyncset.done $0x0;
	v61 =	vld [tilespmem:$0x1FFE0]  }
0x106: {  	s2 =	simm.s32 $0x3FC0;
	v62 =	vld [tilespmem:$0x1FFF0];
	[sflag:s29] =	ssyncadd.s32 $0xFFFFC180  }
0x107: {  	v6 =	vld [tilespmem:s2+$0xC0]  }
0x108: {  	v42 =	vld [tilespmem:s2+$0xD0]  }
0x109: {  	v41 =	vld [tilespmem:s2+$0xE0]  }
0x10a: {  	v40 =	vld [tilespmem:s2+$0xF0]  }
0x10b: {  	v37 =	vld [tilespmem:s2+$0x100]  }
0x10c: {  	v29 =	vld [tilespmem:s2+$0x110]  }
0x10d: {  	v27 =	vld [tilespmem:s2+$0x120]  }
0x10e: {  	v4 =	vld [tilespmem:s2+$0x130]  }
0x10f: {  	v57 =	vld [tilespmem:s2+$0xFFFFFED0]  }
0x110: {  	v19 =	vld [tilespmem:s2+$0xFFFFFEE0]  }
0x111: {  	v55 =	vld [tilespmem:s2+$0xFFFFFEF0]  }
0x112: {  	v56 =	vld [tilespmem:s2+$0xFFFFFF00]  }
0x113: {  	v21 =	vld [tilespmem:s2+$0xFFFFFF10];
	v0 =	vmul.f32 v6, v31;
	v1 =	vmul.f32 v42, v35  }
0x114: {  	v20 =	vld [tilespmem:s2+$0xFFFFFF20];
	v2 =	vmul.f32 v41, v36;
	v3 =	vmul.f32 v40, v49  }
0x115: {  	v33 =	vld [tilespmem:s2+$0xFFFFFF40];
	v5 =	vmul.f32 v37, v24;
	v7 =	vmul.f32 v29, v32  }
0x116: {  	v52 =	vld [tilespmem:s2+$0xFFFFFF50];
	v8 =	vmul.f32 v27, v25;
	v9 =	vmul.f32 v4, v23  }
0x117: {  	v38 =	vld [tilespmem:s2+$0xFFFFFF60];
	v0 =	vadd.f32 v1, v0;
	v1 =	vadd.f32 v3, v2  }
0x118: {  	v28 =	vld [tilespmem:s2+$0xFFFFFF90];
	v2 =	vadd.f32 v7, v5;
	v3 =	vadd.f32 v9, v8  }
0x119: {  	v22 =	vld [tilespmem:s2+$0xFFFFFFA0]  }
0x11a: {  	v31 =	vld [tilespmem:s2+$0xFFFFFF70];
	v0 =	vadd.f32 v1, v0;
	v1 =	vadd.f32 v3, v2  }
0x11b: {  	v32 =	vld [tilespmem:s2+$0xFFFFFF80]  }
0x11c: {  	v5 =	vld [tilespmem:$0x1FFE0];
	v2 =	vadd.f32 v1, v0  }
0x11d: {  	v1 =	vld [tilespmem:s2+$0xFFFFFFB0]  }
0x11e: {  	(xrf2) =	vadd.scan.msk.f32 $0xffff, v2;
	v2 =	vld [tilespmem:$0x1FFD0]  }
0x11f: {  	v26 =	vld [tilespmem:s2+$0xFFFFFFF0]  }
0x120: {  	v51 =	vld [tilespmem:s2+$0x0];
	v44 =	vmul.f32 v52, v35;
	v45 =	vmul.f32 v38, v36  }
0x121: {  	v30 =	vld [tilespmem:s2+$0x10];
	v13 =	vmul.f32 v22, v25;
	v10 =	vmul.f32 v31, v49  }
0x122: {  	v53 =	vld [tilespmem:s2+$0x20];
	v11 =	vmul.f32 v32, v24;
	v12 =	vmul.f32 v28, v5  }
0x123: {  	v39 =	vld [tilespmem:s2+$0x30];
	v14 =	vmul.f32 v1, v23;
	v7 =	vmul.f32 v33, v2  }
0x124: {  	v5 =	vld [tilespmem:s2+$0xFFFFFFE0];
	v46 =	vadd.f32 v10, v45;
	v48 =	vadd.f32 v12, v11  }
0x125: {  	v34 =	vld [tilespmem:s2+$0x40];
	v50 =	vadd.f32 v14, v13;
	v7 =	vadd.f32 v44, v7  }
0x126: {  	v12 =	vld [tilespmem:$0x1FFE0]  }
0x127: {  	v47 =	vmul.f32 v19, v36;
	v0 =	vld [tilespmem:s2+$0xFFFFFF30];
	v58 =	vadd.f32 v50, v48;
	v7 =	vadd.f32 v46, v7  }
0x128: {  	v54 =	vld [tilespmem:s2+$0xFFFFFEC0];
	v60 =	vmul.f32 v26, v49;
	v10 =	vmul.f32 v20, v25  }
0x129: {  	v3 =	vld [tilespmem:s2+$0xFFFFFFD0];
	v18 =	vmul.f32 v5, v36;
	v43, _, _ =	vpop (xrf2);
	v7 =	vadd.f32 v58, v7;
	v58 =	vimm.s32 $0xF  }
0x12a: {  	v2 =	vld [tilespmem:s2+$0xFFFFFFC0];
	v13 =	vmul.f32 v55, v49;
	v43 =	vperm.xlane v43, v58  }
0x12b: {  	v14 =	vmul.f32 v56, v24;
	v15 =	vmul.f32 v21, v12;
	v12 =	vld [tilespmem:s2+$0x50]  }
0x12c: {  	v9 =	vadd.f32 v60, v18;
	v18 =	vld [tilespmem:s2+$0xB0];
	v48 =	vmul.f32 v0, v23;
	v43 =	vadd.f32 v43, v62  }
0x12d: {  	v45 =	vmul.f32 v51, v24;
	v8 =	vadd.f32 v13, v47;
	v13 =	vld [tilespmem:s2+$0x60]  }
0x12e: {  	v44 =	vadd.f32 v15, v14;
	v14 =	vld [tilespmem:s2+$0x70];
	v10 =	vadd.f32 v48, v10;
	v48 =	vmul.f32 $2.000000030e-01, v43  }
0x12f: {  	v17 =	vmul.f32 v3, v35;
	v15 =	vld [tilespmem:s2+$0x80];
	v16 =	vmul.f32 v2, v59;
	vm0 =	vgt.f32 v43, $0.0e+00  }
0x130: {  	v47 =	vmul.f32 v39, v23;
	v46 =	vmul.f32 v30, v61;
	v61 =	vld [tilespmem:$0x1FFD0];
	v43 =	vsel vm0, v43, v48  }
0x131: {  	v59 =	vld [tilespmem:$0x1FFD0];
	(xrf2) =	vadd.scan.msk.f32 $0xffff, v7;
	v7 =	vadd.f32 v17, v16;
	v17 =	vmul.f32 v53, v25;
	v43 =	vmul.f32 $1.442695020e+00, v43  }
0x132: {  	v16 =	vld [tilespmem:s2+$0x90]  }
0x133: {  	v45 =	vadd.f32 v46, v45;
	v63 =	vadd.f32 v47, v17;
	(erf) = vpow2.f32 v43;
	v43 =	vld [tilespmem:$0x1FFE0]  }
0x134: {  	v50 =	vmul.f32 v57, v35;
	v60 =	vmul.f32 v12, v35;
	v17 =	vld [tilespmem:s2+$0xA0]  }
0x135: {  	v62 =	vmul.f32 v54, v61;
	v7 =	vadd.f32 v9, v7;
	v45 =	vadd.f32 v63, v45  }
0x136: {  	v61 =	vmul.f32 v18, v23;
	v9 =	vmul.f32 v34, v59  }
0x137: {  	v47 =	vmul.f32 v13, v36;
	v63 =	vmul.f32 v14, v49;
	v7 =	vadd.f32 v45, v7  }
0x138: {  	v10 =	vadd.f32 v10, v44;
	v48 =	vmul.f32 v15, v24;
	v59 =	vmul.f32 v16, v43  }
0x139: {  	v9 =	vadd.f32 v60, v9;
	v60 =	vmul.f32 v17, v25;
	(xrf2) =	vadd.scan.msk.f32 $0xffff, v7;
	v7 =	vadd.f32 v50, v62  }
0x13a: {  	v44 =	vadd.f32 v63, v47;
	v48 =	vadd.f32 v59, v48;
	v59 =	vld [tilespmem:$0x1FFF0]  }
0x13b: {  	v50 =	vadd.f32 v61, v60;
	v7 =	vadd.f32 v8, v7  }
0x13c: {  	v9 =	vadd.f32 v44, v9;
	v62, _, _ =	vpop (xrf2)  }
0x13d: {  	v63 =	vperm.xlane v62, v58;
	v7 =	vadd.f32 v10, v7;
	v8 =	vadd.f32 v50, v48;
	_ =	sdelay $0x1  }
0x13e: {  	(xrf2) =	vadd.scan.msk.f32 $0xffff, v7;
	v7 =	vadd.f32 v8, v9;
	v60 =	vadd.f32 v63, v59;
	_ =	sdelay $0x1  }
0x13f: {  	v44 =	vld [tilespmem:$0x1FFF0];
	v61 =	vmul.f32 $2.000000030e-01, v60  }
0x140: {  	v63 =	vpop (erf);
	vm12 =	vgt.f32 v60, $0.0e+00  }
0x141: {  	(xrf2) =	vadd.scan.msk.f32 $0xffff, v7;
	v6 =	vmul.f32 v63, v6;
	v7, _, _ =	vpop (xrf2);
	v62 =	vsel vm12, v60, v61  }
0x142: {  	v7 =	vperm.xlane v7, v58;
	v8 =	vmul.f32 $1.442695020e+00, v62  }
0x143: {  	v43 =	vmul.f32 v63, v42  }
0x144: {  	[tilespmem:s19+$0x0] =	vst.add.f32.msk $0xffff, v6;
	v6 =	vmul.f32 v63, v41;
	v7 =	vadd.f32 v7, v44;
	(erf) = vpow2.f32 v8  }
0x145: {  	v45 =	vmul.f32 v63, v40;
	[tilespmem:s20+$0x0] =	vst.add.f32.msk $0xffff, v43  }
0x146: {  	[tilespmem:s21+$0x0] =	vst.add.f32.msk $0xffff, v6;
	v6 =	vmul.f32 v63, v37;
	v10 =	vmul.f32 $2.000000030e-01, v7  }
0x147: {  	v47 =	vmul.f32 v63, v29;
	[tilespmem:s22+$0x0] =	vst.add.f32.msk $0xffff, v45;
	vm13 =	vgt.f32 v7, $0.0e+00  }
0x148: {  	[tilespmem:s23+$0x0] =	vst.add.f32.msk $0xffff, v6;
	v7 =	vsel vm13, v7, v10  }
0x149: {  	[tilespmem:s24+$0x0] =	vst.add.f32.msk $0xffff, v47;
	v7 =	vmul.f32 $1.442695020e+00, v7  }
0x14a: {  	v6 =	vmul.f32 v63, v27;
	v8 =	vld [tilespmem:$0x1FFF0]  }
0x14b: {  	v4 =	vmul.f32 v63, v4  }
0x14c: {  	v46, _, _ =	vpop (xrf2);
	[tilespmem:s25+$0x0] =	vst.add.f32.msk $0xffff, v6  }
0x14d: {  	v48 =	vperm.xlane v46, v58;
	[tilespmem:s26+$0x0] =	vst.add.f32.msk $0xffff, v4;
	(erf) = vpow2.f32 v7;
	v7 =	vpop (erf)  }
0x14e: {  	v59 =	vmul.f32 v7, v33;
	v33 =	vld [tilespmem:$0x1FFF0]  }
0x14f: {  	v50, _, _ =	vpop (xrf2);
	v8 =	vadd.f32 v48, v8  }
0x150: {  	v6 =	vperm.xlane v50, v58;
	[tilespmem:s28+$0x0] =	vst.add.f32.msk $0xffff, v63  }
0x151: {  	v4 =	vmul.f32 $2.000000030e-01, v8;
	v60 =	vmul.f32 v7, v52;
	[tilespmem:s19+$0x0] =	vst.add.f32.msk $0xffff, v59  }
0x152: {  	vm14 =	vgt.f32 v8, $0.0e+00;
	v61 =	vmul.f32 v7, v31;
	v31 =	vld [tilespmem:$0x1FFD0]  }
0x153: {  	v27 =	vmul.f32 v7, v38;
	v4 =	vsel vm14, v8, v4;
	[tilespmem:s20+$0x0] =	vst.add.f32.msk $0xffff, v60;
	v6 =	vadd.f32 v6, v33  }
0x154: {  	v62 =	vmul.f32 v7, v32;
	v4 =	vmul.f32 $1.442695020e+00, v4;
	v32 =	vld [tilespmem:$0x1FFE0]  }
0x155: {  	[tilespmem:s21+$0x0] =	vst.add.f32.msk $0xffff, v27;
	v63 =	vmul.f32 $2.000000030e-01, v6  }
0x156: {  	v27 =	vmul.f32 v7, v28;
	(erf) = vpow2.f32 v4;
	[tilespmem:s22+$0x0] =	vst.add.f32.msk $0xffff, v61;
	vm15 =	vgt.f32 v6, $0.0e+00  }
0x157: {  	v4 =	vmul.f32 v7, v22;
	v22 =	vpop (erf);
	[tilespmem:s23+$0x0] =	vst.add.f32.msk $0xffff, v62;
	v6 =	vsel vm15, v6, v63  }
0x158: {  	v2 =	vmul.f32 v22, v2;
	[tilespmem:s24+$0x0] =	vst.add.f32.msk $0xffff, v27;
	v6 =	vmul.f32 $1.442695020e+00, v6  }
0x159: {  	v1 =	vmul.f32 v7, v1;
	[tilespmem:s25+$0x0] =	vst.add.f32.msk $0xffff, v4  }
0x15a: {  	[tilespmem:s19+$0x0] =	vst.add.f32.msk $0xffff, v2;
	(erf) = vpow2.f32 v6  }
0x15b: {  	[tilespmem:s26+$0x0] =	vst.add.f32.msk $0xffff, v1;
	v1 =	vmul.f32 v22, v3  }
0x15c: {  	v3 =	vmul.f32 v22, v5;
	[tilespmem:s28+$0x0] =	vst.add.f32.msk $0xffff, v7  }
0x15d: {  	v2 =	vmul.f32 v22, v26;
	[tilespmem:s20+$0x0] =	vst.add.f32.msk $0xffff, v1  }
0x15e: {  	v28 =	vmul.f32 v22, v39;
	v1 =	vmul.f32 v22, v51;
	[tilespmem:s21+$0x0] =	vst.add.f32.msk $0xffff, v3  }
0x15f: {  	v5 =	vmul.f32 v22, v30;
	v30 =	vmul.f32 v22, v53;
	[tilespmem:s22+$0x0] =	vst.add.f32.msk $0xffff, v2;
	v37 =	vpop (erf)  }
0x160: {  	v2 =	vmul.f32 v37, v54;
	v6 =	vmul.f32 v37, v57;
	[tilespmem:s23+$0x0] =	vst.add.f32.msk $0xffff, v1  }
0x161: {  	v4 =	vmul.f32 v37, v19;
	v1 =	vmul.f32 v37, v55;
	[tilespmem:s24+$0x0] =	vst.add.f32.msk $0xffff, v5  }
0x162: {  	v3 =	vmul.f32 v37, v56;
	v62 =	vmul.f32 v37, v21;
	[tilespmem:s19+$0x0] =	vst.add.f32.msk $0xffff, v2  }
0x163: {  	s0 =	simm.s32 $0x0;
	s2 =	simm.s32 $0x4240;
	v0 =	vmul.f32 v37, v0;
	v2 =	vmul.f32 v37, v20;
	[tilespmem:s20+$0x0] =	vst.add.f32.msk $0xffff, v6;
	v19 =	vpop (erf)  }
.LBB2_5:
0x164: {  	v5 =	vmul.f32 v19, v34;
	_ =	sdelay $0x1  }
0x165: {  	[tilespmem:$0x1FE50] =	vst v5;
	v5 =	vmul.f32 v19, v12  }
0x166: {  	v61 =	vld [tilespmem:s2+$0xC0]  }
0x167: {  	v59 =	vld [tilespmem:s2+$0xD0];
	[tilespmem:$0x1FE60] =	vst v5;
	v5 =	vmul.f32 v19, v13  }
0x168: {  	v60 =	vld [tilespmem:s2+$0xE0]  }
0x169: {  	v57 =	vld [tilespmem:s2+$0xF0];
	[tilespmem:$0x1FE70] =	vst v5;
	v5 =	vmul.f32 v19, v14  }
0x16a: {  	v55 =	vld [tilespmem:s2+$0x100]  }
0x16b: {  	v50 =	vld [tilespmem:s2+$0x110];
	[tilespmem:$0x1FE80] =	vst v5;
	v5 =	vmul.f32 v19, v15  }
0x16c: {  	v43 =	vld [tilespmem:s2+$0x120]  }
0x16d: {  	v41 =	vld [tilespmem:s2+$0x130];
	[tilespmem:$0x1FE90] =	vst v5;
	v5 =	vmul.f32 v19, v16  }
0x16e: {  	v6 =	vld [tilespmem:s2+$0xFFFFFED0]  }
0x16f: {  	v20 =	vld [tilespmem:s2+$0xFFFFFF10];
	v7 =	vmul.f32 v59, v35;
	[tilespmem:$0x1FEA0] =	vst v5;
	v5 =	vmul.f32 v19, v17  }
0x170: {  	v26 =	vld [tilespmem:s2+$0xFFFFFF20];
	v8 =	vmul.f32 v60, v36;
	v10 =	vmul.f32 v55, v24  }
0x171: {  	v11 =	vmul.f32 v50, v32;
	v14 =	vld [tilespmem:s2+$0xFFFFFEE0];
	[tilespmem:$0x1FEB0] =	vst v5;
	v5 =	vmul.f32 v19, v18  }
0x172: {  	v12 =	vmul.f32 v43, v25;
	v13 =	vmul.f32 v41, v23;
	v15 =	vld [tilespmem:s2+$0xFFFFFEF0]  }
0x173: {  	v9 =	vmul.f32 v57, v49;
	v16 =	vld [tilespmem:s2+$0xFFFFFF00];
	[tilespmem:$0x1FEC0] =	vst v5;
	v5 =	vmul.f32 v61, v31  }
0x174: {  	v27 =	vld [tilespmem:s2+$0xFFFFFF30];
	v42 =	vadd.f32 v11, v10;
	v44 =	vadd.f32 v13, v12  }
0x175: {  	v38 =	vld [tilespmem:s2+$0xFFFFFF40];
	v5 =	vadd.f32 v7, v5;
	v7 =	vadd.f32 v9, v8  }
0x176: {  	v39 =	vld [tilespmem:s2+$0xFFFFFF50];
	v34 =	vmul.f32 v14, v36  }
0x177: {  	v48 =	vld [tilespmem:s2+$0xFFFFFF60];
	v45 =	vmul.f32 v15, v49;
	v5 =	vadd.f32 v7, v5;
	v7 =	vadd.f32 v44, v42  }
0x178: {  	v51 =	vld [tilespmem:s2+$0xFFFFFF80];
	v46 =	vmul.f32 v20, v32;
	v12 =	vmul.f32 v16, v24  }
0x179: {  	v8 =	vadd.f32 v45, v34;
	v45 =	vld [tilespmem:s2+$0xFFFFFFA0];
	v5 =	vadd.f32 v7, v5  }
0x17a: {  	v9 =	vadd.f32 v46, v12;
	v46 =	vld [tilespmem:s2+$0xFFFFFFB0]  }
0x17b: {  	v42 =	vld [tilespmem:s2+$0xFFFFFF70];
	(xrf2) =	vadd.scan.msk.f32 $0xffff, v5  }
0x17c: {  	v40 =	vld [tilespmem:s2+$0xFFFFFF90];
	v47 =	vmul.f32 v26, v25;
	v7 =	vmul.f32 v27, v23  }
0x17d: {  	v52 =	vld [tilespmem:s2+$0xFFFFFFE0]  }
0x17e: {  	v53 =	vld [tilespmem:s2+$0xFFFFFFF0];
	v54 =	vmul.f32 v38, v31;
	v56 =	vmul.f32 v48, v36;
	v5 =	vadd.f32 v7, v47  }
0x17f: {  	v44 =	vld [tilespmem:s2+$0xFFFFFFD0];
	v63 =	vmul.f32 v45, v25;
	v13 =	vmul.f32 v46, v23  }
0x180: {  	v7 =	vmul.f32 v39, v35;
	v47 =	vld [tilespmem:s2+$0xFFFFFFC0];
	v9 =	vadd.f32 v5, v9;
	v5 =	vmul.f32 v42, v49  }
0x181: {  	v58 =	vmul.f32 v51, v24;
	v10 =	vadd.f32 v13, v63;
	v63 =	vld [tilespmem:s2+$0x30]  }
0x182: {  	v12 =	vmul.f32 v40, v32;
	v7 =	vadd.f32 v7, v54;
	v54 =	vld [tilespmem:s2+$0x0];
	v5 =	vadd.f32 v5, v56  }
0x183: {  	[tilespmem:$0x1FEF0] =	vst v15;
	v15 =	vmul.f32 v53, v49;
	v13 =	vmul.f32 v52, v36;
	v56 =	vld [tilespmem:s2+$0x10]  }
0x184: {  	v21 =	vimm.s32 $0xF;
	v5 =	vadd.f32 v5, v7;
	v7 =	vadd.f32 v12, v58;
	v58 =	vld [tilespmem:s2+$0x20]  }
0x185: {  	[tilespmem:$0x1FEE0] =	vst v14;
	v18 =	vadd.f32 v15, v13;
	v13 =	vld [tilespmem:s2+$0x60];
	v34 =	vmul.f32 v47, v31;
	v12 =	vmul.f32 v44, v35;
	v14, _, _ =	vpop (xrf2)  }
0x186: {  	v15 =	vld [tilespmem:s2+$0x80];
	v14 =	vperm.xlane v14, v21  }
0x187: {  	[tilespmem:$0x1FF00] =	vst v16;
	v29 =	vmul.f32 v63, v23;
	v16 =	vadd.f32 v12, v34;
	v34 =	vld [tilespmem:s2+$0x40];
	v7 =	vadd.f32 v10, v7  }
0x188: {  	v10 =	vmul.f32 v54, v24;
	v12 =	vld [tilespmem:s2+$0x50];
	v17 =	vmul.f32 v56, v32;
	v11 =	vadd.f32 v14, v33  }
0x189: {  	v5 =	vadd.f32 v7, v5;
	v32 =	vadd.f32 v18, v16;
	v16 =	vld [tilespmem:s2+$0x90];
	v7 =	vmul.f32 v58, v25  }
0x18a: {  	v18 =	vld [tilespmem:s2+$0xB0];
	v31 =	vmul.f32 $2.000000030e-01, v11  }
0x18b: {  	v10 =	vadd.f32 v17, v10;
	v17 =	vld [tilespmem:$0x1FFD0];
	v7 =	vadd.f32 v29, v7;
	vm0 =	vgt.f32 v11, $0.0e+00  }
0x18c: {  	(xrf2) =	vadd.scan.msk.f32 $0xffff, v5;
	v14 =	vld [tilespmem:s2+$0x70];
	v5 =	vsel vm0, v11, v31  }
0x18d: {  	v7 =	vadd.f32 v7, v10;
	v31 =	vmul.f32 $1.442695020e+00, v5;
	v5 =	vld [tilespmem:s2+$0xFFFFFEC0]  }
0x18e: {  	[tilespmem:s21+$0x0] =	vst.add.f32.msk $0xffff, v4  }
0x18f: {  	v4 =	vadd.f32 v7, v32;
	v32 =	vld [tilespmem:$0x1FFE0]  }
0x190: {  	(erf) = vpow2.f32 v31;
	v31 =	vld [tilespmem:$0x1FFD0]  }
0x191: {  	v33 =	vmul.f32 v34, v17;
	v17 =	vld [tilespmem:s2+$0xA0]  }
0x192: {  	[tilespmem:$0x1FED0] =	vst v6;
	v29 =	vmul.f32 v12, v35  }
0x193: {  	v11 =	vmul.f32 v13, v36;
	v10 =	vmul.f32 v14, v49;
	[tilespmem:s22+$0x0] =	vst.add.f32.msk $0xffff, v1;
	(xrf2) =	vadd.scan.msk.f32 $0xffff, v4  }
0x194: {  	v29 =	vadd.f32 v29, v33;
	v33 =	vmul.f32 v15, v24;
	[tilespmem:s23+$0x0] =	vst.add.f32.msk $0xffff, v3;
	v7 =	vmul.f32 v16, v32  }
0x195: {  	v6 =	vmul.f32 v6, v35;
	v10 =	vadd.f32 v10, v11;
	[tilespmem:s24+$0x0] =	vst.add.f32.msk $0xffff, v62;
	v4 =	vmul.f32 v5, v31  }
0x196: {  	v11 =	vmul.f32 v18, v23;
	v1 =	vmul.f32 v17, v25;
	v7 =	vadd.f32 v7, v33;
	v33 =	vld [tilespmem:$0x1FFF0]  }
0x197: {  	[tilespmem:s25+$0x0] =	vst.add.f32.msk $0xffff, v2;
	v2 =	vadd.f32 v6, v4  }
0x198: {  	v3, _, _ =	vpop (xrf2);
	v1 =	vadd.f32 v11, v1  }
0x199: {  	[tilespmem:s26+$0x0] =	vst.add.f32.msk $0xffff, v0;
	v0 =	vperm.xlane v3, v21;
	v2 =	vadd.f32 v8, v2;
	v3 =	vpop (erf)  }
0x19a: {  	v10 =	vadd.f32 v10, v29;
	v1 =	vadd.f32 v1, v7;
	v4 =	vmul.f32 v3, v61  }
0x19b: {  	[tilespmem:s28+$0x0] =	vst.add.f32.msk $0xffff, v37;
	v0 =	vadd.f32 v0, v33;
	v7 =	vmul.f32 v3, v59;
	v2 =	vadd.f32 v9, v2  }
0x19c: {  	v1 =	vadd.f32 v1, v10;
	[tilespmem:s19+$0x0] =	vst.add.f32.msk $0xffff, v4;
	v4 =	vmul.f32 v3, v60  }
0x19d: {  	v6, _, _ =	vpop (xrf2);
	v37 =	vmul.f32 $2.000000030e-01, v0;
	(xrf2) =	vadd.scan.msk.f32 $0xffff, v2;
	[tilespmem:s20+$0x0] =	vst.add.f32.msk $0xffff, v7;
	v2 =	vmul.f32 v3, v57  }
0x19e: {  	v6 =	vperm.xlane v6, v21;
	vm12 =	vgt.f32 v0, $0.0e+00;
	[tilespmem:s21+$0x0] =	vst.add.f32.msk $0xffff, v4;
	v4 =	vmul.f32 v3, v55  }
0x19f: {  	v0 =	vsel vm12, v0, v37;
	[tilespmem:s22+$0x0] =	vst.add.f32.msk $0xffff, v2;
	v2 =	vmul.f32 v3, v50  }
0x1a0: {  	(xrf2) =	vadd.scan.msk.f32 $0xffff, v1;
	v1 =	vadd.f32 v6, v33;
	v0 =	vmul.f32 $1.442695020e+00, v0;
	[tilespmem:s23+$0x0] =	vst.add.f32.msk $0xffff, v4  }
0x1a1: {  	v4 =	vmul.f32 v3, v43;
	[tilespmem:s24+$0x0] =	vst.add.f32.msk $0xffff, v2;
	v2 =	vmul.f32 v3, v41  }
0x1a2: {  	v61 =	vld [tilespmem:$0x1FE50];
	(erf) = vpow2.f32 v0;
	v0 =	vmul.f32 $2.000000030e-01, v1  }
0x1a3: {  	vm13 =	vgt.f32 v1, $0.0e+00;
	[tilespmem:s25+$0x0] =	vst.add.f32.msk $0xffff, v4  }
0x1a4: {  	[tilespmem:s26+$0x0] =	vst.add.f32.msk $0xffff, v2;
	v0 =	vsel vm13, v1, v0  }
0x1a5: {  	v1 =	vld [tilespmem:$0x1FE60];
	v0 =	vmul.f32 $1.442695020e+00, v0  }
0x1a6: {  	v2 =	vld [tilespmem:$0x1FE70]  }
0x1a7: {  	(erf) = vpow2.f32 v0;
	v0 =	vld [tilespmem:$0x1FE80];
	_ =	sdelay $0x1  }
0x1a8: {  	[tilespmem:s19+$0x0] =	vst.add.f32.msk $0xffff, v61  }
0x1a9: {  	[tilespmem:s20+$0x0] =	vst.add.f32.msk $0xffff, v1  }
0x1aa: {  	[tilespmem:s21+$0x0] =	vst.add.f32.msk $0xffff, v2  }
0x1ab: {  	[tilespmem:s22+$0x0] =	vst.add.f32.msk $0xffff, v0  }
0x1ac: {  	v0 =	vld [tilespmem:$0x1FE90];
	_ =	sdelay $0x2  }
0x1ad: {  	[tilespmem:s25+$0x0] =	vst.add.f32.msk $0xffff, v30;
	v1, _, _ =	vpop (xrf2)  }
0x1ae: {  	[tilespmem:s28+$0x0] =	vst.add.f32.msk $0xffff, v3;
	v2 =	vperm.xlane v1, v21  }
0x1af: {  	[tilespmem:s23+$0x0] =	vst.add.f32.msk $0xffff, v0  }
0x1b0: {  	v0 =	vadd.f32 v2, v33;
	v2 =	vld [tilespmem:$0x1FEA0]  }
0x1b1: {  	v3 =	vld [tilespmem:$0x1FEB0]  }
0x1b2: {  	v6 =	vld [tilespmem:$0x1FEC0]  }
0x1b3: {  	[tilespmem:s26+$0x0] =	vst.add.f32.msk $0xffff, v28  }
0x1b4: {  	[tilespmem:s28+$0x0] =	vst.add.f32.msk $0xffff, v22;
	v1, _, _ =	vpop (xrf2)  }
0x1b5: {  	[tilespmem:s24+$0x0] =	vst.add.f32.msk $0xffff, v2;
	v2 =	vpop (erf)  }
0x1b6: {  	v1 =	vperm.xlane v1, v21;
	[tilespmem:s25+$0x0] =	vst.add.f32.msk $0xffff, v3;
	v4 =	vmul.f32 v2, v38  }
0x1b7: {  	v3 =	vmul.f32 $2.000000030e-01, v0;
	[tilespmem:s26+$0x0] =	vst.add.f32.msk $0xffff, v6;
	v6 =	vmul.f32 v2, v39  }
0x1b8: {  	vm14 =	vgt.f32 v0, $0.0e+00;
	v7 =	vmul.f32 v2, v48;
	[tilespmem:s19+$0x0] =	vst.add.f32.msk $0xffff, v4  }
0x1b9: {  	v1 =	vadd.f32 v1, v33;
	v0 =	vsel vm14, v0, v3;
	v3 =	vmul.f32 v2, v42;
	[tilespmem:s20+$0x0] =	vst.add.f32.msk $0xffff, v6  }
0x1ba: {  	v4 =	vmul.f32 v2, v51;
	v0 =	vmul.f32 $1.442695020e+00, v0;
	[tilespmem:s21+$0x0] =	vst.add.f32.msk $0xffff, v7  }
0x1bb: {  	v22 =	vpop (erf);
	v6 =	vmul.f32 $2.000000030e-01, v1;
	v7 =	vmul.f32 v2, v40;
	[tilespmem:s22+$0x0] =	vst.add.f32.msk $0xffff, v3  }
0x1bc: {  	vm15 =	vgt.f32 v1, $0.0e+00;
	(erf) = vpow2.f32 v0;
	v0 =	vmul.f32 v22, v47;
	[tilespmem:s23+$0x0] =	vst.add.f32.msk $0xffff, v4  }
0x1bd: {  	v1 =	vsel vm15, v1, v6;
	v4 =	vmul.f32 v22, v44;
	[tilespmem:s24+$0x0] =	vst.add.f32.msk $0xffff, v7  }
0x1be: {  	v6 =	vmul.f32 v22, v52;
	v1 =	vmul.f32 $1.442695020e+00, v1;
	[tilespmem:s19+$0x0] =	vst.add.f32.msk $0xffff, v0  }
0x1bf: {  	v7 =	vmul.f32 v22, v53;
	[tilespmem:s20+$0x0] =	vst.add.f32.msk $0xffff, v4  }
0x1c0: {  	(erf) = vpow2.f32 v1;
	v1 =	vmul.f32 v22, v54;
	[tilespmem:s21+$0x0] =	vst.add.f32.msk $0xffff, v6  }
0x1c1: {  	[tilespmem:s22+$0x0] =	vst.add.f32.msk $0xffff, v7  }
0x1c2: {  	v62 =	vmul.f32 v2, v45;
	[tilespmem:s23+$0x0] =	vst.add.f32.msk $0xffff, v1  }
0x1c3: {  	v3 =	vmul.f32 v2, v46;
	v1 =	vld [tilespmem:$0x1FEE0]  }
0x1c4: {  	[tilespmem:s25+$0x0] =	vst.add.f32.msk $0xffff, v62  }
0x1c5: {  	[tilespmem:s26+$0x0] =	vst.add.f32.msk $0xffff, v3  }
0x1c6: {  	[tilespmem:s28+$0x0] =	vst.add.f32.msk $0xffff, v2;
	v37 =	vpop (erf)  }
0x1c7: {  	v2 =	vld [tilespmem:$0x1FED0];
	v0 =	vmul.f32 v37, v5  }
0x1c8: {  	v4 =	vmul.f32 v37, v1;
	v1 =	vld [tilespmem:$0x1FEF0]  }
0x1c9: {  	s0 =	sadd.s32 $0x5, s0;
	[tilespmem:s19+$0x0] =	vst.add.f32.msk $0xffff, v0  }
0x1ca: {  	p0 =	slt.u32 s0, $0x78;
	v0 =	vld [tilespmem:$0x1FF00]  }
.Ltmp1:
0x1cb: {  	v30 =	vmul.f32 v22, v58;
	(pc) =	sbr.rel @p0 .LBB2_5-.Ltmp1, $4  }
0x1cc: {  	v28 =	vmul.f32 v22, v63;
	v2 =	vmul.f32 v37, v2  }
0x1cd: {  	[tilespmem:s28+$0x0] =	vst.add.f32.msk $0xffff, v19;
	v3 =	vmul.f32 v22, v56;
	v62 =	vmul.f32 v37, v20  }
0x1ce: {  	[tilespmem:s20+$0x0] =	vst.add.f32.msk $0xffff, v2;
	v2 =	vmul.f32 v37, v26;
	v1 =	vmul.f32 v37, v1  }
0x1cf: {  	s2 =	sadd.s32 $0x280, s2;
	[tilespmem:s24+$0x0] =	vst.add.f32.msk $0xffff, v3;
	v19 =	vpop (erf);
	v3 =	vmul.f32 v37, v0;
	v0 =	vmul.f32 v37, v27  }
0x1d0: {  	[tilespmem:s21+$0x0] =	vst.add.f32.msk $0xffff, v4  }
0x1d1: {  	[tilespmem:s25+$0x0] =	vst.add.f32.msk $0xffff, v30  }
0x1d2: {  	[tilespmem:s22+$0x0] =	vst.add.f32.msk $0xffff, v1  }
0x1d3: {  	[tilespmem:s26+$0x0] =	vst.add.f32.msk $0xffff, v28  }
0x1d4: {  	v56 =	vmul.f32 v19, v34;
	[tilespmem:s23+$0x0] =	vst.add.f32.msk $0xffff, v3  }
0x1d5: {  	[tilespmem:s28+$0x0] =	vst.add.f32.msk $0xffff, v22  }
0x1d6: {  	v57 =	vmul.f32 v19, v12;
	[tilespmem:s19+$0x0] =	vst.add.f32.msk $0xffff, v56  }
0x1d7: {  	[tilespmem:s24+$0x0] =	vst.add.f32.msk $0xffff, v62  }
0x1d8: {  	v58 =	vmul.f32 v19, v13;
	[tilespmem:s20+$0x0] =	vst.add.f32.msk $0xffff, v57  }
0x1d9: {  	[tilespmem:s25+$0x0] =	vst.add.f32.msk $0xffff, v2  }
0x1da: {  	v59 =	vmul.f32 v19, v14;
	[tilespmem:s21+$0x0] =	vst.add.f32.msk $0xffff, v58  }
0x1db: {  	[tilespmem:s26+$0x0] =	vst.add.f32.msk $0xffff, v0  }
0x1dc: {  	v60 =	vmul.f32 v19, v15;
	s0 =	sshll.u32 s31, $0x1;
	[tilespmem:s22+$0x0] =	vst.add.f32.msk $0xffff, v59  }
0x1dd: {  	v61 =	vmul.f32 v19, v16;
	s31 =	sadd.s32 $0x1, s31;
	s0 =	smin.u32 s0, $0x7;
	[tilespmem:s28+$0x0] =	vst.add.f32.msk $0xffff, v37  }
0x1de: {  	p0 =	sne.s32 s31, $0x5;
	s0 =	smul.u32 $0x7D, s0;
	v62 =	vmul.f32 v19, v17;
	[tilespmem:s23+$0x0] =	vst.add.f32.msk $0xffff, v60  }
.Ltmp2:
0x1df: {  	v63 =	vmul.f32 v19, v18;
	[tilespmem:s24+$0x0] =	vst.add.f32.msk $0xffff, v61;
	(pc) =	sbr.rel @p0 .LBB2_2-.Ltmp2, $4  }
0x1e0: {  	s0 =	sadd.s32 s0, s9;
	[tilespmem:s25+$0x0] =	vst.add.f32.msk $0xffff, v62  }
0x1e1: {  	s0 =	sshll.u32 s0, $0x4;
	[tilespmem:s26+$0x0] =	vst.add.f32.msk $0xffff, v63  }
0x1e2: {  	v55 =	vimm.s32 $0xF;
	v56 =	vmov v35;
	s0 =	sadd.s32 s1, s0;
	[tilespmem:s28+$0x0] =	vst.add.f32.msk $0xffff, v19  }
0x1e3: {  	v57 =	vmovc v36;
	v58 =	vmovc v49;
	v59 =	vmov v24;
	v60 =	vmov v25;
	v61 =	vmov v23;
	[tilespmem:s17], [sflag:$0x2] =	stream.linear.gather [hbm4b:s0+s4], $0x3E80, $0x38;
	[tilespmem:$0x8000] =	vst v63  }
0x1e4: {  	_ =	swait.ge [sflag:s18], $0x3E80  }
0x1e5: {  	v52 =	vld [tilespmem:$0x1FFD0]  }
0x1e6: {  	[sflag:s18] =	ssyncset.done $0x0;
	v54 =	vld [tilespmem:$0x1FFE0]  }
0x1e7: {  	s0 =	simm.s32 $0x140;
	v62 =	vld [tilespmem:$0x1FFF0];
	[sflag:s18] =	ssyncadd.s32 $0xFFFFC180  }
0x1e8: {  	v6 =	vld [tilespmem:s0+$0xC0]  }
0x1e9: {  	v42 =	vld [tilespmem:s0+$0xD0]  }
0x1ea: {  	v41 =	vld [tilespmem:s0+$0xE0]  }
0x1eb: {  	v40 =	vld [tilespmem:s0+$0xF0]  }
0x1ec: {  	v37 =	vld [tilespmem:s0+$0x100]  }
0x1ed: {  	v29 =	vld [tilespmem:s0+$0x110]  }
0x1ee: {  	v27 =	vld [tilespmem:s0+$0x120]  }
0x1ef: {  	v4 =	vld [tilespmem:s0+$0x130]  }
0x1f0: {  	v35 =	vld [tilespmem:s0+$0xFFFFFED0]  }
0x1f1: {  	v19 =	vld [tilespmem:s0+$0xFFFFFEE0]  }
0x1f2: {  	v20 =	vld [tilespmem:s0+$0xFFFFFEF0]  }
0x1f3: {  	v21 =	vld [tilespmem:s0+$0xFFFFFF00]  }
0x1f4: {  	v25 =	vld [tilespmem:s0+$0xFFFFFF10]  }
0x1f5: {  	v23 =	vld [tilespmem:s0+$0xFFFFFF20]  }
0x1f6: {  	v33 =	vld [tilespmem:s0+$0xFFFFFF40];
	v0 =	vmul.f32 v6, v31;
	v1 =	vmul.f32 v42, v56  }
0x1f7: {  	v36 =	vld [tilespmem:s0+$0xFFFFFF50];
	v2 =	vmul.f32 v41, v57;
	v3 =	vmul.f32 v40, v58  }
0x1f8: {  	v38 =	vld [tilespmem:s0+$0xFFFFFF60];
	v5 =	vmul.f32 v37, v59;
	v7 =	vmul.f32 v29, v32  }
0x1f9: {  	v28 =	vld [tilespmem:s0+$0xFFFFFF90];
	v8 =	vmul.f32 v27, v60;
	v9 =	vmul.f32 v4, v61  }
0x1fa: {  	v22 =	vld [tilespmem:s0+$0xFFFFFFA0];
	v0 =	vadd.f32 v1, v0;
	v1 =	vadd.f32 v3, v2  }
0x1fb: {  	v26 =	vld [tilespmem:s0+$0xFFFFFFF0];
	v2 =	vadd.f32 v7, v5;
	v3 =	vadd.f32 v9, v8  }
0x1fc: {  	v51 =	vld [tilespmem:s0+$0x0]  }
0x1fd: {  	v30 =	vld [tilespmem:s0+$0x10];
	v0 =	vadd.f32 v1, v0;
	v1 =	vadd.f32 v3, v2  }
0x1fe: {  	v32 =	vld [tilespmem:s0+$0xFFFFFF80]  }
0x1ff: {  	v5 =	vld [tilespmem:$0x1FFE0];
	v2 =	vadd.f32 v1, v0  }
0x200: {  	v49 =	vld [tilespmem:s0+$0x20]  }
0x201: {  	v31 =	vld [tilespmem:s0+$0xFFFFFF70];
	(xrf2) =	vadd.scan.msk.f32 $0xffff, v2  }
0x202: {  	v1 =	vld [tilespmem:s0+$0xFFFFFFB0]  }
0x203: {  	v0 =	vld [tilespmem:s0+$0xFFFFFF30]  }
0x204: {  	v11 =	vmul.f32 v32, v59;
	v12 =	vmul.f32 v28, v5;
	v5 =	vld [tilespmem:s0+$0xFFFFFFE0]  }
0x205: {  	v39 =	vmul.f32 v36, v56;
	v2 =	vld [tilespmem:$0x1FFD0]  }
0x206: {  	v43 =	vmul.f32 v38, v57;
	v10 =	vmul.f32 v31, v58;
	v46 =	vadd.f32 v12, v11;
	v12 =	vld [tilespmem:$0x1FFE0]  }
0x207: {  	v24 =	vld [tilespmem:s0+$0x40];
	v13 =	vmul.f32 v22, v60;
	v45 =	vmul.f32 v19, v57  }
0x208: {  	v34 =	vld [tilespmem:s0+$0xFFFFFEC0];
	v53 =	vmul.f32 v26, v58;
	v44 =	vadd.f32 v10, v43;
	v10 =	vmul.f32 v23, v60  }
0x209: {  	v3 =	vld [tilespmem:s0+$0xFFFFFFD0];
	v14 =	vmul.f32 v1, v61;
	v48 =	vmul.f32 v0, v61  }
0x20a: {  	v18 =	vmul.f32 v5, v57;
	v7 =	vmul.f32 v33, v2;
	v2 =	vld [tilespmem:s0+$0xFFFFFFC0]  }
0x20b: {  	v47 =	vadd.f32 v14, v13;
	v13 =	vmul.f32 v20, v58;
	v15 =	vmul.f32 v25, v12;
	v12 =	vld [tilespmem:s0+$0x50];
	v43, _, _ =	vpop (xrf2)  }
0x20c: {  	v9 =	vadd.f32 v53, v18;
	v7 =	vadd.f32 v39, v7;
	v39 =	vld [tilespmem:s0+$0x30];
	v43 =	vperm.xlane v43, v55  }
0x20d: {  	v14 =	vmul.f32 v21, v59;
	v18 =	vld [tilespmem:s0+$0xB0];
	v50 =	vadd.f32 v47, v46;
	v8 =	vadd.f32 v13, v45  }
0x20e: {  	v17 =	vmul.f32 v3, v56;
	v13 =	vld [tilespmem:s0+$0x60];
	v7 =	vadd.f32 v44, v7;
	v43 =	vadd.f32 v43, v62  }
0x20f: {  	v10 =	vadd.f32 v48, v10;
	v46 =	vmul.f32 v30, v54;
	v54 =	vld [tilespmem:$0x1FFD0];
	v44 =	vadd.f32 v15, v14  }
0x210: {  	v14 =	vld [tilespmem:s0+$0x70];
	v16 =	vmul.f32 v2, v52;
	v7 =	vadd.f32 v50, v7;
	v48 =	vmul.f32 $2.000000030e-01, v43  }
0x211: {  	v15 =	vld [tilespmem:s0+$0x80];
	v47 =	vmul.f32 v39, v61;
	vm0 =	vgt.f32 v43, $0.0e+00  }
0x212: {  	v52 =	vld [tilespmem:$0x1FFD0];
	(xrf2) =	vadd.scan.msk.f32 $0xffff, v7;
	v7 =	vadd.f32 v17, v16;
	v17 =	vmul.f32 v49, v60;
	v43 =	vsel vm0, v43, v48  }
0x213: {  	v45 =	vmul.f32 v51, v59;
	v16 =	vld [tilespmem:s0+$0x90];
	v43 =	vmul.f32 $1.442695020e+00, v43  }
0x214: {  	v63 =	vadd.f32 v47, v17;
	v17 =	vld [tilespmem:s0+$0xA0]  }
0x215: {  	v45 =	vadd.f32 v46, v45;
	v50 =	vmul.f32 v35, v56;
	(erf) = vpow2.f32 v43;
	v43 =	vld [tilespmem:$0x1FFE0]  }
0x216: {  	v53 =	vmul.f32 v12, v56;
	v62 =	vmul.f32 v34, v54  }
0x217: {  	v54 =	vmul.f32 v18, v61;
	v7 =	vadd.f32 v9, v7;
	v45 =	vadd.f32 v63, v45  }
0x218: {  	v10 =	vadd.f32 v10, v44;
	v9 =	vmul.f32 v24, v52;
	v47 =	vmul.f32 v13, v57  }
0x219: {  	v63 =	vmul.f32 v14, v58;
	v48 =	vmul.f32 v15, v59;
	v7 =	vadd.f32 v45, v7  }
0x21a: {  	v9 =	vadd.f32 v53, v9;
	v53 =	vmul.f32 v17, v60;
	v52 =	vmul.f32 v16, v43  }
0x21b: {  	v44 =	vadd.f32 v63, v47;
	(xrf2) =	vadd.scan.msk.f32 $0xffff, v7;
	v7 =	vadd.f32 v50, v62  }
0x21c: {  	v50 =	vadd.f32 v52, v48;
	v52 =	vadd.f32 v54, v53;
	v53 =	vld [tilespmem:$0x1FFF0]  }
0x21d: {  	v7 =	vadd.f32 v8, v7  }
0x21e: {  	v9 =	vadd.f32 v44, v9;
	v62, _, _ =	vpop (xrf2)  }
0x21f: {  	v63 =	vperm.xlane v62, v55;
	v7 =	vadd.f32 v10, v7;
	v8 =	vadd.f32 v52, v50;
	_ =	sdelay $0x1  }
0x220: {  	(xrf2) =	vadd.scan.msk.f32 $0xffff, v7;
	v7 =	vadd.f32 v8, v9;
	v54 =	vadd.f32 v63, v53;
	_ =	sdelay $0x1  }
0x221: {  	v45 =	vld [tilespmem:$0x1FFF0];
	v62 =	vmul.f32 $2.000000030e-01, v54  }
0x222: {  	v43 =	vpop (erf);
	vm12 =	vgt.f32 v54, $0.0e+00  }
0x223: {  	v6 =	vmul.f32 v43, v6;
	v44 =	vmul.f32 v43, v42;
	(xrf2) =	vadd.scan.msk.f32 $0xffff, v7;
	v7, _, _ =	vpop (xrf2);
	v63 =	vsel vm12, v54, v62  }
0x224: {  	v7 =	vperm.xlane v7, v55;
	v8 =	vmul.f32 $1.442695020e+00, v63  }
0x225: {  	[tilespmem:s19+$0x0] =	vst.add.f32.msk $0xffff, v6;
	v6 =	vmul.f32 v43, v41  }
0x226: {  	v46 =	vmul.f32 v43, v40;
	[tilespmem:s20+$0x0] =	vst.add.f32.msk $0xffff, v44;
	v7 =	vadd.f32 v7, v45;
	(erf) = vpow2.f32 v8  }
0x227: {  	[tilespmem:s21+$0x0] =	vst.add.f32.msk $0xffff, v6;
	v6 =	vmul.f32 v43, v37  }
0x228: {  	v48 =	vmul.f32 v43, v29;
	[tilespmem:s22+$0x0] =	vst.add.f32.msk $0xffff, v46;
	v10 =	vmul.f32 $2.000000030e-01, v7  }
0x229: {  	[tilespmem:s23+$0x0] =	vst.add.f32.msk $0xffff, v6;
	vm13 =	vgt.f32 v7, $0.0e+00  }
0x22a: {  	[tilespmem:s24+$0x0] =	vst.add.f32.msk $0xffff, v48;
	v7 =	vsel vm13, v7, v10  }
0x22b: {  	v6 =	vmul.f32 v43, v27;
	v8 =	vld [tilespmem:$0x1FFF0];
	v7 =	vmul.f32 $1.442695020e+00, v7  }
0x22c: {  	v4 =	vmul.f32 v43, v4  }
0x22d: {  	v47, _, _ =	vpop (xrf2);
	[tilespmem:s25+$0x0] =	vst.add.f32.msk $0xffff, v6  }
0x22e: {  	v50 =	vperm.xlane v47, v55;
	[tilespmem:s26+$0x0] =	vst.add.f32.msk $0xffff, v4  }
0x22f: {  	v29 =	vld [tilespmem:$0x1FFF0];
	(erf) = vpow2.f32 v7;
	v7 =	vpop (erf)  }
0x230: {  	v52, _, _ =	vpop (xrf2);
	v8 =	vadd.f32 v50, v8;
	v53 =	vmul.f32 v7, v33  }
0x231: {  	[tilespmem:s28+$0x0] =	vst.add.f32.msk $0xffff, v43;
	v6 =	vperm.xlane v52, v55  }
0x232: {  	v4 =	vmul.f32 $2.000000030e-01, v8;
	v54 =	vmul.f32 v7, v36;
	[tilespmem:s19+$0x0] =	vst.add.f32.msk $0xffff, v53  }
0x233: {  	vm14 =	vgt.f32 v8, $0.0e+00;
	v55 =	vmul.f32 v7, v31;
	v31 =	vld [tilespmem:$0x1FFD0]  }
0x234: {  	v6 =	vadd.f32 v6, v29;
	v4 =	vsel vm14, v8, v4;
	v27 =	vmul.f32 v7, v38;
	[tilespmem:s20+$0x0] =	vst.add.f32.msk $0xffff, v54  }
0x235: {  	v4 =	vmul.f32 $1.442695020e+00, v4;
	v62 =	vmul.f32 v7, v32;
	v32 =	vld [tilespmem:$0x1FFE0]  }
0x236: {  	v63 =	vmul.f32 $2.000000030e-01, v6;
	[tilespmem:s21+$0x0] =	vst.add.f32.msk $0xffff, v27  }
0x237: {  	vm15 =	vgt.f32 v6, $0.0e+00;
	(erf) = vpow2.f32 v4;
	v27 =	vmul.f32 v7, v28;
	[tilespmem:s22+$0x0] =	vst.add.f32.msk $0xffff, v55  }
0x238: {  	v6 =	vsel vm15, v6, v63;
	v4 =	vmul.f32 v7, v22;
	v22 =	vpop (erf);
	[tilespmem:s23+$0x0] =	vst.add.f32.msk $0xffff, v62  }
0x239: {  	v6 =	vmul.f32 $1.442695020e+00, v6;
	v2 =	vmul.f32 v22, v2;
	[tilespmem:s24+$0x0] =	vst.add.f32.msk $0xffff, v27  }
0x23a: {  	v1 =	vmul.f32 v7, v1;
	[tilespmem:s25+$0x0] =	vst.add.f32.msk $0xffff, v4  }
0x23b: {  	(erf) = vpow2.f32 v6;
	[tilespmem:s19+$0x0] =	vst.add.f32.msk $0xffff, v2  }
0x23c: {  	[tilespmem:s26+$0x0] =	vst.add.f32.msk $0xffff, v1;
	v1 =	vmul.f32 v22, v3  }
0x23d: {  	v3 =	vmul.f32 v22, v5;
	[tilespmem:s28+$0x0] =	vst.add.f32.msk $0xffff, v7  }
0x23e: {  	v2 =	vmul.f32 v22, v26;
	[tilespmem:s20+$0x0] =	vst.add.f32.msk $0xffff, v1  }
0x23f: {  	v28 =	vmul.f32 v22, v39;
	v1 =	vmul.f32 v22, v51;
	[tilespmem:s21+$0x0] =	vst.add.f32.msk $0xffff, v3  }
0x240: {  	v5 =	vmul.f32 v22, v30;
	v30 =	vmul.f32 v22, v49;
	v37 =	vpop (erf);
	[tilespmem:s22+$0x0] =	vst.add.f32.msk $0xffff, v2  }
0x241: {  	v6 =	vmul.f32 v37, v35;
	v2 =	vmul.f32 v37, v34;
	[tilespmem:s23+$0x0] =	vst.add.f32.msk $0xffff, v1  }
0x242: {  	v4 =	vmul.f32 v37, v19;
	v3 =	vmul.f32 v37, v21;
	[tilespmem:s24+$0x0] =	vst.add.f32.msk $0xffff, v5  }
0x243: {  	v62 =	vmul.f32 v37, v25;
	v0 =	vmul.f32 v37, v0;
	[tilespmem:s19+$0x0] =	vst.add.f32.msk $0xffff, v2  }
0x244: {  	s2 =	simm.s32 $0x3C0;
	s0 =	simm.s32 $0x0;
	v1 =	vmul.f32 v37, v20;
	v19 =	vpop (erf);
	v2 =	vmul.f32 v37, v23;
	[tilespmem:s20+$0x0] =	vst.add.f32.msk $0xffff, v6  }
.LBB2_8:
0x245: {  	v5 =	vmul.f32 v19, v24;
	_ =	sdelay $0x1  }
0x246: {  	v35 =	vld [tilespmem:s2+$0xC0];
	[tilespmem:$0x1FD90] =	vst v5;
	v5 =	vmul.f32 v19, v12  }
0x247: {  	v49 =	vld [tilespmem:s2+$0xD0]  }
0x248: {  	v36 =	vld [tilespmem:s2+$0xE0];
	[tilespmem:$0x1FDA0] =	vst v5;
	v5 =	vmul.f32 v19, v13  }
0x249: {  	v21 =	vld [tilespmem:s2+$0xF0]  }
0x24a: {  	v55 =	vld [tilespmem:s2+$0x100];
	[tilespmem:$0x1FDB0] =	vst v5;
	v5 =	vmul.f32 v19, v14  }
0x24b: {  	v50 =	vld [tilespmem:s2+$0x110]  }
0x24c: {  	v43 =	vld [tilespmem:s2+$0x120];
	[tilespmem:$0x1FDC0] =	vst v5;
	v5 =	vmul.f32 v19, v15  }
0x24d: {  	v41 =	vld [tilespmem:s2+$0x130]  }
0x24e: {  	v25 =	vld [tilespmem:s2+$0xFFFFFF10];
	[tilespmem:$0x1FDD0] =	vst v5;
	v5 =	vmul.f32 v19, v16  }
0x24f: {  	v26 =	vld [tilespmem:s2+$0xFFFFFF20]  }
0x250: {  	v27 =	vld [tilespmem:s2+$0xFFFFFF30];
	v7 =	vmul.f32 v49, v56;
	[tilespmem:$0x1FDE0] =	vst v5;
	v5 =	vmul.f32 v19, v17  }
0x251: {  	v38 =	vld [tilespmem:s2+$0xFFFFFF40];
	v8 =	vmul.f32 v36, v57;
	v10 =	vmul.f32 v55, v59  }
0x252: {  	v39 =	vld [tilespmem:s2+$0xFFFFFF50];
	v11 =	vmul.f32 v50, v32;
	[tilespmem:$0x1FDF0] =	vst v5;
	v5 =	vmul.f32 v19, v18  }
0x253: {  	v42 =	vld [tilespmem:s2+$0xFFFFFF70];
	v12 =	vmul.f32 v43, v60;
	v13 =	vmul.f32 v41, v61  }
0x254: {  	v40 =	vld [tilespmem:s2+$0xFFFFFF90];
	v9 =	vmul.f32 v21, v58;
	[tilespmem:$0x1FE00] =	vst v5;
	v5 =	vmul.f32 v35, v31  }
0x255: {  	v14 =	vld [tilespmem:s2+$0xFFFFFEE0];
	v48 =	vadd.f32 v11, v10;
	v51 =	vadd.f32 v13, v12  }
0x256: {  	v15 =	vld [tilespmem:s2+$0xFFFFFEF0];
	v5 =	vadd.f32 v7, v5;
	v7 =	vadd.f32 v9, v8  }
0x257: {  	v45 =	vld [tilespmem:s2+$0xFFFFFFA0]  }
0x258: {  	v16 =	vld [tilespmem:s2+$0xFFFFFF00];
	v5 =	vadd.f32 v7, v5;
	v7 =	vadd.f32 v51, v48  }
0x259: {  	v46 =	vld [tilespmem:s2+$0xFFFFFFB0]  }
0x25a: {  	v44 =	vld [tilespmem:s2+$0xFFFFFFD0];
	v5 =	vadd.f32 v7, v5  }
0x25b: {  	v20 =	vld [tilespmem:s2+$0x10];
	v47 =	vmul.f32 v14, v57;
	v52 =	vmul.f32 v15, v58  }
0x25c: {  	v53 =	vmul.f32 v25, v32;
	v54 =	vmul.f32 v26, v60;
	v48 =	vld [tilespmem:s2+$0xFFFFFF60];
	(xrf2) =	vadd.scan.msk.f32 $0xffff, v5  }
0x25d: {  	v12 =	vmul.f32 v16, v59;
	v8 =	vadd.f32 v52, v47;
	v52 =	vld [tilespmem:s2+$0xFFFFFFE0];
	v7 =	vmul.f32 v27, v61  }
0x25e: {  	v51 =	vld [tilespmem:s2+$0xFFFFFF80]  }
0x25f: {  	v63 =	vmul.f32 v38, v31;
	v9 =	vadd.f32 v53, v12;
	v53 =	vld [tilespmem:s2+$0xFFFFFFF0];
	v5 =	vadd.f32 v7, v54  }
0x260: {  	v23 =	vimm.s32 $0xF;
	v13 =	vmul.f32 v46, v61;
	v47 =	vld [tilespmem:s2+$0xFFFFFFC0];
	v7 =	vmul.f32 v39, v56  }
0x261: {  	v54 =	vld [tilespmem:s2+$0x0];
	v33 =	vmul.f32 v48, v57;
	v9 =	vadd.f32 v5, v9;
	v5 =	vmul.f32 v42, v58  }
0x262: {  	v6 =	vld [tilespmem:s2+$0xFFFFFED0];
	v17 =	vmul.f32 v20, v32;
	v7 =	vadd.f32 v7, v63;
	v63 =	vmul.f32 v45, v60  }
0x263: {  	v24 =	vld [tilespmem:s2+$0x40];
	v12 =	vmul.f32 v40, v32;
	v34 =	vmul.f32 v51, v59;
	v5 =	vadd.f32 v5, v33  }
0x264: {  	[tilespmem:$0x1FE30] =	vst v15;
	v15 =	vmul.f32 v53, v58;
	v10 =	vadd.f32 v13, v63;
	v63 =	vld [tilespmem:s2+$0x30];
	v13 =	vmul.f32 v52, v57  }
0x265: {  	v11 =	vmul.f32 v47, v31;
	v5 =	vadd.f32 v5, v7;
	v7 =	vadd.f32 v12, v34;
	v34 =	vld [tilespmem:s2+$0x20]  }
0x266: {  	[tilespmem:$0x1FE20] =	vst v14;
	v33 =	vmul.f32 v54, v59;
	v12 =	vmul.f32 v44, v56;
	v18 =	vadd.f32 v15, v13;
	v13 =	vld [tilespmem:s2+$0x60];
	v14, _, _ =	vpop (xrf2)  }
0x267: {  	v15 =	vld [tilespmem:s2+$0x80];
	v7 =	vadd.f32 v10, v7;
	v14 =	vperm.xlane v14, v23  }
0x268: {  	[tilespmem:$0x1FE40] =	vst v16;
	v16 =	vadd.f32 v12, v11;
	v10 =	vadd.f32 v17, v33;
	v17 =	vld [tilespmem:$0x1FFD0]  }
0x269: {  	v12 =	vld [tilespmem:s2+$0x50];
	v5 =	vadd.f32 v7, v5;
	v11 =	vadd.f32 v14, v29  }
0x26a: {  	v32 =	vadd.f32 v18, v16;
	v16 =	vld [tilespmem:s2+$0x90];
	v7 =	vmul.f32 v34, v60;
	v29 =	vmul.f32 v63, v61  }
0x26b: {  	v14 =	vld [tilespmem:s2+$0x70];
	v31 =	vmul.f32 $2.000000030e-01, v11  }
0x26c: {  	v18 =	vld [tilespmem:s2+$0xB0];
	(xrf2) =	vadd.scan.msk.f32 $0xffff, v5;
	vm0 =	vgt.f32 v11, $0.0e+00;
	v7 =	vadd.f32 v29, v7  }
0x26d: {  	v33 =	vmul.f32 v24, v17;
	v17 =	vld [tilespmem:s2+$0xA0];
	v5 =	vsel vm0, v11, v31  }
0x26e: {  	v7 =	vadd.f32 v7, v10;
	v31 =	vmul.f32 $1.442695020e+00, v5;
	v5 =	vld [tilespmem:s2+$0xFFFFFEC0]  }
0x26f: {  	v29 =	vmul.f32 v12, v56;
	[tilespmem:s21+$0x0] =	vst.add.f32.msk $0xffff, v4  }
0x270: {  	v11 =	vmul.f32 v13, v57;
	v10 =	vmul.f32 v14, v58;
	v4 =	vadd.f32 v7, v32;
	v32 =	vld [tilespmem:$0x1FFE0]  }
0x271: {  	(erf) = vpow2.f32 v31;
	v31 =	vld [tilespmem:$0x1FFD0]  }
0x272: {  	v29 =	vadd.f32 v29, v33;
	[tilespmem:s22+$0x0] =	vst.add.f32.msk $0xffff, v1;
	v10 =	vadd.f32 v10, v11  }
0x273: {  	[tilespmem:s23+$0x0] =	vst.add.f32.msk $0xffff, v3;
	(xrf2) =	vadd.scan.msk.f32 $0xffff, v4  }
0x274: {  	[tilespmem:$0x1FE10] =	vst v6;
	v6 =	vmul.f32 v6, v56;
	v10 =	vadd.f32 v10, v29;
	v29 =	vld [tilespmem:$0x1FFF0]  }
0x275: {  	v33 =	vmul.f32 v15, v59;
	v1 =	vmul.f32 v17, v60;
	[tilespmem:s24+$0x0] =	vst.add.f32.msk $0xffff, v62  }
0x276: {  	v11 =	vmul.f32 v18, v61;
	[tilespmem:s25+$0x0] =	vst.add.f32.msk $0xffff, v2;
	v3, _, _ =	vpop (xrf2);
	v4 =	vmul.f32 v5, v31  }
0x277: {  	[tilespmem:s26+$0x0] =	vst.add.f32.msk $0xffff, v0;
	v0 =	vperm.xlane v3, v23;
	v7 =	vmul.f32 v16, v32  }
0x278: {  	v1 =	vadd.f32 v11, v1;
	v2 =	vadd.f32 v6, v4  }
0x279: {  	v7 =	vadd.f32 v7, v33;
	v0 =	vadd.f32 v0, v29  }
0x27a: {  	v2 =	vadd.f32 v8, v2;
	v3 =	vpop (erf)  }
0x27b: {  	[tilespmem:s28+$0x0] =	vst.add.f32.msk $0xffff, v37;
	v1 =	vadd.f32 v1, v7;
	v37 =	vmul.f32 $2.000000030e-01, v0;
	v4 =	vmul.f32 v3, v35  }
0x27c: {  	vm12 =	vgt.f32 v0, $0.0e+00;
	v7 =	vmul.f32 v3, v49;
	v49 =	vld [tilespmem:$0x1FD90];
	v2 =	vadd.f32 v9, v2  }
0x27d: {  	v1 =	vadd.f32 v1, v10;
	v0 =	vsel vm12, v0, v37;
	v6, _, _ =	vpop (xrf2);
	[tilespmem:s19+$0x0] =	vst.add.f32.msk $0xffff, v4;
	v4 =	vmul.f32 v3, v36  }
0x27e: {  	v6 =	vperm.xlane v6, v23;
	(xrf2) =	vadd.scan.msk.f32 $0xffff, v2;
	[tilespmem:s20+$0x0] =	vst.add.f32.msk $0xffff, v7;
	v2 =	vmul.f32 v3, v21  }
0x27f: {  	v0 =	vmul.f32 $1.442695020e+00, v0;
	[tilespmem:s21+$0x0] =	vst.add.f32.msk $0xffff, v4;
	v4 =	vmul.f32 v3, v55  }
0x280: {  	(xrf2) =	vadd.scan.msk.f32 $0xffff, v1;
	v1 =	vadd.f32 v6, v29;
	[tilespmem:s22+$0x0] =	vst.add.f32.msk $0xffff, v2;
	v2 =	vmul.f32 v3, v50  }
0x281: {  	[tilespmem:s23+$0x0] =	vst.add.f32.msk $0xffff, v4;
	v4 =	vmul.f32 v3, v43  }
0x282: {  	(erf) = vpow2.f32 v0;
	v0 =	vmul.f32 $2.000000030e-01, v1;
	[tilespmem:s24+$0x0] =	vst.add.f32.msk $0xffff, v2  }
0x283: {  	vm13 =	vgt.f32 v1, $0.0e+00;
	v2 =	vmul.f32 v3, v41;
	[tilespmem:s25+$0x0] =	vst.add.f32.msk $0xffff, v4  }
0x284: {  	v0 =	vsel vm13, v1, v0;
	v1 =	vld [tilespmem:$0x1FDA0]  }
0x285: {  	[tilespmem:s26+$0x0] =	vst.add.f32.msk $0xffff, v2;
	v0 =	vmul.f32 $1.442695020e+00, v0  }
0x286: {  	v2 =	vld [tilespmem:$0x1FDB0]  }
0x287: {  	(erf) = vpow2.f32 v0;
	v0 =	vld [tilespmem:$0x1FDC0];
	_ =	sdelay $0x1  }
0x288: {  	[tilespmem:s19+$0x0] =	vst.add.f32.msk $0xffff, v49  }
0x289: {  	[tilespmem:s20+$0x0] =	vst.add.f32.msk $0xffff, v1  }
0x28a: {  	[tilespmem:s21+$0x0] =	vst.add.f32.msk $0xffff, v2  }
0x28b: {  	[tilespmem:s22+$0x0] =	vst.add.f32.msk $0xffff, v0  }
0x28c: {  	v0 =	vld [tilespmem:$0x1FDD0];
	_ =	sdelay $0x2  }
0x28d: {  	[tilespmem:s25+$0x0] =	vst.add.f32.msk $0xffff, v30;
	v1, _, _ =	vpop (xrf2)  }
0x28e: {  	[tilespmem:s28+$0x0] =	vst.add.f32.msk $0xffff, v3;
	v2 =	vperm.xlane v1, v23  }
0x28f: {  	[tilespmem:s23+$0x0] =	vst.add.f32.msk $0xffff, v0  }
0x290: {  	v0 =	vadd.f32 v2, v29;
	v2 =	vld [tilespmem:$0x1FDE0]  }
0x291: {  	v3 =	vld [tilespmem:$0x1FDF0]  }
0x292: {  	v6 =	vld [tilespmem:$0x1FE00]  }
0x293: {  	[tilespmem:s26+$0x0] =	vst.add.f32.msk $0xffff, v28  }
0x294: {  	[tilespmem:s28+$0x0] =	vst.add.f32.msk $0xffff, v22;
	v1, _, _ =	vpop (xrf2)  }
0x295: {  	[tilespmem:s24+$0x0] =	vst.add.f32.msk $0xffff, v2;
	v2 =	vpop (erf)  }
0x296: {  	v1 =	vperm.xlane v1, v23;
	[tilespmem:s25+$0x0] =	vst.add.f32.msk $0xffff, v3;
	v4 =	vmul.f32 v2, v38  }
0x297: {  	v3 =	vmul.f32 $2.000000030e-01, v0;
	[tilespmem:s26+$0x0] =	vst.add.f32.msk $0xffff, v6;
	v6 =	vmul.f32 v2, v39  }
0x298: {  	vm14 =	vgt.f32 v0, $0.0e+00;
	v7 =	vmul.f32 v2, v48;
	[tilespmem:s19+$0x0] =	vst.add.f32.msk $0xffff, v4  }
0x299: {  	v1 =	vadd.f32 v1, v29;
	v0 =	vsel vm14, v0, v3;
	v3 =	vmul.f32 v2, v42;
	[tilespmem:s20+$0x0] =	vst.add.f32.msk $0xffff, v6  }
0x29a: {  	v4 =	vmul.f32 v2, v51;
	v0 =	vmul.f32 $1.442695020e+00, v0;
	[tilespmem:s21+$0x0] =	vst.add.f32.msk $0xffff, v7  }
0x29b: {  	v22 =	vpop (erf);
	v6 =	vmul.f32 $2.000000030e-01, v1;
	v7 =	vmul.f32 v2, v40;
	[tilespmem:s22+$0x0] =	vst.add.f32.msk $0xffff, v3  }
0x29c: {  	vm15 =	vgt.f32 v1, $0.0e+00;
	(erf) = vpow2.f32 v0;
	v0 =	vmul.f32 v22, v47;
	[tilespmem:s23+$0x0] =	vst.add.f32.msk $0xffff, v4  }
0x29d: {  	v1 =	vsel vm15, v1, v6;
	v4 =	vmul.f32 v22, v44;
	[tilespmem:s24+$0x0] =	vst.add.f32.msk $0xffff, v7  }
0x29e: {  	v6 =	vmul.f32 v22, v52;
	v1 =	vmul.f32 $1.442695020e+00, v1;
	[tilespmem:s19+$0x0] =	vst.add.f32.msk $0xffff, v0  }
0x29f: {  	v7 =	vmul.f32 v22, v53;
	[tilespmem:s20+$0x0] =	vst.add.f32.msk $0xffff, v4  }
0x2a0: {  	(erf) = vpow2.f32 v1;
	v1 =	vmul.f32 v22, v54;
	[tilespmem:s21+$0x0] =	vst.add.f32.msk $0xffff, v6  }
0x2a1: {  	[tilespmem:s22+$0x0] =	vst.add.f32.msk $0xffff, v7  }
0x2a2: {  	v62 =	vmul.f32 v2, v45;
	[tilespmem:s23+$0x0] =	vst.add.f32.msk $0xffff, v1  }
0x2a3: {  	v3 =	vmul.f32 v2, v46;
	v1 =	vld [tilespmem:$0x1FE20]  }
0x2a4: {  	[tilespmem:s25+$0x0] =	vst.add.f32.msk $0xffff, v62  }
0x2a5: {  	[tilespmem:s26+$0x0] =	vst.add.f32.msk $0xffff, v3  }
0x2a6: {  	[tilespmem:s28+$0x0] =	vst.add.f32.msk $0xffff, v2;
	v37 =	vpop (erf)  }
0x2a7: {  	v2 =	vld [tilespmem:$0x1FE10];
	v0 =	vmul.f32 v37, v5  }
0x2a8: {  	v4 =	vmul.f32 v37, v1;
	v1 =	vld [tilespmem:$0x1FE30]  }
0x2a9: {  	s0 =	sadd.s32 $0x5, s0;
	[tilespmem:s19+$0x0] =	vst.add.f32.msk $0xffff, v0  }
0x2aa: {  	p0 =	slt.u32 s0, $0x78;
	v0 =	vld [tilespmem:$0x1FE40]  }
.Ltmp3:
0x2ab: {  	v30 =	vmul.f32 v22, v34;
	(pc) =	sbr.rel @p0 .LBB2_8-.Ltmp3, $4  }
0x2ac: {  	v28 =	vmul.f32 v22, v63;
	v2 =	vmul.f32 v37, v2  }
0x2ad: {  	[tilespmem:s28+$0x0] =	vst.add.f32.msk $0xffff, v19;
	v3 =	vmul.f32 v22, v20;
	v62 =	vmul.f32 v37, v25  }
0x2ae: {  	[tilespmem:s20+$0x0] =	vst.add.f32.msk $0xffff, v2;
	v2 =	vmul.f32 v37, v26;
	v1 =	vmul.f32 v37, v1  }
0x2af: {  	s2 =	sadd.s32 $0x280, s2;
	[tilespmem:s24+$0x0] =	vst.add.f32.msk $0xffff, v3;
	v19 =	vpop (erf);
	v3 =	vmul.f32 v37, v0;
	v0 =	vmul.f32 v37, v27  }
0x2b0: {  	[tilespmem:s21+$0x0] =	vst.add.f32.msk $0xffff, v4  }
0x2b1: {  	[tilespmem:s25+$0x0] =	vst.add.f32.msk $0xffff, v30  }
0x2b2: {  	[tilespmem:s22+$0x0] =	vst.add.f32.msk $0xffff, v1  }
0x2b3: {  	[tilespmem:s26+$0x0] =	vst.add.f32.msk $0xffff, v28  }
0x2b4: {  	v43 =	vmul.f32 v19, v24;
	[tilespmem:s23+$0x0] =	vst.add.f32.msk $0xffff, v3  }
0x2b5: {  	[tilespmem:s28+$0x0] =	vst.add.f32.msk $0xffff, v22  }
0x2b6: {  	v44 =	vmul.f32 v19, v12;
	[tilespmem:s19+$0x0] =	vst.add.f32.msk $0xffff, v43  }
0x2b7: {  	[tilespmem:s24+$0x0] =	vst.add.f32.msk $0xffff, v62  }
0x2b8: {  	v45 =	vmul.f32 v19, v13;
	[tilespmem:s20+$0x0] =	vst.add.f32.msk $0xffff, v44  }
0x2b9: {  	[tilespmem:s25+$0x0] =	vst.add.f32.msk $0xffff, v2  }
0x2ba: {  	v46 =	vmul.f32 v19, v14;
	[tilespmem:s21+$0x0] =	vst.add.f32.msk $0xffff, v45  }
0x2bb: {  	[tilespmem:s26+$0x0] =	vst.add.f32.msk $0xffff, v0  }
0x2bc: {  	v47 =	vmul.f32 v19, v15;
	[tilespmem:s22+$0x0] =	vst.add.f32.msk $0xffff, v46  }
0x2bd: {  	v48 =	vmul.f32 v19, v16;
	[tilespmem:s28+$0x0] =	vst.add.f32.msk $0xffff, v37  }
0x2be: {  	v49 =	vmul.f32 v19, v17;
	[tilespmem:s23+$0x0] =	vst.add.f32.msk $0xffff, v47  }
0x2bf: {  	v50 =	vmul.f32 v19, v18;
	[tilespmem:s24+$0x0] =	vst.add.f32.msk $0xffff, v48  }
0x2c0: {  	[tilespmem:s25+$0x0] =	vst.add.f32.msk $0xffff, v49  }
0x2c1: {  	[tilespmem:s26+$0x0] =	vst.add.f32.msk $0xffff, v50  }
0x2c2: {  	[tilespmem:s28+$0x0] =	vst.add.f32.msk $0xffff, v19  }
0x2c3: {  	_ =	swait.ge [sflag:s29], $0x3E80  }
0x2c4: {  	[sflag:s29] =	ssyncset.done $0x0  }
0x2c5: {  	s31 =	simm.s32 $0x0;
	[sflag:s29] =	ssyncadd.s32 $0xFFFFC180  }
0x2c6: {  	[hbm4b:s10+s31] =	stream.linear.scatter [tilespmem:s19], [sflag:$0x3], $0x100, $0x38;
	[tilespmem:$0x8000] =	vst v63  }
0x2c7: {  	_ =	swait.ge [sflag:s16], $0x100  }
0x2c8: {  	[sflag:s16] =	ssyncset.done $0x0  }
0x2c9: {  	v51 =	vimm.f32 $0.0e+00;
	[sflag:s16] =	ssyncadd.s32 $0xFFFFFF00  }
0x2ca: {  	[tilespmem:$0x7F00] =	vst v51  }
0x2cb: {  	[tilespmem:$0x7F80] =	vst v51  }
0x2cc: {  	[tilespmem:$0x7F10] =	vst v51  }
0x2cd: {  	[tilespmem:$0x7F90] =	vst v51  }
0x2ce: {  	[tilespmem:$0x7F20] =	vst v51  }
0x2cf: {  	[tilespmem:$0x7FA0] =	vst v51  }
0x2d0: {  	[tilespmem:$0x7F30] =	vst v51  }
0x2d1: {  	[tilespmem:$0x7FB0] =	vst v51  }
0x2d2: {  	v31 =	vld [tilespmem:$0x7E00];
	[tilespmem:$0x7F40] =	vst v51  }
0x2d3: {  	v55 =	vld [tilespmem:$0x7E10];
	[tilespmem:$0x7FC0] =	vst v51  }
0x2d4: {  	v56 =	vld [tilespmem:$0x7E20];
	[tilespmem:$0x7F50] =	vst v51  }
0x2d5: {  	v57 =	vld [tilespmem:$0x7E30];
	[tilespmem:$0x7FD0] =	vst v51  }
0x2d6: {  	v58 =	vld [tilespmem:$0x7E40];
	[tilespmem:$0x7F60] =	vst v51  }
0x2d7: {  	v32 =	vld [tilespmem:$0x7E50];
	[tilespmem:$0x7FE0] =	vst v51  }
0x2d8: {  	v59 =	vld [tilespmem:$0x7E60];
	[tilespmem:$0x7F70] =	vst v51  }
0x2d9: {  	v60 =	vld [tilespmem:$0x7E70];
	[tilespmem:$0x7FF0] =	vst v51  }
0x2da: {  	v33 =	vld [tilespmem:$0x7E80];
	[tilespmem:s31], [sflag:$0x1] =	stream.linear.gather [hbm4b:s11+s31], $0x3E80, $0x38  }
0x2db: {  	_ = 	snop  }
0x2dc: {  	[tilespmem:s17], [sflag:$0x2] =	stream.linear.gather [hbm4b:s12+s31], $0x3E80, $0x38;
	[tilespmem:$0x8000] =	vst v63  }
0x2dd: {  	[tilespmem:$0x1FD60] =	vst v31  }
0x2de: {  	[tilespmem:$0x1FD70] =	vst v32  }
0x2df: {  	[tilespmem:$0x1FD80] =	vst v33  }
.LBB2_10:
0x2e0: {  	_ =	swait.ge [sflag:s18], $0x3E80  }
0x2e1: {  	[sflag:s18] =	ssyncset.done $0x0  }
0x2e2: {  	s0 =	simm.s32 $0x140;
	[sflag:s18] =	ssyncadd.s32 $0xFFFFC180  }
0x2e3: {  	v6 =	vld [tilespmem:s0+$0xC0]  }
0x2e4: {  	v42 =	vld [tilespmem:s0+$0xD0]  }
0x2e5: {  	v41 =	vld [tilespmem:s0+$0xE0]  }
0x2e6: {  	v40 =	vld [tilespmem:s0+$0xF0]  }
0x2e7: {  	v37 =	vld [tilespmem:s0+$0x100]  }
0x2e8: {  	v8 =	vld [tilespmem:s0+$0x110]  }
0x2e9: {  	v27 =	vld [tilespmem:s0+$0x120]  }
0x2ea: {  	v4 =	vld [tilespmem:s0+$0x130]  }
0x2eb: {  	v23 =	vld [tilespmem:s0+$0xFFFFFED0]  }
0x2ec: {  	v19 =	vld [tilespmem:s0+$0xFFFFFEE0]  }
0x2ed: {  	v20 =	vld [tilespmem:s0+$0xFFFFFEF0]  }
0x2ee: {  	v21 =	vld [tilespmem:s0+$0xFFFFFF00]  }
0x2ef: {  	v25 =	vld [tilespmem:s0+$0xFFFFFF10];
	v0 =	vmul.f32 v6, v31;
	v1 =	vmul.f32 v42, v55  }
0x2f0: {  	v29 =	vld [tilespmem:s0+$0xFFFFFF40];
	v2 =	vmul.f32 v41, v56;
	v3 =	vmul.f32 v40, v57  }
0x2f1: {  	v35 =	vld [tilespmem:s0+$0xFFFFFF50];
	v5 =	vmul.f32 v37, v58;
	v11 =	vmul.f32 v8, v32  }
0x2f2: {  	v38 =	vld [tilespmem:s0+$0xFFFFFF60];
	v12 =	vmul.f32 v27, v59;
	v13 =	vmul.f32 v4, v60  }
0x2f3: {  	v9 =	vld [tilespmem:s0+$0xFFFFFF70];
	v0 =	vadd.f32 v1, v0;
	v1 =	vadd.f32 v3, v2  }
0x2f4: {  	v10 =	vld [tilespmem:s0+$0xFFFFFF80];
	v2 =	vadd.f32 v11, v5;
	v3 =	vadd.f32 v13, v12  }
0x2f5: {  	v28 =	vld [tilespmem:s0+$0xFFFFFF90]  }
0x2f6: {  	v22 =	vld [tilespmem:s0+$0xFFFFFFA0];
	v0 =	vadd.f32 v1, v0;
	v1 =	vadd.f32 v3, v2  }
0x2f7: {  	v26 =	vld [tilespmem:s0+$0xFFFFFFF0]  }
0x2f8: {  	v2 =	vadd.f32 v1, v0;
	v1 =	vld [tilespmem:s0+$0xFFFFFFB0]  }
0x2f9: {  	v7 =	vld [tilespmem:s0+$0x0];
	v62 =	vmul.f32 v29, v31  }
0x2fa: {  	v36 =	vld [tilespmem:s0+$0x20];
	v14 =	vmul.f32 v9, v57;
	v15 =	vmul.f32 v10, v58;
	(xrf2) =	vadd.scan.msk.f32 $0xffff, v2  }
0x2fb: {  	v39 =	vld [tilespmem:s0+$0x30];
	v12 =	vmul.f32 v35, v55;
	v13 =	vmul.f32 v38, v56  }
0x2fc: {  	v16 =	vmul.f32 v28, v32;
	v17 =	vmul.f32 v22, v59;
	v5 =	vld [tilespmem:s0+$0xFFFFFFE0]  }
0x2fd: {  	v3 =	vld [tilespmem:s0+$0xFFFFFFD0];
	v11 =	vadd.f32 v12, v62;
	v12 =	vadd.f32 v14, v13;
	v18 =	vmul.f32 v1, v60  }
0x2fe: {  	v13 =	vmul.f32 v19, v56;
	v14 =	vadd.f32 v16, v15;
	v16 =	vmul.f32 v20, v57;
	v2 =	vld [tilespmem:s0+$0xFFFFFFC0]  }
0x2ff: {  	v30 =	vld [tilespmem:s0+$0x10];
	v61 =	vmul.f32 v36, v59;
	v15 =	vadd.f32 v18, v17  }
0x300: {  	v24 =	vld [tilespmem:s0+$0xFFFFFF20];
	v50 =	vmul.f32 v39, v60;
	v43 =	vadd.f32 v12, v11;
	v48 =	vadd.f32 v16, v13  }
0x301: {  	v34 =	vld [tilespmem:s0+$0x40];
	v16 =	vmul.f32 v26, v57;
	v46 =	vmul.f32 v5, v56;
	v14 =	vadd.f32 v15, v14  }
0x302: {  	v52 =	vld [tilespmem:s0+$0xFFFFFEC0];
	v11 =	vimm.s32 $0xF;
	v17 =	vmul.f32 v21, v58;
	v18 =	vmul.f32 v25, v32  }
0x303: {  	v0 =	vld [tilespmem:s0+$0xFFFFFF30];
	v45 =	vmul.f32 v3, v55;
	v15 =	vmul.f32 v2, v31;
	v43 =	vadd.f32 v14, v43  }
0x304: {  	v12 =	vld [tilespmem:s0+$0x50];
	v49 =	vadd.f32 v18, v17;
	v17 =	vmul.f32 v7, v58;
	v18 =	vmul.f32 v30, v32;
	v47, _, _ =	vpop (xrf2)  }
0x305: {  	v13 =	vld [tilespmem:s0+$0x60];
	v46 =	vadd.f32 v16, v46;
	v63 =	vadd.f32 v45, v15;
	v47 =	vperm.xlane v47, v11;
	(xrf2) =	vadd.scan.msk.f32 $0xffff, v43  }
0x306: {  	v16 =	vld [tilespmem:s0+$0x90];
	v54 =	vadd.f32 v18, v17;
	v45 =	vadd.f32 v50, v61  }
0x307: {  	v44 =	vmul.f32 v24, v59;
	v15 =	vld [tilespmem:s0+$0x80];
	v47 =	vadd.f32 v47, v33  }
0x308: {  	v53 =	vmul.f32 v23, v55;
	v17 =	vld [tilespmem:s0+$0xA0];
	v43 =	vadd.f32 v46, v63;
	v45 =	vadd.f32 v45, v54  }
0x309: {  	v51 =	vmul.f32 v0, v60;
	v14 =	vld [tilespmem:s0+$0x70];
	v62 =	vmul.f32 $2.000000030e-01, v47  }
0x30a: {  	v18 =	vld [tilespmem:s0+$0xB0];
	v61 =	vmul.f32 v52, v31;
	v43 =	vadd.f32 v45, v43;
	vm0 =	vgt.f32 v47, $0.0e+00  }
0x30b: {  	v46 =	vmul.f32 v34, v31;
	v63 =	vmul.f32 v12, v55;
	v47 =	vsel vm0, v47, v62  }
0x30c: {  	v44 =	vadd.f32 v51, v44;
	v50 =	vmul.f32 v13, v56;
	(xrf2) =	vadd.scan.msk.f32 $0xffff, v43;
	v47 =	vmul.f32 $1.442695020e+00, v47  }
0x30d: {  	v45 =	vadd.f32 v63, v46;
	v54 =	vmul.f32 v15, v58;
	v46 =	vmul.f32 v17, v59  }
0x30e: {  	v43 =	vadd.f32 v53, v61;
	v62 =	vmul.f32 v14, v57;
	(erf) = vpow2.f32 v47  }
0x30f: {  	v44 =	vadd.f32 v44, v49;
	v63 =	vmul.f32 v18, v60;
	v47 =	vmul.f32 v16, v32;
	v61, _, _ =	vpop (xrf2)  }
0x310: {  	v43 =	vadd.f32 v48, v43;
	v49 =	vadd.f32 v62, v50;
	v62 =	vperm.xlane v61, v11  }
0x311: {  	v46 =	vadd.f32 v63, v46;
	v47 =	vadd.f32 v47, v54  }
0x312: {  	v43 =	vadd.f32 v44, v43;
	v63 =	vadd.f32 v62, v33  }
0x313: {  	v50 =	vadd.f32 v49, v45;
	v51 =	vadd.f32 v46, v47  }
0x314: {  	(xrf2) =	vadd.scan.msk.f32 $0xffff, v43;
	v53 =	vmul.f32 $2.000000030e-01, v63  }
0x315: {  	v54 =	vadd.f32 v51, v50;
	vm12 =	vgt.f32 v63, $0.0e+00  }
0x316: {  	v62, _, _ =	vpop (xrf2);
	v61 =	vsel vm12, v63, v53  }
0x317: {  	v43 =	vperm.xlane v62, v11;
	(xrf2) =	vadd.scan.msk.f32 $0xffff, v54;
	v44 =	vmul.f32 $1.442695020e+00, v61;
	v63 =	vpop (erf)  }
0x318: {  	v6 =	vmul.f32 v63, v6  }
0x319: {  	v43 =	vadd.f32 v43, v33;
	v42 =	vmul.f32 v63, v42;
	(erf) = vpow2.f32 v44  }
0x31a: {  	[tilespmem:s19+$0x0] =	vst.add.f32.msk $0xffff, v6;
	v6 =	vmul.f32 v63, v41  }
0x31b: {  	v40 =	vmul.f32 v63, v40;
	v47 =	vmul.f32 $2.000000030e-01, v43;
	[tilespmem:s20+$0x0] =	vst.add.f32.msk $0xffff, v42  }
0x31c: {  	vm13 =	vgt.f32 v43, $0.0e+00;
	[tilespmem:s21+$0x0] =	vst.add.f32.msk $0xffff, v6;
	v6 =	vmul.f32 v63, v37  }
0x31d: {  	v49 =	vsel vm13, v43, v47;
	[tilespmem:s22+$0x0] =	vst.add.f32.msk $0xffff, v40  }
0x31e: {  	v48, _, _ =	vpop (xrf2);
	[tilespmem:s23+$0x0] =	vst.add.f32.msk $0xffff, v6;
	v6 =	vmul.f32 v63, v27;
	v27 =	vmul.f32 $1.442695020e+00, v49  }
0x31f: {  	v8 =	vmul.f32 v63, v8;
	v37 =	vperm.xlane v48, v11;
	_ =	sdelay $0x1  }
0x320: {  	v4 =	vmul.f32 v63, v4;
	v50 =	vadd.f32 v37, v33;
	[tilespmem:s24+$0x0] =	vst.add.f32.msk $0xffff, v8;
	v51, _, _ =	vpop (xrf2);
	(erf) = vpow2.f32 v27  }
0x321: {  	[tilespmem:s25+$0x0] =	vst.add.f32.msk $0xffff, v6;
	v6 =	vperm.xlane v51, v11;
	v27 =	vpop (erf)  }
0x322: {  	[tilespmem:s26+$0x0] =	vst.add.f32.msk $0xffff, v4;
	v4 =	vmul.f32 $2.000000030e-01, v50;
	v53 =	vmul.f32 v27, v29  }
0x323: {  	vm14 =	vgt.f32 v50, $0.0e+00;
	[tilespmem:s28+$0x0] =	vst.add.f32.msk $0xffff, v63;
	v35 =	vmul.f32 v27, v35  }
0x324: {  	v54 =	vmul.f32 v27, v38;
	v6 =	vadd.f32 v6, v33;
	v4 =	vsel vm14, v50, v4;
	[tilespmem:s19+$0x0] =	vst.add.f32.msk $0xffff, v53  }
0x325: {  	v61 =	vmul.f32 v27, v9;
	v4 =	vmul.f32 $1.442695020e+00, v4;
	[tilespmem:s20+$0x0] =	vst.add.f32.msk $0xffff, v35  }
0x326: {  	v62 =	vmul.f32 v27, v10;
	v63 =	vmul.f32 $2.000000030e-01, v6;
	[tilespmem:s21+$0x0] =	vst.add.f32.msk $0xffff, v54  }
0x327: {  	v28 =	vmul.f32 v27, v28;
	vm15 =	vgt.f32 v6, $0.0e+00;
	(erf) = vpow2.f32 v4;
	[tilespmem:s22+$0x0] =	vst.add.f32.msk $0xffff, v61  }
0x328: {  	v4 =	vmul.f32 v27, v22;
	v6 =	vsel vm15, v6, v63;
	[tilespmem:s23+$0x0] =	vst.add.f32.msk $0xffff, v62  }
0x329: {  	v1 =	vmul.f32 v27, v1;
	v6 =	vmul.f32 $1.442695020e+00, v6;
	v22 =	vpop (erf);
	[tilespmem:s24+$0x0] =	vst.add.f32.msk $0xffff, v28  }
0x32a: {  	v2 =	vmul.f32 v22, v2;
	[tilespmem:s25+$0x0] =	vst.add.f32.msk $0xffff, v4  }
0x32b: {  	(erf) = vpow2.f32 v6;
	[tilespmem:s26+$0x0] =	vst.add.f32.msk $0xffff, v1  }
0x32c: {  	v1 =	vmul.f32 v22, v3;
	[tilespmem:s19+$0x0] =	vst.add.f32.msk $0xffff, v2  }
0x32d: {  	v3 =	vmul.f32 v22, v5;
	[tilespmem:s28+$0x0] =	vst.add.f32.msk $0xffff, v27  }
0x32e: {  	v2 =	vmul.f32 v22, v26;
	[tilespmem:s20+$0x0] =	vst.add.f32.msk $0xffff, v1  }
0x32f: {  	v28 =	vmul.f32 v22, v39;
	v1 =	vmul.f32 v22, v7;
	[tilespmem:s21+$0x0] =	vst.add.f32.msk $0xffff, v3  }
0x330: {  	v5 =	vmul.f32 v22, v30;
	v30 =	vmul.f32 v22, v36;
	v37 =	vpop (erf);
	[tilespmem:s22+$0x0] =	vst.add.f32.msk $0xffff, v2  }
0x331: {  	v49 =	vmov v57;
	v2 =	vmul.f32 v37, v52;
	v6 =	vmul.f32 v37, v23;
	[tilespmem:s23+$0x0] =	vst.add.f32.msk $0xffff, v1  }
0x332: {  	v35 =	vmovc v55;
	v36 =	vmov v56;
	v4 =	vmul.f32 v37, v19;
	v3 =	vmul.f32 v37, v21;
	[tilespmem:s24+$0x0] =	vst.add.f32.msk $0xffff, v5  }
0x333: {  	v62 =	vmul.f32 v37, v25;
	v0 =	vmul.f32 v37, v0;
	v25 =	vmovc v59;
	v23 =	vmov v60;
	[tilespmem:s19+$0x0] =	vst.add.f32.msk $0xffff, v2  }
0x334: {  	s2 =	simm.s32 $0x3C0;
	s0 =	simm.s32 $0x0;
	v1 =	vmul.f32 v37, v20;
	v2 =	vmul.f32 v37, v24;
	v24 =	vmov v58;
	v19 =	vpop (erf);
	[tilespmem:s20+$0x0] =	vst.add.f32.msk $0xffff, v6  }
.LBB2_11:
0x335: {  	v5 =	vmul.f32 v19, v34  }
0x336: {  	v61 =	vld [tilespmem:s2+$0xC0]  }
0x337: {  	v59 =	vld [tilespmem:s2+$0xD0];
	[tilespmem:$0x1FCA0] =	vst v5;
	v5 =	vmul.f32 v19, v12  }
0x338: {  	v60 =	vld [tilespmem:s2+$0xE0]  }
0x339: {  	v57 =	vld [tilespmem:s2+$0xF0];
	[tilespmem:$0x1FCB0] =	vst v5;
	v5 =	vmul.f32 v19, v13  }
0x33a: {  	v55 =	vld [tilespmem:s2+$0x100]  }
0x33b: {  	v50 =	vld [tilespmem:s2+$0x110];
	[tilespmem:$0x1FCC0] =	vst v5;
	v5 =	vmul.f32 v19, v14  }
0x33c: {  	v43 =	vld [tilespmem:s2+$0x120]  }
0x33d: {  	v41 =	vld [tilespmem:s2+$0x130];
	[tilespmem:$0x1FCD0] =	vst v5;
	v5 =	vmul.f32 v19, v15  }
0x33e: {  	v7 =	vld [tilespmem:s2+$0xFFFFFEE0]  }
0x33f: {  	v8 =	vld [tilespmem:s2+$0xFFFFFEF0];
	[tilespmem:$0x1FCE0] =	vst v5;
	v5 =	vmul.f32 v19, v16  }
0x340: {  	v9 =	vld [tilespmem:s2+$0xFFFFFF00]  }
0x341: {  	v21 =	vld [tilespmem:s2+$0xFFFFFF10];
	v11 =	vmul.f32 v59, v35;
	[tilespmem:$0x1FCF0] =	vst v5;
	v5 =	vmul.f32 v19, v17  }
0x342: {  	v26 =	vld [tilespmem:s2+$0xFFFFFF20];
	v12 =	vmul.f32 v60, v36;
	v13 =	vmul.f32 v57, v49  }
0x343: {  	v27 =	vld [tilespmem:s2+$0xFFFFFF30];
	v14 =	vmul.f32 v55, v24;
	[tilespmem:$0x1FD00] =	vst v5;
	v5 =	vmul.f32 v19, v18  }
0x344: {  	v38 =	vld [tilespmem:s2+$0xFFFFFF40];
	v15 =	vmul.f32 v50, v32;
	v16 =	vmul.f32 v43, v25  }
0x345: {  	v39 =	vld [tilespmem:s2+$0xFFFFFF50];
	v17 =	vmul.f32 v41, v23;
	[tilespmem:$0x1FD10] =	vst v5;
	v5 =	vmul.f32 v61, v31  }
0x346: {  	v48 =	vld [tilespmem:s2+$0xFFFFFF60];
	v54 =	vadd.f32 v13, v12;
	v13 =	vadd.f32 v15, v14  }
0x347: {  	v42 =	vld [tilespmem:s2+$0xFFFFFF70];
	v14 =	vadd.f32 v17, v16;
	v5 =	vadd.f32 v11, v5  }
0x348: {  	v51 =	vld [tilespmem:s2+$0xFFFFFF80];
	v12 =	vmul.f32 v7, v36  }
0x349: {  	v40 =	vld [tilespmem:s2+$0xFFFFFF90];
	v15 =	vmul.f32 v8, v49;
	v56 =	vadd.f32 v14, v13;
	v5 =	vadd.f32 v54, v5  }
0x34a: {  	v45 =	vld [tilespmem:s2+$0xFFFFFFA0];
	v58 =	vmul.f32 v27, v23  }
0x34b: {  	v46 =	vld [tilespmem:s2+$0xFFFFFFB0];
	[tilespmem:$0x1FD30] =	vst v7;
	v7 =	vadd.f32 v15, v12;
	v12 =	vmul.f32 v26, v25;
	v5 =	vadd.f32 v56, v5  }
0x34c: {  	v47 =	vld [tilespmem:s2+$0xFFFFFFC0];
	v16 =	vmul.f32 v9, v24;
	v13 =	vmul.f32 v21, v32  }
0x34d: {  	v44 =	vld [tilespmem:s2+$0xFFFFFFD0];
	(xrf2) =	vadd.scan.msk.f32 $0xffff, v5  }
0x34e: {  	v53 =	vld [tilespmem:s2+$0xFFFFFFF0];
	v13 =	vadd.f32 v13, v16;
	v5 =	vadd.f32 v58, v12  }
0x34f: {  	v52 =	vld [tilespmem:s2+$0xFFFFFFE0];
	v63 =	vmul.f32 v39, v35;
	v14 =	vmul.f32 v38, v31  }
0x350: {  	[tilespmem:$0x1FD40] =	vst v8;
	v12 =	vmul.f32 v48, v36;
	v8 =	vadd.f32 v5, v13;
	v5 =	vmul.f32 v42, v49  }
0x351: {  	v11 =	vadd.f32 v63, v14;
	v14 =	vmul.f32 v40, v32;
	v13 =	vmul.f32 v51, v24  }
0x352: {  	v15 =	vmul.f32 v46, v23;
	v5 =	vadd.f32 v5, v12;
	v12 =	vmul.f32 v45, v25  }
0x353: {  	v34 =	vmul.f32 v47, v31;
	v17 =	vmul.f32 v53, v49;
	v56 =	vld [tilespmem:s2+$0x10];
	v13 =	vadd.f32 v14, v13  }
0x354: {  	v63 =	vld [tilespmem:s2+$0x30];
	v14 =	vmul.f32 v44, v35;
	v12 =	vadd.f32 v15, v12;
	v15 =	vmul.f32 v52, v36  }
0x355: {  	v54 =	vld [tilespmem:s2+$0x0]  }
0x356: {  	v58 =	vld [tilespmem:s2+$0x20];
	v18 =	vadd.f32 v14, v34;
	v17 =	vadd.f32 v17, v15  }
0x357: {  	v20 =	vimm.s32 $0xF;
	v34 =	vld [tilespmem:s2+$0x40];
	v16, _, _ =	vpop (xrf2)  }
0x358: {  	v10 =	vmul.f32 v56, v32;
	v32 =	vadd.f32 v17, v18;
	v17 =	vld [tilespmem:$0x1FD60];
	v14 =	vperm.xlane v16, v20  }
0x359: {  	v16 =	vadd.f32 v12, v13;
	v12 =	vld [tilespmem:s2+$0x50]  }
0x35a: {  	[tilespmem:$0x1FD50] =	vst v9;
	v9 =	vmul.f32 v54, v24;
	v5 =	vadd.f32 v5, v11;
	v13 =	vld [tilespmem:s2+$0x60];
	v11 =	vadd.f32 v14, v33  }
0x35b: {  	v31 =	vmul.f32 v63, v23;
	v29 =	vmul.f32 v58, v25;
	v14 =	vld [tilespmem:s2+$0x70]  }
0x35c: {  	v6 =	vld [tilespmem:s2+$0xFFFFFED0];
	v9 =	vadd.f32 v10, v9;
	v5 =	vadd.f32 v16, v5;
	v10 =	vmul.f32 $2.000000030e-01, v11  }
0x35d: {  	v29 =	vadd.f32 v31, v29;
	v15 =	vld [tilespmem:s2+$0x80];
	vm0 =	vgt.f32 v11, $0.0e+00  }
0x35e: {  	v16 =	vld [tilespmem:s2+$0x90];
	v33 =	vmul.f32 v34, v17;
	(xrf2) =	vadd.scan.msk.f32 $0xffff, v5;
	v5 =	vsel vm0, v11, v10  }
0x35f: {  	v9 =	vadd.f32 v29, v9;
	v31 =	vmul.f32 v12, v35;
	v11 =	vmul.f32 $1.442695020e+00, v5;
	v5 =	vld [tilespmem:s2+$0xFFFFFEC0]  }
0x360: {  	v10 =	vmul.f32 v13, v36;
	v29 =	vmul.f32 v14, v49;
	[tilespmem:s21+$0x0] =	vst.add.f32.msk $0xffff, v4  }
0x361: {  	v4 =	vadd.f32 v9, v32;
	v32 =	vld [tilespmem:$0x1FD70]  }
0x362: {  	v18 =	vld [tilespmem:s2+$0xB0];
	v31 =	vadd.f32 v31, v33;
	v10 =	vadd.f32 v29, v10  }
0x363: {  	v17 =	vld [tilespmem:s2+$0xA0]  }
0x364: {  	(erf) = vpow2.f32 v11;
	v10 =	vadd.f32 v10, v31;
	v31 =	vld [tilespmem:$0x1FD60]  }
0x365: {  	(xrf2) =	vadd.scan.msk.f32 $0xffff, v4  }
0x366: {  	v33 =	vmul.f32 v15, v24;
	[tilespmem:s22+$0x0] =	vst.add.f32.msk $0xffff, v1;
	v9 =	vmul.f32 v16, v32  }
0x367: {  	[tilespmem:s23+$0x0] =	vst.add.f32.msk $0xffff, v3  }
0x368: {  	[tilespmem:$0x1FD20] =	vst v6;
	v1 =	vmul.f32 v17, v25;
	v11 =	vmul.f32 v18, v23;
	v9 =	vadd.f32 v9, v33;
	v33 =	vld [tilespmem:$0x1FD80]  }
0x369: {  	v6 =	vmul.f32 v6, v35;
	[tilespmem:s24+$0x0] =	vst.add.f32.msk $0xffff, v62;
	v4 =	vmul.f32 v5, v31  }
0x36a: {  	v1 =	vadd.f32 v11, v1;
	[tilespmem:s25+$0x0] =	vst.add.f32.msk $0xffff, v2;
	v3, _, _ =	vpop (xrf2)  }
0x36b: {  	[tilespmem:s26+$0x0] =	vst.add.f32.msk $0xffff, v0;
	v0 =	vperm.xlane v3, v20;
	v2 =	vadd.f32 v6, v4  }
0x36c: {  	v1 =	vadd.f32 v1, v9  }
0x36d: {  	v3 =	vpop (erf);
	v0 =	vadd.f32 v0, v33;
	v2 =	vadd.f32 v7, v2  }
0x36e: {  	[tilespmem:s28+$0x0] =	vst.add.f32.msk $0xffff, v37;
	v1 =	vadd.f32 v1, v10;
	v4 =	vmul.f32 v3, v61  }
0x36f: {  	v61 =	vld [tilespmem:$0x1FCA0];
	v6, _, _ =	vpop (xrf2);
	v7 =	vmul.f32 v3, v59;
	v37 =	vmul.f32 $2.000000030e-01, v0;
	v2 =	vadd.f32 v8, v2  }
0x370: {  	v6 =	vperm.xlane v6, v20;
	vm12 =	vgt.f32 v0, $0.0e+00;
	[tilespmem:s19+$0x0] =	vst.add.f32.msk $0xffff, v4;
	v4 =	vmul.f32 v3, v60  }
0x371: {  	[tilespmem:s20+$0x0] =	vst.add.f32.msk $0xffff, v7;
	v0 =	vsel vm12, v0, v37;
	(xrf2) =	vadd.scan.msk.f32 $0xffff, v2;
	v2 =	vmul.f32 v3, v57  }
0x372: {  	[tilespmem:s21+$0x0] =	vst.add.f32.msk $0xffff, v4;
	v4 =	vmul.f32 v3, v55;
	v0 =	vmul.f32 $1.442695020e+00, v0  }
0x373: {  	(xrf2) =	vadd.scan.msk.f32 $0xffff, v1;
	v1 =	vadd.f32 v6, v33;
	[tilespmem:s22+$0x0] =	vst.add.f32.msk $0xffff, v2;
	v2 =	vmul.f32 v3, v50  }
0x374: {  	[tilespmem:s23+$0x0] =	vst.add.f32.msk $0xffff, v4;
	v4 =	vmul.f32 v3, v43  }
0x375: {  	(erf) = vpow2.f32 v0;
	v0 =	vmul.f32 $2.000000030e-01, v1;
	[tilespmem:s24+$0x0] =	vst.add.f32.msk $0xffff, v2  }
0x376: {  	vm13 =	vgt.f32 v1, $0.0e+00;
	v2 =	vmul.f32 v3, v41;
	[tilespmem:s25+$0x0] =	vst.add.f32.msk $0xffff, v4  }
0x377: {  	v0 =	vsel vm13, v1, v0;
	v1 =	vld [tilespmem:$0x1FCB0]  }
0x378: {  	[tilespmem:s26+$0x0] =	vst.add.f32.msk $0xffff, v2;
	v0 =	vmul.f32 $1.442695020e+00, v0  }
0x379: {  	v2 =	vld [tilespmem:$0x1FCC0]  }
0x37a: {  	(erf) = vpow2.f32 v0;
	v0 =	vld [tilespmem:$0x1FCD0];
	_ =	sdelay $0x1  }
0x37b: {  	[tilespmem:s19+$0x0] =	vst.add.f32.msk $0xffff, v61  }
0x37c: {  	[tilespmem:s20+$0x0] =	vst.add.f32.msk $0xffff, v1  }
0x37d: {  	[tilespmem:s21+$0x0] =	vst.add.f32.msk $0xffff, v2  }
0x37e: {  	[tilespmem:s22+$0x0] =	vst.add.f32.msk $0xffff, v0  }
0x37f: {  	v0 =	vld [tilespmem:$0x1FCE0];
	_ =	sdelay $0x2  }
0x380: {  	[tilespmem:s25+$0x0] =	vst.add.f32.msk $0xffff, v30;
	v1, _, _ =	vpop (xrf2)  }
0x381: {  	[tilespmem:s28+$0x0] =	vst.add.f32.msk $0xffff, v3;
	v2 =	vperm.xlane v1, v20  }
0x382: {  	[tilespmem:s23+$0x0] =	vst.add.f32.msk $0xffff, v0  }
0x383: {  	v0 =	vadd.f32 v2, v33;
	v2 =	vld [tilespmem:$0x1FCF0]  }
0x384: {  	v3 =	vld [tilespmem:$0x1FD00]  }
0x385: {  	v6 =	vld [tilespmem:$0x1FD10]  }
0x386: {  	[tilespmem:s26+$0x0] =	vst.add.f32.msk $0xffff, v28  }
0x387: {  	[tilespmem:s28+$0x0] =	vst.add.f32.msk $0xffff, v22;
	v1, _, _ =	vpop (xrf2)  }
0x388: {  	[tilespmem:s24+$0x0] =	vst.add.f32.msk $0xffff, v2;
	v2 =	vpop (erf)  }
0x389: {  	v1 =	vperm.xlane v1, v20;
	[tilespmem:s25+$0x0] =	vst.add.f32.msk $0xffff, v3;
	v4 =	vmul.f32 v2, v38  }
0x38a: {  	v3 =	vmul.f32 $2.000000030e-01, v0;
	[tilespmem:s26+$0x0] =	vst.add.f32.msk $0xffff, v6;
	v6 =	vmul.f32 v2, v39  }
0x38b: {  	vm14 =	vgt.f32 v0, $0.0e+00;
	v7 =	vmul.f32 v2, v48;
	[tilespmem:s19+$0x0] =	vst.add.f32.msk $0xffff, v4  }
0x38c: {  	v1 =	vadd.f32 v1, v33;
	v0 =	vsel vm14, v0, v3;
	v3 =	vmul.f32 v2, v42;
	[tilespmem:s20+$0x0] =	vst.add.f32.msk $0xffff, v6  }
0x38d: {  	v4 =	vmul.f32 v2, v51;
	v0 =	vmul.f32 $1.442695020e+00, v0;
	[tilespmem:s21+$0x0] =	vst.add.f32.msk $0xffff, v7  }
0x38e: {  	v22 =	vpop (erf);
	v6 =	vmul.f32 $2.000000030e-01, v1;
	v7 =	vmul.f32 v2, v40;
	[tilespmem:s22+$0x0] =	vst.add.f32.msk $0xffff, v3  }
0x38f: {  	vm15 =	vgt.f32 v1, $0.0e+00;
	(erf) = vpow2.f32 v0;
	v0 =	vmul.f32 v22, v47;
	[tilespmem:s23+$0x0] =	vst.add.f32.msk $0xffff, v4  }
0x390: {  	v1 =	vsel vm15, v1, v6;
	v4 =	vmul.f32 v22, v44;
	[tilespmem:s24+$0x0] =	vst.add.f32.msk $0xffff, v7  }
0x391: {  	v6 =	vmul.f32 v22, v52;
	v1 =	vmul.f32 $1.442695020e+00, v1;
	[tilespmem:s19+$0x0] =	vst.add.f32.msk $0xffff, v0  }
0x392: {  	v7 =	vmul.f32 v22, v53;
	[tilespmem:s20+$0x0] =	vst.add.f32.msk $0xffff, v4  }
0x393: {  	(erf) = vpow2.f32 v1;
	v1 =	vmul.f32 v22, v54;
	[tilespmem:s21+$0x0] =	vst.add.f32.msk $0xffff, v6  }
0x394: {  	[tilespmem:s22+$0x0] =	vst.add.f32.msk $0xffff, v7  }
0x395: {  	v62 =	vmul.f32 v2, v45;
	[tilespmem:s23+$0x0] =	vst.add.f32.msk $0xffff, v1  }
0x396: {  	v3 =	vmul.f32 v2, v46;
	v1 =	vld [tilespmem:$0x1FD30]  }
0x397: {  	[tilespmem:s25+$0x0] =	vst.add.f32.msk $0xffff, v62  }
0x398: {  	[tilespmem:s26+$0x0] =	vst.add.f32.msk $0xffff, v3  }
0x399: {  	[tilespmem:s28+$0x0] =	vst.add.f32.msk $0xffff, v2;
	v37 =	vpop (erf)  }
0x39a: {  	v2 =	vld [tilespmem:$0x1FD20];
	v0 =	vmul.f32 v37, v5  }
0x39b: {  	v4 =	vmul.f32 v37, v1;
	v1 =	vld [tilespmem:$0x1FD40]  }
0x39c: {  	s0 =	sadd.s32 $0x5, s0;
	[tilespmem:s19+$0x0] =	vst.add.f32.msk $0xffff, v0  }
0x39d: {  	p0 =	slt.u32 s0, $0x78;
	v0 =	vld [tilespmem:$0x1FD50]  }
.Ltmp4:
0x39e: {  	v30 =	vmul.f32 v22, v58;
	(pc) =	sbr.rel @p0 .LBB2_11-.Ltmp4, $4  }
0x39f: {  	v28 =	vmul.f32 v22, v63;
	v2 =	vmul.f32 v37, v2  }
0x3a0: {  	[tilespmem:s28+$0x0] =	vst.add.f32.msk $0xffff, v19;
	v3 =	vmul.f32 v22, v56;
	v62 =	vmul.f32 v37, v21  }
0x3a1: {  	[tilespmem:s20+$0x0] =	vst.add.f32.msk $0xffff, v2;
	v2 =	vmul.f32 v37, v26;
	v1 =	vmul.f32 v37, v1  }
0x3a2: {  	s2 =	sadd.s32 $0x280, s2;
	[tilespmem:s24+$0x0] =	vst.add.f32.msk $0xffff, v3;
	v19 =	vpop (erf);
	v3 =	vmul.f32 v37, v0;
	v0 =	vmul.f32 v37, v27  }
0x3a3: {  	[tilespmem:s21+$0x0] =	vst.add.f32.msk $0xffff, v4  }
0x3a4: {  	[tilespmem:s25+$0x0] =	vst.add.f32.msk $0xffff, v30  }
0x3a5: {  	[tilespmem:s22+$0x0] =	vst.add.f32.msk $0xffff, v1  }
0x3a6: {  	[tilespmem:s26+$0x0] =	vst.add.f32.msk $0xffff, v28  }
0x3a7: {  	[tilespmem:s23+$0x0] =	vst.add.f32.msk $0xffff, v3  }
0x3a8: {  	[tilespmem:s28+$0x0] =	vst.add.f32.msk $0xffff, v22  }
0x3a9: {  	[tilespmem:s24+$0x0] =	vst.add.f32.msk $0xffff, v62  }
0x3aa: {  	[tilespmem:s25+$0x0] =	vst.add.f32.msk $0xffff, v2  }
0x3ab: {  	[tilespmem:s26+$0x0] =	vst.add.f32.msk $0xffff, v0;
	v0 =	vmul.f32 v19, v34  }
0x3ac: {  	v1 =	vmul.f32 v19, v12;
	[tilespmem:s28+$0x0] =	vst.add.f32.msk $0xffff, v37  }
0x3ad: {  	v2 =	vmul.f32 v19, v13;
	[tilespmem:s19+$0x0] =	vst.add.f32.msk $0xffff, v0  }
0x3ae: {  	v0 =	vmul.f32 v19, v14;
	[tilespmem:s20+$0x0] =	vst.add.f32.msk $0xffff, v1  }
0x3af: {  	v1 =	vmul.f32 v19, v15;
	[tilespmem:s21+$0x0] =	vst.add.f32.msk $0xffff, v2  }
0x3b0: {  	s0 =	smul.u32 $0xFA, s31;
	v2 =	vmul.f32 v19, v16;
	[tilespmem:s22+$0x0] =	vst.add.f32.msk $0xffff, v0  }
0x3b1: {  	v0 =	vmul.f32 v19, v17;
	[tilespmem:s23+$0x0] =	vst.add.f32.msk $0xffff, v1  }
0x3b2: {  	s0 =	sadd.s32 s0, s8;
	v1 =	vmul.f32 v19, v18;
	[tilespmem:s24+$0x0] =	vst.add.f32.msk $0xffff, v2  }
0x3b3: {  	s0 =	sshll.u32 s0, $0x4;
	[tilespmem:s25+$0x0] =	vst.add.f32.msk $0xffff, v0  }
0x3b4: {  	s0 =	sand.u32 $0x1FFFFFF0, s0;
	[tilespmem:s26+$0x0] =	vst.add.f32.msk $0xffff, v1  }
0x3b5: {  	s0 =	sadd.s32 s3, s0;
	[tilespmem:s28+$0x0] =	vst.add.f32.msk $0xffff, v19  }
0x3b6: {  	[tilespmem:s4], [sflag:$0x1] =	stream.linear.gather [hbm4b:s0+s4], $0x3E80, $0x38;
	[tilespmem:$0x8000] =	vst v63  }
0x3b7: {  	_ =	swait.ge [sflag:s29], $0x3E80  }
0x3b8: {  	v59 =	vld [tilespmem:$0x1FD60]  }
0x3b9: {  	[sflag:s29] =	ssyncset.done $0x0;
	v61 =	vld [tilespmem:$0x1FD70]  }
0x3ba: {  	s2 =	simm.s32 $0x3FC0;
	v62 =	vld [tilespmem:$0x1FD80];
	[sflag:s29] =	ssyncadd.s32 $0xFFFFC180  }
0x3bb: {  	v6 =	vld [tilespmem:s2+$0xC0]  }
0x3bc: {  	v42 =	vld [tilespmem:s2+$0xD0]  }
0x3bd: {  	v41 =	vld [tilespmem:s2+$0xE0]  }
0x3be: {  	v40 =	vld [tilespmem:s2+$0xF0]  }
0x3bf: {  	v37 =	vld [tilespmem:s2+$0x100]  }
0x3c0: {  	v29 =	vld [tilespmem:s2+$0x110]  }
0x3c1: {  	v27 =	vld [tilespmem:s2+$0x120]  }
0x3c2: {  	v4 =	vld [tilespmem:s2+$0x130]  }
0x3c3: {  	v57 =	vld [tilespmem:s2+$0xFFFFFED0]  }
0x3c4: {  	v19 =	vld [tilespmem:s2+$0xFFFFFEE0]  }
0x3c5: {  	v55 =	vld [tilespmem:s2+$0xFFFFFEF0]  }
0x3c6: {  	v56 =	vld [tilespmem:s2+$0xFFFFFF00]  }
0x3c7: {  	v21 =	vld [tilespmem:s2+$0xFFFFFF10];
	v0 =	vmul.f32 v6, v31;
	v1 =	vmul.f32 v42, v35  }
0x3c8: {  	v20 =	vld [tilespmem:s2+$0xFFFFFF20];
	v2 =	vmul.f32 v41, v36;
	v3 =	vmul.f32 v40, v49  }
0x3c9: {  	v33 =	vld [tilespmem:s2+$0xFFFFFF40];
	v5 =	vmul.f32 v37, v24;
	v7 =	vmul.f32 v29, v32  }
0x3ca: {  	v52 =	vld [tilespmem:s2+$0xFFFFFF50];
	v8 =	vmul.f32 v27, v25;
	v9 =	vmul.f32 v4, v23  }
0x3cb: {  	v38 =	vld [tilespmem:s2+$0xFFFFFF60];
	v0 =	vadd.f32 v1, v0;
	v1 =	vadd.f32 v3, v2  }
0x3cc: {  	v28 =	vld [tilespmem:s2+$0xFFFFFF90];
	v2 =	vadd.f32 v7, v5;
	v3 =	vadd.f32 v9, v8  }
0x3cd: {  	v22 =	vld [tilespmem:s2+$0xFFFFFFA0]  }
0x3ce: {  	v31 =	vld [tilespmem:s2+$0xFFFFFF70];
	v0 =	vadd.f32 v1, v0;
	v1 =	vadd.f32 v3, v2  }
0x3cf: {  	v32 =	vld [tilespmem:s2+$0xFFFFFF80]  }
0x3d0: {  	v5 =	vld [tilespmem:$0x1FD70];
	v2 =	vadd.f32 v1, v0  }
0x3d1: {  	v1 =	vld [tilespmem:s2+$0xFFFFFFB0]  }
0x3d2: {  	(xrf2) =	vadd.scan.msk.f32 $0xffff, v2;
	v2 =	vld [tilespmem:$0x1FD60]  }
0x3d3: {  	v26 =	vld [tilespmem:s2+$0xFFFFFFF0]  }
0x3d4: {  	v51 =	vld [tilespmem:s2+$0x0];
	v44 =	vmul.f32 v52, v35;
	v45 =	vmul.f32 v38, v36  }
0x3d5: {  	v30 =	vld [tilespmem:s2+$0x10];
	v13 =	vmul.f32 v22, v25;
	v10 =	vmul.f32 v31, v49  }
0x3d6: {  	v53 =	vld [tilespmem:s2+$0x20];
	v11 =	vmul.f32 v32, v24;
	v12 =	vmul.f32 v28, v5  }
0x3d7: {  	v39 =	vld [tilespmem:s2+$0x30];
	v14 =	vmul.f32 v1, v23;
	v7 =	vmul.f32 v33, v2  }
0x3d8: {  	v5 =	vld [tilespmem:s2+$0xFFFFFFE0];
	v46 =	vadd.f32 v10, v45;
	v48 =	vadd.f32 v12, v11  }
0x3d9: {  	v34 =	vld [tilespmem:s2+$0x40];
	v50 =	vadd.f32 v14, v13;
	v7 =	vadd.f32 v44, v7  }
0x3da: {  	v12 =	vld [tilespmem:$0x1FD70]  }
0x3db: {  	v47 =	vmul.f32 v19, v36;
	v0 =	vld [tilespmem:s2+$0xFFFFFF30];
	v58 =	vadd.f32 v50, v48;
	v7 =	vadd.f32 v46, v7  }
0x3dc: {  	v54 =	vld [tilespmem:s2+$0xFFFFFEC0];
	v60 =	vmul.f32 v26, v49;
	v10 =	vmul.f32 v20, v25  }
0x3dd: {  	v3 =	vld [tilespmem:s2+$0xFFFFFFD0];
	v18 =	vmul.f32 v5, v36;
	v43, _, _ =	vpop (xrf2);
	v7 =	vadd.f32 v58, v7;
	v58 =	vimm.s32 $0xF  }
0x3de: {  	v2 =	vld [tilespmem:s2+$0xFFFFFFC0];
	v13 =	vmul.f32 v55, v49;
	v43 =	vperm.xlane v43, v58  }
0x3df: {  	v14 =	vmul.f32 v56, v24;
	v15 =	vmul.f32 v21, v12;
	v12 =	vld [tilespmem:s2+$0x50]  }
0x3e0: {  	v9 =	vadd.f32 v60, v18;
	v18 =	vld [tilespmem:s2+$0xB0];
	v48 =	vmul.f32 v0, v23;
	v43 =	vadd.f32 v43, v62  }
0x3e1: {  	v45 =	vmul.f32 v51, v24;
	v8 =	vadd.f32 v13, v47;
	v13 =	vld [tilespmem:s2+$0x60]  }
0x3e2: {  	v44 =	vadd.f32 v15, v14;
	v14 =	vld [tilespmem:s2+$0x70];
	v10 =	vadd.f32 v48, v10;
	v48 =	vmul.f32 $2.000000030e-01, v43  }
0x3e3: {  	v17 =	vmul.f32 v3, v35;
	v15 =	vld [tilespmem:s2+$0x80];
	v16 =	vmul.f32 v2, v59;
	vm0 =	vgt.f32 v43, $0.0e+00  }
0x3e4: {  	v47 =	vmul.f32 v39, v23;
	v46 =	vmul.f32 v30, v61;
	v61 =	vld [tilespmem:$0x1FD60];
	v43 =	vsel vm0, v43, v48  }
0x3e5: {  	v59 =	vld [tilespmem:$0x1FD60];
	(xrf2) =	vadd.scan.msk.f32 $0xffff, v7;
	v7 =	vadd.f32 v17, v16;
	v17 =	vmul.f32 v53, v25;
	v43 =	vmul.f32 $1.442695020e+00, v43  }
0x3e6: {  	v16 =	vld [tilespmem:s2+$0x90]  }
0x3e7: {  	v45 =	vadd.f32 v46, v45;
	v63 =	vadd.f32 v47, v17;
	(erf) = vpow2.f32 v43;
	v43 =	vld [tilespmem:$0x1FD70]  }
0x3e8: {  	v50 =	vmul.f32 v57, v35;
	v60 =	vmul.f32 v12, v35;
	v17 =	vld [tilespmem:s2+$0xA0]  }
0x3e9: {  	v62 =	vmul.f32 v54, v61;
	v7 =	vadd.f32 v9, v7;
	v45 =	vadd.f32 v63, v45  }
0x3ea: {  	v61 =	vmul.f32 v18, v23;
	v9 =	vmul.f32 v34, v59  }
0x3eb: {  	v47 =	vmul.f32 v13, v36;
	v63 =	vmul.f32 v14, v49;
	v7 =	vadd.f32 v45, v7  }
0x3ec: {  	v10 =	vadd.f32 v10, v44;
	v48 =	vmul.f32 v15, v24;
	v59 =	vmul.f32 v16, v43  }
0x3ed: {  	v9 =	vadd.f32 v60, v9;
	v60 =	vmul.f32 v17, v25;
	(xrf2) =	vadd.scan.msk.f32 $0xffff, v7;
	v7 =	vadd.f32 v50, v62  }
0x3ee: {  	v44 =	vadd.f32 v63, v47;
	v48 =	vadd.f32 v59, v48;
	v59 =	vld [tilespmem:$0x1FD80]  }
0x3ef: {  	v50 =	vadd.f32 v61, v60;
	v7 =	vadd.f32 v8, v7  }
0x3f0: {  	v9 =	vadd.f32 v44, v9;
	v62, _, _ =	vpop (xrf2)  }
0x3f1: {  	v63 =	vperm.xlane v62, v58;
	v7 =	vadd.f32 v10, v7;
	v8 =	vadd.f32 v50, v48;
	_ =	sdelay $0x1  }
0x3f2: {  	(xrf2) =	vadd.scan.msk.f32 $0xffff, v7;
	v7 =	vadd.f32 v8, v9;
	v60 =	vadd.f32 v63, v59;
	_ =	sdelay $0x1  }
0x3f3: {  	v44 =	vld [tilespmem:$0x1FD80];
	v61 =	vmul.f32 $2.000000030e-01, v60  }
0x3f4: {  	v63 =	vpop (erf);
	vm12 =	vgt.f32 v60, $0.0e+00  }
0x3f5: {  	(xrf2) =	vadd.scan.msk.f32 $0xffff, v7;
	v6 =	vmul.f32 v63, v6;
	v7, _, _ =	vpop (xrf2);
	v62 =	vsel vm12, v60, v61  }
0x3f6: {  	v7 =	vperm.xlane v7, v58;
	v8 =	vmul.f32 $1.442695020e+00, v62  }
0x3f7: {  	v43 =	vmul.f32 v63, v42  }
0x3f8: {  	[tilespmem:s19+$0x0] =	vst.add.f32.msk $0xffff, v6;
	v6 =	vmul.f32 v63, v41;
	v7 =	vadd.f32 v7, v44;
	(erf) = vpow2.f32 v8  }
0x3f9: {  	v45 =	vmul.f32 v63, v40;
	[tilespmem:s20+$0x0] =	vst.add.f32.msk $0xffff, v43  }
0x3fa: {  	[tilespmem:s21+$0x0] =	vst.add.f32.msk $0xffff, v6;
	v6 =	vmul.f32 v63, v37;
	v10 =	vmul.f32 $2.000000030e-01, v7  }
0x3fb: {  	v47 =	vmul.f32 v63, v29;
	[tilespmem:s22+$0x0] =	vst.add.f32.msk $0xffff, v45;
	vm13 =	vgt.f32 v7, $0.0e+00  }
0x3fc: {  	[tilespmem:s23+$0x0] =	vst.add.f32.msk $0xffff, v6;
	v7 =	vsel vm13, v7, v10  }
0x3fd: {  	[tilespmem:s24+$0x0] =	vst.add.f32.msk $0xffff, v47;
	v7 =	vmul.f32 $1.442695020e+00, v7  }
0x3fe: {  	v6 =	vmul.f32 v63, v27;
	v8 =	vld [tilespmem:$0x1FD80]  }
0x3ff: {  	v4 =	vmul.f32 v63, v4  }
0x400: {  	v46, _, _ =	vpop (xrf2);
	[tilespmem:s25+$0x0] =	vst.add.f32.msk $0xffff, v6  }
0x401: {  	v48 =	vperm.xlane v46, v58;
	[tilespmem:s26+$0x0] =	vst.add.f32.msk $0xffff, v4;
	(erf) = vpow2.f32 v7;
	v7 =	vpop (erf)  }
0x402: {  	v59 =	vmul.f32 v7, v33;
	v33 =	vld [tilespmem:$0x1FD80]  }
0x403: {  	v50, _, _ =	vpop (xrf2);
	v8 =	vadd.f32 v48, v8  }
0x404: {  	v6 =	vperm.xlane v50, v58;
	[tilespmem:s28+$0x0] =	vst.add.f32.msk $0xffff, v63  }
0x405: {  	v4 =	vmul.f32 $2.000000030e-01, v8;
	v60 =	vmul.f32 v7, v52;
	[tilespmem:s19+$0x0] =	vst.add.f32.msk $0xffff, v59  }
0x406: {  	vm14 =	vgt.f32 v8, $0.0e+00;
	v61 =	vmul.f32 v7, v31;
	v31 =	vld [tilespmem:$0x1FD60]  }
0x407: {  	v27 =	vmul.f32 v7, v38;
	v4 =	vsel vm14, v8, v4;
	[tilespmem:s20+$0x0] =	vst.add.f32.msk $0xffff, v60;
	v6 =	vadd.f32 v6, v33  }
0x408: {  	v62 =	vmul.f32 v7, v32;
	v4 =	vmul.f32 $1.442695020e+00, v4;
	v32 =	vld [tilespmem:$0x1FD70]  }
0x409: {  	[tilespmem:s21+$0x0] =	vst.add.f32.msk $0xffff, v27;
	v63 =	vmul.f32 $2.000000030e-01, v6  }
0x40a: {  	v27 =	vmul.f32 v7, v28;
	(erf) = vpow2.f32 v4;
	[tilespmem:s22+$0x0] =	vst.add.f32.msk $0xffff, v61;
	vm15 =	vgt.f32 v6, $0.0e+00  }
0x40b: {  	v4 =	vmul.f32 v7, v22;
	v22 =	vpop (erf);
	[tilespmem:s23+$0x0] =	vst.add.f32.msk $0xffff, v62;
	v6 =	vsel vm15, v6, v63  }
0x40c: {  	v2 =	vmul.f32 v22, v2;
	[tilespmem:s24+$0x0] =	vst.add.f32.msk $0xffff, v27;
	v6 =	vmul.f32 $1.442695020e+00, v6  }
0x40d: {  	v1 =	vmul.f32 v7, v1;
	[tilespmem:s25+$0x0] =	vst.add.f32.msk $0xffff, v4  }
0x40e: {  	[tilespmem:s19+$0x0] =	vst.add.f32.msk $0xffff, v2;
	(erf) = vpow2.f32 v6  }
0x40f: {  	[tilespmem:s26+$0x0] =	vst.add.f32.msk $0xffff, v1;
	v1 =	vmul.f32 v22, v3  }
0x410: {  	v3 =	vmul.f32 v22, v5;
	[tilespmem:s28+$0x0] =	vst.add.f32.msk $0xffff, v7  }
0x411: {  	v2 =	vmul.f32 v22, v26;
	[tilespmem:s20+$0x0] =	vst.add.f32.msk $0xffff, v1  }
0x412: {  	v28 =	vmul.f32 v22, v39;
	v1 =	vmul.f32 v22, v51;
	[tilespmem:s21+$0x0] =	vst.add.f32.msk $0xffff, v3  }
0x413: {  	v5 =	vmul.f32 v22, v30;
	v30 =	vmul.f32 v22, v53;
	[tilespmem:s22+$0x0] =	vst.add.f32.msk $0xffff, v2;
	v37 =	vpop (erf)  }
0x414: {  	v2 =	vmul.f32 v37, v54;
	v6 =	vmul.f32 v37, v57;
	[tilespmem:s23+$0x0] =	vst.add.f32.msk $0xffff, v1  }
0x415: {  	v4 =	vmul.f32 v37, v19;
	v1 =	vmul.f32 v37, v55;
	[tilespmem:s24+$0x0] =	vst.add.f32.msk $0xffff, v5  }
0x416: {  	v3 =	vmul.f32 v37, v56;
	v62 =	vmul.f32 v37, v21;
	[tilespmem:s19+$0x0] =	vst.add.f32.msk $0xffff, v2  }
0x417: {  	s0 =	simm.s32 $0x0;
	s2 =	simm.s32 $0x4240;
	v0 =	vmul.f32 v37, v0;
	v2 =	vmul.f32 v37, v20;
	[tilespmem:s20+$0x0] =	vst.add.f32.msk $0xffff, v6;
	v19 =	vpop (erf)  }
.LBB2_13:
0x418: {  	v5 =	vmul.f32 v19, v34;
	_ =	sdelay $0x1  }
0x419: {  	[tilespmem:$0x1FBE0] =	vst v5;
	v5 =	vmul.f32 v19, v12  }
0x41a: {  	v61 =	vld [tilespmem:s2+$0xC0]  }
0x41b: {  	v59 =	vld [tilespmem:s2+$0xD0];
	[tilespmem:$0x1FBF0] =	vst v5;
	v5 =	vmul.f32 v19, v13  }
0x41c: {  	v60 =	vld [tilespmem:s2+$0xE0]  }
0x41d: {  	v57 =	vld [tilespmem:s2+$0xF0];
	[tilespmem:$0x1FC00] =	vst v5;
	v5 =	vmul.f32 v19, v14  }
0x41e: {  	v55 =	vld [tilespmem:s2+$0x100]  }
0x41f: {  	v50 =	vld [tilespmem:s2+$0x110];
	[tilespmem:$0x1FC10] =	vst v5;
	v5 =	vmul.f32 v19, v15  }
0x420: {  	v43 =	vld [tilespmem:s2+$0x120]  }
0x421: {  	v41 =	vld [tilespmem:s2+$0x130];
	[tilespmem:$0x1FC20] =	vst v5;
	v5 =	vmul.f32 v19, v16  }
0x422: {  	v6 =	vld [tilespmem:s2+$0xFFFFFED0]  }
0x423: {  	v20 =	vld [tilespmem:s2+$0xFFFFFF10];
	v7 =	vmul.f32 v59, v35;
	[tilespmem:$0x1FC30] =	vst v5;
	v5 =	vmul.f32 v19, v17  }
0x424: {  	v26 =	vld [tilespmem:s2+$0xFFFFFF20];
	v8 =	vmul.f32 v60, v36;
	v10 =	vmul.f32 v55, v24  }
0x425: {  	v11 =	vmul.f32 v50, v32;
	v14 =	vld [tilespmem:s2+$0xFFFFFEE0];
	[tilespmem:$0x1FC40] =	vst v5;
	v5 =	vmul.f32 v19, v18  }
0x426: {  	v12 =	vmul.f32 v43, v25;
	v13 =	vmul.f32 v41, v23;
	v15 =	vld [tilespmem:s2+$0xFFFFFEF0]  }
0x427: {  	v9 =	vmul.f32 v57, v49;
	v16 =	vld [tilespmem:s2+$0xFFFFFF00];
	[tilespmem:$0x1FC50] =	vst v5;
	v5 =	vmul.f32 v61, v31  }
0x428: {  	v27 =	vld [tilespmem:s2+$0xFFFFFF30];
	v42 =	vadd.f32 v11, v10;
	v44 =	vadd.f32 v13, v12  }
0x429: {  	v38 =	vld [tilespmem:s2+$0xFFFFFF40];
	v5 =	vadd.f32 v7, v5;
	v7 =	vadd.f32 v9, v8  }
0x42a: {  	v39 =	vld [tilespmem:s2+$0xFFFFFF50];
	v34 =	vmul.f32 v14, v36  }
0x42b: {  	v48 =	vld [tilespmem:s2+$0xFFFFFF60];
	v45 =	vmul.f32 v15, v49;
	v5 =	vadd.f32 v7, v5;
	v7 =	vadd.f32 v44, v42  }
0x42c: {  	v51 =	vld [tilespmem:s2+$0xFFFFFF80];
	v46 =	vmul.f32 v20, v32;
	v12 =	vmul.f32 v16, v24  }
0x42d: {  	v8 =	vadd.f32 v45, v34;
	v45 =	vld [tilespmem:s2+$0xFFFFFFA0];
	v5 =	vadd.f32 v7, v5  }
0x42e: {  	v9 =	vadd.f32 v46, v12;
	v46 =	vld [tilespmem:s2+$0xFFFFFFB0]  }
0x42f: {  	v42 =	vld [tilespmem:s2+$0xFFFFFF70];
	(xrf2) =	vadd.scan.msk.f32 $0xffff, v5  }
0x430: {  	v40 =	vld [tilespmem:s2+$0xFFFFFF90];
	v47 =	vmul.f32 v26, v25;
	v7 =	vmul.f32 v27, v23  }
0x431: {  	v52 =	vld [tilespmem:s2+$0xFFFFFFE0]  }
0x432: {  	v53 =	vld [tilespmem:s2+$0xFFFFFFF0];
	v54 =	vmul.f32 v38, v31;
	v56 =	vmul.f32 v48, v36;
	v5 =	vadd.f32 v7, v47  }
0x433: {  	v44 =	vld [tilespmem:s2+$0xFFFFFFD0];
	v63 =	vmul.f32 v45, v25;
	v13 =	vmul.f32 v46, v23  }
0x434: {  	v7 =	vmul.f32 v39, v35;
	v47 =	vld [tilespmem:s2+$0xFFFFFFC0];
	v9 =	vadd.f32 v5, v9;
	v5 =	vmul.f32 v42, v49  }
0x435: {  	v58 =	vmul.f32 v51, v24;
	v10 =	vadd.f32 v13, v63;
	v63 =	vld [tilespmem:s2+$0x30]  }
0x436: {  	v12 =	vmul.f32 v40, v32;
	v7 =	vadd.f32 v7, v54;
	v54 =	vld [tilespmem:s2+$0x0];
	v5 =	vadd.f32 v5, v56  }
0x437: {  	[tilespmem:$0x1FC80] =	vst v15;
	v15 =	vmul.f32 v53, v49;
	v13 =	vmul.f32 v52, v36;
	v56 =	vld [tilespmem:s2+$0x10]  }
0x438: {  	v21 =	vimm.s32 $0xF;
	v5 =	vadd.f32 v5, v7;
	v7 =	vadd.f32 v12, v58;
	v58 =	vld [tilespmem:s2+$0x20]  }
0x439: {  	[tilespmem:$0x1FC70] =	vst v14;
	v18 =	vadd.f32 v15, v13;
	v13 =	vld [tilespmem:s2+$0x60];
	v34 =	vmul.f32 v47, v31;
	v12 =	vmul.f32 v44, v35;
	v14, _, _ =	vpop (xrf2)  }
0x43a: {  	v15 =	vld [tilespmem:s2+$0x80];
	v14 =	vperm.xlane v14, v21  }
0x43b: {  	[tilespmem:$0x1FC90] =	vst v16;
	v29 =	vmul.f32 v63, v23;
	v16 =	vadd.f32 v12, v34;
	v34 =	vld [tilespmem:s2+$0x40];
	v7 =	vadd.f32 v10, v7  }
0x43c: {  	v10 =	vmul.f32 v54, v24;
	v12 =	vld [tilespmem:s2+$0x50];
	v17 =	vmul.f32 v56, v32;
	v11 =	vadd.f32 v14, v33  }
0x43d: {  	v5 =	vadd.f32 v7, v5;
	v32 =	vadd.f32 v18, v16;
	v16 =	vld [tilespmem:s2+$0x90];
	v7 =	vmul.f32 v58, v25  }
0x43e: {  	v18 =	vld [tilespmem:s2+$0xB0];
	v31 =	vmul.f32 $2.000000030e-01, v11  }
0x43f: {  	v10 =	vadd.f32 v17, v10;
	v17 =	vld [tilespmem:$0x1FD60];
	v7 =	vadd.f32 v29, v7;
	vm0 =	vgt.f32 v11, $0.0e+00  }
0x440: {  	(xrf2) =	vadd.scan.msk.f32 $0xffff, v5;
	v14 =	vld [tilespmem:s2+$0x70];
	v5 =	vsel vm0, v11, v31  }
0x441: {  	v7 =	vadd.f32 v7, v10;
	v31 =	vmul.f32 $1.442695020e+00, v5;
	v5 =	vld [tilespmem:s2+$0xFFFFFEC0]  }
0x442: {  	[tilespmem:s21+$0x0] =	vst.add.f32.msk $0xffff, v4  }
0x443: {  	v4 =	vadd.f32 v7, v32;
	v32 =	vld [tilespmem:$0x1FD70]  }
0x444: {  	(erf) = vpow2.f32 v31;
	v31 =	vld [tilespmem:$0x1FD60]  }
0x445: {  	v33 =	vmul.f32 v34, v17;
	v17 =	vld [tilespmem:s2+$0xA0]  }
0x446: {  	[tilespmem:$0x1FC60] =	vst v6;
	v29 =	vmul.f32 v12, v35  }
0x447: {  	v11 =	vmul.f32 v13, v36;
	v10 =	vmul.f32 v14, v49;
	[tilespmem:s22+$0x0] =	vst.add.f32.msk $0xffff, v1;
	(xrf2) =	vadd.scan.msk.f32 $0xffff, v4  }
0x448: {  	v29 =	vadd.f32 v29, v33;
	v33 =	vmul.f32 v15, v24;
	[tilespmem:s23+$0x0] =	vst.add.f32.msk $0xffff, v3;
	v7 =	vmul.f32 v16, v32  }
0x449: {  	v6 =	vmul.f32 v6, v35;
	v10 =	vadd.f32 v10, v11;
	[tilespmem:s24+$0x0] =	vst.add.f32.msk $0xffff, v62;
	v4 =	vmul.f32 v5, v31  }
0x44a: {  	v11 =	vmul.f32 v18, v23;
	v1 =	vmul.f32 v17, v25;
	v7 =	vadd.f32 v7, v33;
	v33 =	vld [tilespmem:$0x1FD80]  }
0x44b: {  	[tilespmem:s25+$0x0] =	vst.add.f32.msk $0xffff, v2;
	v2 =	vadd.f32 v6, v4  }
0x44c: {  	v3, _, _ =	vpop (xrf2);
	v1 =	vadd.f32 v11, v1  }
0x44d: {  	[tilespmem:s26+$0x0] =	vst.add.f32.msk $0xffff, v0;
	v0 =	vperm.xlane v3, v21;
	v2 =	vadd.f32 v8, v2;
	v3 =	vpop (erf)  }
0x44e: {  	v10 =	vadd.f32 v10, v29;
	v1 =	vadd.f32 v1, v7;
	v4 =	vmul.f32 v3, v61  }
0x44f: {  	[tilespmem:s28+$0x0] =	vst.add.f32.msk $0xffff, v37;
	v0 =	vadd.f32 v0, v33;
	v7 =	vmul.f32 v3, v59;
	v2 =	vadd.f32 v9, v2  }
0x450: {  	v1 =	vadd.f32 v1, v10;
	[tilespmem:s19+$0x0] =	vst.add.f32.msk $0xffff, v4;
	v4 =	vmul.f32 v3, v60  }
0x451: {  	v6, _, _ =	vpop (xrf2);
	v37 =	vmul.f32 $2.000000030e-01, v0;
	(xrf2) =	vadd.scan.msk.f32 $0xffff, v2;
	[tilespmem:s20+$0x0] =	vst.add.f32.msk $0xffff, v7;
	v2 =	vmul.f32 v3, v57  }
0x452: {  	v6 =	vperm.xlane v6, v21;
	vm12 =	vgt.f32 v0, $0.0e+00;
	[tilespmem:s21+$0x0] =	vst.add.f32.msk $0xffff, v4;
	v4 =	vmul.f32 v3, v55  }
0x453: {  	v0 =	vsel vm12, v0, v37;
	[tilespmem:s22+$0x0] =	vst.add.f32.msk $0xffff, v2;
	v2 =	vmul.f32 v3, v50  }
0x454: {  	(xrf2) =	vadd.scan.msk.f32 $0xffff, v1;
	v1 =	vadd.f32 v6, v33;
	v0 =	vmul.f32 $1.442695020e+00, v0;
	[tilespmem:s23+$0x0] =	vst.add.f32.msk $0xffff, v4  }
0x455: {  	v4 =	vmul.f32 v3, v43;
	[tilespmem:s24+$0x0] =	vst.add.f32.msk $0xffff, v2;
	v2 =	vmul.f32 v3, v41  }
0x456: {  	v61 =	vld [tilespmem:$0x1FBE0];
	(erf) = vpow2.f32 v0;
	v0 =	vmul.f32 $2.000000030e-01, v1  }
0x457: {  	vm13 =	vgt.f32 v1, $0.0e+00;
	[tilespmem:s25+$0x0] =	vst.add.f32.msk $0xffff, v4  }
0x458: {  	[tilespmem:s26+$0x0] =	vst.add.f32.msk $0xffff, v2;
	v0 =	vsel vm13, v1, v0  }
0x459: {  	v1 =	vld [tilespmem:$0x1FBF0];
	v0 =	vmul.f32 $1.442695020e+00, v0  }
0x45a: {  	v2 =	vld [tilespmem:$0x1FC00]  }
0x45b: {  	(erf) = vpow2.f32 v0;
	v0 =	vld [tilespmem:$0x1FC10];
	_ =	sdelay $0x1  }
0x45c: {  	[tilespmem:s19+$0x0] =	vst.add.f32.msk $0xffff, v61  }
0x45d: {  	[tilespmem:s20+$0x0] =	vst.add.f32.msk $0xffff, v1  }
0x45e: {  	[tilespmem:s21+$0x0] =	vst.add.f32.msk $0xffff, v2  }
0x45f: {  	[tilespmem:s22+$0x0] =	vst.add.f32.msk $0xffff, v0  }
0x460: {  	v0 =	vld [tilespmem:$0x1FC20];
	_ =	sdelay $0x2  }
0x461: {  	[tilespmem:s25+$0x0] =	vst.add.f32.msk $0xffff, v30;
	v1, _, _ =	vpop (xrf2)  }
0x462: {  	[tilespmem:s28+$0x0] =	vst.add.f32.msk $0xffff, v3;
	v2 =	vperm.xlane v1, v21  }
0x463: {  	[tilespmem:s23+$0x0] =	vst.add.f32.msk $0xffff, v0  }
0x464: {  	v0 =	vadd.f32 v2, v33;
	v2 =	vld [tilespmem:$0x1FC30]  }
0x465: {  	v3 =	vld [tilespmem:$0x1FC40]  }
0x466: {  	v6 =	vld [tilespmem:$0x1FC50]  }
0x467: {  	[tilespmem:s26+$0x0] =	vst.add.f32.msk $0xffff, v28  }
0x468: {  	[tilespmem:s28+$0x0] =	vst.add.f32.msk $0xffff, v22;
	v1, _, _ =	vpop (xrf2)  }
0x469: {  	[tilespmem:s24+$0x0] =	vst.add.f32.msk $0xffff, v2;
	v2 =	vpop (erf)  }
0x46a: {  	v1 =	vperm.xlane v1, v21;
	[tilespmem:s25+$0x0] =	vst.add.f32.msk $0xffff, v3;
	v4 =	vmul.f32 v2, v38  }
0x46b: {  	v3 =	vmul.f32 $2.000000030e-01, v0;
	[tilespmem:s26+$0x0] =	vst.add.f32.msk $0xffff, v6;
	v6 =	vmul.f32 v2, v39  }
0x46c: {  	vm14 =	vgt.f32 v0, $0.0e+00;
	v7 =	vmul.f32 v2, v48;
	[tilespmem:s19+$0x0] =	vst.add.f32.msk $0xffff, v4  }
0x46d: {  	v1 =	vadd.f32 v1, v33;
	v0 =	vsel vm14, v0, v3;
	v3 =	vmul.f32 v2, v42;
	[tilespmem:s20+$0x0] =	vst.add.f32.msk $0xffff, v6  }
0x46e: {  	v4 =	vmul.f32 v2, v51;
	v0 =	vmul.f32 $1.442695020e+00, v0;
	[tilespmem:s21+$0x0] =	vst.add.f32.msk $0xffff, v7  }
0x46f: {  	v22 =	vpop (erf);
	v6 =	vmul.f32 $2.000000030e-01, v1;
	v7 =	vmul.f32 v2, v40;
	[tilespmem:s22+$0x0] =	vst.add.f32.msk $0xffff, v3  }
0x470: {  	vm15 =	vgt.f32 v1, $0.0e+00;
	(erf) = vpow2.f32 v0;
	v0 =	vmul.f32 v22, v47;
	[tilespmem:s23+$0x0] =	vst.add.f32.msk $0xffff, v4  }
0x471: {  	v1 =	vsel vm15, v1, v6;
	v4 =	vmul.f32 v22, v44;
	[tilespmem:s24+$0x0] =	vst.add.f32.msk $0xffff, v7  }
0x472: {  	v6 =	vmul.f32 v22, v52;
	v1 =	vmul.f32 $1.442695020e+00, v1;
	[tilespmem:s19+$0x0] =	vst.add.f32.msk $0xffff, v0  }
0x473: {  	v7 =	vmul.f32 v22, v53;
	[tilespmem:s20+$0x0] =	vst.add.f32.msk $0xffff, v4  }
0x474: {  	(erf) = vpow2.f32 v1;
	v1 =	vmul.f32 v22, v54;
	[tilespmem:s21+$0x0] =	vst.add.f32.msk $0xffff, v6  }
0x475: {  	[tilespmem:s22+$0x0] =	vst.add.f32.msk $0xffff, v7  }
0x476: {  	v62 =	vmul.f32 v2, v45;
	[tilespmem:s23+$0x0] =	vst.add.f32.msk $0xffff, v1  }
0x477: {  	v3 =	vmul.f32 v2, v46;
	v1 =	vld [tilespmem:$0x1FC70]  }
0x478: {  	[tilespmem:s25+$0x0] =	vst.add.f32.msk $0xffff, v62  }
0x479: {  	[tilespmem:s26+$0x0] =	vst.add.f32.msk $0xffff, v3  }
0x47a: {  	[tilespmem:s28+$0x0] =	vst.add.f32.msk $0xffff, v2;
	v37 =	vpop (erf)  }
0x47b: {  	v2 =	vld [tilespmem:$0x1FC60];
	v0 =	vmul.f32 v37, v5  }
0x47c: {  	v4 =	vmul.f32 v37, v1;
	v1 =	vld [tilespmem:$0x1FC80]  }
0x47d: {  	s0 =	sadd.s32 $0x5, s0;
	[tilespmem:s19+$0x0] =	vst.add.f32.msk $0xffff, v0  }
0x47e: {  	p0 =	slt.u32 s0, $0x78;
	v0 =	vld [tilespmem:$0x1FC90]  }
.Ltmp5:
0x47f: {  	v30 =	vmul.f32 v22, v58;
	(pc) =	sbr.rel @p0 .LBB2_13-.Ltmp5, $4  }
0x480: {  	v28 =	vmul.f32 v22, v63;
	v2 =	vmul.f32 v37, v2  }
0x481: {  	[tilespmem:s28+$0x0] =	vst.add.f32.msk $0xffff, v19;
	v3 =	vmul.f32 v22, v56;
	v62 =	vmul.f32 v37, v20  }
0x482: {  	[tilespmem:s20+$0x0] =	vst.add.f32.msk $0xffff, v2;
	v2 =	vmul.f32 v37, v26;
	v1 =	vmul.f32 v37, v1  }
0x483: {  	s2 =	sadd.s32 $0x280, s2;
	[tilespmem:s24+$0x0] =	vst.add.f32.msk $0xffff, v3;
	v19 =	vpop (erf);
	v3 =	vmul.f32 v37, v0;
	v0 =	vmul.f32 v37, v27  }
0x484: {  	[tilespmem:s21+$0x0] =	vst.add.f32.msk $0xffff, v4  }
0x485: {  	[tilespmem:s25+$0x0] =	vst.add.f32.msk $0xffff, v30  }
0x486: {  	[tilespmem:s22+$0x0] =	vst.add.f32.msk $0xffff, v1  }
0x487: {  	[tilespmem:s26+$0x0] =	vst.add.f32.msk $0xffff, v28  }
0x488: {  	v56 =	vmul.f32 v19, v34;
	[tilespmem:s23+$0x0] =	vst.add.f32.msk $0xffff, v3  }
0x489: {  	[tilespmem:s28+$0x0] =	vst.add.f32.msk $0xffff, v22  }
0x48a: {  	v57 =	vmul.f32 v19, v12;
	[tilespmem:s19+$0x0] =	vst.add.f32.msk $0xffff, v56  }
0x48b: {  	[tilespmem:s24+$0x0] =	vst.add.f32.msk $0xffff, v62  }
0x48c: {  	v58 =	vmul.f32 v19, v13;
	[tilespmem:s20+$0x0] =	vst.add.f32.msk $0xffff, v57  }
0x48d: {  	[tilespmem:s25+$0x0] =	vst.add.f32.msk $0xffff, v2  }
0x48e: {  	v59 =	vmul.f32 v19, v14;
	[tilespmem:s21+$0x0] =	vst.add.f32.msk $0xffff, v58  }
0x48f: {  	[tilespmem:s26+$0x0] =	vst.add.f32.msk $0xffff, v0  }
0x490: {  	v60 =	vmul.f32 v19, v15;
	s0 =	sshll.u32 s31, $0x1;
	[tilespmem:s22+$0x0] =	vst.add.f32.msk $0xffff, v59  }
0x491: {  	v61 =	vmul.f32 v19, v16;
	s31 =	sadd.s32 $0x1, s31;
	s0 =	smin.u32 s0, $0x7;
	[tilespmem:s28+$0x0] =	vst.add.f32.msk $0xffff, v37  }
0x492: {  	p0 =	sne.s32 s31, $0x5;
	s0 =	smul.u32 $0x7D, s0;
	v62 =	vmul.f32 v19, v17;
	[tilespmem:s23+$0x0] =	vst.add.f32.msk $0xffff, v60  }
.Ltmp6:
0x493: {  	v63 =	vmul.f32 v19, v18;
	[tilespmem:s24+$0x0] =	vst.add.f32.msk $0xffff, v61;
	(pc) =	sbr.rel @p0 .LBB2_10-.Ltmp6, $4  }
0x494: {  	s0 =	sadd.s32 s0, s9;
	[tilespmem:s25+$0x0] =	vst.add.f32.msk $0xffff, v62  }
0x495: {  	s0 =	sshll.u32 s0, $0x4;
	[tilespmem:s26+$0x0] =	vst.add.f32.msk $0xffff, v63  }
0x496: {  	v55 =	vmov v35;
	s0 =	sadd.s32 s3, s0;
	[tilespmem:s28+$0x0] =	vst.add.f32.msk $0xffff, v19  }
0x497: {  	v56 =	vmovc v36;
	v57 =	vmovc v49;
	v58 =	vmov v24;
	v59 =	vmov v25;
	v60 =	vmov v23;
	[tilespmem:s17], [sflag:$0x2] =	stream.linear.gather [hbm4b:s0+s4], $0x3E80, $0x38;
	[tilespmem:$0x8000] =	vst v63  }
0x498: {  	_ =	swait.ge [sflag:s18], $0x3E80  }
0x499: {  	[sflag:s18] =	ssyncset.done $0x0  }
0x49a: {  	s0 =	simm.s32 $0x140;
	v63 =	vld [tilespmem:$0x1FD60];
	[sflag:s18] =	ssyncadd.s32 $0xFFFFC180  }
0x49b: {  	v6 =	vld [tilespmem:s0+$0xC0]  }
0x49c: {  	v42 =	vld [tilespmem:s0+$0xD0]  }
0x49d: {  	v41 =	vld [tilespmem:s0+$0xE0]  }
0x49e: {  	v40 =	vld [tilespmem:s0+$0xF0]  }
0x49f: {  	v37 =	vld [tilespmem:s0+$0x100]  }
0x4a0: {  	v29 =	vld [tilespmem:s0+$0x110]  }
0x4a1: {  	v27 =	vld [tilespmem:s0+$0x120]  }
0x4a2: {  	v4 =	vld [tilespmem:s0+$0x130]  }
0x4a3: {  	v21 =	vld [tilespmem:s0+$0xFFFFFED0]  }
0x4a4: {  	v19 =	vld [tilespmem:s0+$0xFFFFFEE0]  }
0x4a5: {  	v20 =	vld [tilespmem:s0+$0xFFFFFEF0]  }
0x4a6: {  	v35 =	vld [tilespmem:s0+$0xFFFFFF00]  }
0x4a7: {  	v25 =	vld [tilespmem:s0+$0xFFFFFF10];
	v0 =	vmul.f32 v6, v31;
	v1 =	vmul.f32 v42, v55  }
0x4a8: {  	v23 =	vld [tilespmem:s0+$0xFFFFFF20];
	v2 =	vmul.f32 v41, v56;
	v3 =	vmul.f32 v40, v57  }
0x4a9: {  	v33 =	vld [tilespmem:s0+$0xFFFFFF40];
	v5 =	vmul.f32 v37, v58;
	v7 =	vmul.f32 v29, v32  }
0x4aa: {  	v49 =	vld [tilespmem:s0+$0xFFFFFF50];
	v8 =	vmul.f32 v27, v59;
	v9 =	vmul.f32 v4, v60  }
0x4ab: {  	v38 =	vld [tilespmem:s0+$0xFFFFFF60];
	v0 =	vadd.f32 v1, v0;
	v1 =	vadd.f32 v3, v2  }
0x4ac: {  	v28 =	vld [tilespmem:s0+$0xFFFFFF90];
	v2 =	vadd.f32 v7, v5;
	v3 =	vadd.f32 v9, v8  }
0x4ad: {  	v22 =	vld [tilespmem:s0+$0xFFFFFFA0]  }
0x4ae: {  	v31 =	vld [tilespmem:s0+$0xFFFFFF70];
	v0 =	vadd.f32 v1, v0;
	v1 =	vadd.f32 v3, v2  }
0x4af: {  	v32 =	vld [tilespmem:s0+$0xFFFFFF80]  }
0x4b0: {  	v5 =	vld [tilespmem:$0x1FD70];
	v2 =	vadd.f32 v1, v0  }
0x4b1: {  	v1 =	vld [tilespmem:s0+$0xFFFFFFB0]  }
0x4b2: {  	(xrf2) =	vadd.scan.msk.f32 $0xffff, v2;
	v2 =	vld [tilespmem:$0x1FD60]  }
0x4b3: {  	v26 =	vld [tilespmem:s0+$0xFFFFFFF0]  }
0x4b4: {  	v51 =	vld [tilespmem:s0+$0x0];
	v45 =	vmul.f32 v49, v55;
	v46 =	vmul.f32 v38, v56  }
0x4b5: {  	v30 =	vld [tilespmem:s0+$0x10];
	v13 =	vmul.f32 v22, v59;
	v10 =	vmul.f32 v31, v57  }
0x4b6: {  	v34 =	vld [tilespmem:s0+$0x20];
	v11 =	vmul.f32 v32, v58;
	v12 =	vmul.f32 v28, v5  }
0x4b7: {  	v39 =	vld [tilespmem:s0+$0x30];
	v14 =	vmul.f32 v1, v60;
	v7 =	vmul.f32 v33, v2  }
0x4b8: {  	v24 =	vld [tilespmem:s0+$0x40];
	v47 =	vadd.f32 v10, v46;
	v54 =	vadd.f32 v12, v11  }
0x4b9: {  	v5 =	vld [tilespmem:s0+$0xFFFFFFE0];
	v61 =	vadd.f32 v14, v13;
	v7 =	vadd.f32 v45, v7  }
0x4ba: {  	v12 =	vld [tilespmem:$0x1FD70]  }
0x4bb: {  	v3 =	vld [tilespmem:s0+$0xFFFFFFD0];
	v62 =	vadd.f32 v61, v54;
	v7 =	vadd.f32 v47, v7  }
0x4bc: {  	v0 =	vld [tilespmem:s0+$0xFFFFFF30]  }
0x4bd: {  	v7 =	vadd.f32 v62, v7;
	v62 =	vld [tilespmem:$0x1FD80]  }
0x4be: {  	v36 =	vmul.f32 v26, v57;
	v18 =	vmul.f32 v5, v56;
	v2 =	vld [tilespmem:s0+$0xFFFFFFC0]  }
0x4bf: {  	v52 =	vimm.s32 $0xF;
	v15 =	vmul.f32 v25, v12;
	v12 =	vld [tilespmem:s0+$0x50];
	v43, _, _ =	vpop (xrf2)  }
0x4c0: {  	v9 =	vadd.f32 v36, v18;
	v36 =	vld [tilespmem:s0+$0xFFFFFEC0];
	v43 =	vperm.xlane v43, v52  }
0x4c1: {  	v53 =	vmul.f32 v19, v56;
	v13 =	vmul.f32 v20, v57;
	v61 =	vld [tilespmem:$0x1FD70]  }
0x4c2: {  	v10 =	vmul.f32 v23, v59;
	v48 =	vmul.f32 v0, v60;
	v18 =	vld [tilespmem:s0+$0xB0];
	v43 =	vadd.f32 v43, v62  }
0x4c3: {  	v17 =	vmul.f32 v3, v55;
	v14 =	vmul.f32 v35, v58;
	v8 =	vadd.f32 v13, v53;
	v13 =	vld [tilespmem:s0+$0x60]  }
0x4c4: {  	v10 =	vadd.f32 v48, v10;
	v45 =	vmul.f32 v51, v58;
	v53 =	vld [tilespmem:$0x1FD60];
	v48 =	vmul.f32 $2.000000030e-01, v43  }
0x4c5: {  	v44 =	vadd.f32 v15, v14;
	v14 =	vld [tilespmem:s0+$0x70];
	v16 =	vmul.f32 v2, v63;
	vm0 =	vgt.f32 v43, $0.0e+00  }
0x4c6: {  	v15 =	vld [tilespmem:s0+$0x80];
	v47 =	vmul.f32 v39, v60;
	v46 =	vmul.f32 v30, v61;
	v43 =	vsel vm0, v43, v48  }
0x4c7: {  	v61 =	vld [tilespmem:$0x1FD60];
	(xrf2) =	vadd.scan.msk.f32 $0xffff, v7;
	v7 =	vadd.f32 v17, v16;
	v17 =	vmul.f32 v34, v59;
	v43 =	vmul.f32 $1.442695020e+00, v43  }
0x4c8: {  	v16 =	vld [tilespmem:s0+$0x90]  }
0x4c9: {  	v45 =	vadd.f32 v46, v45;
	v63 =	vadd.f32 v47, v17;
	(erf) = vpow2.f32 v43;
	v43 =	vld [tilespmem:$0x1FD70]  }
0x4ca: {  	v50 =	vmul.f32 v21, v55;
	v17 =	vld [tilespmem:s0+$0xA0]  }
0x4cb: {  	v54 =	vmul.f32 v12, v55;
	v7 =	vadd.f32 v9, v7;
	v45 =	vadd.f32 v63, v45  }
0x4cc: {  	v10 =	vadd.f32 v10, v44;
	v9 =	vmul.f32 v24, v53;
	v47 =	vmul.f32 v13, v56  }
0x4cd: {  	v62 =	vmul.f32 v36, v61;
	v63 =	vmul.f32 v14, v57;
	v7 =	vadd.f32 v45, v7  }
0x4ce: {  	v9 =	vadd.f32 v54, v9;
	v48 =	vmul.f32 v15, v58;
	v53 =	vmul.f32 v16, v43  }
0x4cf: {  	v61 =	vmul.f32 v18, v60;
	v54 =	vmul.f32 v17, v59;
	(xrf2) =	vadd.scan.msk.f32 $0xffff, v7;
	v7 =	vadd.f32 v50, v62  }
0x4d0: {  	v44 =	vadd.f32 v63, v47;
	v48 =	vadd.f32 v53, v48;
	v53 =	vld [tilespmem:$0x1FD80]  }
0x4d1: {  	v50 =	vadd.f32 v61, v54;
	v7 =	vadd.f32 v8, v7  }
0x4d2: {  	v9 =	vadd.f32 v44, v9;
	v62, _, _ =	vpop (xrf2)  }
0x4d3: {  	v63 =	vperm.xlane v62, v52;
	v7 =	vadd.f32 v10, v7;
	v8 =	vadd.f32 v50, v48;
	_ =	sdelay $0x1  }
0x4d4: {  	(xrf2) =	vadd.scan.msk.f32 $0xffff, v7;
	v7 =	vadd.f32 v8, v9;
	v54 =	vadd.f32 v63, v53;
	_ =	sdelay $0x1  }
0x4d5: {  	v44 =	vld [tilespmem:$0x1FD80];
	v61 =	vmul.f32 $2.000000030e-01, v54  }
0x4d6: {  	v63 =	vpop (erf);
	vm12 =	vgt.f32 v54, $0.0e+00  }
0x4d7: {  	(xrf2) =	vadd.scan.msk.f32 $0xffff, v7;
	v6 =	vmul.f32 v63, v6;
	v43 =	vmul.f32 v63, v42;
	v7, _, _ =	vpop (xrf2);
	v62 =	vsel vm12, v54, v61  }
0x4d8: {  	v7 =	vperm.xlane v7, v52;
	v8 =	vmul.f32 $1.442695020e+00, v62  }
0x4d9: {  	[tilespmem:s19+$0x0] =	vst.add.f32.msk $0xffff, v6;
	v6 =	vmul.f32 v63, v41  }
0x4da: {  	v45 =	vmul.f32 v63, v40;
	[tilespmem:s20+$0x0] =	vst.add.f32.msk $0xffff, v43;
	v7 =	vadd.f32 v7, v44;
	(erf) = vpow2.f32 v8  }
0x4db: {  	[tilespmem:s21+$0x0] =	vst.add.f32.msk $0xffff, v6;
	v6 =	vmul.f32 v63, v37  }
0x4dc: {  	v47 =	vmul.f32 v63, v29;
	[tilespmem:s22+$0x0] =	vst.add.f32.msk $0xffff, v45;
	v10 =	vmul.f32 $2.000000030e-01, v7  }
0x4dd: {  	[tilespmem:s23+$0x0] =	vst.add.f32.msk $0xffff, v6;
	vm13 =	vgt.f32 v7, $0.0e+00  }
0x4de: {  	[tilespmem:s24+$0x0] =	vst.add.f32.msk $0xffff, v47;
	v7 =	vsel vm13, v7, v10  }
0x4df: {  	v6 =	vmul.f32 v63, v27;
	v8 =	vld [tilespmem:$0x1FD80];
	v7 =	vmul.f32 $1.442695020e+00, v7  }
0x4e0: {  	v4 =	vmul.f32 v63, v4  }
0x4e1: {  	v46, _, _ =	vpop (xrf2);
	[tilespmem:s25+$0x0] =	vst.add.f32.msk $0xffff, v6  }
0x4e2: {  	v48 =	vperm.xlane v46, v52;
	[tilespmem:s26+$0x0] =	vst.add.f32.msk $0xffff, v4  }
0x4e3: {  	v29 =	vld [tilespmem:$0x1FD80];
	(erf) = vpow2.f32 v7;
	v7 =	vpop (erf)  }
0x4e4: {  	v50, _, _ =	vpop (xrf2);
	v8 =	vadd.f32 v48, v8;
	v53 =	vmul.f32 v7, v33  }
0x4e5: {  	[tilespmem:s28+$0x0] =	vst.add.f32.msk $0xffff, v63;
	v6 =	vperm.xlane v50, v52  }
0x4e6: {  	v4 =	vmul.f32 $2.000000030e-01, v8;
	v54 =	vmul.f32 v7, v49;
	[tilespmem:s19+$0x0] =	vst.add.f32.msk $0xffff, v53  }
0x4e7: {  	vm14 =	vgt.f32 v8, $0.0e+00;
	v61 =	vmul.f32 v7, v31;
	v31 =	vld [tilespmem:$0x1FD60]  }
0x4e8: {  	v6 =	vadd.f32 v6, v29;
	v27 =	vmul.f32 v7, v38;
	v4 =	vsel vm14, v8, v4;
	[tilespmem:s20+$0x0] =	vst.add.f32.msk $0xffff, v54  }
0x4e9: {  	v62 =	vmul.f32 v7, v32;
	v4 =	vmul.f32 $1.442695020e+00, v4;
	v32 =	vld [tilespmem:$0x1FD70]  }
0x4ea: {  	v63 =	vmul.f32 $2.000000030e-01, v6;
	[tilespmem:s21+$0x0] =	vst.add.f32.msk $0xffff, v27  }
0x4eb: {  	vm15 =	vgt.f32 v6, $0.0e+00;
	v27 =	vmul.f32 v7, v28;
	(erf) = vpow2.f32 v4;
	[tilespmem:s22+$0x0] =	vst.add.f32.msk $0xffff, v61  }
0x4ec: {  	v6 =	vsel vm15, v6, v63;
	v4 =	vmul.f32 v7, v22;
	v22 =	vpop (erf);
	[tilespmem:s23+$0x0] =	vst.add.f32.msk $0xffff, v62  }
0x4ed: {  	v6 =	vmul.f32 $1.442695020e+00, v6;
	v2 =	vmul.f32 v22, v2;
	[tilespmem:s24+$0x0] =	vst.add.f32.msk $0xffff, v27  }
0x4ee: {  	v1 =	vmul.f32 v7, v1;
	[tilespmem:s25+$0x0] =	vst.add.f32.msk $0xffff, v4  }
0x4ef: {  	(erf) = vpow2.f32 v6;
	[tilespmem:s19+$0x0] =	vst.add.f32.msk $0xffff, v2  }
0x4f0: {  	[tilespmem:s26+$0x0] =	vst.add.f32.msk $0xffff, v1;
	v1 =	vmul.f32 v22, v3  }
0x4f1: {  	v3 =	vmul.f32 v22, v5;
	[tilespmem:s28+$0x0] =	vst.add.f32.msk $0xffff, v7  }
0x4f2: {  	v2 =	vmul.f32 v22, v26;
	[tilespmem:s20+$0x0] =	vst.add.f32.msk $0xffff, v1  }
0x4f3: {  	v28 =	vmul.f32 v22, v39;
	v1 =	vmul.f32 v22, v51;
	[tilespmem:s21+$0x0] =	vst.add.f32.msk $0xffff, v3  }
0x4f4: {  	v5 =	vmul.f32 v22, v30;
	v30 =	vmul.f32 v22, v34;
	[tilespmem:s22+$0x0] =	vst.add.f32.msk $0xffff, v2;
	v37 =	vpop (erf)  }
0x4f5: {  	v2 =	vmul.f32 v37, v36;
	v6 =	vmul.f32 v37, v21;
	[tilespmem:s23+$0x0] =	vst.add.f32.msk $0xffff, v1  }
0x4f6: {  	v4 =	vmul.f32 v37, v19;
	v1 =	vmul.f32 v37, v20;
	[tilespmem:s24+$0x0] =	vst.add.f32.msk $0xffff, v5  }
0x4f7: {  	v3 =	vmul.f32 v37, v35;
	v62 =	vmul.f32 v37, v25;
	[tilespmem:s19+$0x0] =	vst.add.f32.msk $0xffff, v2  }
0x4f8: {  	s2 =	simm.s32 $0x3C0;
	s0 =	simm.s32 $0x0;
	v0 =	vmul.f32 v37, v0;
	v19 =	vpop (erf);
	v2 =	vmul.f32 v37, v23;
	[tilespmem:s20+$0x0] =	vst.add.f32.msk $0xffff, v6  }
.LBB2_16:
0x4f9: {  	v5 =	vmul.f32 v19, v24;
	_ =	sdelay $0x1  }
0x4fa: {  	v61 =	vld [tilespmem:s2+$0xC0];
	[tilespmem:$0x1FB20] =	vst v5;
	v5 =	vmul.f32 v19, v12  }
0x4fb: {  	v35 =	vld [tilespmem:s2+$0xD0]  }
0x4fc: {  	v21 =	vld [tilespmem:s2+$0xE0];
	[tilespmem:$0x1FB30] =	vst v5;
	v5 =	vmul.f32 v19, v13  }
0x4fd: {  	v36 =	vld [tilespmem:s2+$0xF0]  }
0x4fe: {  	v20 =	vld [tilespmem:s2+$0x100];
	[tilespmem:$0x1FB40] =	vst v5;
	v5 =	vmul.f32 v19, v14  }
0x4ff: {  	v50 =	vld [tilespmem:s2+$0x110]  }
0x500: {  	v43 =	vld [tilespmem:s2+$0x120];
	[tilespmem:$0x1FB50] =	vst v5;
	v5 =	vmul.f32 v19, v15  }
0x501: {  	v41 =	vld [tilespmem:s2+$0x130]  }
0x502: {  	v25 =	vld [tilespmem:s2+$0xFFFFFF10];
	[tilespmem:$0x1FB60] =	vst v5;
	v5 =	vmul.f32 v19, v16  }
0x503: {  	v26 =	vld [tilespmem:s2+$0xFFFFFF20]  }
0x504: {  	v27 =	vld [tilespmem:s2+$0xFFFFFF30];
	v7 =	vmul.f32 v35, v55;
	[tilespmem:$0x1FB70] =	vst v5;
	v5 =	vmul.f32 v19, v17  }
0x505: {  	v38 =	vld [tilespmem:s2+$0xFFFFFF40];
	v8 =	vmul.f32 v21, v56;
	v10 =	vmul.f32 v20, v58  }
0x506: {  	v39 =	vld [tilespmem:s2+$0xFFFFFF50];
	v11 =	vmul.f32 v50, v32;
	[tilespmem:$0x1FB80] =	vst v5;
	v5 =	vmul.f32 v19, v18  }
0x507: {  	v48 =	vld [tilespmem:s2+$0xFFFFFF60];
	v12 =	vmul.f32 v43, v59;
	v13 =	vmul.f32 v41, v60  }
0x508: {  	v9 =	vmul.f32 v36, v57;
	v14 =	vld [tilespmem:s2+$0xFFFFFEE0];
	[tilespmem:$0x1FB90] =	vst v5;
	v5 =	vmul.f32 v61, v31  }
0x509: {  	v51 =	vadd.f32 v11, v10;
	v52 =	vadd.f32 v13, v12;
	v15 =	vld [tilespmem:s2+$0xFFFFFEF0]  }
0x50a: {  	v16 =	vld [tilespmem:s2+$0xFFFFFF00];
	v5 =	vadd.f32 v7, v5;
	v7 =	vadd.f32 v9, v8  }
0x50b: {  	v42 =	vld [tilespmem:s2+$0xFFFFFF70]  }
0x50c: {  	v40 =	vld [tilespmem:s2+$0xFFFFFF90];
	v5 =	vadd.f32 v7, v5;
	v7 =	vadd.f32 v52, v51  }
0x50d: {  	v45 =	vld [tilespmem:s2+$0xFFFFFFA0];
	v54 =	vmul.f32 v25, v32;
	v63 =	vmul.f32 v26, v59  }
0x50e: {  	v46 =	vld [tilespmem:s2+$0xFFFFFFB0];
	v49 =	vmul.f32 v14, v56;
	v53 =	vmul.f32 v15, v57;
	v5 =	vadd.f32 v7, v5  }
0x50f: {  	v47 =	vld [tilespmem:s2+$0xFFFFFFC0];
	v12 =	vmul.f32 v16, v58;
	v7 =	vmul.f32 v27, v60  }
0x510: {  	v8 =	vadd.f32 v53, v49;
	v53 =	vld [tilespmem:s2+$0xFFFFFFF0];
	(xrf2) =	vadd.scan.msk.f32 $0xffff, v5  }
0x511: {  	v9 =	vadd.f32 v54, v12;
	v51 =	vld [tilespmem:s2+$0xFFFFFF80];
	v5 =	vadd.f32 v7, v63  }
0x512: {  	v33 =	vmul.f32 v38, v31;
	v52 =	vld [tilespmem:s2+$0xFFFFFFE0]  }
0x513: {  	v44 =	vld [tilespmem:s2+$0xFFFFFFD0];
	v34 =	vmul.f32 v48, v56;
	v9 =	vadd.f32 v5, v9;
	v5 =	vmul.f32 v42, v57  }
0x514: {  	v13 =	vmul.f32 v46, v60;
	v54 =	vld [tilespmem:s2+$0x0];
	v7 =	vmul.f32 v39, v55  }
0x515: {  	v12 =	vmul.f32 v40, v32;
	v63 =	vmul.f32 v45, v59;
	v5 =	vadd.f32 v5, v34;
	v34 =	vld [tilespmem:s2+$0x10]  }
0x516: {  	v6 =	vld [tilespmem:s2+$0xFFFFFED0];
	[tilespmem:$0x1FBC0] =	vst v15;
	v15 =	vmul.f32 v53, v57;
	v49 =	vmul.f32 v51, v58;
	v7 =	vadd.f32 v7, v33  }
0x517: {  	v24 =	vld [tilespmem:s2+$0x40];
	v33 =	vmul.f32 v47, v31;
	v10 =	vadd.f32 v13, v63;
	v13 =	vmul.f32 v52, v56  }
0x518: {  	v63 =	vld [tilespmem:s2+$0x30];
	v5 =	vadd.f32 v5, v7;
	v7 =	vadd.f32 v12, v49;
	v12 =	vmul.f32 v44, v55  }
0x519: {  	v23 =	vimm.s32 $0xF;
	[tilespmem:$0x1FBB0] =	vst v14;
	v18 =	vadd.f32 v15, v13;
	v49 =	vld [tilespmem:s2+$0x20]  }
0x51a: {  	[tilespmem:$0x1FBD0] =	vst v16;
	v13 =	vld [tilespmem:s2+$0x60];
	v16 =	vadd.f32 v12, v33;
	v33 =	vmul.f32 v54, v58;
	v17 =	vmul.f32 v34, v32;
	v14, _, _ =	vpop (xrf2)  }
0x51b: {  	v15 =	vld [tilespmem:s2+$0x80];
	v7 =	vadd.f32 v10, v7;
	v14 =	vperm.xlane v14, v23  }
0x51c: {  	v10 =	vadd.f32 v17, v33;
	v17 =	vld [tilespmem:$0x1FD60]  }
0x51d: {  	v12 =	vld [tilespmem:s2+$0x50];
	v5 =	vadd.f32 v7, v5;
	v11 =	vadd.f32 v14, v29  }
0x51e: {  	v32 =	vadd.f32 v18, v16;
	v16 =	vld [tilespmem:s2+$0x90];
	v7 =	vmul.f32 v49, v59;
	v29 =	vmul.f32 v63, v60  }
0x51f: {  	v14 =	vld [tilespmem:s2+$0x70];
	v31 =	vmul.f32 $2.000000030e-01, v11  }
0x520: {  	v18 =	vld [tilespmem:s2+$0xB0];
	(xrf2) =	vadd.scan.msk.f32 $0xffff, v5;
	vm0 =	vgt.f32 v11, $0.0e+00;
	v7 =	vadd.f32 v29, v7  }
0x521: {  	v33 =	vmul.f32 v24, v17;
	v17 =	vld [tilespmem:s2+$0xA0];
	v5 =	vsel vm0, v11, v31  }
0x522: {  	v7 =	vadd.f32 v7, v10;
	v31 =	vmul.f32 $1.442695020e+00, v5;
	v5 =	vld [tilespmem:s2+$0xFFFFFEC0]  }
0x523: {  	v29 =	vmul.f32 v12, v55;
	[tilespmem:s21+$0x0] =	vst.add.f32.msk $0xffff, v4  }
0x524: {  	v11 =	vmul.f32 v13, v56;
	v10 =	vmul.f32 v14, v57;
	v4 =	vadd.f32 v7, v32;
	v32 =	vld [tilespmem:$0x1FD70]  }
0x525: {  	(erf) = vpow2.f32 v31;
	v31 =	vld [tilespmem:$0x1FD60]  }
0x526: {  	v29 =	vadd.f32 v29, v33;
	[tilespmem:s22+$0x0] =	vst.add.f32.msk $0xffff, v1;
	v10 =	vadd.f32 v10, v11  }
0x527: {  	[tilespmem:s23+$0x0] =	vst.add.f32.msk $0xffff, v3;
	(xrf2) =	vadd.scan.msk.f32 $0xffff, v4  }
0x528: {  	[tilespmem:$0x1FBA0] =	vst v6;
	v6 =	vmul.f32 v6, v55;
	v10 =	vadd.f32 v10, v29;
	v29 =	vld [tilespmem:$0x1FD80]  }
0x529: {  	v33 =	vmul.f32 v15, v58;
	v11 =	vmul.f32 v18, v60;
	[tilespmem:s24+$0x0] =	vst.add.f32.msk $0xffff, v62  }
0x52a: {  	v1 =	vmul.f32 v17, v59;
	[tilespmem:s25+$0x0] =	vst.add.f32.msk $0xffff, v2;
	v3, _, _ =	vpop (xrf2);
	v4 =	vmul.f32 v5, v31  }
0x52b: {  	[tilespmem:s26+$0x0] =	vst.add.f32.msk $0xffff, v0;
	v0 =	vperm.xlane v3, v23;
	v7 =	vmul.f32 v16, v32  }
0x52c: {  	v1 =	vadd.f32 v11, v1;
	v2 =	vadd.f32 v6, v4  }
0x52d: {  	v7 =	vadd.f32 v7, v33;
	v0 =	vadd.f32 v0, v29  }
0x52e: {  	v2 =	vadd.f32 v8, v2;
	v3 =	vpop (erf)  }
0x52f: {  	[tilespmem:s28+$0x0] =	vst.add.f32.msk $0xffff, v37;
	v1 =	vadd.f32 v1, v7;
	v37 =	vmul.f32 $2.000000030e-01, v0;
	v4 =	vmul.f32 v3, v61  }
0x530: {  	vm12 =	vgt.f32 v0, $0.0e+00;
	v7 =	vmul.f32 v3, v35;
	v61 =	vld [tilespmem:$0x1FB20];
	v2 =	vadd.f32 v9, v2  }
0x531: {  	v1 =	vadd.f32 v1, v10;
	v0 =	vsel vm12, v0, v37;
	v6, _, _ =	vpop (xrf2);
	[tilespmem:s19+$0x0] =	vst.add.f32.msk $0xffff, v4;
	v4 =	vmul.f32 v3, v21  }
0x532: {  	v6 =	vperm.xlane v6, v23;
	(xrf2) =	vadd.scan.msk.f32 $0xffff, v2;
	[tilespmem:s20+$0x0] =	vst.add.f32.msk $0xffff, v7;
	v2 =	vmul.f32 v3, v36  }
0x533: {  	v0 =	vmul.f32 $1.442695020e+00, v0;
	[tilespmem:s21+$0x0] =	vst.add.f32.msk $0xffff, v4;
	v4 =	vmul.f32 v3, v20  }
0x534: {  	(xrf2) =	vadd.scan.msk.f32 $0xffff, v1;
	v1 =	vadd.f32 v6, v29;
	[tilespmem:s22+$0x0] =	vst.add.f32.msk $0xffff, v2;
	v2 =	vmul.f32 v3, v50  }
0x535: {  	[tilespmem:s23+$0x0] =	vst.add.f32.msk $0xffff, v4;
	v4 =	vmul.f32 v3, v43  }
0x536: {  	(erf) = vpow2.f32 v0;
	v0 =	vmul.f32 $2.000000030e-01, v1;
	[tilespmem:s24+$0x0] =	vst.add.f32.msk $0xffff, v2  }
0x537: {  	vm13 =	vgt.f32 v1, $0.0e+00;
	v2 =	vmul.f32 v3, v41;
	[tilespmem:s25+$0x0] =	vst.add.f32.msk $0xffff, v4  }
0x538: {  	v0 =	vsel vm13, v1, v0;
	v1 =	vld [tilespmem:$0x1FB30]  }
0x539: {  	[tilespmem:s26+$0x0] =	vst.add.f32.msk $0xffff, v2;
	v0 =	vmul.f32 $1.442695020e+00, v0  }
0x53a: {  	v2 =	vld [tilespmem:$0x1FB40]  }
0x53b: {  	(erf) = vpow2.f32 v0;
	v0 =	vld [tilespmem:$0x1FB50];
	_ =	sdelay $0x1  }
0x53c: {  	[tilespmem:s19+$0x0] =	vst.add.f32.msk $0xffff, v61  }
0x53d: {  	[tilespmem:s20+$0x0] =	vst.add.f32.msk $0xffff, v1  }
0x53e: {  	[tilespmem:s21+$0x0] =	vst.add.f32.msk $0xffff, v2  }
0x53f: {  	[tilespmem:s22+$0x0] =	vst.add.f32.msk $0xffff, v0  }
0x540: {  	v0 =	vld [tilespmem:$0x1FB60];
	_ =	sdelay $0x2  }
0x541: {  	[tilespmem:s25+$0x0] =	vst.add.f32.msk $0xffff, v30;
	v1, _, _ =	vpop (xrf2)  }
0x542: {  	[tilespmem:s28+$0x0] =	vst.add.f32.msk $0xffff, v3;
	v2 =	vperm.xlane v1, v23  }
0x543: {  	[tilespmem:s23+$0x0] =	vst.add.f32.msk $0xffff, v0  }
0x544: {  	v0 =	vadd.f32 v2, v29;
	v2 =	vld [tilespmem:$0x1FB70]  }
0x545: {  	v3 =	vld [tilespmem:$0x1FB80]  }
0x546: {  	v6 =	vld [tilespmem:$0x1FB90]  }
0x547: {  	[tilespmem:s26+$0x0] =	vst.add.f32.msk $0xffff, v28  }
0x548: {  	[tilespmem:s28+$0x0] =	vst.add.f32.msk $0xffff, v22;
	v1, _, _ =	vpop (xrf2)  }
0x549: {  	[tilespmem:s24+$0x0] =	vst.add.f32.msk $0xffff, v2;
	v2 =	vpop (erf)  }
0x54a: {  	v1 =	vperm.xlane v1, v23;
	[tilespmem:s25+$0x0] =	vst.add.f32.msk $0xffff, v3;
	v4 =	vmul.f32 v2, v38  }
0x54b: {  	v3 =	vmul.f32 $2.000000030e-01, v0;
	[tilespmem:s26+$0x0] =	vst.add.f32.msk $0xffff, v6;
	v6 =	vmul.f32 v2, v39  }
0x54c: {  	vm14 =	vgt.f32 v0, $0.0e+00;
	v7 =	vmul.f32 v2, v48;
	[tilespmem:s19+$0x0] =	vst.add.f32.msk $0xffff, v4  }
0x54d: {  	v1 =	vadd.f32 v1, v29;
	v0 =	vsel vm14, v0, v3;
	v3 =	vmul.f32 v2, v42;
	[tilespmem:s20+$0x0] =	vst.add.f32.msk $0xffff, v6  }
0x54e: {  	v4 =	vmul.f32 v2, v51;
	v0 =	vmul.f32 $1.442695020e+00, v0;
	[tilespmem:s21+$0x0] =	vst.add.f32.msk $0xffff, v7  }
0x54f: {  	v22 =	vpop (erf);
	v6 =	vmul.f32 $2.000000030e-01, v1;
	v7 =	vmul.f32 v2, v40;
	[tilespmem:s22+$0x0] =	vst.add.f32.msk $0xffff, v3  }
0x550: {  	vm15 =	vgt.f32 v1, $0.0e+00;
	(erf) = vpow2.f32 v0;
	v0 =	vmul.f32 v22, v47;
	[tilespmem:s23+$0x0] =	vst.add.f32.msk $0xffff, v4  }
0x551: {  	v1 =	vsel vm15, v1, v6;
	v4 =	vmul.f32 v22, v44;
	[tilespmem:s24+$0x0] =	vst.add.f32.msk $0xffff, v7  }
0x552: {  	v6 =	vmul.f32 v22, v52;
	v1 =	vmul.f32 $1.442695020e+00, v1;
	[tilespmem:s19+$0x0] =	vst.add.f32.msk $0xffff, v0  }
0x553: {  	v7 =	vmul.f32 v22, v53;
	[tilespmem:s20+$0x0] =	vst.add.f32.msk $0xffff, v4  }
0x554: {  	(erf) = vpow2.f32 v1;
	v1 =	vmul.f32 v22, v54;
	[tilespmem:s21+$0x0] =	vst.add.f32.msk $0xffff, v6  }
0x555: {  	[tilespmem:s22+$0x0] =	vst.add.f32.msk $0xffff, v7  }
0x556: {  	v62 =	vmul.f32 v2, v45;
	[tilespmem:s23+$0x0] =	vst.add.f32.msk $0xffff, v1  }
0x557: {  	v3 =	vmul.f32 v2, v46;
	v1 =	vld [tilespmem:$0x1FBB0]  }
0x558: {  	[tilespmem:s25+$0x0] =	vst.add.f32.msk $0xffff, v62  }
0x559: {  	[tilespmem:s26+$0x0] =	vst.add.f32.msk $0xffff, v3  }
0x55a: {  	[tilespmem:s28+$0x0] =	vst.add.f32.msk $0xffff, v2;
	v37 =	vpop (erf)  }
0x55b: {  	v2 =	vld [tilespmem:$0x1FBA0];
	v0 =	vmul.f32 v37, v5  }
0x55c: {  	v4 =	vmul.f32 v37, v1;
	v1 =	vld [tilespmem:$0x1FBC0]  }
0x55d: {  	s0 =	sadd.s32 $0x5, s0;
	[tilespmem:s19+$0x0] =	vst.add.f32.msk $0xffff, v0  }
0x55e: {  	p0 =	slt.u32 s0, $0x78;
	v0 =	vld [tilespmem:$0x1FBD0]  }
.Ltmp7:
0x55f: {  	v30 =	vmul.f32 v22, v49;
	(pc) =	sbr.rel @p0 .LBB2_16-.Ltmp7, $4  }
0x560: {  	v28 =	vmul.f32 v22, v63;
	v2 =	vmul.f32 v37, v2  }
0x561: {  	[tilespmem:s28+$0x0] =	vst.add.f32.msk $0xffff, v19;
	v3 =	vmul.f32 v22, v34;
	v62 =	vmul.f32 v37, v25  }
0x562: {  	[tilespmem:s20+$0x0] =	vst.add.f32.msk $0xffff, v2;
	v2 =	vmul.f32 v37, v26;
	v1 =	vmul.f32 v37, v1  }
0x563: {  	s2 =	sadd.s32 $0x280, s2;
	[tilespmem:s24+$0x0] =	vst.add.f32.msk $0xffff, v3;
	v19 =	vpop (erf);
	v3 =	vmul.f32 v37, v0;
	v0 =	vmul.f32 v37, v27  }
0x564: {  	[tilespmem:s21+$0x0] =	vst.add.f32.msk $0xffff, v4  }
0x565: {  	[tilespmem:s25+$0x0] =	vst.add.f32.msk $0xffff, v30  }
0x566: {  	[tilespmem:s22+$0x0] =	vst.add.f32.msk $0xffff, v1  }
0x567: {  	[tilespmem:s26+$0x0] =	vst.add.f32.msk $0xffff, v28  }
0x568: {  	v56 =	vmul.f32 v19, v24;
	[tilespmem:s23+$0x0] =	vst.add.f32.msk $0xffff, v3  }
0x569: {  	[tilespmem:s28+$0x0] =	vst.add.f32.msk $0xffff, v22  }
0x56a: {  	v57 =	vmul.f32 v19, v12;
	[tilespmem:s19+$0x0] =	vst.add.f32.msk $0xffff, v56  }
0x56b: {  	[tilespmem:s24+$0x0] =	vst.add.f32.msk $0xffff, v62  }
0x56c: {  	v58 =	vmul.f32 v19, v13;
	[tilespmem:s20+$0x0] =	vst.add.f32.msk $0xffff, v57  }
0x56d: {  	[tilespmem:s25+$0x0] =	vst.add.f32.msk $0xffff, v2  }
0x56e: {  	v59 =	vmul.f32 v19, v14;
	[tilespmem:s21+$0x0] =	vst.add.f32.msk $0xffff, v58  }
0x56f: {  	[tilespmem:s26+$0x0] =	vst.add.f32.msk $0xffff, v0  }
0x570: {  	v60 =	vmul.f32 v19, v15;
	[tilespmem:s22+$0x0] =	vst.add.f32.msk $0xffff, v59  }
0x571: {  	v61 =	vmul.f32 v19, v16;
	[tilespmem:s28+$0x0] =	vst.add.f32.msk $0xffff, v37  }
0x572: {  	v62 =	vmul.f32 v19, v17;
	[tilespmem:s23+$0x0] =	vst.add.f32.msk $0xffff, v60  }
0x573: {  	v63 =	vmul.f32 v19, v18;
	[tilespmem:s24+$0x0] =	vst.add.f32.msk $0xffff, v61  }
0x574: {  	[tilespmem:s25+$0x0] =	vst.add.f32.msk $0xffff, v62  }
0x575: {  	[tilespmem:s26+$0x0] =	vst.add.f32.msk $0xffff, v63  }
0x576: {  	[tilespmem:s28+$0x0] =	vst.add.f32.msk $0xffff, v19  }
0x577: {  	s30 =	sadd.s32 $0x1, s30;
	_ =	swait.ge [sflag:s29], $0x3E80  }
0x578: {  	p0 =	sne.s32 s30, s14;
	[sflag:s29] =	ssyncset.done $0x0  }
.Ltmp8:
0x579: {  	[sflag:s29] =	ssyncadd.s32 $0xFFFFC180;
	(pc) =	sbr.rel @p0 .LBB2_1-.Ltmp8, $4  }
0x57a: {  	[hbm4b:s13+s4] =	stream.linear.scatter [tilespmem:s19], [sflag:$0x3], $0x100, $0x38;
	[tilespmem:$0x8000] =	vst v63  }
0x57b: {  	_ =	swait.ge [sflag:s16], $0x100  }
0x57c: {  	[sflag:s16] =	ssyncset.done $0x0  }
0x57d: {  	v55 =	vimm.s32 $0xF;
	[sflag:s16] =	ssyncadd.s32 $0xFFFFFF00  }
0x57e: {  	_ =	sfence.sel $0x180000  }
0x57f: {  	[bflag:$0x0] =	sbarrier.arrive $0xFFFF  }
0x580: {  	_ =	strace $0x90000047  }
0x581: {  	s0 =	stileid.u32;
	[bflag:$0x2] =	sbarrier.arrive $0xFFFF  }
0x582: {  	p0 =	sne.s32 s0, $0x0;
	s0 =	rddreg [dreg:$0x3]  }
0x583: {  	s0 =	sadd.s32 @!p0 $0x100000, s0  }
0x584: {  	[sflag:s0] =	ssyncadd.tile.s32 @!p0 $0x1;
	_ =	shalt  }
.Lfunc_end2:
_tile_overlayer_lowered:
.L_overlay_start_2:
0x585: {  	(tag) =	ssettag $0x2  }
0x586: {  	s0 =	rddreg [dreg:$0x0];
	s2 =	stileid.u32  }
0x587: {  	s1 =	rddreg [dreg:$0x1];
	p0 =	sne.s32 s2, $0x0  }
0x588: {  	s3 =	rddreg [dreg:$0x2];
	[bflag:$0x3] =	sbarrier.arrive $0xFFFF;
	s2 =	simm.s32 @!p0 $0x1C03  }
0x589: {  	[timem:s3], [sflag:s2] =	dma.local @!p0 [hbm:s0], s1  }
0x58a: {  	s0 =	simm.s32 @!p0 $0x3  }
0x58b: {  	_ =	swait.ge @!p0 [sflag:s0], s1  }
0x58c: {  	s1 =	ssub.s32 @!p0 $0x0, s1;
	[sflag:s0] =	ssyncset.done @!p0 $0x0  }
0x58d: {  	[sflag:s0] =	ssyncadd.s32 @!p0 s1  }
0x58e: {  	[bflag:$0x3] =	sbarrier.arrive $0xFFFF  }
0x58f: {  	_ =	shalt  }

</sc_bundles>
